<compile_context>
chip_gen: v7x
topology: tpu7x:2x2x1
jax: 0.10.2.dev20260603
libtpu: 0.0.44.dev20260713+nightly
codegen_flags: <defaults>
</compile_context>

<pallas_src>
import functools

import jax
import jax.numpy as jnp
from jax import lax
from jax.experimental import pallas as pl
from jax.experimental.pallas import tpu as pltpu
from jax.experimental.pallas import tpu_sc as plsc

EMBED = 64

_NC = 2
_NS = 16
_NW = _NC * _NS

_CHUNK = 128
_NB = 10
_LOOKAHEAD = 5


@functools.lru_cache(maxsize=None)
def _make_gather(B, V):
    assert B % (_NW * _CHUNK) == 0
    n_chunks = B // (_NW * _CHUNK)
    b_per_w = n_chunks * _CHUNK
    assert n_chunks >= _NB

    mesh = plsc.VectorSubcoreMesh(core_axis_name="c", subcore_axis_name="s")

    @functools.partial(
        pl.kernel,
        out_type=jax.ShapeDtypeStruct((B, EMBED), jnp.float32),
        mesh=mesh,
        compiler_params=pltpu.CompilerParams(use_tc_tiling_on_sc=False),
        scratch_types=[
            pltpu.VMEM((n_chunks, _CHUNK), jnp.int32),
            [pltpu.VMEM((_CHUNK, EMBED), jnp.float32)
             for _ in range(_NB)],
            [pltpu.SemaphoreType.DMA for _ in range(_NB)],
            [pltpu.SemaphoreType.DMA for _ in range(_NB)],
        ],
    )
    def gather_kernel(idx_hbm, table_hbm, out_hbm, ids_v, bufs,
                      gsems, wsems):
        wid = lax.axis_index("s") * _NC + lax.axis_index("c")
        base_row = wid * b_per_w
        pltpu.sync_copy(idx_hbm.at[wid], ids_v)

        def start_gather(j, slot):
            pltpu.async_copy(table_hbm.at[ids_v.at[j]], bufs[slot],
                             gsems[slot])

        def wait_gather(j, slot):
            pltpu.make_async_copy(table_hbm.at[ids_v.at[j]], bufs[slot],
                                  gsems[slot]).wait()

        def start_write(j, slot):
            pltpu.async_copy(
                bufs[slot],
                out_hbm.at[pl.ds(base_row + j * _CHUNK, _CHUNK)],
                wsems[slot])

        def wait_write(j, slot):
            pltpu.make_async_copy(
                bufs[slot],
                out_hbm.at[pl.ds(base_row + j * _CHUNK, _CHUNK)],
                wsems[slot]).wait()

        for j in range(_LOOKAHEAD):
            start_gather(j, j % _NB)

        for j in range(n_chunks):
            wait_gather(j, j % _NB)
            start_write(j, j % _NB)
            jn = j + _LOOKAHEAD
            if jn < n_chunks:
                jw = jn - _NB
                if jw >= 0:
                    wait_write(jw, jn % _NB)
                start_gather(jn, jn % _NB)

        for j in range(max(0, n_chunks - _NB), n_chunks):
            wait_write(j, j % _NB)

    return gather_kernel


def kernel(x, token_table, codebook):
    batch, length = x.shape
    B = batch * length
    V, D = token_table.shape
    idx = x.astype(jnp.int32).reshape(_NW, B // (_NW * _CHUNK), _CHUNK)
    out = _make_gather(B, V)(idx, token_table)
    return out.reshape(batch, length, D)

# --- scband reference (transcript-rebuilt; emitter-appended) ---
"""Pipeline reference for scband-neural-pda-44994077393347 (READ-ONLY COPY).

The authoritative reference and input builder live on the scoring server;
editing this copy changes nothing except your own understanding.
"""

import jax, jax.numpy as jnp
import numpy as np

NUM_TERMINAL = 1000000
NUM_NT = 512
NT_DIM = 64
EMBED_DIM = 64


def setup_inputs(seed: int = 0) -> dict:
    key = jax.random.key(seed)
    k1, k2, k3 = jax.random.split(key, 3)
    x = jax.random.randint(k1, (1024, 200), 0, NUM_TERMINAL, dtype=jnp.int64 if jax.config.jax_enable_x64 else jnp.int32)
    token_table = jax.random.normal(k2, (NUM_TERMINAL, EMBED_DIM), dtype=jnp.float32)
    codebook = jax.random.normal(k3, (NUM_NT, NT_DIM), dtype=jnp.float32)
    return {"x": x, "token_table": token_table, "codebook": codebook}


def reference(x, token_table, codebook):
    # Faithful to the (partial) forward: per-step token embedding lookups.
    # stack bottom of zeros, as in the original forward
    batch = x.shape[0]
    stack_bottom = jnp.zeros((batch, NT_DIM), dtype=jnp.float32)
    # step loop: step_input = token_embedding(x[:, step]) for each step;
    # vectorized as a single gather over the whole (batch, length) index tensor.
    step_inputs = jnp.take(token_table, x, axis=0)  # (batch, length, embed_dim)
    return step_inputs

if __name__ == "__main__":
    import jax
    _d = setup_inputs()
    print(jax.jit(kernel)(*tuple(_d.values())))

</pallas_src>

<mosaic_0001>
#map = affine_map<(d0, d1) -> (0, 0, 0)>
#map1 = affine_map<(d0, d1) -> (0, 0)>
module attributes {stable_mosaic.version = 14 : i64} {
  func.func @gather_kernel(%arg0: i32, %arg1: i32, %arg2: memref<32x50x128xi32, #tpu.memory_space<hbm>>, %arg3: memref<1000000x64xf32, #tpu.memory_space<hbm>>, %arg4: memref<204800x64xf32, #tpu.memory_space<hbm>>, %arg5: memref<50x128xi32, #tpu.memory_space<vmem>>, %arg6: memref<128x64xf32, #tpu.memory_space<vmem>>, %arg7: memref<128x64xf32, #tpu.memory_space<vmem>>, %arg8: memref<128x64xf32, #tpu.memory_space<vmem>>, %arg9: memref<128x64xf32, #tpu.memory_space<vmem>>, %arg10: memref<128x64xf32, #tpu.memory_space<vmem>>, %arg11: memref<128x64xf32, #tpu.memory_space<vmem>>, %arg12: memref<128x64xf32, #tpu.memory_space<vmem>>, %arg13: memref<128x64xf32, #tpu.memory_space<vmem>>, %arg14: memref<128x64xf32, #tpu.memory_space<vmem>>, %arg15: memref<128x64xf32, #tpu.memory_space<vmem>>, %arg16: memref<!tpu.dma_semaphore, #tpu.memory_space<semaphore_mem>>, %arg17: memref<!tpu.dma_semaphore, #tpu.memory_space<semaphore_mem>>, %arg18: memref<!tpu.dma_semaphore, #tpu.memory_space<semaphore_mem>>, %arg19: memref<!tpu.dma_semaphore, #tpu.memory_space<semaphore_mem>>, %arg20: memref<!tpu.dma_semaphore, #tpu.memory_space<semaphore_mem>>, %arg21: memref<!tpu.dma_semaphore, #tpu.memory_space<semaphore_mem>>, %arg22: memref<!tpu.dma_semaphore, #tpu.memory_space<semaphore_mem>>, %arg23: memref<!tpu.dma_semaphore, #tpu.memory_space<semaphore_mem>>, %arg24: memref<!tpu.dma_semaphore, #tpu.memory_space<semaphore_mem>>, %arg25: memref<!tpu.dma_semaphore, #tpu.memory_space<semaphore_mem>>, %arg26: memref<!tpu.dma_semaphore, #tpu.memory_space<semaphore_mem>>, %arg27: memref<!tpu.dma_semaphore, #tpu.memory_space<semaphore_mem>>, %arg28: memref<!tpu.dma_semaphore, #tpu.memory_space<semaphore_mem>>, %arg29: memref<!tpu.dma_semaphore, #tpu.memory_space<semaphore_mem>>, %arg30: memref<!tpu.dma_semaphore, #tpu.memory_space<semaphore_mem>>, %arg31: memref<!tpu.dma_semaphore, #tpu.memory_space<semaphore_mem>>, %arg32: memref<!tpu.dma_semaphore, #tpu.memory_space<semaphore_mem>>, %arg33: memref<!tpu.dma_semaphore, #tpu.memory_space<semaphore_mem>>, %arg34: memref<!tpu.dma_semaphore, #tpu.memory_space<semaphore_mem>>, %arg35: memref<!tpu.dma_semaphore, #tpu.memory_space<semaphore_mem>>) attributes {dimension_semantics = [#tpu.dimension_semantics<core_parallel>, #tpu.dimension_semantics<subcore_parallel>], iteration_bounds = array<i64: 2, 16>, scalar_prefetch = 0 : i64, scratch_operands = 31 : i64, tpu.core_type = #tpu.core_type<sc_vector_subcore>, window_params = [{transform_indices = #map}, {transform_indices = #map1}, {transform_indices = #map1}]} {
    %mul3A = arith.constant 2 : i32
    %mul3A_0 = arith.muli %arg1, %mul3A : i32
    %add3A = arith.addi %mul3A_0, %arg0 : i32
    %mul3A_1 = arith.constant 6400 : i32
    %mul3A_2 = arith.muli %add3A, %mul3A_1 : i32
    "tpu.region"() ({
      %run_scoped3A = tpu.sem_alloc : memref<!tpu.dma_semaphore, #tpu.memory_space<semaphore_mem>>
      %dma_start3A_1301 = arith.constant 0 : i32
      %dma_start3A_1302 = arith.constant 0 : i32
      %dma_start3A_1303 = tpu.memref_slice %arg2[%add3A, %dma_start3A_1301, %dma_start3A_1302] : memref<32x50x128xi32, #tpu.memory_space<hbm>> -> memref<1x50x128xi32, #tpu.memory_space<hbm>>
      %dma_start3A_1304 = tpu.memref_squeeze %dma_start3A_1303 : memref<1x50x128xi32, #tpu.memory_space<hbm>> -> memref<50x128xi32, #tpu.memory_space<hbm>>
      %dma_start3A_1305 = arith.constant 0 : i32
      %dma_start3A_1306 = arith.constant 0 : i32
      %dma_start3A_1307 = tpu.memref_slice %arg2[%add3A, %dma_start3A_1305, %dma_start3A_1306] : memref<32x50x128xi32, #tpu.memory_space<hbm>> -> memref<1x50x128xi32, #tpu.memory_space<hbm>>
      %dma_start3A_1308 = tpu.memref_squeeze %dma_start3A_1307 : memref<1x50x128xi32, #tpu.memory_space<hbm>> -> memref<50x128xi32, #tpu.memory_space<hbm>>
      tpu.enqueue_dma source(%dma_start3A_1308 : memref<50x128xi32, #tpu.memory_space<hbm>>) target(%arg5 : memref<50x128xi32, #tpu.memory_space<vmem>>) target_semaphore(%run_scoped3A : memref<!tpu.dma_semaphore, #tpu.memory_space<semaphore_mem>>)
      %dma_wait3A_1309 = arith.constant 0 : i32
      %dma_wait3A_1310 = arith.constant 0 : i32
      %dma_wait3A_1311 = tpu.memref_slice %arg2[%add3A, %dma_wait3A_1309, %dma_wait3A_1310] : memref<32x50x128xi32, #tpu.memory_space<hbm>> -> memref<1x50x128xi32, #tpu.memory_space<hbm>>
      %dma_wait3A_1312 = tpu.memref_squeeze %dma_wait3A_1311 : memref<1x50x128xi32, #tpu.memory_space<hbm>> -> memref<50x128xi32, #tpu.memory_space<hbm>>
      %dma_wait3A_1313 = arith.constant 0 : i32
      %dma_wait3A_1314 = arith.constant 0 : i32
      %dma_wait3A_1315 = tpu.memref_slice %arg2[%add3A, %dma_wait3A_1313, %dma_wait3A_1314] : memref<32x50x128xi32, #tpu.memory_space<hbm>> -> memref<1x50x128xi32, #tpu.memory_space<hbm>>
      %dma_wait3A_1316 = tpu.memref_squeeze %dma_wait3A_1315 : memref<1x50x128xi32, #tpu.memory_space<hbm>> -> memref<50x128xi32, #tpu.memory_space<hbm>>
      tpu.wait_dma2 semaphore(%run_scoped3A : memref<!tpu.dma_semaphore, #tpu.memory_space<semaphore_mem>>) src(%dma_wait3A_1316 : memref<50x128xi32, #tpu.memory_space<hbm>>) dst(%arg5 : memref<50x128xi32, #tpu.memory_space<vmem>>)
      tpu.yield
    }) : () -> ()
    %dma_start3A = arith.constant 0 : i32
    %dma_start3A_3 = arith.constant 0 : i32
    %dma_start3A_4 = tpu.memref_slice %arg5[%dma_start3A, %dma_start3A_3] : memref<50x128xi32, #tpu.memory_space<vmem>> -> memref<1x128xi32, #tpu.memory_space<vmem>>
    %dma_start3A_5 = tpu.memref_squeeze %dma_start3A_4 : memref<1x128xi32, #tpu.memory_space<vmem>> -> memref<128xi32, #tpu.memory_space<vmem>>
    %dma_start3A_6 = arith.constant 0 : i32
    %dma_start3A_7 = arith.constant 0 : i32
    %dma_start3A_8 = tpu.memref_slice %arg3[%dma_start3A_6, %dma_start3A_7] : memref<1000000x64xf32, #tpu.memory_space<hbm>> -> memref<1000000x64xf32, #tpu.memory_space<hbm>>
    tpu.enqueue_indirect_dma source(%dma_start3A_8 : memref<1000000x64xf32, #tpu.memory_space<hbm>>) target(%arg6 : memref<128x64xf32, #tpu.memory_space<vmem>>) offsets(%dma_start3A_5 : memref<128xi32, #tpu.memory_space<vmem>>) semaphore(%arg16 : memref<!tpu.dma_semaphore, #tpu.memory_space<semaphore_mem>>)
    %dma_start3A_9 = arith.constant 1 : i32
    %dma_start3A_10 = arith.constant 0 : i32
    %dma_start3A_11 = tpu.memref_slice %arg5[%dma_start3A_9, %dma_start3A_10] : memref<50x128xi32, #tpu.memory_space<vmem>> -> memref<1x128xi32, #tpu.memory_space<vmem>>
    %dma_start3A_12 = tpu.memref_squeeze %dma_start3A_11 : memref<1x128xi32, #tpu.memory_space<vmem>> -> memref<128xi32, #tpu.memory_space<vmem>>
    %dma_start3A_13 = arith.constant 0 : i32
    %dma_start3A_14 = arith.constant 0 : i32
    %dma_start3A_15 = tpu.memref_slice %arg3[%dma_start3A_13, %dma_start3A_14] : memref<1000000x64xf32, #tpu.memory_space<hbm>> -> memref<1000000x64xf32, #tpu.memory_space<hbm>>
    tpu.enqueue_indirect_dma source(%dma_start3A_15 : memref<1000000x64xf32, #tpu.memory_space<hbm>>) target(%arg7 : memref<128x64xf32, #tpu.memory_space<vmem>>) offsets(%dma_start3A_12 : memref<128xi32, #tpu.memory_space<vmem>>) semaphore(%arg17 : memref<!tpu.dma_semaphore, #tpu.memory_space<semaphore_mem>>)
    %dma_start3A_16 = arith.constant 2 : i32
    %dma_start3A_17 = arith.constant 0 : i32
    %dma_start3A_18 = tpu.memref_slice %arg5[%dma_start3A_16, %dma_start3A_17] : memref<50x128xi32, #tpu.memory_space<vmem>> -> memref<1x128xi32, #tpu.memory_space<vmem>>
    %dma_start3A_19 = tpu.memref_squeeze %dma_start3A_18 : memref<1x128xi32, #tpu.memory_space<vmem>> -> memref<128xi32, #tpu.memory_space<vmem>>
    %dma_start3A_20 = arith.constant 0 : i32
    %dma_start3A_21 = arith.constant 0 : i32
    %dma_start3A_22 = tpu.memref_slice %arg3[%dma_start3A_20, %dma_start3A_21] : memref<1000000x64xf32, #tpu.memory_space<hbm>> -> memref<1000000x64xf32, #tpu.memory_space<hbm>>
    tpu.enqueue_indirect_dma source(%dma_start3A_22 : memref<1000000x64xf32, #tpu.memory_space<hbm>>) target(%arg8 : memref<128x64xf32, #tpu.memory_space<vmem>>) offsets(%dma_start3A_19 : memref<128xi32, #tpu.memory_space<vmem>>) semaphore(%arg18 : memref<!tpu.dma_semaphore, #tpu.memory_space<semaphore_mem>>)
    %dma_start3A_23 = arith.constant 3 : i32
    %dma_start3A_24 = arith.constant 0 : i32
    %dma_start3A_25 = tpu.memref_slice %arg5[%dma_start3A_23, %dma_start3A_24] : memref<50x128xi32, #tpu.memory_space<vmem>> -> memref<1x128xi32, #tpu.memory_space<vmem>>
    %dma_start3A_26 = tpu.memref_squeeze %dma_start3A_25 : memref<1x128xi32, #tpu.memory_space<vmem>> -> memref<128xi32, #tpu.memory_space<vmem>>
    %dma_start3A_27 = arith.constant 0 : i32
    %dma_start3A_28 = arith.constant 0 : i32
    %dma_start3A_29 = tpu.memref_slice %arg3[%dma_start3A_27, %dma_start3A_28] : memref<1000000x64xf32, #tpu.memory_space<hbm>> -> memref<1000000x64xf32, #tpu.memory_space<hbm>>
    tpu.enqueue_indirect_dma source(%dma_start3A_29 : memref<1000000x64xf32, #tpu.memory_space<hbm>>) target(%arg9 : memref<128x64xf32, #tpu.memory_space<vmem>>) offsets(%dma_start3A_26 : memref<128xi32, #tpu.memory_space<vmem>>) semaphore(%arg19 : memref<!tpu.dma_semaphore, #tpu.memory_space<semaphore_mem>>)
    %dma_start3A_30 = arith.constant 4 : i32
    %dma_start3A_31 = arith.constant 0 : i32
    %dma_start3A_32 = tpu.memref_slice %arg5[%dma_start3A_30, %dma_start3A_31] : memref<50x128xi32, #tpu.memory_space<vmem>> -> memref<1x128xi32, #tpu.memory_space<vmem>>
    %dma_start3A_33 = tpu.memref_squeeze %dma_start3A_32 : memref<1x128xi32, #tpu.memory_space<vmem>> -> memref<128xi32, #tpu.memory_space<vmem>>
    %dma_start3A_34 = arith.constant 0 : i32
    %dma_start3A_35 = arith.constant 0 : i32
    %dma_start3A_36 = tpu.memref_slice %arg3[%dma_start3A_34, %dma_start3A_35] : memref<1000000x64xf32, #tpu.memory_space<hbm>> -> memref<1000000x64xf32, #tpu.memory_space<hbm>>
    tpu.enqueue_indirect_dma source(%dma_start3A_36 : memref<1000000x64xf32, #tpu.memory_space<hbm>>) target(%arg10 : memref<128x64xf32, #tpu.memory_space<vmem>>) offsets(%dma_start3A_33 : memref<128xi32, #tpu.memory_space<vmem>>) semaphore(%arg20 : memref<!tpu.dma_semaphore, #tpu.memory_space<semaphore_mem>>)
    %dma_wait3A = arith.constant 0 : i32
    %dma_wait3A_37 = arith.constant 0 : i32
    %dma_wait3A_38 = tpu.memref_slice %arg5[%dma_wait3A, %dma_wait3A_37] : memref<50x128xi32, #tpu.memory_space<vmem>> -> memref<1x128xi32, #tpu.memory_space<vmem>>
    %dma_wait3A_39 = tpu.memref_squeeze %dma_wait3A_38 : memref<1x128xi32, #tpu.memory_space<vmem>> -> memref<128xi32, #tpu.memory_space<vmem>>
    %dma_wait3A_40 = arith.constant 0 : i32
    %dma_wait3A_41 = arith.constant 0 : i32
    %dma_wait3A_42 = tpu.memref_slice %arg3[%dma_wait3A_40, %dma_wait3A_41] : memref<1000000x64xf32, #tpu.memory_space<hbm>> -> memref<1000000x64xf32, #tpu.memory_space<hbm>>
    tpu.wait_indirect_dma semaphore(%arg16 : memref<!tpu.dma_semaphore, #tpu.memory_space<semaphore_mem>>) src(%dma_wait3A_42 : memref<1000000x64xf32, #tpu.memory_space<hbm>>) dst(%arg6 : memref<128x64xf32, #tpu.memory_space<vmem>>)
    %add3A_43 = arith.constant 0 : i32
    %add3A_44 = arith.addi %mul3A_2, %add3A_43 : i32
    %dma_start3A_45 = arith.constant 0 : i32
    %dma_start3A_46 = tpu.memref_slice %arg4[%add3A_44, %dma_start3A_45] : memref<204800x64xf32, #tpu.memory_space<hbm>> -> memref<128x64xf32, #tpu.memory_space<hbm>>
    %dma_start3A_47 = arith.constant 0 : i32
    %dma_start3A_48 = tpu.memref_slice %arg4[%add3A_44, %dma_start3A_47] : memref<204800x64xf32, #tpu.memory_space<hbm>> -> memref<128x64xf32, #tpu.memory_space<hbm>>
    tpu.enqueue_dma source(%arg6 : memref<128x64xf32, #tpu.memory_space<vmem>>) target(%dma_start3A_48 : memref<128x64xf32, #tpu.memory_space<hbm>>) target_semaphore(%arg26 : memref<!tpu.dma_semaphore, #tpu.memory_space<semaphore_mem>>)
    %dma_start3A_49 = arith.constant 5 : i32
    %dma_start3A_50 = arith.constant 0 : i32
    %dma_start3A_51 = tpu.memref_slice %arg5[%dma_start3A_49, %dma_start3A_50] : memref<50x128xi32, #tpu.memory_space<vmem>> -> memref<1x128xi32, #tpu.memory_space<vmem>>
    %dma_start3A_52 = tpu.memref_squeeze %dma_start3A_51 : memref<1x128xi32, #tpu.memory_space<vmem>> -> memref<128xi32, #tpu.memory_space<vmem>>
    %dma_start3A_53 = arith.constant 0 : i32
    %dma_start3A_54 = arith.constant 0 : i32
    %dma_start3A_55 = tpu.memref_slice %arg3[%dma_start3A_53, %dma_start3A_54] : memref<1000000x64xf32, #tpu.memory_space<hbm>> -> memref<1000000x64xf32, #tpu.memory_space<hbm>>
    tpu.enqueue_indirect_dma source(%dma_start3A_55 : memref<1000000x64xf32, #tpu.memory_space<hbm>>) target(%arg11 : memref<128x64xf32, #tpu.memory_space<vmem>>) offsets(%dma_start3A_52 : memref<128xi32, #tpu.memory_space<vmem>>) semaphore(%arg21 : memref<!tpu.dma_semaphore, #tpu.memory_space<semaphore_mem>>)
    %dma_wait3A_56 = arith.constant 1 : i32
    %dma_wait3A_57 = arith.constant 0 : i32
    %dma_wait3A_58 = tpu.memref_slice %arg5[%dma_wait3A_56, %dma_wait3A_57] : memref<50x128xi32, #tpu.memory_space<vmem>> -> memref<1x128xi32, #tpu.memory_space<vmem>>
    %dma_wait3A_59 = tpu.memref_squeeze %dma_wait3A_58 : memref<1x128xi32, #tpu.memory_space<vmem>> -> memref<128xi32, #tpu.memory_space<vmem>>
    %dma_wait3A_60 = arith.constant 0 : i32
    %dma_wait3A_61 = arith.constant 0 : i32
    %dma_wait3A_62 = tpu.memref_slice %arg3[%dma_wait3A_60, %dma_wait3A_61] : memref<1000000x64xf32, #tpu.memory_space<hbm>> -> memref<1000000x64xf32, #tpu.memory_space<hbm>>
    tpu.wait_indirect_dma semaphore(%arg17 : memref<!tpu.dma_semaphore, #tpu.memory_space<semaphore_mem>>) src(%dma_wait3A_62 : memref<1000000x64xf32, #tpu.memory_space<hbm>>) dst(%arg7 : memref<128x64xf32, #tpu.memory_space<vmem>>)
    %add3A_63 = arith.constant 128 : i32
    %add3A_64 = arith.addi %mul3A_2, %add3A_63 : i32
    %dma_start3A_65 = arith.constant 0 : i32
    %dma_start3A_66 = tpu.memref_slice %arg4[%add3A_64, %dma_start3A_65] : memref<204800x64xf32, #tpu.memory_space<hbm>> -> memref<128x64xf32, #tpu.memory_space<hbm>>
    %dma_start3A_67 = arith.constant 0 : i32
    %dma_start3A_68 = tpu.memref_slice %arg4[%add3A_64, %dma_start3A_67] : memref<204800x64xf32, #tpu.memory_space<hbm>> -> memref<128x64xf32, #tpu.memory_space<hbm>>
    tpu.enqueue_dma source(%arg7 : memref<128x64xf32, #tpu.memory_space<vmem>>) target(%dma_start3A_68 : memref<128x64xf32, #tpu.memory_space<hbm>>) target_semaphore(%arg27 : memref<!tpu.dma_semaphore, #tpu.memory_space<semaphore_mem>>)
    %dma_start3A_69 = arith.constant 6 : i32
    %dma_start3A_70 = arith.constant 0 : i32
    %dma_start3A_71 = tpu.memref_slice %arg5[%dma_start3A_69, %dma_start3A_70] : memref<50x128xi32, #tpu.memory_space<vmem>> -> memref<1x128xi32, #tpu.memory_space<vmem>>
    %dma_start3A_72 = tpu.memref_squeeze %dma_start3A_71 : memref<1x128xi32, #tpu.memory_space<vmem>> -> memref<128xi32, #tpu.memory_space<vmem>>
    %dma_start3A_73 = arith.constant 0 : i32
    %dma_start3A_74 = arith.constant 0 : i32
    %dma_start3A_75 = tpu.memref_slice %arg3[%dma_start3A_73, %dma_start3A_74] : memref<1000000x64xf32, #tpu.memory_space<hbm>> -> memref<1000000x64xf32, #tpu.memory_space<hbm>>
    tpu.enqueue_indirect_dma source(%dma_start3A_75 : memref<1000000x64xf32, #tpu.memory_space<hbm>>) target(%arg12 : memref<128x64xf32, #tpu.memory_space<vmem>>) offsets(%dma_start3A_72 : memref<128xi32, #tpu.memory_space<vmem>>) semaphore(%arg22 : memref<!tpu.dma_semaphore, #tpu.memory_space<semaphore_mem>>)
    %dma_wait3A_76 = arith.constant 2 : i32
    %dma_wait3A_77 = arith.constant 0 : i32
    %dma_wait3A_78 = tpu.memref_slice %arg5[%dma_wait3A_76, %dma_wait3A_77] : memref<50x128xi32, #tpu.memory_space<vmem>> -> memref<1x128xi32, #tpu.memory_space<vmem>>
    %dma_wait3A_79 = tpu.memref_squeeze %dma_wait3A_78 : memref<1x128xi32, #tpu.memory_space<vmem>> -> memref<128xi32, #tpu.memory_space<vmem>>
    %dma_wait3A_80 = arith.constant 0 : i32
    %dma_wait3A_81 = arith.constant 0 : i32
    %dma_wait3A_82 = tpu.memref_slice %arg3[%dma_wait3A_80, %dma_wait3A_81] : memref<1000000x64xf32, #tpu.memory_space<hbm>> -> memref<1000000x64xf32, #tpu.memory_space<hbm>>
    tpu.wait_indirect_dma semaphore(%arg18 : memref<!tpu.dma_semaphore, #tpu.memory_space<semaphore_mem>>) src(%dma_wait3A_82 : memref<1000000x64xf32, #tpu.memory_space<hbm>>) dst(%arg8 : memref<128x64xf32, #tpu.memory_space<vmem>>)
    %add3A_83 = arith.constant 256 : i32
    %add3A_84 = arith.addi %mul3A_2, %add3A_83 : i32
    %dma_start3A_85 = arith.constant 0 : i32
    %dma_start3A_86 = tpu.memref_slice %arg4[%add3A_84, %dma_start3A_85] : memref<204800x64xf32, #tpu.memory_space<hbm>> -> memref<128x64xf32, #tpu.memory_space<hbm>>
    %dma_start3A_87 = arith.constant 0 : i32
    %dma_start3A_88 = tpu.memref_slice %arg4[%add3A_84, %dma_start3A_87] : memref<204800x64xf32, #tpu.memory_space<hbm>> -> memref<128x64xf32, #tpu.memory_space<hbm>>
    tpu.enqueue_dma source(%arg8 : memref<128x64xf32, #tpu.memory_space<vmem>>) target(%dma_start3A_88 : memref<128x64xf32, #tpu.memory_space<hbm>>) target_semaphore(%arg28 : memref<!tpu.dma_semaphore, #tpu.memory_space<semaphore_mem>>)
    %dma_start3A_89 = arith.constant 7 : i32
    %dma_start3A_90 = arith.constant 0 : i32
    %dma_start3A_91 = tpu.memref_slice %arg5[%dma_start3A_89, %dma_start3A_90] : memref<50x128xi32, #tpu.memory_space<vmem>> -> memref<1x128xi32, #tpu.memory_space<vmem>>
    %dma_start3A_92 = tpu.memref_squeeze %dma_start3A_91 : memref<1x128xi32, #tpu.memory_space<vmem>> -> memref<128xi32, #tpu.memory_space<vmem>>
    %dma_start3A_93 = arith.constant 0 : i32
    %dma_start3A_94 = arith.constant 0 : i32
    %dma_start3A_95 = tpu.memref_slice %arg3[%dma_start3A_93, %dma_start3A_94] : memref<1000000x64xf32, #tpu.memory_space<hbm>> -> memref<1000000x64xf32, #tpu.memory_space<hbm>>
    tpu.enqueue_indirect_dma source(%dma_start3A_95 : memref<1000000x64xf32, #tpu.memory_space<hbm>>) target(%arg13 : memref<128x64xf32, #tpu.memory_space<vmem>>) offsets(%dma_start3A_92 : memref<128xi32, #tpu.memory_space<vmem>>) semaphore(%arg23 : memref<!tpu.dma_semaphore, #tpu.memory_space<semaphore_mem>>)
    %dma_wait3A_96 = arith.constant 3 : i32
    %dma_wait3A_97 = arith.constant 0 : i32
    %dma_wait3A_98 = tpu.memref_slice %arg5[%dma_wait3A_96, %dma_wait3A_97] : memref<50x128xi32, #tpu.memory_space<vmem>> -> memref<1x128xi32, #tpu.memory_space<vmem>>
    %dma_wait3A_99 = tpu.memref_squeeze %dma_wait3A_98 : memref<1x128xi32, #tpu.memory_space<vmem>> -> memref<128xi32, #tpu.memory_space<vmem>>
    %dma_wait3A_100 = arith.constant 0 : i32
    %dma_wait3A_101 = arith.constant 0 : i32
    %dma_wait3A_102 = tpu.memref_slice %arg3[%dma_wait3A_100, %dma_wait3A_101] : memref<1000000x64xf32, #tpu.memory_space<hbm>> -> memref<1000000x64xf32, #tpu.memory_space<hbm>>
    tpu.wait_indirect_dma semaphore(%arg19 : memref<!tpu.dma_semaphore, #tpu.memory_space<semaphore_mem>>) src(%dma_wait3A_102 : memref<1000000x64xf32, #tpu.memory_space<hbm>>) dst(%arg9 : memref<128x64xf32, #tpu.memory_space<vmem>>)
    %add3A_103 = arith.constant 384 : i32
    %add3A_104 = arith.addi %mul3A_2, %add3A_103 : i32
    %dma_start3A_105 = arith.constant 0 : i32
    %dma_start3A_106 = tpu.memref_slice %arg4[%add3A_104, %dma_start3A_105] : memref<204800x64xf32, #tpu.memory_space<hbm>> -> memref<128x64xf32, #tpu.memory_space<hbm>>
    %dma_start3A_107 = arith.constant 0 : i32
    %dma_start3A_108 = tpu.memref_slice %arg4[%add3A_104, %dma_start3A_107] : memref<204800x64xf32, #tpu.memory_space<hbm>> -> memref<128x64xf32, #tpu.memory_space<hbm>>
    tpu.enqueue_dma source(%arg9 : memref<128x64xf32, #tpu.memory_space<vmem>>) target(%dma_start3A_108 : memref<128x64xf32, #tpu.memory_space<hbm>>) target_semaphore(%arg29 : memref<!tpu.dma_semaphore, #tpu.memory_space<semaphore_mem>>)
    %dma_start3A_109 = arith.constant 8 : i32
    %dma_start3A_110 = arith.constant 0 : i32
    %dma_start3A_111 = tpu.memref_slice %arg5[%dma_start3A_109, %dma_start3A_110] : memref<50x128xi32, #tpu.memory_space<vmem>> -> memref<1x128xi32, #tpu.memory_space<vmem>>
    %dma_start3A_112 = tpu.memref_squeeze %dma_start3A_111 : memref<1x128xi32, #tpu.memory_space<vmem>> -> memref<128xi32, #tpu.memory_space<vmem>>
    %dma_start3A_113 = arith.constant 0 : i32
    %dma_start3A_114 = arith.constant 0 : i32
    %dma_start3A_115 = tpu.memref_slice %arg3[%dma_start3A_113, %dma_start3A_114] : memref<1000000x64xf32, #tpu.memory_space<hbm>> -> memref<1000000x64xf32, #tpu.memory_space<hbm>>
    tpu.enqueue_indirect_dma source(%dma_start3A_115 : memref<1000000x64xf32, #tpu.memory_space<hbm>>) target(%arg14 : memref<128x64xf32, #tpu.memory_space<vmem>>) offsets(%dma_start3A_112 : memref<128xi32, #tpu.memory_space<vmem>>) semaphore(%arg24 : memref<!tpu.dma_semaphore, #tpu.memory_space<semaphore_mem>>)
    %dma_wait3A_116 = arith.constant 4 : i32
    %dma_wait3A_117 = arith.constant 0 : i32
    %dma_wait3A_118 = tpu.memref_slice %arg5[%dma_wait3A_116, %dma_wait3A_117] : memref<50x128xi32, #tpu.memory_space<vmem>> -> memref<1x128xi32, #tpu.memory_space<vmem>>
    %dma_wait3A_119 = tpu.memref_squeeze %dma_wait3A_118 : memref<1x128xi32, #tpu.memory_space<vmem>> -> memref<128xi32, #tpu.memory_space<vmem>>
    %dma_wait3A_120 = arith.constant 0 : i32
    %dma_wait3A_121 = arith.constant 0 : i32
    %dma_wait3A_122 = tpu.memref_slice %arg3[%dma_wait3A_120, %dma_wait3A_121] : memref<1000000x64xf32, #tpu.memory_space<hbm>> -> memref<1000000x64xf32, #tpu.memory_space<hbm>>
    tpu.wait_indirect_dma semaphore(%arg20 : memref<!tpu.dma_semaphore, #tpu.memory_space<semaphore_mem>>) src(%dma_wait3A_122 : memref<1000000x64xf32, #tpu.memory_space<hbm>>) dst(%arg10 : memref<128x64xf32, #tpu.memory_space<vmem>>)
    %add3A_123 = arith.constant 512 : i32
    %add3A_124 = arith.addi %mul3A_2, %add3A_123 : i32
    %dma_start3A_125 = arith.constant 0 : i32
    %dma_start3A_126 = tpu.memref_slice %arg4[%add3A_124, %dma_start3A_125] : memref<204800x64xf32, #tpu.memory_space<hbm>> -> memref<128x64xf32, #tpu.memory_space<hbm>>
    %dma_start3A_127 = arith.constant 0 : i32
    %dma_start3A_128 = tpu.memref_slice %arg4[%add3A_124, %dma_start3A_127] : memref<204800x64xf32, #tpu.memory_space<hbm>> -> memref<128x64xf32, #tpu.memory_space<hbm>>
    tpu.enqueue_dma source(%arg10 : memref<128x64xf32, #tpu.memory_space<vmem>>) target(%dma_start3A_128 : memref<128x64xf32, #tpu.memory_space<hbm>>) target_semaphore(%arg30 : memref<!tpu.dma_semaphore, #tpu.memory_space<semaphore_mem>>)
    %dma_start3A_129 = arith.constant 9 : i32
    %dma_start3A_130 = arith.constant 0 : i32
    %dma_start3A_131 = tpu.memref_slice %arg5[%dma_start3A_129, %dma_start3A_130] : memref<50x128xi32, #tpu.memory_space<vmem>> -> memref<1x128xi32, #tpu.memory_space<vmem>>
    %dma_start3A_132 = tpu.memref_squeeze %dma_start3A_131 : memref<1x128xi32, #tpu.memory_space<vmem>> -> memref<128xi32, #tpu.memory_space<vmem>>
    %dma_start3A_133 = arith.constant 0 : i32
    %dma_start3A_134 = arith.constant 0 : i32
    %dma_start3A_135 = tpu.memref_slice %arg3[%dma_start3A_133, %dma_start3A_134] : memref<1000000x64xf32, #tpu.memory_space<hbm>> -> memref<1000000x64xf32, #tpu.memory_space<hbm>>
    tpu.enqueue_indirect_dma source(%dma_start3A_135 : memref<1000000x64xf32, #tpu.memory_space<hbm>>) target(%arg15 : memref<128x64xf32, #tpu.memory_space<vmem>>) offsets(%dma_start3A_132 : memref<128xi32, #tpu.memory_space<vmem>>) semaphore(%arg25 : memref<!tpu.dma_semaphore, #tpu.memory_space<semaphore_mem>>)
    %dma_wait3A_136 = arith.constant 5 : i32
    %dma_wait3A_137 = arith.constant 0 : i32
    %dma_wait3A_138 = tpu.memref_slice %arg5[%dma_wait3A_136, %dma_wait3A_137] : memref<50x128xi32, #tpu.memory_space<vmem>> -> memref<1x128xi32, #tpu.memory_space<vmem>>
    %dma_wait3A_139 = tpu.memref_squeeze %dma_wait3A_138 : memref<1x128xi32, #tpu.memory_space<vmem>> -> memref<128xi32, #tpu.memory_space<vmem>>
    %dma_wait3A_140 = arith.constant 0 : i32
    %dma_wait3A_141 = arith.constant 0 : i32
    %dma_wait3A_142 = tpu.memref_slice %arg3[%dma_wait3A_140, %dma_wait3A_141] : memref<1000000x64xf32, #tpu.memory_space<hbm>> -> memref<1000000x64xf32, #tpu.memory_space<hbm>>
    tpu.wait_indirect_dma semaphore(%arg21 : memref<!tpu.dma_semaphore, #tpu.memory_space<semaphore_mem>>) src(%dma_wait3A_142 : memref<1000000x64xf32, #tpu.memory_space<hbm>>) dst(%arg11 : memref<128x64xf32, #tpu.memory_space<vmem>>)
    %add3A_143 = arith.constant 640 : i32
    %add3A_144 = arith.addi %mul3A_2, %add3A_143 : i32
    %dma_start3A_145 = arith.constant 0 : i32
    %dma_start3A_146 = tpu.memref_slice %arg4[%add3A_144, %dma_start3A_145] : memref<204800x64xf32, #tpu.memory_space<hbm>> -> memref<128x64xf32, #tpu.memory_space<hbm>>
    %dma_start3A_147 = arith.constant 0 : i32
    %dma_start3A_148 = tpu.memref_slice %arg4[%add3A_144, %dma_start3A_147] : memref<204800x64xf32, #tpu.memory_space<hbm>> -> memref<128x64xf32, #tpu.memory_space<hbm>>
    tpu.enqueue_dma source(%arg11 : memref<128x64xf32, #tpu.memory_space<vmem>>) target(%dma_start3A_148 : memref<128x64xf32, #tpu.memory_space<hbm>>) target_semaphore(%arg31 : memref<!tpu.dma_semaphore, #tpu.memory_space<semaphore_mem>>)
    %add3A_149 = arith.constant 0 : i32
    %add3A_150 = arith.addi %mul3A_2, %add3A_149 : i32
    %dma_wait3A_151 = arith.constant 0 : i32
    %dma_wait3A_152 = tpu.memref_slice %arg4[%add3A_150, %dma_wait3A_151] : memref<204800x64xf32, #tpu.memory_space<hbm>> -> memref<128x64xf32, #tpu.memory_space<hbm>>
    %dma_wait3A_153 = arith.constant 0 : i32
    %dma_wait3A_154 = tpu.memref_slice %arg4[%add3A_150, %dma_wait3A_153] : memref<204800x64xf32, #tpu.memory_space<hbm>> -> memref<128x64xf32, #tpu.memory_space<hbm>>
    tpu.wait_dma2 semaphore(%arg26 : memref<!tpu.dma_semaphore, #tpu.memory_space<semaphore_mem>>) src(%arg6 : memref<128x64xf32, #tpu.memory_space<vmem>>) dst(%dma_wait3A_154 : memref<128x64xf32, #tpu.memory_space<hbm>>)
    %dma_start3A_155 = arith.constant 10 : i32
    %dma_start3A_156 = arith.constant 0 : i32
    %dma_start3A_157 = tpu.memref_slice %arg5[%dma_start3A_155, %dma_start3A_156] : memref<50x128xi32, #tpu.memory_space<vmem>> -> memref<1x128xi32, #tpu.memory_space<vmem>>
    %dma_start3A_158 = tpu.memref_squeeze %dma_start3A_157 : memref<1x128xi32, #tpu.memory_space<vmem>> -> memref<128xi32, #tpu.memory_space<vmem>>
    %dma_start3A_159 = arith.constant 0 : i32
    %dma_start3A_160 = arith.constant 0 : i32
    %dma_start3A_161 = tpu.memref_slice %arg3[%dma_start3A_159, %dma_start3A_160] : memref<1000000x64xf32, #tpu.memory_space<hbm>> -> memref<1000000x64xf32, #tpu.memory_space<hbm>>
    tpu.enqueue_indirect_dma source(%dma_start3A_161 : memref<1000000x64xf32, #tpu.memory_space<hbm>>) target(%arg6 : memref<128x64xf32, #tpu.memory_space<vmem>>) offsets(%dma_start3A_158 : memref<128xi32, #tpu.memory_space<vmem>>) semaphore(%arg16 : memref<!tpu.dma_semaphore, #tpu.memory_space<semaphore_mem>>)
    %dma_wait3A_162 = arith.constant 6 : i32
    %dma_wait3A_163 = arith.constant 0 : i32
    %dma_wait3A_164 = tpu.memref_slice %arg5[%dma_wait3A_162, %dma_wait3A_163] : memref<50x128xi32, #tpu.memory_space<vmem>> -> memref<1x128xi32, #tpu.memory_space<vmem>>
    %dma_wait3A_165 = tpu.memref_squeeze %dma_wait3A_164 : memref<1x128xi32, #tpu.memory_space<vmem>> -> memref<128xi32, #tpu.memory_space<vmem>>
    %dma_wait3A_166 = arith.constant 0 : i32
    %dma_wait3A_167 = arith.constant 0 : i32
    %dma_wait3A_168 = tpu.memref_slice %arg3[%dma_wait3A_166, %dma_wait3A_167] : memref<1000000x64xf32, #tpu.memory_space<hbm>> -> memref<1000000x64xf32, #tpu.memory_space<hbm>>
    tpu.wait_indirect_dma semaphore(%arg22 : memref<!tpu.dma_semaphore, #tpu.memory_space<semaphore_mem>>) src(%dma_wait3A_168 : memref<1000000x64xf32, #tpu.memory_space<hbm>>) dst(%arg12 : memref<128x64xf32, #tpu.memory_space<vmem>>)
    %add3A_169 = arith.constant 768 : i32
    %add3A_170 = arith.addi %mul3A_2, %add3A_169 : i32
    %dma_start3A_171 = arith.constant 0 : i32
    %dma_start3A_172 = tpu.memref_slice %arg4[%add3A_170, %dma_start3A_171] : memref<204800x64xf32, #tpu.memory_space<hbm>> -> memref<128x64xf32, #tpu.memory_space<hbm>>
    %dma_start3A_173 = arith.constant 0 : i32
    %dma_start3A_174 = tpu.memref_slice %arg4[%add3A_170, %dma_start3A_173] : memref<204800x64xf32, #tpu.memory_space<hbm>> -> memref<128x64xf32, #tpu.memory_space<hbm>>
    tpu.enqueue_dma source(%arg12 : memref<128x64xf32, #tpu.memory_space<vmem>>) target(%dma_start3A_174 : memref<128x64xf32, #tpu.memory_space<hbm>>) target_semaphore(%arg32 : memref<!tpu.dma_semaphore, #tpu.memory_space<semaphore_mem>>)
    %add3A_175 = arith.constant 128 : i32
    %add3A_176 = arith.addi %mul3A_2, %add3A_175 : i32
    %dma_wait3A_177 = arith.constant 0 : i32
    %dma_wait3A_178 = tpu.memref_slice %arg4[%add3A_176, %dma_wait3A_177] : memref<204800x64xf32, #tpu.memory_space<hbm>> -> memref<128x64xf32, #tpu.memory_space<hbm>>
    %dma_wait3A_179 = arith.constant 0 : i32
    %dma_wait3A_180 = tpu.memref_slice %arg4[%add3A_176, %dma_wait3A_179] : memref<204800x64xf32, #tpu.memory_space<hbm>> -> memref<128x64xf32, #tpu.memory_space<hbm>>
    tpu.wait_dma2 semaphore(%arg27 : memref<!tpu.dma_semaphore, #tpu.memory_space<semaphore_mem>>) src(%arg7 : memref<128x64xf32, #tpu.memory_space<vmem>>) dst(%dma_wait3A_180 : memref<128x64xf32, #tpu.memory_space<hbm>>)
    %dma_start3A_181 = arith.constant 11 : i32
    %dma_start3A_182 = arith.constant 0 : i32
    %dma_start3A_183 = tpu.memref_slice %arg5[%dma_start3A_181, %dma_start3A_182] : memref<50x128xi32, #tpu.memory_space<vmem>> -> memref<1x128xi32, #tpu.memory_space<vmem>>
    %dma_start3A_184 = tpu.memref_squeeze %dma_start3A_183 : memref<1x128xi32, #tpu.memory_space<vmem>> -> memref<128xi32, #tpu.memory_space<vmem>>
    %dma_start3A_185 = arith.constant 0 : i32
    %dma_start3A_186 = arith.constant 0 : i32
    %dma_start3A_187 = tpu.memref_slice %arg3[%dma_start3A_185, %dma_start3A_186] : memref<1000000x64xf32, #tpu.memory_space<hbm>> -> memref<1000000x64xf32, #tpu.memory_space<hbm>>
    tpu.enqueue_indirect_dma source(%dma_start3A_187 : memref<1000000x64xf32, #tpu.memory_space<hbm>>) target(%arg7 : memref<128x64xf32, #tpu.memory_space<vmem>>) offsets(%dma_start3A_184 : memref<128xi32, #tpu.memory_space<vmem>>) semaphore(%arg17 : memref<!tpu.dma_semaphore, #tpu.memory_space<semaphore_mem>>)
    %dma_wait3A_188 = arith.constant 7 : i32
    %dma_wait3A_189 = arith.constant 0 : i32
    %dma_wait3A_190 = tpu.memref_slice %arg5[%dma_wait3A_188, %dma_wait3A_189] : memref<50x128xi32, #tpu.memory_space<vmem>> -> memref<1x128xi32, #tpu.memory_space<vmem>>
    %dma_wait3A_191 = tpu.memref_squeeze %dma_wait3A_190 : memref<1x128xi32, #tpu.memory_space<vmem>> -> memref<128xi32, #tpu.memory_space<vmem>>
    %dma_wait3A_192 = arith.constant 0 : i32
    %dma_wait3A_193 = arith.constant 0 : i32
    %dma_wait3A_194 = tpu.memref_slice %arg3[%dma_wait3A_192, %dma_wait3A_193] : memref<1000000x64xf32, #tpu.memory_space<hbm>> -> memref<1000000x64xf32, #tpu.memory_space<hbm>>
    tpu.wait_indirect_dma semaphore(%arg23 : memref<!tpu.dma_semaphore, #tpu.memory_space<semaphore_mem>>) src(%dma_wait3A_194 : memref<1000000x64xf32, #tpu.memory_space<hbm>>) dst(%arg13 : memref<128x64xf32, #tpu.memory_space<vmem>>)
    %add3A_195 = arith.constant 896 : i32
    %add3A_196 = arith.addi %mul3A_2, %add3A_195 : i32
    %dma_start3A_197 = arith.constant 0 : i32
    %dma_start3A_198 = tpu.memref_slice %arg4[%add3A_196, %dma_start3A_197] : memref<204800x64xf32, #tpu.memory_space<hbm>> -> memref<128x64xf32, #tpu.memory_space<hbm>>
    %dma_start3A_199 = arith.constant 0 : i32
    %dma_start3A_200 = tpu.memref_slice %arg4[%add3A_196, %dma_start3A_199] : memref<204800x64xf32, #tpu.memory_space<hbm>> -> memref<128x64xf32, #tpu.memory_space<hbm>>
    tpu.enqueue_dma source(%arg13 : memref<128x64xf32, #tpu.memory_space<vmem>>) target(%dma_start3A_200 : memref<128x64xf32, #tpu.memory_space<hbm>>) target_semaphore(%arg33 : memref<!tpu.dma_semaphore, #tpu.memory_space<semaphore_mem>>)
    %add3A_201 = arith.constant 256 : i32
    %add3A_202 = arith.addi %mul3A_2, %add3A_201 : i32
    %dma_wait3A_203 = arith.constant 0 : i32
    %dma_wait3A_204 = tpu.memref_slice %arg4[%add3A_202, %dma_wait3A_203] : memref<204800x64xf32, #tpu.memory_space<hbm>> -> memref<128x64xf32, #tpu.memory_space<hbm>>
    %dma_wait3A_205 = arith.constant 0 : i32
    %dma_wait3A_206 = tpu.memref_slice %arg4[%add3A_202, %dma_wait3A_205] : memref<204800x64xf32, #tpu.memory_space<hbm>> -> memref<128x64xf32, #tpu.memory_space<hbm>>
    tpu.wait_dma2 semaphore(%arg28 : memref<!tpu.dma_semaphore, #tpu.memory_space<semaphore_mem>>) src(%arg8 : memref<128x64xf32, #tpu.memory_space<vmem>>) dst(%dma_wait3A_206 : memref<128x64xf32, #tpu.memory_space<hbm>>)
    %dma_start3A_207 = arith.constant 12 : i32
    %dma_start3A_208 = arith.constant 0 : i32
    %dma_start3A_209 = tpu.memref_slice %arg5[%dma_start3A_207, %dma_start3A_208] : memref<50x128xi32, #tpu.memory_space<vmem>> -> memref<1x128xi32, #tpu.memory_space<vmem>>
    %dma_start3A_210 = tpu.memref_squeeze %dma_start3A_209 : memref<1x128xi32, #tpu.memory_space<vmem>> -> memref<128xi32, #tpu.memory_space<vmem>>
    %dma_start3A_211 = arith.constant 0 : i32
    %dma_start3A_212 = arith.constant 0 : i32
    %dma_start3A_213 = tpu.memref_slice %arg3[%dma_start3A_211, %dma_start3A_212] : memref<1000000x64xf32, #tpu.memory_space<hbm>> -> memref<1000000x64xf32, #tpu.memory_space<hbm>>
    tpu.enqueue_indirect_dma source(%dma_start3A_213 : memref<1000000x64xf32, #tpu.memory_space<hbm>>) target(%arg8 : memref<128x64xf32, #tpu.memory_space<vmem>>) offsets(%dma_start3A_210 : memref<128xi32, #tpu.memory_space<vmem>>) semaphore(%arg18 : memref<!tpu.dma_semaphore, #tpu.memory_space<semaphore_mem>>)
    %dma_wait3A_214 = arith.constant 8 : i32
    %dma_wait3A_215 = arith.constant 0 : i32
    %dma_wait3A_216 = tpu.memref_slice %arg5[%dma_wait3A_214, %dma_wait3A_215] : memref<50x128xi32, #tpu.memory_space<vmem>> -> memref<1x128xi32, #tpu.memory_space<vmem>>
    %dma_wait3A_217 = tpu.memref_squeeze %dma_wait3A_216 : memref<1x128xi32, #tpu.memory_space<vmem>> -> memref<128xi32, #tpu.memory_space<vmem>>
    %dma_wait3A_218 = arith.constant 0 : i32
    %dma_wait3A_219 = arith.constant 0 : i32
    %dma_wait3A_220 = tpu.memref_slice %arg3[%dma_wait3A_218, %dma_wait3A_219] : memref<1000000x64xf32, #tpu.memory_space<hbm>> -> memref<1000000x64xf32, #tpu.memory_space<hbm>>
    tpu.wait_indirect_dma semaphore(%arg24 : memref<!tpu.dma_semaphore, #tpu.memory_space<semaphore_mem>>) src(%dma_wait3A_220 : memref<1000000x64xf32, #tpu.memory_space<hbm>>) dst(%arg14 : memref<128x64xf32, #tpu.memory_space<vmem>>)
    %add3A_221 = arith.constant 1024 : i32
    %add3A_222 = arith.addi %mul3A_2, %add3A_221 : i32
    %dma_start3A_223 = arith.constant 0 : i32
    %dma_start3A_224 = tpu.memref_slice %arg4[%add3A_222, %dma_start3A_223] : memref<204800x64xf32, #tpu.memory_space<hbm>> -> memref<128x64xf32, #tpu.memory_space<hbm>>
    %dma_start3A_225 = arith.constant 0 : i32
    %dma_start3A_226 = tpu.memref_slice %arg4[%add3A_222, %dma_start3A_225] : memref<204800x64xf32, #tpu.memory_space<hbm>> -> memref<128x64xf32, #tpu.memory_space<hbm>>
    tpu.enqueue_dma source(%arg14 : memref<128x64xf32, #tpu.memory_space<vmem>>) target(%dma_start3A_226 : memref<128x64xf32, #tpu.memory_space<hbm>>) target_semaphore(%arg34 : memref<!tpu.dma_semaphore, #tpu.memory_space<semaphore_mem>>)
    %add3A_227 = arith.constant 384 : i32
    %add3A_228 = arith.addi %mul3A_2, %add3A_227 : i32
    %dma_wait3A_229 = arith.constant 0 : i32
    %dma_wait3A_230 = tpu.memref_slice %arg4[%add3A_228, %dma_wait3A_229] : memref<204800x64xf32, #tpu.memory_space<hbm>> -> memref<128x64xf32, #tpu.memory_space<hbm>>
    %dma_wait3A_231 = arith.constant 0 : i32
    %dma_wait3A_232 = tpu.memref_slice %arg4[%add3A_228, %dma_wait3A_231] : memref<204800x64xf32, #tpu.memory_space<hbm>> -> memref<128x64xf32, #tpu.memory_space<hbm>>
    tpu.wait_dma2 semaphore(%arg29 : memref<!tpu.dma_semaphore, #tpu.memory_space<semaphore_mem>>) src(%arg9 : memref<128x64xf32, #tpu.memory_space<vmem>>) dst(%dma_wait3A_232 : memref<128x64xf32, #tpu.memory_space<hbm>>)
    %dma_start3A_233 = arith.constant 13 : i32
    %dma_start3A_234 = arith.constant 0 : i32
    %dma_start3A_235 = tpu.memref_slice %arg5[%dma_start3A_233, %dma_start3A_234] : memref<50x128xi32, #tpu.memory_space<vmem>> -> memref<1x128xi32, #tpu.memory_space<vmem>>
    %dma_start3A_236 = tpu.memref_squeeze %dma_start3A_235 : memref<1x128xi32, #tpu.memory_space<vmem>> -> memref<128xi32, #tpu.memory_space<vmem>>
    %dma_start3A_237 = arith.constant 0 : i32
    %dma_start3A_238 = arith.constant 0 : i32
    %dma_start3A_239 = tpu.memref_slice %arg3[%dma_start3A_237, %dma_start3A_238] : memref<1000000x64xf32, #tpu.memory_space<hbm>> -> memref<1000000x64xf32, #tpu.memory_space<hbm>>
    tpu.enqueue_indirect_dma source(%dma_start3A_239 : memref<1000000x64xf32, #tpu.memory_space<hbm>>) target(%arg9 : memref<128x64xf32, #tpu.memory_space<vmem>>) offsets(%dma_start3A_236 : memref<128xi32, #tpu.memory_space<vmem>>) semaphore(%arg19 : memref<!tpu.dma_semaphore, #tpu.memory_space<semaphore_mem>>)
    %dma_wait3A_240 = arith.constant 9 : i32
    %dma_wait3A_241 = arith.constant 0 : i32
    %dma_wait3A_242 = tpu.memref_slice %arg5[%dma_wait3A_240, %dma_wait3A_241] : memref<50x128xi32, #tpu.memory_space<vmem>> -> memref<1x128xi32, #tpu.memory_space<vmem>>
    %dma_wait3A_243 = tpu.memref_squeeze %dma_wait3A_242 : memref<1x128xi32, #tpu.memory_space<vmem>> -> memref<128xi32, #tpu.memory_space<vmem>>
    %dma_wait3A_244 = arith.constant 0 : i32
    %dma_wait3A_245 = arith.constant 0 : i32
    %dma_wait3A_246 = tpu.memref_slice %arg3[%dma_wait3A_244, %dma_wait3A_245] : memref<1000000x64xf32, #tpu.memory_space<hbm>> -> memref<1000000x64xf32, #tpu.memory_space<hbm>>
    tpu.wait_indirect_dma semaphore(%arg25 : memref<!tpu.dma_semaphore, #tpu.memory_space<semaphore_mem>>) src(%dma_wait3A_246 : memref<1000000x64xf32, #tpu.memory_space<hbm>>) dst(%arg15 : memref<128x64xf32, #tpu.memory_space<vmem>>)
    %add3A_247 = arith.constant 1152 : i32
    %add3A_248 = arith.addi %mul3A_2, %add3A_247 : i32
    %dma_start3A_249 = arith.constant 0 : i32
    %dma_start3A_250 = tpu.memref_slice %arg4[%add3A_248, %dma_start3A_249] : memref<204800x64xf32, #tpu.memory_space<hbm>> -> memref<128x64xf32, #tpu.memory_space<hbm>>
    %dma_start3A_251 = arith.constant 0 : i32
    %dma_start3A_252 = tpu.memref_slice %arg4[%add3A_248, %dma_start3A_251] : memref<204800x64xf32, #tpu.memory_space<hbm>> -> memref<128x64xf32, #tpu.memory_space<hbm>>
    tpu.enqueue_dma source(%arg15 : memref<128x64xf32, #tpu.memory_space<vmem>>) target(%dma_start3A_252 : memref<128x64xf32, #tpu.memory_space<hbm>>) target_semaphore(%arg35 : memref<!tpu.dma_semaphore, #tpu.memory_space<semaphore_mem>>)
    %add3A_253 = arith.constant 512 : i32
    %add3A_254 = arith.addi %mul3A_2, %add3A_253 : i32
    %dma_wait3A_255 = arith.constant 0 : i32
    %dma_wait3A_256 = tpu.memref_slice %arg4[%add3A_254, %dma_wait3A_255] : memref<204800x64xf32, #tpu.memory_space<hbm>> -> memref<128x64xf32, #tpu.memory_space<hbm>>
    %dma_wait3A_257 = arith.constant 0 : i32
    %dma_wait3A_258 = tpu.memref_slice %arg4[%add3A_254, %dma_wait3A_257] : memref<204800x64xf32, #tpu.memory_space<hbm>> -> memref<128x64xf32, #tpu.memory_space<hbm>>
    tpu.wait_dma2 semaphore(%arg30 : memref<!tpu.dma_semaphore, #tpu.memory_space<semaphore_mem>>) src(%arg10 : memref<128x64xf32, #tpu.memory_space<vmem>>) dst(%dma_wait3A_258 : memref<128x64xf32, #tpu.memory_space<hbm>>)
    %dma_start3A_259 = arith.constant 14 : i32
    %dma_start3A_260 = arith.constant 0 : i32
    %dma_start3A_261 = tpu.memref_slice %arg5[%dma_start3A_259, %dma_start3A_260] : memref<50x128xi32, #tpu.memory_space<vmem>> -> memref<1x128xi32, #tpu.memory_space<vmem>>
    %dma_start3A_262 = tpu.memref_squeeze %dma_start3A_261 : memref<1x128xi32, #tpu.memory_space<vmem>> -> memref<128xi32, #tpu.memory_space<vmem>>
    %dma_start3A_263 = arith.constant 0 : i32
    %dma_start3A_264 = arith.constant 0 : i32
    %dma_start3A_265 = tpu.memref_slice %arg3[%dma_start3A_263, %dma_start3A_264] : memref<1000000x64xf32, #tpu.memory_space<hbm>> -> memref<1000000x64xf32, #tpu.memory_space<hbm>>
    tpu.enqueue_indirect_dma source(%dma_start3A_265 : memref<1000000x64xf32, #tpu.memory_space<hbm>>) target(%arg10 : memref<128x64xf32, #tpu.memory_space<vmem>>) offsets(%dma_start3A_262 : memref<128xi32, #tpu.memory_space<vmem>>) semaphore(%arg20 : memref<!tpu.dma_semaphore, #tpu.memory_space<semaphore_mem>>)
    %dma_wait3A_266 = arith.constant 10 : i32
    %dma_wait3A_267 = arith.constant 0 : i32
    %dma_wait3A_268 = tpu.memref_slice %arg5[%dma_wait3A_266, %dma_wait3A_267] : memref<50x128xi32, #tpu.memory_space<vmem>> -> memref<1x128xi32, #tpu.memory_space<vmem>>
    %dma_wait3A_269 = tpu.memref_squeeze %dma_wait3A_268 : memref<1x128xi32, #tpu.memory_space<vmem>> -> memref<128xi32, #tpu.memory_space<vmem>>
    %dma_wait3A_270 = arith.constant 0 : i32
    %dma_wait3A_271 = arith.constant 0 : i32
    %dma_wait3A_272 = tpu.memref_slice %arg3[%dma_wait3A_270, %dma_wait3A_271] : memref<1000000x64xf32, #tpu.memory_space<hbm>> -> memref<1000000x64xf32, #tpu.memory_space<hbm>>
    tpu.wait_indirect_dma semaphore(%arg16 : memref<!tpu.dma_semaphore, #tpu.memory_space<semaphore_mem>>) src(%dma_wait3A_272 : memref<1000000x64xf32, #tpu.memory_space<hbm>>) dst(%arg6 : memref<128x64xf32, #tpu.memory_space<vmem>>)
    %add3A_273 = arith.constant 1280 : i32
    %add3A_274 = arith.addi %mul3A_2, %add3A_273 : i32
    %dma_start3A_275 = arith.constant 0 : i32
    %dma_start3A_276 = tpu.memref_slice %arg4[%add3A_274, %dma_start3A_275] : memref<204800x64xf32, #tpu.memory_space<hbm>> -> memref<128x64xf32, #tpu.memory_space<hbm>>
    %dma_start3A_277 = arith.constant 0 : i32
    %dma_start3A_278 = tpu.memref_slice %arg4[%add3A_274, %dma_start3A_277] : memref<204800x64xf32, #tpu.memory_space<hbm>> -> memref<128x64xf32, #tpu.memory_space<hbm>>
    tpu.enqueue_dma source(%arg6 : memref<128x64xf32, #tpu.memory_space<vmem>>) target(%dma_start3A_278 : memref<128x64xf32, #tpu.memory_space<hbm>>) target_semaphore(%arg26 : memref<!tpu.dma_semaphore, #tpu.memory_space<semaphore_mem>>)
    %add3A_279 = arith.constant 640 : i32
    %add3A_280 = arith.addi %mul3A_2, %add3A_279 : i32
    %dma_wait3A_281 = arith.constant 0 : i32
    %dma_wait3A_282 = tpu.memref_slice %arg4[%add3A_280, %dma_wait3A_281] : memref<204800x64xf32, #tpu.memory_space<hbm>> -> memref<128x64xf32, #tpu.memory_space<hbm>>
    %dma_wait3A_283 = arith.constant 0 : i32
    %dma_wait3A_284 = tpu.memref_slice %arg4[%add3A_280, %dma_wait3A_283] : memref<204800x64xf32, #tpu.memory_space<hbm>> -> memref<128x64xf32, #tpu.memory_space<hbm>>
    tpu.wait_dma2 semaphore(%arg31 : memref<!tpu.dma_semaphore, #tpu.memory_space<semaphore_mem>>) src(%arg11 : memref<128x64xf32, #tpu.memory_space<vmem>>) dst(%dma_wait3A_284 : memref<128x64xf32, #tpu.memory_space<hbm>>)
    %dma_start3A_285 = arith.constant 15 : i32
    %dma_start3A_286 = arith.constant 0 : i32
    %dma_start3A_287 = tpu.memref_slice %arg5[%dma_start3A_285, %dma_start3A_286] : memref<50x128xi32, #tpu.memory_space<vmem>> -> memref<1x128xi32, #tpu.memory_space<vmem>>
    %dma_start3A_288 = tpu.memref_squeeze %dma_start3A_287 : memref<1x128xi32, #tpu.memory_space<vmem>> -> memref<128xi32, #tpu.memory_space<vmem>>
    %dma_start3A_289 = arith.constant 0 : i32
    %dma_start3A_290 = arith.constant 0 : i32
    %dma_start3A_291 = tpu.memref_slice %arg3[%dma_start3A_289, %dma_start3A_290] : memref<1000000x64xf32, #tpu.memory_space<hbm>> -> memref<1000000x64xf32, #tpu.memory_space<hbm>>
    tpu.enqueue_indirect_dma source(%dma_start3A_291 : memref<1000000x64xf32, #tpu.memory_space<hbm>>) target(%arg11 : memref<128x64xf32, #tpu.memory_space<vmem>>) offsets(%dma_start3A_288 : memref<128xi32, #tpu.memory_space<vmem>>) semaphore(%arg21 : memref<!tpu.dma_semaphore, #tpu.memory_space<semaphore_mem>>)
    %dma_wait3A_292 = arith.constant 11 : i32
    %dma_wait3A_293 = arith.constant 0 : i32
    %dma_wait3A_294 = tpu.memref_slice %arg5[%dma_wait3A_292, %dma_wait3A_293] : memref<50x128xi32, #tpu.memory_space<vmem>> -> memref<1x128xi32, #tpu.memory_space<vmem>>
    %dma_wait3A_295 = tpu.memref_squeeze %dma_wait3A_294 : memref<1x128xi32, #tpu.memory_space<vmem>> -> memref<128xi32, #tpu.memory_space<vmem>>
    %dma_wait3A_296 = arith.constant 0 : i32
    %dma_wait3A_297 = arith.constant 0 : i32
    %dma_wait3A_298 = tpu.memref_slice %arg3[%dma_wait3A_296, %dma_wait3A_297] : memref<1000000x64xf32, #tpu.memory_space<hbm>> -> memref<1000000x64xf32, #tpu.memory_space<hbm>>
    tpu.wait_indirect_dma semaphore(%arg17 : memref<!tpu.dma_semaphore, #tpu.memory_space<semaphore_mem>>) src(%dma_wait3A_298 : memref<1000000x64xf32, #tpu.memory_space<hbm>>) dst(%arg7 : memref<128x64xf32, #tpu.memory_space<vmem>>)
    %add3A_299 = arith.constant 1408 : i32
    %add3A_300 = arith.addi %mul3A_2, %add3A_299 : i32
    %dma_start3A_301 = arith.constant 0 : i32
    %dma_start3A_302 = tpu.memref_slice %arg4[%add3A_300, %dma_start3A_301] : memref<204800x64xf32, #tpu.memory_space<hbm>> -> memref<128x64xf32, #tpu.memory_space<hbm>>
    %dma_start3A_303 = arith.constant 0 : i32
    %dma_start3A_304 = tpu.memref_slice %arg4[%add3A_300, %dma_start3A_303] : memref<204800x64xf32, #tpu.memory_space<hbm>> -> memref<128x64xf32, #tpu.memory_space<hbm>>
    tpu.enqueue_dma source(%arg7 : memref<128x64xf32, #tpu.memory_space<vmem>>) target(%dma_start3A_304 : memref<128x64xf32, #tpu.memory_space<hbm>>) target_semaphore(%arg27 : memref<!tpu.dma_semaphore, #tpu.memory_space<semaphore_mem>>)
    %add3A_305 = arith.constant 768 : i32
    %add3A_306 = arith.addi %mul3A_2, %add3A_305 : i32
    %dma_wait3A_307 = arith.constant 0 : i32
    %dma_wait3A_308 = tpu.memref_slice %arg4[%add3A_306, %dma_wait3A_307] : memref<204800x64xf32, #tpu.memory_space<hbm>> -> memref<128x64xf32, #tpu.memory_space<hbm>>
    %dma_wait3A_309 = arith.constant 0 : i32
    %dma_wait3A_310 = tpu.memref_slice %arg4[%add3A_306, %dma_wait3A_309] : memref<204800x64xf32, #tpu.memory_space<hbm>> -> memref<128x64xf32, #tpu.memory_space<hbm>>
    tpu.wait_dma2 semaphore(%arg32 : memref<!tpu.dma_semaphore, #tpu.memory_space<semaphore_mem>>) src(%arg12 : memref<128x64xf32, #tpu.memory_space<vmem>>) dst(%dma_wait3A_310 : memref<128x64xf32, #tpu.memory_space<hbm>>)
    %dma_start3A_311 = arith.constant 16 : i32
    %dma_start3A_312 = arith.constant 0 : i32
    %dma_start3A_313 = tpu.memref_slice %arg5[%dma_start3A_311, %dma_start3A_312] : memref<50x128xi32, #tpu.memory_space<vmem>> -> memref<1x128xi32, #tpu.memory_space<vmem>>
    %dma_start3A_314 = tpu.memref_squeeze %dma_start3A_313 : memref<1x128xi32, #tpu.memory_space<vmem>> -> memref<128xi32, #tpu.memory_space<vmem>>
    %dma_start3A_315 = arith.constant 0 : i32
    %dma_start3A_316 = arith.constant 0 : i32
    %dma_start3A_317 = tpu.memref_slice %arg3[%dma_start3A_315, %dma_start3A_316] : memref<1000000x64xf32, #tpu.memory_space<hbm>> -> memref<1000000x64xf32, #tpu.memory_space<hbm>>
    tpu.enqueue_indirect_dma source(%dma_start3A_317 : memref<1000000x64xf32, #tpu.memory_space<hbm>>) target(%arg12 : memref<128x64xf32, #tpu.memory_space<vmem>>) offsets(%dma_start3A_314 : memref<128xi32, #tpu.memory_space<vmem>>) semaphore(%arg22 : memref<!tpu.dma_semaphore, #tpu.memory_space<semaphore_mem>>)
    %dma_wait3A_318 = arith.constant 12 : i32
    %dma_wait3A_319 = arith.constant 0 : i32
    %dma_wait3A_320 = tpu.memref_slice %arg5[%dma_wait3A_318, %dma_wait3A_319] : memref<50x128xi32, #tpu.memory_space<vmem>> -> memref<1x128xi32, #tpu.memory_space<vmem>>
    %dma_wait3A_321 = tpu.memref_squeeze %dma_wait3A_320 : memref<1x128xi32, #tpu.memory_space<vmem>> -> memref<128xi32, #tpu.memory_space<vmem>>
    %dma_wait3A_322 = arith.constant 0 : i32
    %dma_wait3A_323 = arith.constant 0 : i32
    %dma_wait3A_324 = tpu.memref_slice %arg3[%dma_wait3A_322, %dma_wait3A_323] : memref<1000000x64xf32, #tpu.memory_space<hbm>> -> memref<1000000x64xf32, #tpu.memory_space<hbm>>
    tpu.wait_indirect_dma semaphore(%arg18 : memref<!tpu.dma_semaphore, #tpu.memory_space<semaphore_mem>>) src(%dma_wait3A_324 : memref<1000000x64xf32, #tpu.memory_space<hbm>>) dst(%arg8 : memref<128x64xf32, #tpu.memory_space<vmem>>)
    %add3A_325 = arith.constant 1536 : i32
    %add3A_326 = arith.addi %mul3A_2, %add3A_325 : i32
    %dma_start3A_327 = arith.constant 0 : i32
    %dma_start3A_328 = tpu.memref_slice %arg4[%add3A_326, %dma_start3A_327] : memref<204800x64xf32, #tpu.memory_space<hbm>> -> memref<128x64xf32, #tpu.memory_space<hbm>>
    %dma_start3A_329 = arith.constant 0 : i32
    %dma_start3A_330 = tpu.memref_slice %arg4[%add3A_326, %dma_start3A_329] : memref<204800x64xf32, #tpu.memory_space<hbm>> -> memref<128x64xf32, #tpu.memory_space<hbm>>
    tpu.enqueue_dma source(%arg8 : memref<128x64xf32, #tpu.memory_space<vmem>>) target(%dma_start3A_330 : memref<128x64xf32, #tpu.memory_space<hbm>>) target_semaphore(%arg28 : memref<!tpu.dma_semaphore, #tpu.memory_space<semaphore_mem>>)
    %add3A_331 = arith.constant 896 : i32
    %add3A_332 = arith.addi %mul3A_2, %add3A_331 : i32
    %dma_wait3A_333 = arith.constant 0 : i32
    %dma_wait3A_334 = tpu.memref_slice %arg4[%add3A_332, %dma_wait3A_333] : memref<204800x64xf32, #tpu.memory_space<hbm>> -> memref<128x64xf32, #tpu.memory_space<hbm>>
    %dma_wait3A_335 = arith.constant 0 : i32
    %dma_wait3A_336 = tpu.memref_slice %arg4[%add3A_332, %dma_wait3A_335] : memref<204800x64xf32, #tpu.memory_space<hbm>> -> memref<128x64xf32, #tpu.memory_space<hbm>>
    tpu.wait_dma2 semaphore(%arg33 : memref<!tpu.dma_semaphore, #tpu.memory_space<semaphore_mem>>) src(%arg13 : memref<128x64xf32, #tpu.memory_space<vmem>>) dst(%dma_wait3A_336 : memref<128x64xf32, #tpu.memory_space<hbm>>)
    %dma_start3A_337 = arith.constant 17 : i32
    %dma_start3A_338 = arith.constant 0 : i32
    %dma_start3A_339 = tpu.memref_slice %arg5[%dma_start3A_337, %dma_start3A_338] : memref<50x128xi32, #tpu.memory_space<vmem>> -> memref<1x128xi32, #tpu.memory_space<vmem>>
    %dma_start3A_340 = tpu.memref_squeeze %dma_start3A_339 : memref<1x128xi32, #tpu.memory_space<vmem>> -> memref<128xi32, #tpu.memory_space<vmem>>
    %dma_start3A_341 = arith.constant 0 : i32
    %dma_start3A_342 = arith.constant 0 : i32
    %dma_start3A_343 = tpu.memref_slice %arg3[%dma_start3A_341, %dma_start3A_342] : memref<1000000x64xf32, #tpu.memory_space<hbm>> -> memref<1000000x64xf32, #tpu.memory_space<hbm>>
    tpu.enqueue_indirect_dma source(%dma_start3A_343 : memref<1000000x64xf32, #tpu.memory_space<hbm>>) target(%arg13 : memref<128x64xf32, #tpu.memory_space<vmem>>) offsets(%dma_start3A_340 : memref<128xi32, #tpu.memory_space<vmem>>) semaphore(%arg23 : memref<!tpu.dma_semaphore, #tpu.memory_space<semaphore_mem>>)
    %dma_wait3A_344 = arith.constant 13 : i32
    %dma_wait3A_345 = arith.constant 0 : i32
    %dma_wait3A_346 = tpu.memref_slice %arg5[%dma_wait3A_344, %dma_wait3A_345] : memref<50x128xi32, #tpu.memory_space<vmem>> -> memref<1x128xi32, #tpu.memory_space<vmem>>
    %dma_wait3A_347 = tpu.memref_squeeze %dma_wait3A_346 : memref<1x128xi32, #tpu.memory_space<vmem>> -> memref<128xi32, #tpu.memory_space<vmem>>
    %dma_wait3A_348 = arith.constant 0 : i32
    %dma_wait3A_349 = arith.constant 0 : i32
    %dma_wait3A_350 = tpu.memref_slice %arg3[%dma_wait3A_348, %dma_wait3A_349] : memref<1000000x64xf32, #tpu.memory_space<hbm>> -> memref<1000000x64xf32, #tpu.memory_space<hbm>>
    tpu.wait_indirect_dma semaphore(%arg19 : memref<!tpu.dma_semaphore, #tpu.memory_space<semaphore_mem>>) src(%dma_wait3A_350 : memref<1000000x64xf32, #tpu.memory_space<hbm>>) dst(%arg9 : memref<128x64xf32, #tpu.memory_space<vmem>>)
    %add3A_351 = arith.constant 1664 : i32
    %add3A_352 = arith.addi %mul3A_2, %add3A_351 : i32
    %dma_start3A_353 = arith.constant 0 : i32
    %dma_start3A_354 = tpu.memref_slice %arg4[%add3A_352, %dma_start3A_353] : memref<204800x64xf32, #tpu.memory_space<hbm>> -> memref<128x64xf32, #tpu.memory_space<hbm>>
    %dma_start3A_355 = arith.constant 0 : i32
    %dma_start3A_356 = tpu.memref_slice %arg4[%add3A_352, %dma_start3A_355] : memref<204800x64xf32, #tpu.memory_space<hbm>> -> memref<128x64xf32, #tpu.memory_space<hbm>>
    tpu.enqueue_dma source(%arg9 : memref<128x64xf32, #tpu.memory_space<vmem>>) target(%dma_start3A_356 : memref<128x64xf32, #tpu.memory_space<hbm>>) target_semaphore(%arg29 : memref<!tpu.dma_semaphore, #tpu.memory_space<semaphore_mem>>)
    %add3A_357 = arith.constant 1024 : i32
    %add3A_358 = arith.addi %mul3A_2, %add3A_357 : i32
    %dma_wait3A_359 = arith.constant 0 : i32
    %dma_wait3A_360 = tpu.memref_slice %arg4[%add3A_358, %dma_wait3A_359] : memref<204800x64xf32, #tpu.memory_space<hbm>> -> memref<128x64xf32, #tpu.memory_space<hbm>>
    %dma_wait3A_361 = arith.constant 0 : i32
    %dma_wait3A_362 = tpu.memref_slice %arg4[%add3A_358, %dma_wait3A_361] : memref<204800x64xf32, #tpu.memory_space<hbm>> -> memref<128x64xf32, #tpu.memory_space<hbm>>
    tpu.wait_dma2 semaphore(%arg34 : memref<!tpu.dma_semaphore, #tpu.memory_space<semaphore_mem>>) src(%arg14 : memref<128x64xf32, #tpu.memory_space<vmem>>) dst(%dma_wait3A_362 : memref<128x64xf32, #tpu.memory_space<hbm>>)
    %dma_start3A_363 = arith.constant 18 : i32
    %dma_start3A_364 = arith.constant 0 : i32
    %dma_start3A_365 = tpu.memref_slice %arg5[%dma_start3A_363, %dma_start3A_364] : memref<50x128xi32, #tpu.memory_space<vmem>> -> memref<1x128xi32, #tpu.memory_space<vmem>>
    %dma_start3A_366 = tpu.memref_squeeze %dma_start3A_365 : memref<1x128xi32, #tpu.memory_space<vmem>> -> memref<128xi32, #tpu.memory_space<vmem>>
    %dma_start3A_367 = arith.constant 0 : i32
    %dma_start3A_368 = arith.constant 0 : i32
    %dma_start3A_369 = tpu.memref_slice %arg3[%dma_start3A_367, %dma_start3A_368] : memref<1000000x64xf32, #tpu.memory_space<hbm>> -> memref<1000000x64xf32, #tpu.memory_space<hbm>>
    tpu.enqueue_indirect_dma source(%dma_start3A_369 : memref<1000000x64xf32, #tpu.memory_space<hbm>>) target(%arg14 : memref<128x64xf32, #tpu.memory_space<vmem>>) offsets(%dma_start3A_366 : memref<128xi32, #tpu.memory_space<vmem>>) semaphore(%arg24 : memref<!tpu.dma_semaphore, #tpu.memory_space<semaphore_mem>>)
    %dma_wait3A_370 = arith.constant 14 : i32
    %dma_wait3A_371 = arith.constant 0 : i32
    %dma_wait3A_372 = tpu.memref_slice %arg5[%dma_wait3A_370, %dma_wait3A_371] : memref<50x128xi32, #tpu.memory_space<vmem>> -> memref<1x128xi32, #tpu.memory_space<vmem>>
    %dma_wait3A_373 = tpu.memref_squeeze %dma_wait3A_372 : memref<1x128xi32, #tpu.memory_space<vmem>> -> memref<128xi32, #tpu.memory_space<vmem>>
    %dma_wait3A_374 = arith.constant 0 : i32
    %dma_wait3A_375 = arith.constant 0 : i32
    %dma_wait3A_376 = tpu.memref_slice %arg3[%dma_wait3A_374, %dma_wait3A_375] : memref<1000000x64xf32, #tpu.memory_space<hbm>> -> memref<1000000x64xf32, #tpu.memory_space<hbm>>
    tpu.wait_indirect_dma semaphore(%arg20 : memref<!tpu.dma_semaphore, #tpu.memory_space<semaphore_mem>>) src(%dma_wait3A_376 : memref<1000000x64xf32, #tpu.memory_space<hbm>>) dst(%arg10 : memref<128x64xf32, #tpu.memory_space<vmem>>)
    %add3A_377 = arith.constant 1792 : i32
    %add3A_378 = arith.addi %mul3A_2, %add3A_377 : i32
    %dma_start3A_379 = arith.constant 0 : i32
    %dma_start3A_380 = tpu.memref_slice %arg4[%add3A_378, %dma_start3A_379] : memref<204800x64xf32, #tpu.memory_space<hbm>> -> memref<128x64xf32, #tpu.memory_space<hbm>>
    %dma_start3A_381 = arith.constant 0 : i32
    %dma_start3A_382 = tpu.memref_slice %arg4[%add3A_378, %dma_start3A_381] : memref<204800x64xf32, #tpu.memory_space<hbm>> -> memref<128x64xf32, #tpu.memory_space<hbm>>
    tpu.enqueue_dma source(%arg10 : memref<128x64xf32, #tpu.memory_space<vmem>>) target(%dma_start3A_382 : memref<128x64xf32, #tpu.memory_space<hbm>>) target_semaphore(%arg30 : memref<!tpu.dma_semaphore, #tpu.memory_space<semaphore_mem>>)
    %add3A_383 = arith.constant 1152 : i32
    %add3A_384 = arith.addi %mul3A_2, %add3A_383 : i32
    %dma_wait3A_385 = arith.constant 0 : i32
    %dma_wait3A_386 = tpu.memref_slice %arg4[%add3A_384, %dma_wait3A_385] : memref<204800x64xf32, #tpu.memory_space<hbm>> -> memref<128x64xf32, #tpu.memory_space<hbm>>
    %dma_wait3A_387 = arith.constant 0 : i32
    %dma_wait3A_388 = tpu.memref_slice %arg4[%add3A_384, %dma_wait3A_387] : memref<204800x64xf32, #tpu.memory_space<hbm>> -> memref<128x64xf32, #tpu.memory_space<hbm>>
    tpu.wait_dma2 semaphore(%arg35 : memref<!tpu.dma_semaphore, #tpu.memory_space<semaphore_mem>>) src(%arg15 : memref<128x64xf32, #tpu.memory_space<vmem>>) dst(%dma_wait3A_388 : memref<128x64xf32, #tpu.memory_space<hbm>>)
    %dma_start3A_389 = arith.constant 19 : i32
    %dma_start3A_390 = arith.constant 0 : i32
    %dma_start3A_391 = tpu.memref_slice %arg5[%dma_start3A_389, %dma_start3A_390] : memref<50x128xi32, #tpu.memory_space<vmem>> -> memref<1x128xi32, #tpu.memory_space<vmem>>
    %dma_start3A_392 = tpu.memref_squeeze %dma_start3A_391 : memref<1x128xi32, #tpu.memory_space<vmem>> -> memref<128xi32, #tpu.memory_space<vmem>>
    %dma_start3A_393 = arith.constant 0 : i32
    %dma_start3A_394 = arith.constant 0 : i32
    %dma_start3A_395 = tpu.memref_slice %arg3[%dma_start3A_393, %dma_start3A_394] : memref<1000000x64xf32, #tpu.memory_space<hbm>> -> memref<1000000x64xf32, #tpu.memory_space<hbm>>
    tpu.enqueue_indirect_dma source(%dma_start3A_395 : memref<1000000x64xf32, #tpu.memory_space<hbm>>) target(%arg15 : memref<128x64xf32, #tpu.memory_space<vmem>>) offsets(%dma_start3A_392 : memref<128xi32, #tpu.memory_space<vmem>>) semaphore(%arg25 : memref<!tpu.dma_semaphore, #tpu.memory_space<semaphore_mem>>)
    %dma_wait3A_396 = arith.constant 15 : i32
    %dma_wait3A_397 = arith.constant 0 : i32
    %dma_wait3A_398 = tpu.memref_slice %arg5[%dma_wait3A_396, %dma_wait3A_397] : memref<50x128xi32, #tpu.memory_space<vmem>> -> memref<1x128xi32, #tpu.memory_space<vmem>>
    %dma_wait3A_399 = tpu.memref_squeeze %dma_wait3A_398 : memref<1x128xi32, #tpu.memory_space<vmem>> -> memref<128xi32, #tpu.memory_space<vmem>>
    %dma_wait3A_400 = arith.constant 0 : i32
    %dma_wait3A_401 = arith.constant 0 : i32
    %dma_wait3A_402 = tpu.memref_slice %arg3[%dma_wait3A_400, %dma_wait3A_401] : memref<1000000x64xf32, #tpu.memory_space<hbm>> -> memref<1000000x64xf32, #tpu.memory_space<hbm>>
    tpu.wait_indirect_dma semaphore(%arg21 : memref<!tpu.dma_semaphore, #tpu.memory_space<semaphore_mem>>) src(%dma_wait3A_402 : memref<1000000x64xf32, #tpu.memory_space<hbm>>) dst(%arg11 : memref<128x64xf32, #tpu.memory_space<vmem>>)
    %add3A_403 = arith.constant 1920 : i32
    %add3A_404 = arith.addi %mul3A_2, %add3A_403 : i32
    %dma_start3A_405 = arith.constant 0 : i32
    %dma_start3A_406 = tpu.memref_slice %arg4[%add3A_404, %dma_start3A_405] : memref<204800x64xf32, #tpu.memory_space<hbm>> -> memref<128x64xf32, #tpu.memory_space<hbm>>
    %dma_start3A_407 = arith.constant 0 : i32
    %dma_start3A_408 = tpu.memref_slice %arg4[%add3A_404, %dma_start3A_407] : memref<204800x64xf32, #tpu.memory_space<hbm>> -> memref<128x64xf32, #tpu.memory_space<hbm>>
    tpu.enqueue_dma source(%arg11 : memref<128x64xf32, #tpu.memory_space<vmem>>) target(%dma_start3A_408 : memref<128x64xf32, #tpu.memory_space<hbm>>) target_semaphore(%arg31 : memref<!tpu.dma_semaphore, #tpu.memory_space<semaphore_mem>>)
    %add3A_409 = arith.constant 1280 : i32
    %add3A_410 = arith.addi %mul3A_2, %add3A_409 : i32
    %dma_wait3A_411 = arith.constant 0 : i32
    %dma_wait3A_412 = tpu.memref_slice %arg4[%add3A_410, %dma_wait3A_411] : memref<204800x64xf32, #tpu.memory_space<hbm>> -> memref<128x64xf32, #tpu.memory_space<hbm>>
    %dma_wait3A_413 = arith.constant 0 : i32
    %dma_wait3A_414 = tpu.memref_slice %arg4[%add3A_410, %dma_wait3A_413] : memref<204800x64xf32, #tpu.memory_space<hbm>> -> memref<128x64xf32, #tpu.memory_space<hbm>>
    tpu.wait_dma2 semaphore(%arg26 : memref<!tpu.dma_semaphore, #tpu.memory_space<semaphore_mem>>) src(%arg6 : memref<128x64xf32, #tpu.memory_space<vmem>>) dst(%dma_wait3A_414 : memref<128x64xf32, #tpu.memory_space<hbm>>)
    %dma_start3A_415 = arith.constant 20 : i32
    %dma_start3A_416 = arith.constant 0 : i32
    %dma_start3A_417 = tpu.memref_slice %arg5[%dma_start3A_415, %dma_start3A_416] : memref<50x128xi32, #tpu.memory_space<vmem>> -> memref<1x128xi32, #tpu.memory_space<vmem>>
    %dma_start3A_418 = tpu.memref_squeeze %dma_start3A_417 : memref<1x128xi32, #tpu.memory_space<vmem>> -> memref<128xi32, #tpu.memory_space<vmem>>
    %dma_start3A_419 = arith.constant 0 : i32
    %dma_start3A_420 = arith.constant 0 : i32
    %dma_start3A_421 = tpu.memref_slice %arg3[%dma_start3A_419, %dma_start3A_420] : memref<1000000x64xf32, #tpu.memory_space<hbm>> -> memref<1000000x64xf32, #tpu.memory_space<hbm>>
    tpu.enqueue_indirect_dma source(%dma_start3A_421 : memref<1000000x64xf32, #tpu.memory_space<hbm>>) target(%arg6 : memref<128x64xf32, #tpu.memory_space<vmem>>) offsets(%dma_start3A_418 : memref<128xi32, #tpu.memory_space<vmem>>) semaphore(%arg16 : memref<!tpu.dma_semaphore, #tpu.memory_space<semaphore_mem>>)
    %dma_wait3A_422 = arith.constant 16 : i32
    %dma_wait3A_423 = arith.constant 0 : i32
    %dma_wait3A_424 = tpu.memref_slice %arg5[%dma_wait3A_422, %dma_wait3A_423] : memref<50x128xi32, #tpu.memory_space<vmem>> -> memref<1x128xi32, #tpu.memory_space<vmem>>
    %dma_wait3A_425 = tpu.memref_squeeze %dma_wait3A_424 : memref<1x128xi32, #tpu.memory_space<vmem>> -> memref<128xi32, #tpu.memory_space<vmem>>
    %dma_wait3A_426 = arith.constant 0 : i32
    %dma_wait3A_427 = arith.constant 0 : i32
    %dma_wait3A_428 = tpu.memref_slice %arg3[%dma_wait3A_426, %dma_wait3A_427] : memref<1000000x64xf32, #tpu.memory_space<hbm>> -> memref<1000000x64xf32, #tpu.memory_space<hbm>>
    tpu.wait_indirect_dma semaphore(%arg22 : memref<!tpu.dma_semaphore, #tpu.memory_space<semaphore_mem>>) src(%dma_wait3A_428 : memref<1000000x64xf32, #tpu.memory_space<hbm>>) dst(%arg12 : memref<128x64xf32, #tpu.memory_space<vmem>>)
    %add3A_429 = arith.constant 2048 : i32
    %add3A_430 = arith.addi %mul3A_2, %add3A_429 : i32
    %dma_start3A_431 = arith.constant 0 : i32
    %dma_start3A_432 = tpu.memref_slice %arg4[%add3A_430, %dma_start3A_431] : memref<204800x64xf32, #tpu.memory_space<hbm>> -> memref<128x64xf32, #tpu.memory_space<hbm>>
    %dma_start3A_433 = arith.constant 0 : i32
    %dma_start3A_434 = tpu.memref_slice %arg4[%add3A_430, %dma_start3A_433] : memref<204800x64xf32, #tpu.memory_space<hbm>> -> memref<128x64xf32, #tpu.memory_space<hbm>>
    tpu.enqueue_dma source(%arg12 : memref<128x64xf32, #tpu.memory_space<vmem>>) target(%dma_start3A_434 : memref<128x64xf32, #tpu.memory_space<hbm>>) target_semaphore(%arg32 : memref<!tpu.dma_semaphore, #tpu.memory_space<semaphore_mem>>)
    %add3A_435 = arith.constant 1408 : i32
    %add3A_436 = arith.addi %mul3A_2, %add3A_435 : i32
    %dma_wait3A_437 = arith.constant 0 : i32
    %dma_wait3A_438 = tpu.memref_slice %arg4[%add3A_436, %dma_wait3A_437] : memref<204800x64xf32, #tpu.memory_space<hbm>> -> memref<128x64xf32, #tpu.memory_space<hbm>>
    %dma_wait3A_439 = arith.constant 0 : i32
    %dma_wait3A_440 = tpu.memref_slice %arg4[%add3A_436, %dma_wait3A_439] : memref<204800x64xf32, #tpu.memory_space<hbm>> -> memref<128x64xf32, #tpu.memory_space<hbm>>
    tpu.wait_dma2 semaphore(%arg27 : memref<!tpu.dma_semaphore, #tpu.memory_space<semaphore_mem>>) src(%arg7 : memref<128x64xf32, #tpu.memory_space<vmem>>) dst(%dma_wait3A_440 : memref<128x64xf32, #tpu.memory_space<hbm>>)
    %dma_start3A_441 = arith.constant 21 : i32
    %dma_start3A_442 = arith.constant 0 : i32
    %dma_start3A_443 = tpu.memref_slice %arg5[%dma_start3A_441, %dma_start3A_442] : memref<50x128xi32, #tpu.memory_space<vmem>> -> memref<1x128xi32, #tpu.memory_space<vmem>>
    %dma_start3A_444 = tpu.memref_squeeze %dma_start3A_443 : memref<1x128xi32, #tpu.memory_space<vmem>> -> memref<128xi32, #tpu.memory_space<vmem>>
    %dma_start3A_445 = arith.constant 0 : i32
    %dma_start3A_446 = arith.constant 0 : i32
    %dma_start3A_447 = tpu.memref_slice %arg3[%dma_start3A_445, %dma_start3A_446] : memref<1000000x64xf32, #tpu.memory_space<hbm>> -> memref<1000000x64xf32, #tpu.memory_space<hbm>>
    tpu.enqueue_indirect_dma source(%dma_start3A_447 : memref<1000000x64xf32, #tpu.memory_space<hbm>>) target(%arg7 : memref<128x64xf32, #tpu.memory_space<vmem>>) offsets(%dma_start3A_444 : memref<128xi32, #tpu.memory_space<vmem>>) semaphore(%arg17 : memref<!tpu.dma_semaphore, #tpu.memory_space<semaphore_mem>>)
    %dma_wait3A_448 = arith.constant 17 : i32
    %dma_wait3A_449 = arith.constant 0 : i32
    %dma_wait3A_450 = tpu.memref_slice %arg5[%dma_wait3A_448, %dma_wait3A_449] : memref<50x128xi32, #tpu.memory_space<vmem>> -> memref<1x128xi32, #tpu.memory_space<vmem>>
    %dma_wait3A_451 = tpu.memref_squeeze %dma_wait3A_450 : memref<1x128xi32, #tpu.memory_space<vmem>> -> memref<128xi32, #tpu.memory_space<vmem>>
    %dma_wait3A_452 = arith.constant 0 : i32
    %dma_wait3A_453 = arith.constant 0 : i32
    %dma_wait3A_454 = tpu.memref_slice %arg3[%dma_wait3A_452, %dma_wait3A_453] : memref<1000000x64xf32, #tpu.memory_space<hbm>> -> memref<1000000x64xf32, #tpu.memory_space<hbm>>
    tpu.wait_indirect_dma semaphore(%arg23 : memref<!tpu.dma_semaphore, #tpu.memory_space<semaphore_mem>>) src(%dma_wait3A_454 : memref<1000000x64xf32, #tpu.memory_space<hbm>>) dst(%arg13 : memref<128x64xf32, #tpu.memory_space<vmem>>)
    %add3A_455 = arith.constant 2176 : i32
    %add3A_456 = arith.addi %mul3A_2, %add3A_455 : i32
    %dma_start3A_457 = arith.constant 0 : i32
    %dma_start3A_458 = tpu.memref_slice %arg4[%add3A_456, %dma_start3A_457] : memref<204800x64xf32, #tpu.memory_space<hbm>> -> memref<128x64xf32, #tpu.memory_space<hbm>>
    %dma_start3A_459 = arith.constant 0 : i32
    %dma_start3A_460 = tpu.memref_slice %arg4[%add3A_456, %dma_start3A_459] : memref<204800x64xf32, #tpu.memory_space<hbm>> -> memref<128x64xf32, #tpu.memory_space<hbm>>
    tpu.enqueue_dma source(%arg13 : memref<128x64xf32, #tpu.memory_space<vmem>>) target(%dma_start3A_460 : memref<128x64xf32, #tpu.memory_space<hbm>>) target_semaphore(%arg33 : memref<!tpu.dma_semaphore, #tpu.memory_space<semaphore_mem>>)
    %add3A_461 = arith.constant 1536 : i32
    %add3A_462 = arith.addi %mul3A_2, %add3A_461 : i32
    %dma_wait3A_463 = arith.constant 0 : i32
    %dma_wait3A_464 = tpu.memref_slice %arg4[%add3A_462, %dma_wait3A_463] : memref<204800x64xf32, #tpu.memory_space<hbm>> -> memref<128x64xf32, #tpu.memory_space<hbm>>
    %dma_wait3A_465 = arith.constant 0 : i32
    %dma_wait3A_466 = tpu.memref_slice %arg4[%add3A_462, %dma_wait3A_465] : memref<204800x64xf32, #tpu.memory_space<hbm>> -> memref<128x64xf32, #tpu.memory_space<hbm>>
    tpu.wait_dma2 semaphore(%arg28 : memref<!tpu.dma_semaphore, #tpu.memory_space<semaphore_mem>>) src(%arg8 : memref<128x64xf32, #tpu.memory_space<vmem>>) dst(%dma_wait3A_466 : memref<128x64xf32, #tpu.memory_space<hbm>>)
    %dma_start3A_467 = arith.constant 22 : i32
    %dma_start3A_468 = arith.constant 0 : i32
    %dma_start3A_469 = tpu.memref_slice %arg5[%dma_start3A_467, %dma_start3A_468] : memref<50x128xi32, #tpu.memory_space<vmem>> -> memref<1x128xi32, #tpu.memory_space<vmem>>
    %dma_start3A_470 = tpu.memref_squeeze %dma_start3A_469 : memref<1x128xi32, #tpu.memory_space<vmem>> -> memref<128xi32, #tpu.memory_space<vmem>>
    %dma_start3A_471 = arith.constant 0 : i32
    %dma_start3A_472 = arith.constant 0 : i32
    %dma_start3A_473 = tpu.memref_slice %arg3[%dma_start3A_471, %dma_start3A_472] : memref<1000000x64xf32, #tpu.memory_space<hbm>> -> memref<1000000x64xf32, #tpu.memory_space<hbm>>
    tpu.enqueue_indirect_dma source(%dma_start3A_473 : memref<1000000x64xf32, #tpu.memory_space<hbm>>) target(%arg8 : memref<128x64xf32, #tpu.memory_space<vmem>>) offsets(%dma_start3A_470 : memref<128xi32, #tpu.memory_space<vmem>>) semaphore(%arg18 : memref<!tpu.dma_semaphore, #tpu.memory_space<semaphore_mem>>)
    %dma_wait3A_474 = arith.constant 18 : i32
    %dma_wait3A_475 = arith.constant 0 : i32
    %dma_wait3A_476 = tpu.memref_slice %arg5[%dma_wait3A_474, %dma_wait3A_475] : memref<50x128xi32, #tpu.memory_space<vmem>> -> memref<1x128xi32, #tpu.memory_space<vmem>>
    %dma_wait3A_477 = tpu.memref_squeeze %dma_wait3A_476 : memref<1x128xi32, #tpu.memory_space<vmem>> -> memref<128xi32, #tpu.memory_space<vmem>>
    %dma_wait3A_478 = arith.constant 0 : i32
    %dma_wait3A_479 = arith.constant 0 : i32
    %dma_wait3A_480 = tpu.memref_slice %arg3[%dma_wait3A_478, %dma_wait3A_479] : memref<1000000x64xf32, #tpu.memory_space<hbm>> -> memref<1000000x64xf32, #tpu.memory_space<hbm>>
    tpu.wait_indirect_dma semaphore(%arg24 : memref<!tpu.dma_semaphore, #tpu.memory_space<semaphore_mem>>) src(%dma_wait3A_480 : memref<1000000x64xf32, #tpu.memory_space<hbm>>) dst(%arg14 : memref<128x64xf32, #tpu.memory_space<vmem>>)
    %add3A_481 = arith.constant 2304 : i32
    %add3A_482 = arith.addi %mul3A_2, %add3A_481 : i32
    %dma_start3A_483 = arith.constant 0 : i32
    %dma_start3A_484 = tpu.memref_slice %arg4[%add3A_482, %dma_start3A_483] : memref<204800x64xf32, #tpu.memory_space<hbm>> -> memref<128x64xf32, #tpu.memory_space<hbm>>
    %dma_start3A_485 = arith.constant 0 : i32
    %dma_start3A_486 = tpu.memref_slice %arg4[%add3A_482, %dma_start3A_485] : memref<204800x64xf32, #tpu.memory_space<hbm>> -> memref<128x64xf32, #tpu.memory_space<hbm>>
    tpu.enqueue_dma source(%arg14 : memref<128x64xf32, #tpu.memory_space<vmem>>) target(%dma_start3A_486 : memref<128x64xf32, #tpu.memory_space<hbm>>) target_semaphore(%arg34 : memref<!tpu.dma_semaphore, #tpu.memory_space<semaphore_mem>>)
    %add3A_487 = arith.constant 1664 : i32
    %add3A_488 = arith.addi %mul3A_2, %add3A_487 : i32
    %dma_wait3A_489 = arith.constant 0 : i32
    %dma_wait3A_490 = tpu.memref_slice %arg4[%add3A_488, %dma_wait3A_489] : memref<204800x64xf32, #tpu.memory_space<hbm>> -> memref<128x64xf32, #tpu.memory_space<hbm>>
    %dma_wait3A_491 = arith.constant 0 : i32
    %dma_wait3A_492 = tpu.memref_slice %arg4[%add3A_488, %dma_wait3A_491] : memref<204800x64xf32, #tpu.memory_space<hbm>> -> memref<128x64xf32, #tpu.memory_space<hbm>>
    tpu.wait_dma2 semaphore(%arg29 : memref<!tpu.dma_semaphore, #tpu.memory_space<semaphore_mem>>) src(%arg9 : memref<128x64xf32, #tpu.memory_space<vmem>>) dst(%dma_wait3A_492 : memref<128x64xf32, #tpu.memory_space<hbm>>)
    %dma_start3A_493 = arith.constant 23 : i32
    %dma_start3A_494 = arith.constant 0 : i32
    %dma_start3A_495 = tpu.memref_slice %arg5[%dma_start3A_493, %dma_start3A_494] : memref<50x128xi32, #tpu.memory_space<vmem>> -> memref<1x128xi32, #tpu.memory_space<vmem>>
    %dma_start3A_496 = tpu.memref_squeeze %dma_start3A_495 : memref<1x128xi32, #tpu.memory_space<vmem>> -> memref<128xi32, #tpu.memory_space<vmem>>
    %dma_start3A_497 = arith.constant 0 : i32
    %dma_start3A_498 = arith.constant 0 : i32
    %dma_start3A_499 = tpu.memref_slice %arg3[%dma_start3A_497, %dma_start3A_498] : memref<1000000x64xf32, #tpu.memory_space<hbm>> -> memref<1000000x64xf32, #tpu.memory_space<hbm>>
    tpu.enqueue_indirect_dma source(%dma_start3A_499 : memref<1000000x64xf32, #tpu.memory_space<hbm>>) target(%arg9 : memref<128x64xf32, #tpu.memory_space<vmem>>) offsets(%dma_start3A_496 : memref<128xi32, #tpu.memory_space<vmem>>) semaphore(%arg19 : memref<!tpu.dma_semaphore, #tpu.memory_space<semaphore_mem>>)
    %dma_wait3A_500 = arith.constant 19 : i32
    %dma_wait3A_501 = arith.constant 0 : i32
    %dma_wait3A_502 = tpu.memref_slice %arg5[%dma_wait3A_500, %dma_wait3A_501] : memref<50x128xi32, #tpu.memory_space<vmem>> -> memref<1x128xi32, #tpu.memory_space<vmem>>
    %dma_wait3A_503 = tpu.memref_squeeze %dma_wait3A_502 : memref<1x128xi32, #tpu.memory_space<vmem>> -> memref<128xi32, #tpu.memory_space<vmem>>
    %dma_wait3A_504 = arith.constant 0 : i32
    %dma_wait3A_505 = arith.constant 0 : i32
    %dma_wait3A_506 = tpu.memref_slice %arg3[%dma_wait3A_504, %dma_wait3A_505] : memref<1000000x64xf32, #tpu.memory_space<hbm>> -> memref<1000000x64xf32, #tpu.memory_space<hbm>>
    tpu.wait_indirect_dma semaphore(%arg25 : memref<!tpu.dma_semaphore, #tpu.memory_space<semaphore_mem>>) src(%dma_wait3A_506 : memref<1000000x64xf32, #tpu.memory_space<hbm>>) dst(%arg15 : memref<128x64xf32, #tpu.memory_space<vmem>>)
    %add3A_507 = arith.constant 2432 : i32
    %add3A_508 = arith.addi %mul3A_2, %add3A_507 : i32
    %dma_start3A_509 = arith.constant 0 : i32
    %dma_start3A_510 = tpu.memref_slice %arg4[%add3A_508, %dma_start3A_509] : memref<204800x64xf32, #tpu.memory_space<hbm>> -> memref<128x64xf32, #tpu.memory_space<hbm>>
    %dma_start3A_511 = arith.constant 0 : i32
    %dma_start3A_512 = tpu.memref_slice %arg4[%add3A_508, %dma_start3A_511] : memref<204800x64xf32, #tpu.memory_space<hbm>> -> memref<128x64xf32, #tpu.memory_space<hbm>>
    tpu.enqueue_dma source(%arg15 : memref<128x64xf32, #tpu.memory_space<vmem>>) target(%dma_start3A_512 : memref<128x64xf32, #tpu.memory_space<hbm>>) target_semaphore(%arg35 : memref<!tpu.dma_semaphore, #tpu.memory_space<semaphore_mem>>)
    %add3A_513 = arith.constant 1792 : i32
    %add3A_514 = arith.addi %mul3A_2, %add3A_513 : i32
    %dma_wait3A_515 = arith.constant 0 : i32
    %dma_wait3A_516 = tpu.memref_slice %arg4[%add3A_514, %dma_wait3A_515] : memref<204800x64xf32, #tpu.memory_space<hbm>> -> memref<128x64xf32, #tpu.memory_space<hbm>>
    %dma_wait3A_517 = arith.constant 0 : i32
    %dma_wait3A_518 = tpu.memref_slice %arg4[%add3A_514, %dma_wait3A_517] : memref<204800x64xf32, #tpu.memory_space<hbm>> -> memref<128x64xf32, #tpu.memory_space<hbm>>
    tpu.wait_dma2 semaphore(%arg30 : memref<!tpu.dma_semaphore, #tpu.memory_space<semaphore_mem>>) src(%arg10 : memref<128x64xf32, #tpu.memory_space<vmem>>) dst(%dma_wait3A_518 : memref<128x64xf32, #tpu.memory_space<hbm>>)
    %dma_start3A_519 = arith.constant 24 : i32
    %dma_start3A_520 = arith.constant 0 : i32
    %dma_start3A_521 = tpu.memref_slice %arg5[%dma_start3A_519, %dma_start3A_520] : memref<50x128xi32, #tpu.memory_space<vmem>> -> memref<1x128xi32, #tpu.memory_space<vmem>>
    %dma_start3A_522 = tpu.memref_squeeze %dma_start3A_521 : memref<1x128xi32, #tpu.memory_space<vmem>> -> memref<128xi32, #tpu.memory_space<vmem>>
    %dma_start3A_523 = arith.constant 0 : i32
    %dma_start3A_524 = arith.constant 0 : i32
    %dma_start3A_525 = tpu.memref_slice %arg3[%dma_start3A_523, %dma_start3A_524] : memref<1000000x64xf32, #tpu.memory_space<hbm>> -> memref<1000000x64xf32, #tpu.memory_space<hbm>>
    tpu.enqueue_indirect_dma source(%dma_start3A_525 : memref<1000000x64xf32, #tpu.memory_space<hbm>>) target(%arg10 : memref<128x64xf32, #tpu.memory_space<vmem>>) offsets(%dma_start3A_522 : memref<128xi32, #tpu.memory_space<vmem>>) semaphore(%arg20 : memref<!tpu.dma_semaphore, #tpu.memory_space<semaphore_mem>>)
    %dma_wait3A_526 = arith.constant 20 : i32
    %dma_wait3A_527 = arith.constant 0 : i32
    %dma_wait3A_528 = tpu.memref_slice %arg5[%dma_wait3A_526, %dma_wait3A_527] : memref<50x128xi32, #tpu.memory_space<vmem>> -> memref<1x128xi32, #tpu.memory_space<vmem>>
    %dma_wait3A_529 = tpu.memref_squeeze %dma_wait3A_528 : memref<1x128xi32, #tpu.memory_space<vmem>> -> memref<128xi32, #tpu.memory_space<vmem>>
    %dma_wait3A_530 = arith.constant 0 : i32
    %dma_wait3A_531 = arith.constant 0 : i32
    %dma_wait3A_532 = tpu.memref_slice %arg3[%dma_wait3A_530, %dma_wait3A_531] : memref<1000000x64xf32, #tpu.memory_space<hbm>> -> memref<1000000x64xf32, #tpu.memory_space<hbm>>
    tpu.wait_indirect_dma semaphore(%arg16 : memref<!tpu.dma_semaphore, #tpu.memory_space<semaphore_mem>>) src(%dma_wait3A_532 : memref<1000000x64xf32, #tpu.memory_space<hbm>>) dst(%arg6 : memref<128x64xf32, #tpu.memory_space<vmem>>)
    %add3A_533 = arith.constant 2560 : i32
    %add3A_534 = arith.addi %mul3A_2, %add3A_533 : i32
    %dma_start3A_535 = arith.constant 0 : i32
    %dma_start3A_536 = tpu.memref_slice %arg4[%add3A_534, %dma_start3A_535] : memref<204800x64xf32, #tpu.memory_space<hbm>> -> memref<128x64xf32, #tpu.memory_space<hbm>>
    %dma_start3A_537 = arith.constant 0 : i32
    %dma_start3A_538 = tpu.memref_slice %arg4[%add3A_534, %dma_start3A_537] : memref<204800x64xf32, #tpu.memory_space<hbm>> -> memref<128x64xf32, #tpu.memory_space<hbm>>
    tpu.enqueue_dma source(%arg6 : memref<128x64xf32, #tpu.memory_space<vmem>>) target(%dma_start3A_538 : memref<128x64xf32, #tpu.memory_space<hbm>>) target_semaphore(%arg26 : memref<!tpu.dma_semaphore, #tpu.memory_space<semaphore_mem>>)
    %add3A_539 = arith.constant 1920 : i32
    %add3A_540 = arith.addi %mul3A_2, %add3A_539 : i32
    %dma_wait3A_541 = arith.constant 0 : i32
    %dma_wait3A_542 = tpu.memref_slice %arg4[%add3A_540, %dma_wait3A_541] : memref<204800x64xf32, #tpu.memory_space<hbm>> -> memref<128x64xf32, #tpu.memory_space<hbm>>
    %dma_wait3A_543 = arith.constant 0 : i32
    %dma_wait3A_544 = tpu.memref_slice %arg4[%add3A_540, %dma_wait3A_543] : memref<204800x64xf32, #tpu.memory_space<hbm>> -> memref<128x64xf32, #tpu.memory_space<hbm>>
    tpu.wait_dma2 semaphore(%arg31 : memref<!tpu.dma_semaphore, #tpu.memory_space<semaphore_mem>>) src(%arg11 : memref<128x64xf32, #tpu.memory_space<vmem>>) dst(%dma_wait3A_544 : memref<128x64xf32, #tpu.memory_space<hbm>>)
    %dma_start3A_545 = arith.constant 25 : i32
    %dma_start3A_546 = arith.constant 0 : i32
    %dma_start3A_547 = tpu.memref_slice %arg5[%dma_start3A_545, %dma_start3A_546] : memref<50x128xi32, #tpu.memory_space<vmem>> -> memref<1x128xi32, #tpu.memory_space<vmem>>
    %dma_start3A_548 = tpu.memref_squeeze %dma_start3A_547 : memref<1x128xi32, #tpu.memory_space<vmem>> -> memref<128xi32, #tpu.memory_space<vmem>>
    %dma_start3A_549 = arith.constant 0 : i32
    %dma_start3A_550 = arith.constant 0 : i32
    %dma_start3A_551 = tpu.memref_slice %arg3[%dma_start3A_549, %dma_start3A_550] : memref<1000000x64xf32, #tpu.memory_space<hbm>> -> memref<1000000x64xf32, #tpu.memory_space<hbm>>
    tpu.enqueue_indirect_dma source(%dma_start3A_551 : memref<1000000x64xf32, #tpu.memory_space<hbm>>) target(%arg11 : memref<128x64xf32, #tpu.memory_space<vmem>>) offsets(%dma_start3A_548 : memref<128xi32, #tpu.memory_space<vmem>>) semaphore(%arg21 : memref<!tpu.dma_semaphore, #tpu.memory_space<semaphore_mem>>)
    %dma_wait3A_552 = arith.constant 21 : i32
    %dma_wait3A_553 = arith.constant 0 : i32
    %dma_wait3A_554 = tpu.memref_slice %arg5[%dma_wait3A_552, %dma_wait3A_553] : memref<50x128xi32, #tpu.memory_space<vmem>> -> memref<1x128xi32, #tpu.memory_space<vmem>>
    %dma_wait3A_555 = tpu.memref_squeeze %dma_wait3A_554 : memref<1x128xi32, #tpu.memory_space<vmem>> -> memref<128xi32, #tpu.memory_space<vmem>>
    %dma_wait3A_556 = arith.constant 0 : i32
    %dma_wait3A_557 = arith.constant 0 : i32
    %dma_wait3A_558 = tpu.memref_slice %arg3[%dma_wait3A_556, %dma_wait3A_557] : memref<1000000x64xf32, #tpu.memory_space<hbm>> -> memref<1000000x64xf32, #tpu.memory_space<hbm>>
    tpu.wait_indirect_dma semaphore(%arg17 : memref<!tpu.dma_semaphore, #tpu.memory_space<semaphore_mem>>) src(%dma_wait3A_558 : memref<1000000x64xf32, #tpu.memory_space<hbm>>) dst(%arg7 : memref<128x64xf32, #tpu.memory_space<vmem>>)
    %add3A_559 = arith.constant 2688 : i32
    %add3A_560 = arith.addi %mul3A_2, %add3A_559 : i32
    %dma_start3A_561 = arith.constant 0 : i32
    %dma_start3A_562 = tpu.memref_slice %arg4[%add3A_560, %dma_start3A_561] : memref<204800x64xf32, #tpu.memory_space<hbm>> -> memref<128x64xf32, #tpu.memory_space<hbm>>
    %dma_start3A_563 = arith.constant 0 : i32
    %dma_start3A_564 = tpu.memref_slice %arg4[%add3A_560, %dma_start3A_563] : memref<204800x64xf32, #tpu.memory_space<hbm>> -> memref<128x64xf32, #tpu.memory_space<hbm>>
    tpu.enqueue_dma source(%arg7 : memref<128x64xf32, #tpu.memory_space<vmem>>) target(%dma_start3A_564 : memref<128x64xf32, #tpu.memory_space<hbm>>) target_semaphore(%arg27 : memref<!tpu.dma_semaphore, #tpu.memory_space<semaphore_mem>>)
    %add3A_565 = arith.constant 2048 : i32
    %add3A_566 = arith.addi %mul3A_2, %add3A_565 : i32
    %dma_wait3A_567 = arith.constant 0 : i32
    %dma_wait3A_568 = tpu.memref_slice %arg4[%add3A_566, %dma_wait3A_567] : memref<204800x64xf32, #tpu.memory_space<hbm>> -> memref<128x64xf32, #tpu.memory_space<hbm>>
    %dma_wait3A_569 = arith.constant 0 : i32
    %dma_wait3A_570 = tpu.memref_slice %arg4[%add3A_566, %dma_wait3A_569] : memref<204800x64xf32, #tpu.memory_space<hbm>> -> memref<128x64xf32, #tpu.memory_space<hbm>>
    tpu.wait_dma2 semaphore(%arg32 : memref<!tpu.dma_semaphore, #tpu.memory_space<semaphore_mem>>) src(%arg12 : memref<128x64xf32, #tpu.memory_space<vmem>>) dst(%dma_wait3A_570 : memref<128x64xf32, #tpu.memory_space<hbm>>)
    %dma_start3A_571 = arith.constant 26 : i32
    %dma_start3A_572 = arith.constant 0 : i32
    %dma_start3A_573 = tpu.memref_slice %arg5[%dma_start3A_571, %dma_start3A_572] : memref<50x128xi32, #tpu.memory_space<vmem>> -> memref<1x128xi32, #tpu.memory_space<vmem>>
    %dma_start3A_574 = tpu.memref_squeeze %dma_start3A_573 : memref<1x128xi32, #tpu.memory_space<vmem>> -> memref<128xi32, #tpu.memory_space<vmem>>
    %dma_start3A_575 = arith.constant 0 : i32
    %dma_start3A_576 = arith.constant 0 : i32
    %dma_start3A_577 = tpu.memref_slice %arg3[%dma_start3A_575, %dma_start3A_576] : memref<1000000x64xf32, #tpu.memory_space<hbm>> -> memref<1000000x64xf32, #tpu.memory_space<hbm>>
    tpu.enqueue_indirect_dma source(%dma_start3A_577 : memref<1000000x64xf32, #tpu.memory_space<hbm>>) target(%arg12 : memref<128x64xf32, #tpu.memory_space<vmem>>) offsets(%dma_start3A_574 : memref<128xi32, #tpu.memory_space<vmem>>) semaphore(%arg22 : memref<!tpu.dma_semaphore, #tpu.memory_space<semaphore_mem>>)
    %dma_wait3A_578 = arith.constant 22 : i32
    %dma_wait3A_579 = arith.constant 0 : i32
    %dma_wait3A_580 = tpu.memref_slice %arg5[%dma_wait3A_578, %dma_wait3A_579] : memref<50x128xi32, #tpu.memory_space<vmem>> -> memref<1x128xi32, #tpu.memory_space<vmem>>
    %dma_wait3A_581 = tpu.memref_squeeze %dma_wait3A_580 : memref<1x128xi32, #tpu.memory_space<vmem>> -> memref<128xi32, #tpu.memory_space<vmem>>
    %dma_wait3A_582 = arith.constant 0 : i32
    %dma_wait3A_583 = arith.constant 0 : i32
    %dma_wait3A_584 = tpu.memref_slice %arg3[%dma_wait3A_582, %dma_wait3A_583] : memref<1000000x64xf32, #tpu.memory_space<hbm>> -> memref<1000000x64xf32, #tpu.memory_space<hbm>>
    tpu.wait_indirect_dma semaphore(%arg18 : memref<!tpu.dma_semaphore, #tpu.memory_space<semaphore_mem>>) src(%dma_wait3A_584 : memref<1000000x64xf32, #tpu.memory_space<hbm>>) dst(%arg8 : memref<128x64xf32, #tpu.memory_space<vmem>>)
    %add3A_585 = arith.constant 2816 : i32
    %add3A_586 = arith.addi %mul3A_2, %add3A_585 : i32
    %dma_start3A_587 = arith.constant 0 : i32
    %dma_start3A_588 = tpu.memref_slice %arg4[%add3A_586, %dma_start3A_587] : memref<204800x64xf32, #tpu.memory_space<hbm>> -> memref<128x64xf32, #tpu.memory_space<hbm>>
    %dma_start3A_589 = arith.constant 0 : i32
    %dma_start3A_590 = tpu.memref_slice %arg4[%add3A_586, %dma_start3A_589] : memref<204800x64xf32, #tpu.memory_space<hbm>> -> memref<128x64xf32, #tpu.memory_space<hbm>>
    tpu.enqueue_dma source(%arg8 : memref<128x64xf32, #tpu.memory_space<vmem>>) target(%dma_start3A_590 : memref<128x64xf32, #tpu.memory_space<hbm>>) target_semaphore(%arg28 : memref<!tpu.dma_semaphore, #tpu.memory_space<semaphore_mem>>)
    %add3A_591 = arith.constant 2176 : i32
    %add3A_592 = arith.addi %mul3A_2, %add3A_591 : i32
    %dma_wait3A_593 = arith.constant 0 : i32
    %dma_wait3A_594 = tpu.memref_slice %arg4[%add3A_592, %dma_wait3A_593] : memref<204800x64xf32, #tpu.memory_space<hbm>> -> memref<128x64xf32, #tpu.memory_space<hbm>>
    %dma_wait3A_595 = arith.constant 0 : i32
    %dma_wait3A_596 = tpu.memref_slice %arg4[%add3A_592, %dma_wait3A_595] : memref<204800x64xf32, #tpu.memory_space<hbm>> -> memref<128x64xf32, #tpu.memory_space<hbm>>
    tpu.wait_dma2 semaphore(%arg33 : memref<!tpu.dma_semaphore, #tpu.memory_space<semaphore_mem>>) src(%arg13 : memref<128x64xf32, #tpu.memory_space<vmem>>) dst(%dma_wait3A_596 : memref<128x64xf32, #tpu.memory_space<hbm>>)
    %dma_start3A_597 = arith.constant 27 : i32
    %dma_start3A_598 = arith.constant 0 : i32
    %dma_start3A_599 = tpu.memref_slice %arg5[%dma_start3A_597, %dma_start3A_598] : memref<50x128xi32, #tpu.memory_space<vmem>> -> memref<1x128xi32, #tpu.memory_space<vmem>>
    %dma_start3A_600 = tpu.memref_squeeze %dma_start3A_599 : memref<1x128xi32, #tpu.memory_space<vmem>> -> memref<128xi32, #tpu.memory_space<vmem>>
    %dma_start3A_601 = arith.constant 0 : i32
    %dma_start3A_602 = arith.constant 0 : i32
    %dma_start3A_603 = tpu.memref_slice %arg3[%dma_start3A_601, %dma_start3A_602] : memref<1000000x64xf32, #tpu.memory_space<hbm>> -> memref<1000000x64xf32, #tpu.memory_space<hbm>>
    tpu.enqueue_indirect_dma source(%dma_start3A_603 : memref<1000000x64xf32, #tpu.memory_space<hbm>>) target(%arg13 : memref<128x64xf32, #tpu.memory_space<vmem>>) offsets(%dma_start3A_600 : memref<128xi32, #tpu.memory_space<vmem>>) semaphore(%arg23 : memref<!tpu.dma_semaphore, #tpu.memory_space<semaphore_mem>>)
    %dma_wait3A_604 = arith.constant 23 : i32
    %dma_wait3A_605 = arith.constant 0 : i32
    %dma_wait3A_606 = tpu.memref_slice %arg5[%dma_wait3A_604, %dma_wait3A_605] : memref<50x128xi32, #tpu.memory_space<vmem>> -> memref<1x128xi32, #tpu.memory_space<vmem>>
    %dma_wait3A_607 = tpu.memref_squeeze %dma_wait3A_606 : memref<1x128xi32, #tpu.memory_space<vmem>> -> memref<128xi32, #tpu.memory_space<vmem>>
    %dma_wait3A_608 = arith.constant 0 : i32
    %dma_wait3A_609 = arith.constant 0 : i32
    %dma_wait3A_610 = tpu.memref_slice %arg3[%dma_wait3A_608, %dma_wait3A_609] : memref<1000000x64xf32, #tpu.memory_space<hbm>> -> memref<1000000x64xf32, #tpu.memory_space<hbm>>
    tpu.wait_indirect_dma semaphore(%arg19 : memref<!tpu.dma_semaphore, #tpu.memory_space<semaphore_mem>>) src(%dma_wait3A_610 : memref<1000000x64xf32, #tpu.memory_space<hbm>>) dst(%arg9 : memref<128x64xf32, #tpu.memory_space<vmem>>)
    %add3A_611 = arith.constant 2944 : i32
    %add3A_612 = arith.addi %mul3A_2, %add3A_611 : i32
    %dma_start3A_613 = arith.constant 0 : i32
    %dma_start3A_614 = tpu.memref_slice %arg4[%add3A_612, %dma_start3A_613] : memref<204800x64xf32, #tpu.memory_space<hbm>> -> memref<128x64xf32, #tpu.memory_space<hbm>>
    %dma_start3A_615 = arith.constant 0 : i32
    %dma_start3A_616 = tpu.memref_slice %arg4[%add3A_612, %dma_start3A_615] : memref<204800x64xf32, #tpu.memory_space<hbm>> -> memref<128x64xf32, #tpu.memory_space<hbm>>
    tpu.enqueue_dma source(%arg9 : memref<128x64xf32, #tpu.memory_space<vmem>>) target(%dma_start3A_616 : memref<128x64xf32, #tpu.memory_space<hbm>>) target_semaphore(%arg29 : memref<!tpu.dma_semaphore, #tpu.memory_space<semaphore_mem>>)
    %add3A_617 = arith.constant 2304 : i32
    %add3A_618 = arith.addi %mul3A_2, %add3A_617 : i32
    %dma_wait3A_619 = arith.constant 0 : i32
    %dma_wait3A_620 = tpu.memref_slice %arg4[%add3A_618, %dma_wait3A_619] : memref<204800x64xf32, #tpu.memory_space<hbm>> -> memref<128x64xf32, #tpu.memory_space<hbm>>
    %dma_wait3A_621 = arith.constant 0 : i32
    %dma_wait3A_622 = tpu.memref_slice %arg4[%add3A_618, %dma_wait3A_621] : memref<204800x64xf32, #tpu.memory_space<hbm>> -> memref<128x64xf32, #tpu.memory_space<hbm>>
    tpu.wait_dma2 semaphore(%arg34 : memref<!tpu.dma_semaphore, #tpu.memory_space<semaphore_mem>>) src(%arg14 : memref<128x64xf32, #tpu.memory_space<vmem>>) dst(%dma_wait3A_622 : memref<128x64xf32, #tpu.memory_space<hbm>>)
    %dma_start3A_623 = arith.constant 28 : i32
    %dma_start3A_624 = arith.constant 0 : i32
    %dma_start3A_625 = tpu.memref_slice %arg5[%dma_start3A_623, %dma_start3A_624] : memref<50x128xi32, #tpu.memory_space<vmem>> -> memref<1x128xi32, #tpu.memory_space<vmem>>
    %dma_start3A_626 = tpu.memref_squeeze %dma_start3A_625 : memref<1x128xi32, #tpu.memory_space<vmem>> -> memref<128xi32, #tpu.memory_space<vmem>>
    %dma_start3A_627 = arith.constant 0 : i32
    %dma_start3A_628 = arith.constant 0 : i32
    %dma_start3A_629 = tpu.memref_slice %arg3[%dma_start3A_627, %dma_start3A_628] : memref<1000000x64xf32, #tpu.memory_space<hbm>> -> memref<1000000x64xf32, #tpu.memory_space<hbm>>
    tpu.enqueue_indirect_dma source(%dma_start3A_629 : memref<1000000x64xf32, #tpu.memory_space<hbm>>) target(%arg14 : memref<128x64xf32, #tpu.memory_space<vmem>>) offsets(%dma_start3A_626 : memref<128xi32, #tpu.memory_space<vmem>>) semaphore(%arg24 : memref<!tpu.dma_semaphore, #tpu.memory_space<semaphore_mem>>)
    %dma_wait3A_630 = arith.constant 24 : i32
    %dma_wait3A_631 = arith.constant 0 : i32
    %dma_wait3A_632 = tpu.memref_slice %arg5[%dma_wait3A_630, %dma_wait3A_631] : memref<50x128xi32, #tpu.memory_space<vmem>> -> memref<1x128xi32, #tpu.memory_space<vmem>>
    %dma_wait3A_633 = tpu.memref_squeeze %dma_wait3A_632 : memref<1x128xi32, #tpu.memory_space<vmem>> -> memref<128xi32, #tpu.memory_space<vmem>>
    %dma_wait3A_634 = arith.constant 0 : i32
    %dma_wait3A_635 = arith.constant 0 : i32
    %dma_wait3A_636 = tpu.memref_slice %arg3[%dma_wait3A_634, %dma_wait3A_635] : memref<1000000x64xf32, #tpu.memory_space<hbm>> -> memref<1000000x64xf32, #tpu.memory_space<hbm>>
    tpu.wait_indirect_dma semaphore(%arg20 : memref<!tpu.dma_semaphore, #tpu.memory_space<semaphore_mem>>) src(%dma_wait3A_636 : memref<1000000x64xf32, #tpu.memory_space<hbm>>) dst(%arg10 : memref<128x64xf32, #tpu.memory_space<vmem>>)
    %add3A_637 = arith.constant 3072 : i32
    %add3A_638 = arith.addi %mul3A_2, %add3A_637 : i32
    %dma_start3A_639 = arith.constant 0 : i32
    %dma_start3A_640 = tpu.memref_slice %arg4[%add3A_638, %dma_start3A_639] : memref<204800x64xf32, #tpu.memory_space<hbm>> -> memref<128x64xf32, #tpu.memory_space<hbm>>
    %dma_start3A_641 = arith.constant 0 : i32
    %dma_start3A_642 = tpu.memref_slice %arg4[%add3A_638, %dma_start3A_641] : memref<204800x64xf32, #tpu.memory_space<hbm>> -> memref<128x64xf32, #tpu.memory_space<hbm>>
    tpu.enqueue_dma source(%arg10 : memref<128x64xf32, #tpu.memory_space<vmem>>) target(%dma_start3A_642 : memref<128x64xf32, #tpu.memory_space<hbm>>) target_semaphore(%arg30 : memref<!tpu.dma_semaphore, #tpu.memory_space<semaphore_mem>>)
    %add3A_643 = arith.constant 2432 : i32
    %add3A_644 = arith.addi %mul3A_2, %add3A_643 : i32
    %dma_wait3A_645 = arith.constant 0 : i32
    %dma_wait3A_646 = tpu.memref_slice %arg4[%add3A_644, %dma_wait3A_645] : memref<204800x64xf32, #tpu.memory_space<hbm>> -> memref<128x64xf32, #tpu.memory_space<hbm>>
    %dma_wait3A_647 = arith.constant 0 : i32
    %dma_wait3A_648 = tpu.memref_slice %arg4[%add3A_644, %dma_wait3A_647] : memref<204800x64xf32, #tpu.memory_space<hbm>> -> memref<128x64xf32, #tpu.memory_space<hbm>>
    tpu.wait_dma2 semaphore(%arg35 : memref<!tpu.dma_semaphore, #tpu.memory_space<semaphore_mem>>) src(%arg15 : memref<128x64xf32, #tpu.memory_space<vmem>>) dst(%dma_wait3A_648 : memref<128x64xf32, #tpu.memory_space<hbm>>)
    %dma_start3A_649 = arith.constant 29 : i32
    %dma_start3A_650 = arith.constant 0 : i32
    %dma_start3A_651 = tpu.memref_slice %arg5[%dma_start3A_649, %dma_start3A_650] : memref<50x128xi32, #tpu.memory_space<vmem>> -> memref<1x128xi32, #tpu.memory_space<vmem>>
    %dma_start3A_652 = tpu.memref_squeeze %dma_start3A_651 : memref<1x128xi32, #tpu.memory_space<vmem>> -> memref<128xi32, #tpu.memory_space<vmem>>
    %dma_start3A_653 = arith.constant 0 : i32
    %dma_start3A_654 = arith.constant 0 : i32
    %dma_start3A_655 = tpu.memref_slice %arg3[%dma_start3A_653, %dma_start3A_654] : memref<1000000x64xf32, #tpu.memory_space<hbm>> -> memref<1000000x64xf32, #tpu.memory_space<hbm>>
    tpu.enqueue_indirect_dma source(%dma_start3A_655 : memref<1000000x64xf32, #tpu.memory_space<hbm>>) target(%arg15 : memref<128x64xf32, #tpu.memory_space<vmem>>) offsets(%dma_start3A_652 : memref<128xi32, #tpu.memory_space<vmem>>) semaphore(%arg25 : memref<!tpu.dma_semaphore, #tpu.memory_space<semaphore_mem>>)
    %dma_wait3A_656 = arith.constant 25 : i32
    %dma_wait3A_657 = arith.constant 0 : i32
    %dma_wait3A_658 = tpu.memref_slice %arg5[%dma_wait3A_656, %dma_wait3A_657] : memref<50x128xi32, #tpu.memory_space<vmem>> -> memref<1x128xi32, #tpu.memory_space<vmem>>
    %dma_wait3A_659 = tpu.memref_squeeze %dma_wait3A_658 : memref<1x128xi32, #tpu.memory_space<vmem>> -> memref<128xi32, #tpu.memory_space<vmem>>
    %dma_wait3A_660 = arith.constant 0 : i32
    %dma_wait3A_661 = arith.constant 0 : i32
    %dma_wait3A_662 = tpu.memref_slice %arg3[%dma_wait3A_660, %dma_wait3A_661] : memref<1000000x64xf32, #tpu.memory_space<hbm>> -> memref<1000000x64xf32, #tpu.memory_space<hbm>>
    tpu.wait_indirect_dma semaphore(%arg21 : memref<!tpu.dma_semaphore, #tpu.memory_space<semaphore_mem>>) src(%dma_wait3A_662 : memref<1000000x64xf32, #tpu.memory_space<hbm>>) dst(%arg11 : memref<128x64xf32, #tpu.memory_space<vmem>>)
    %add3A_663 = arith.constant 3200 : i32
    %add3A_664 = arith.addi %mul3A_2, %add3A_663 : i32
    %dma_start3A_665 = arith.constant 0 : i32
    %dma_start3A_666 = tpu.memref_slice %arg4[%add3A_664, %dma_start3A_665] : memref<204800x64xf32, #tpu.memory_space<hbm>> -> memref<128x64xf32, #tpu.memory_space<hbm>>
    %dma_start3A_667 = arith.constant 0 : i32
    %dma_start3A_668 = tpu.memref_slice %arg4[%add3A_664, %dma_start3A_667] : memref<204800x64xf32, #tpu.memory_space<hbm>> -> memref<128x64xf32, #tpu.memory_space<hbm>>
    tpu.enqueue_dma source(%arg11 : memref<128x64xf32, #tpu.memory_space<vmem>>) target(%dma_start3A_668 : memref<128x64xf32, #tpu.memory_space<hbm>>) target_semaphore(%arg31 : memref<!tpu.dma_semaphore, #tpu.memory_space<semaphore_mem>>)
    %add3A_669 = arith.constant 2560 : i32
    %add3A_670 = arith.addi %mul3A_2, %add3A_669 : i32
    %dma_wait3A_671 = arith.constant 0 : i32
    %dma_wait3A_672 = tpu.memref_slice %arg4[%add3A_670, %dma_wait3A_671] : memref<204800x64xf32, #tpu.memory_space<hbm>> -> memref<128x64xf32, #tpu.memory_space<hbm>>
    %dma_wait3A_673 = arith.constant 0 : i32
    %dma_wait3A_674 = tpu.memref_slice %arg4[%add3A_670, %dma_wait3A_673] : memref<204800x64xf32, #tpu.memory_space<hbm>> -> memref<128x64xf32, #tpu.memory_space<hbm>>
    tpu.wait_dma2 semaphore(%arg26 : memref<!tpu.dma_semaphore, #tpu.memory_space<semaphore_mem>>) src(%arg6 : memref<128x64xf32, #tpu.memory_space<vmem>>) dst(%dma_wait3A_674 : memref<128x64xf32, #tpu.memory_space<hbm>>)
    %dma_start3A_675 = arith.constant 30 : i32
    %dma_start3A_676 = arith.constant 0 : i32
    %dma_start3A_677 = tpu.memref_slice %arg5[%dma_start3A_675, %dma_start3A_676] : memref<50x128xi32, #tpu.memory_space<vmem>> -> memref<1x128xi32, #tpu.memory_space<vmem>>
    %dma_start3A_678 = tpu.memref_squeeze %dma_start3A_677 : memref<1x128xi32, #tpu.memory_space<vmem>> -> memref<128xi32, #tpu.memory_space<vmem>>
    %dma_start3A_679 = arith.constant 0 : i32
    %dma_start3A_680 = arith.constant 0 : i32
    %dma_start3A_681 = tpu.memref_slice %arg3[%dma_start3A_679, %dma_start3A_680] : memref<1000000x64xf32, #tpu.memory_space<hbm>> -> memref<1000000x64xf32, #tpu.memory_space<hbm>>
    tpu.enqueue_indirect_dma source(%dma_start3A_681 : memref<1000000x64xf32, #tpu.memory_space<hbm>>) target(%arg6 : memref<128x64xf32, #tpu.memory_space<vmem>>) offsets(%dma_start3A_678 : memref<128xi32, #tpu.memory_space<vmem>>) semaphore(%arg16 : memref<!tpu.dma_semaphore, #tpu.memory_space<semaphore_mem>>)
    %dma_wait3A_682 = arith.constant 26 : i32
    %dma_wait3A_683 = arith.constant 0 : i32
    %dma_wait3A_684 = tpu.memref_slice %arg5[%dma_wait3A_682, %dma_wait3A_683] : memref<50x128xi32, #tpu.memory_space<vmem>> -> memref<1x128xi32, #tpu.memory_space<vmem>>
    %dma_wait3A_685 = tpu.memref_squeeze %dma_wait3A_684 : memref<1x128xi32, #tpu.memory_space<vmem>> -> memref<128xi32, #tpu.memory_space<vmem>>
    %dma_wait3A_686 = arith.constant 0 : i32
    %dma_wait3A_687 = arith.constant 0 : i32
    %dma_wait3A_688 = tpu.memref_slice %arg3[%dma_wait3A_686, %dma_wait3A_687] : memref<1000000x64xf32, #tpu.memory_space<hbm>> -> memref<1000000x64xf32, #tpu.memory_space<hbm>>
    tpu.wait_indirect_dma semaphore(%arg22 : memref<!tpu.dma_semaphore, #tpu.memory_space<semaphore_mem>>) src(%dma_wait3A_688 : memref<1000000x64xf32, #tpu.memory_space<hbm>>) dst(%arg12 : memref<128x64xf32, #tpu.memory_space<vmem>>)
    %add3A_689 = arith.constant 3328 : i32
    %add3A_690 = arith.addi %mul3A_2, %add3A_689 : i32
    %dma_start3A_691 = arith.constant 0 : i32
    %dma_start3A_692 = tpu.memref_slice %arg4[%add3A_690, %dma_start3A_691] : memref<204800x64xf32, #tpu.memory_space<hbm>> -> memref<128x64xf32, #tpu.memory_space<hbm>>
    %dma_start3A_693 = arith.constant 0 : i32
    %dma_start3A_694 = tpu.memref_slice %arg4[%add3A_690, %dma_start3A_693] : memref<204800x64xf32, #tpu.memory_space<hbm>> -> memref<128x64xf32, #tpu.memory_space<hbm>>
    tpu.enqueue_dma source(%arg12 : memref<128x64xf32, #tpu.memory_space<vmem>>) target(%dma_start3A_694 : memref<128x64xf32, #tpu.memory_space<hbm>>) target_semaphore(%arg32 : memref<!tpu.dma_semaphore, #tpu.memory_space<semaphore_mem>>)
    %add3A_695 = arith.constant 2688 : i32
    %add3A_696 = arith.addi %mul3A_2, %add3A_695 : i32
    %dma_wait3A_697 = arith.constant 0 : i32
    %dma_wait3A_698 = tpu.memref_slice %arg4[%add3A_696, %dma_wait3A_697] : memref<204800x64xf32, #tpu.memory_space<hbm>> -> memref<128x64xf32, #tpu.memory_space<hbm>>
    %dma_wait3A_699 = arith.constant 0 : i32
    %dma_wait3A_700 = tpu.memref_slice %arg4[%add3A_696, %dma_wait3A_699] : memref<204800x64xf32, #tpu.memory_space<hbm>> -> memref<128x64xf32, #tpu.memory_space<hbm>>
    tpu.wait_dma2 semaphore(%arg27 : memref<!tpu.dma_semaphore, #tpu.memory_space<semaphore_mem>>) src(%arg7 : memref<128x64xf32, #tpu.memory_space<vmem>>) dst(%dma_wait3A_700 : memref<128x64xf32, #tpu.memory_space<hbm>>)
    %dma_start3A_701 = arith.constant 31 : i32
    %dma_start3A_702 = arith.constant 0 : i32
    %dma_start3A_703 = tpu.memref_slice %arg5[%dma_start3A_701, %dma_start3A_702] : memref<50x128xi32, #tpu.memory_space<vmem>> -> memref<1x128xi32, #tpu.memory_space<vmem>>
    %dma_start3A_704 = tpu.memref_squeeze %dma_start3A_703 : memref<1x128xi32, #tpu.memory_space<vmem>> -> memref<128xi32, #tpu.memory_space<vmem>>
    %dma_start3A_705 = arith.constant 0 : i32
    %dma_start3A_706 = arith.constant 0 : i32
    %dma_start3A_707 = tpu.memref_slice %arg3[%dma_start3A_705, %dma_start3A_706] : memref<1000000x64xf32, #tpu.memory_space<hbm>> -> memref<1000000x64xf32, #tpu.memory_space<hbm>>
    tpu.enqueue_indirect_dma source(%dma_start3A_707 : memref<1000000x64xf32, #tpu.memory_space<hbm>>) target(%arg7 : memref<128x64xf32, #tpu.memory_space<vmem>>) offsets(%dma_start3A_704 : memref<128xi32, #tpu.memory_space<vmem>>) semaphore(%arg17 : memref<!tpu.dma_semaphore, #tpu.memory_space<semaphore_mem>>)
    %dma_wait3A_708 = arith.constant 27 : i32
    %dma_wait3A_709 = arith.constant 0 : i32
    %dma_wait3A_710 = tpu.memref_slice %arg5[%dma_wait3A_708, %dma_wait3A_709] : memref<50x128xi32, #tpu.memory_space<vmem>> -> memref<1x128xi32, #tpu.memory_space<vmem>>
    %dma_wait3A_711 = tpu.memref_squeeze %dma_wait3A_710 : memref<1x128xi32, #tpu.memory_space<vmem>> -> memref<128xi32, #tpu.memory_space<vmem>>
    %dma_wait3A_712 = arith.constant 0 : i32
    %dma_wait3A_713 = arith.constant 0 : i32
    %dma_wait3A_714 = tpu.memref_slice %arg3[%dma_wait3A_712, %dma_wait3A_713] : memref<1000000x64xf32, #tpu.memory_space<hbm>> -> memref<1000000x64xf32, #tpu.memory_space<hbm>>
    tpu.wait_indirect_dma semaphore(%arg23 : memref<!tpu.dma_semaphore, #tpu.memory_space<semaphore_mem>>) src(%dma_wait3A_714 : memref<1000000x64xf32, #tpu.memory_space<hbm>>) dst(%arg13 : memref<128x64xf32, #tpu.memory_space<vmem>>)
    %add3A_715 = arith.constant 3456 : i32
    %add3A_716 = arith.addi %mul3A_2, %add3A_715 : i32
    %dma_start3A_717 = arith.constant 0 : i32
    %dma_start3A_718 = tpu.memref_slice %arg4[%add3A_716, %dma_start3A_717] : memref<204800x64xf32, #tpu.memory_space<hbm>> -> memref<128x64xf32, #tpu.memory_space<hbm>>
    %dma_start3A_719 = arith.constant 0 : i32
    %dma_start3A_720 = tpu.memref_slice %arg4[%add3A_716, %dma_start3A_719] : memref<204800x64xf32, #tpu.memory_space<hbm>> -> memref<128x64xf32, #tpu.memory_space<hbm>>
    tpu.enqueue_dma source(%arg13 : memref<128x64xf32, #tpu.memory_space<vmem>>) target(%dma_start3A_720 : memref<128x64xf32, #tpu.memory_space<hbm>>) target_semaphore(%arg33 : memref<!tpu.dma_semaphore, #tpu.memory_space<semaphore_mem>>)
    %add3A_721 = arith.constant 2816 : i32
    %add3A_722 = arith.addi %mul3A_2, %add3A_721 : i32
    %dma_wait3A_723 = arith.constant 0 : i32
    %dma_wait3A_724 = tpu.memref_slice %arg4[%add3A_722, %dma_wait3A_723] : memref<204800x64xf32, #tpu.memory_space<hbm>> -> memref<128x64xf32, #tpu.memory_space<hbm>>
    %dma_wait3A_725 = arith.constant 0 : i32
    %dma_wait3A_726 = tpu.memref_slice %arg4[%add3A_722, %dma_wait3A_725] : memref<204800x64xf32, #tpu.memory_space<hbm>> -> memref<128x64xf32, #tpu.memory_space<hbm>>
    tpu.wait_dma2 semaphore(%arg28 : memref<!tpu.dma_semaphore, #tpu.memory_space<semaphore_mem>>) src(%arg8 : memref<128x64xf32, #tpu.memory_space<vmem>>) dst(%dma_wait3A_726 : memref<128x64xf32, #tpu.memory_space<hbm>>)
    %dma_start3A_727 = arith.constant 32 : i32
    %dma_start3A_728 = arith.constant 0 : i32
    %dma_start3A_729 = tpu.memref_slice %arg5[%dma_start3A_727, %dma_start3A_728] : memref<50x128xi32, #tpu.memory_space<vmem>> -> memref<1x128xi32, #tpu.memory_space<vmem>>
    %dma_start3A_730 = tpu.memref_squeeze %dma_start3A_729 : memref<1x128xi32, #tpu.memory_space<vmem>> -> memref<128xi32, #tpu.memory_space<vmem>>
    %dma_start3A_731 = arith.constant 0 : i32
    %dma_start3A_732 = arith.constant 0 : i32
    %dma_start3A_733 = tpu.memref_slice %arg3[%dma_start3A_731, %dma_start3A_732] : memref<1000000x64xf32, #tpu.memory_space<hbm>> -> memref<1000000x64xf32, #tpu.memory_space<hbm>>
    tpu.enqueue_indirect_dma source(%dma_start3A_733 : memref<1000000x64xf32, #tpu.memory_space<hbm>>) target(%arg8 : memref<128x64xf32, #tpu.memory_space<vmem>>) offsets(%dma_start3A_730 : memref<128xi32, #tpu.memory_space<vmem>>) semaphore(%arg18 : memref<!tpu.dma_semaphore, #tpu.memory_space<semaphore_mem>>)
    %dma_wait3A_734 = arith.constant 28 : i32
    %dma_wait3A_735 = arith.constant 0 : i32
    %dma_wait3A_736 = tpu.memref_slice %arg5[%dma_wait3A_734, %dma_wait3A_735] : memref<50x128xi32, #tpu.memory_space<vmem>> -> memref<1x128xi32, #tpu.memory_space<vmem>>
    %dma_wait3A_737 = tpu.memref_squeeze %dma_wait3A_736 : memref<1x128xi32, #tpu.memory_space<vmem>> -> memref<128xi32, #tpu.memory_space<vmem>>
    %dma_wait3A_738 = arith.constant 0 : i32
    %dma_wait3A_739 = arith.constant 0 : i32
    %dma_wait3A_740 = tpu.memref_slice %arg3[%dma_wait3A_738, %dma_wait3A_739] : memref<1000000x64xf32, #tpu.memory_space<hbm>> -> memref<1000000x64xf32, #tpu.memory_space<hbm>>
    tpu.wait_indirect_dma semaphore(%arg24 : memref<!tpu.dma_semaphore, #tpu.memory_space<semaphore_mem>>) src(%dma_wait3A_740 : memref<1000000x64xf32, #tpu.memory_space<hbm>>) dst(%arg14 : memref<128x64xf32, #tpu.memory_space<vmem>>)
    %add3A_741 = arith.constant 3584 : i32
    %add3A_742 = arith.addi %mul3A_2, %add3A_741 : i32
    %dma_start3A_743 = arith.constant 0 : i32
    %dma_start3A_744 = tpu.memref_slice %arg4[%add3A_742, %dma_start3A_743] : memref<204800x64xf32, #tpu.memory_space<hbm>> -> memref<128x64xf32, #tpu.memory_space<hbm>>
    %dma_start3A_745 = arith.constant 0 : i32
    %dma_start3A_746 = tpu.memref_slice %arg4[%add3A_742, %dma_start3A_745] : memref<204800x64xf32, #tpu.memory_space<hbm>> -> memref<128x64xf32, #tpu.memory_space<hbm>>
    tpu.enqueue_dma source(%arg14 : memref<128x64xf32, #tpu.memory_space<vmem>>) target(%dma_start3A_746 : memref<128x64xf32, #tpu.memory_space<hbm>>) target_semaphore(%arg34 : memref<!tpu.dma_semaphore, #tpu.memory_space<semaphore_mem>>)
    %add3A_747 = arith.constant 2944 : i32
    %add3A_748 = arith.addi %mul3A_2, %add3A_747 : i32
    %dma_wait3A_749 = arith.constant 0 : i32
    %dma_wait3A_750 = tpu.memref_slice %arg4[%add3A_748, %dma_wait3A_749] : memref<204800x64xf32, #tpu.memory_space<hbm>> -> memref<128x64xf32, #tpu.memory_space<hbm>>
    %dma_wait3A_751 = arith.constant 0 : i32
    %dma_wait3A_752 = tpu.memref_slice %arg4[%add3A_748, %dma_wait3A_751] : memref<204800x64xf32, #tpu.memory_space<hbm>> -> memref<128x64xf32, #tpu.memory_space<hbm>>
    tpu.wait_dma2 semaphore(%arg29 : memref<!tpu.dma_semaphore, #tpu.memory_space<semaphore_mem>>) src(%arg9 : memref<128x64xf32, #tpu.memory_space<vmem>>) dst(%dma_wait3A_752 : memref<128x64xf32, #tpu.memory_space<hbm>>)
    %dma_start3A_753 = arith.constant 33 : i32
    %dma_start3A_754 = arith.constant 0 : i32
    %dma_start3A_755 = tpu.memref_slice %arg5[%dma_start3A_753, %dma_start3A_754] : memref<50x128xi32, #tpu.memory_space<vmem>> -> memref<1x128xi32, #tpu.memory_space<vmem>>
    %dma_start3A_756 = tpu.memref_squeeze %dma_start3A_755 : memref<1x128xi32, #tpu.memory_space<vmem>> -> memref<128xi32, #tpu.memory_space<vmem>>
    %dma_start3A_757 = arith.constant 0 : i32
    %dma_start3A_758 = arith.constant 0 : i32
    %dma_start3A_759 = tpu.memref_slice %arg3[%dma_start3A_757, %dma_start3A_758] : memref<1000000x64xf32, #tpu.memory_space<hbm>> -> memref<1000000x64xf32, #tpu.memory_space<hbm>>
    tpu.enqueue_indirect_dma source(%dma_start3A_759 : memref<1000000x64xf32, #tpu.memory_space<hbm>>) target(%arg9 : memref<128x64xf32, #tpu.memory_space<vmem>>) offsets(%dma_start3A_756 : memref<128xi32, #tpu.memory_space<vmem>>) semaphore(%arg19 : memref<!tpu.dma_semaphore, #tpu.memory_space<semaphore_mem>>)
    %dma_wait3A_760 = arith.constant 29 : i32
    %dma_wait3A_761 = arith.constant 0 : i32
    %dma_wait3A_762 = tpu.memref_slice %arg5[%dma_wait3A_760, %dma_wait3A_761] : memref<50x128xi32, #tpu.memory_space<vmem>> -> memref<1x128xi32, #tpu.memory_space<vmem>>
    %dma_wait3A_763 = tpu.memref_squeeze %dma_wait3A_762 : memref<1x128xi32, #tpu.memory_space<vmem>> -> memref<128xi32, #tpu.memory_space<vmem>>
    %dma_wait3A_764 = arith.constant 0 : i32
    %dma_wait3A_765 = arith.constant 0 : i32
    %dma_wait3A_766 = tpu.memref_slice %arg3[%dma_wait3A_764, %dma_wait3A_765] : memref<1000000x64xf32, #tpu.memory_space<hbm>> -> memref<1000000x64xf32, #tpu.memory_space<hbm>>
    tpu.wait_indirect_dma semaphore(%arg25 : memref<!tpu.dma_semaphore, #tpu.memory_space<semaphore_mem>>) src(%dma_wait3A_766 : memref<1000000x64xf32, #tpu.memory_space<hbm>>) dst(%arg15 : memref<128x64xf32, #tpu.memory_space<vmem>>)
    %add3A_767 = arith.constant 3712 : i32
    %add3A_768 = arith.addi %mul3A_2, %add3A_767 : i32
    %dma_start3A_769 = arith.constant 0 : i32
    %dma_start3A_770 = tpu.memref_slice %arg4[%add3A_768, %dma_start3A_769] : memref<204800x64xf32, #tpu.memory_space<hbm>> -> memref<128x64xf32, #tpu.memory_space<hbm>>
    %dma_start3A_771 = arith.constant 0 : i32
    %dma_start3A_772 = tpu.memref_slice %arg4[%add3A_768, %dma_start3A_771] : memref<204800x64xf32, #tpu.memory_space<hbm>> -> memref<128x64xf32, #tpu.memory_space<hbm>>
    tpu.enqueue_dma source(%arg15 : memref<128x64xf32, #tpu.memory_space<vmem>>) target(%dma_start3A_772 : memref<128x64xf32, #tpu.memory_space<hbm>>) target_semaphore(%arg35 : memref<!tpu.dma_semaphore, #tpu.memory_space<semaphore_mem>>)
    %add3A_773 = arith.constant 3072 : i32
    %add3A_774 = arith.addi %mul3A_2, %add3A_773 : i32
    %dma_wait3A_775 = arith.constant 0 : i32
    %dma_wait3A_776 = tpu.memref_slice %arg4[%add3A_774, %dma_wait3A_775] : memref<204800x64xf32, #tpu.memory_space<hbm>> -> memref<128x64xf32, #tpu.memory_space<hbm>>
    %dma_wait3A_777 = arith.constant 0 : i32
    %dma_wait3A_778 = tpu.memref_slice %arg4[%add3A_774, %dma_wait3A_777] : memref<204800x64xf32, #tpu.memory_space<hbm>> -> memref<128x64xf32, #tpu.memory_space<hbm>>
    tpu.wait_dma2 semaphore(%arg30 : memref<!tpu.dma_semaphore, #tpu.memory_space<semaphore_mem>>) src(%arg10 : memref<128x64xf32, #tpu.memory_space<vmem>>) dst(%dma_wait3A_778 : memref<128x64xf32, #tpu.memory_space<hbm>>)
    %dma_start3A_779 = arith.constant 34 : i32
    %dma_start3A_780 = arith.constant 0 : i32
    %dma_start3A_781 = tpu.memref_slice %arg5[%dma_start3A_779, %dma_start3A_780] : memref<50x128xi32, #tpu.memory_space<vmem>> -> memref<1x128xi32, #tpu.memory_space<vmem>>
    %dma_start3A_782 = tpu.memref_squeeze %dma_start3A_781 : memref<1x128xi32, #tpu.memory_space<vmem>> -> memref<128xi32, #tpu.memory_space<vmem>>
    %dma_start3A_783 = arith.constant 0 : i32
    %dma_start3A_784 = arith.constant 0 : i32
    %dma_start3A_785 = tpu.memref_slice %arg3[%dma_start3A_783, %dma_start3A_784] : memref<1000000x64xf32, #tpu.memory_space<hbm>> -> memref<1000000x64xf32, #tpu.memory_space<hbm>>
    tpu.enqueue_indirect_dma source(%dma_start3A_785 : memref<1000000x64xf32, #tpu.memory_space<hbm>>) target(%arg10 : memref<128x64xf32, #tpu.memory_space<vmem>>) offsets(%dma_start3A_782 : memref<128xi32, #tpu.memory_space<vmem>>) semaphore(%arg20 : memref<!tpu.dma_semaphore, #tpu.memory_space<semaphore_mem>>)
    %dma_wait3A_786 = arith.constant 30 : i32
    %dma_wait3A_787 = arith.constant 0 : i32
    %dma_wait3A_788 = tpu.memref_slice %arg5[%dma_wait3A_786, %dma_wait3A_787] : memref<50x128xi32, #tpu.memory_space<vmem>> -> memref<1x128xi32, #tpu.memory_space<vmem>>
    %dma_wait3A_789 = tpu.memref_squeeze %dma_wait3A_788 : memref<1x128xi32, #tpu.memory_space<vmem>> -> memref<128xi32, #tpu.memory_space<vmem>>
    %dma_wait3A_790 = arith.constant 0 : i32
    %dma_wait3A_791 = arith.constant 0 : i32
    %dma_wait3A_792 = tpu.memref_slice %arg3[%dma_wait3A_790, %dma_wait3A_791] : memref<1000000x64xf32, #tpu.memory_space<hbm>> -> memref<1000000x64xf32, #tpu.memory_space<hbm>>
    tpu.wait_indirect_dma semaphore(%arg16 : memref<!tpu.dma_semaphore, #tpu.memory_space<semaphore_mem>>) src(%dma_wait3A_792 : memref<1000000x64xf32, #tpu.memory_space<hbm>>) dst(%arg6 : memref<128x64xf32, #tpu.memory_space<vmem>>)
    %add3A_793 = arith.constant 3840 : i32
    %add3A_794 = arith.addi %mul3A_2, %add3A_793 : i32
    %dma_start3A_795 = arith.constant 0 : i32
    %dma_start3A_796 = tpu.memref_slice %arg4[%add3A_794, %dma_start3A_795] : memref<204800x64xf32, #tpu.memory_space<hbm>> -> memref<128x64xf32, #tpu.memory_space<hbm>>
    %dma_start3A_797 = arith.constant 0 : i32
    %dma_start3A_798 = tpu.memref_slice %arg4[%add3A_794, %dma_start3A_797] : memref<204800x64xf32, #tpu.memory_space<hbm>> -> memref<128x64xf32, #tpu.memory_space<hbm>>
    tpu.enqueue_dma source(%arg6 : memref<128x64xf32, #tpu.memory_space<vmem>>) target(%dma_start3A_798 : memref<128x64xf32, #tpu.memory_space<hbm>>) target_semaphore(%arg26 : memref<!tpu.dma_semaphore, #tpu.memory_space<semaphore_mem>>)
    %add3A_799 = arith.constant 3200 : i32
    %add3A_800 = arith.addi %mul3A_2, %add3A_799 : i32
    %dma_wait3A_801 = arith.constant 0 : i32
    %dma_wait3A_802 = tpu.memref_slice %arg4[%add3A_800, %dma_wait3A_801] : memref<204800x64xf32, #tpu.memory_space<hbm>> -> memref<128x64xf32, #tpu.memory_space<hbm>>
    %dma_wait3A_803 = arith.constant 0 : i32
    %dma_wait3A_804 = tpu.memref_slice %arg4[%add3A_800, %dma_wait3A_803] : memref<204800x64xf32, #tpu.memory_space<hbm>> -> memref<128x64xf32, #tpu.memory_space<hbm>>
    tpu.wait_dma2 semaphore(%arg31 : memref<!tpu.dma_semaphore, #tpu.memory_space<semaphore_mem>>) src(%arg11 : memref<128x64xf32, #tpu.memory_space<vmem>>) dst(%dma_wait3A_804 : memref<128x64xf32, #tpu.memory_space<hbm>>)
    %dma_start3A_805 = arith.constant 35 : i32
    %dma_start3A_806 = arith.constant 0 : i32
    %dma_start3A_807 = tpu.memref_slice %arg5[%dma_start3A_805, %dma_start3A_806] : memref<50x128xi32, #tpu.memory_space<vmem>> -> memref<1x128xi32, #tpu.memory_space<vmem>>
    %dma_start3A_808 = tpu.memref_squeeze %dma_start3A_807 : memref<1x128xi32, #tpu.memory_space<vmem>> -> memref<128xi32, #tpu.memory_space<vmem>>
    %dma_start3A_809 = arith.constant 0 : i32
    %dma_start3A_810 = arith.constant 0 : i32
    %dma_start3A_811 = tpu.memref_slice %arg3[%dma_start3A_809, %dma_start3A_810] : memref<1000000x64xf32, #tpu.memory_space<hbm>> -> memref<1000000x64xf32, #tpu.memory_space<hbm>>
    tpu.enqueue_indirect_dma source(%dma_start3A_811 : memref<1000000x64xf32, #tpu.memory_space<hbm>>) target(%arg11 : memref<128x64xf32, #tpu.memory_space<vmem>>) offsets(%dma_start3A_808 : memref<128xi32, #tpu.memory_space<vmem>>) semaphore(%arg21 : memref<!tpu.dma_semaphore, #tpu.memory_space<semaphore_mem>>)
    %dma_wait3A_812 = arith.constant 31 : i32
    %dma_wait3A_813 = arith.constant 0 : i32
    %dma_wait3A_814 = tpu.memref_slice %arg5[%dma_wait3A_812, %dma_wait3A_813] : memref<50x128xi32, #tpu.memory_space<vmem>> -> memref<1x128xi32, #tpu.memory_space<vmem>>
    %dma_wait3A_815 = tpu.memref_squeeze %dma_wait3A_814 : memref<1x128xi32, #tpu.memory_space<vmem>> -> memref<128xi32, #tpu.memory_space<vmem>>
    %dma_wait3A_816 = arith.constant 0 : i32
    %dma_wait3A_817 = arith.constant 0 : i32
    %dma_wait3A_818 = tpu.memref_slice %arg3[%dma_wait3A_816, %dma_wait3A_817] : memref<1000000x64xf32, #tpu.memory_space<hbm>> -> memref<1000000x64xf32, #tpu.memory_space<hbm>>
    tpu.wait_indirect_dma semaphore(%arg17 : memref<!tpu.dma_semaphore, #tpu.memory_space<semaphore_mem>>) src(%dma_wait3A_818 : memref<1000000x64xf32, #tpu.memory_space<hbm>>) dst(%arg7 : memref<128x64xf32, #tpu.memory_space<vmem>>)
    %add3A_819 = arith.constant 3968 : i32
    %add3A_820 = arith.addi %mul3A_2, %add3A_819 : i32
    %dma_start3A_821 = arith.constant 0 : i32
    %dma_start3A_822 = tpu.memref_slice %arg4[%add3A_820, %dma_start3A_821] : memref<204800x64xf32, #tpu.memory_space<hbm>> -> memref<128x64xf32, #tpu.memory_space<hbm>>
    %dma_start3A_823 = arith.constant 0 : i32
    %dma_start3A_824 = tpu.memref_slice %arg4[%add3A_820, %dma_start3A_823] : memref<204800x64xf32, #tpu.memory_space<hbm>> -> memref<128x64xf32, #tpu.memory_space<hbm>>
    tpu.enqueue_dma source(%arg7 : memref<128x64xf32, #tpu.memory_space<vmem>>) target(%dma_start3A_824 : memref<128x64xf32, #tpu.memory_space<hbm>>) target_semaphore(%arg27 : memref<!tpu.dma_semaphore, #tpu.memory_space<semaphore_mem>>)
    %add3A_825 = arith.constant 3328 : i32
    %add3A_826 = arith.addi %mul3A_2, %add3A_825 : i32
    %dma_wait3A_827 = arith.constant 0 : i32
    %dma_wait3A_828 = tpu.memref_slice %arg4[%add3A_826, %dma_wait3A_827] : memref<204800x64xf32, #tpu.memory_space<hbm>> -> memref<128x64xf32, #tpu.memory_space<hbm>>
    %dma_wait3A_829 = arith.constant 0 : i32
    %dma_wait3A_830 = tpu.memref_slice %arg4[%add3A_826, %dma_wait3A_829] : memref<204800x64xf32, #tpu.memory_space<hbm>> -> memref<128x64xf32, #tpu.memory_space<hbm>>
    tpu.wait_dma2 semaphore(%arg32 : memref<!tpu.dma_semaphore, #tpu.memory_space<semaphore_mem>>) src(%arg12 : memref<128x64xf32, #tpu.memory_space<vmem>>) dst(%dma_wait3A_830 : memref<128x64xf32, #tpu.memory_space<hbm>>)
    %dma_start3A_831 = arith.constant 36 : i32
    %dma_start3A_832 = arith.constant 0 : i32
    %dma_start3A_833 = tpu.memref_slice %arg5[%dma_start3A_831, %dma_start3A_832] : memref<50x128xi32, #tpu.memory_space<vmem>> -> memref<1x128xi32, #tpu.memory_space<vmem>>
    %dma_start3A_834 = tpu.memref_squeeze %dma_start3A_833 : memref<1x128xi32, #tpu.memory_space<vmem>> -> memref<128xi32, #tpu.memory_space<vmem>>
    %dma_start3A_835 = arith.constant 0 : i32
    %dma_start3A_836 = arith.constant 0 : i32
    %dma_start3A_837 = tpu.memref_slice %arg3[%dma_start3A_835, %dma_start3A_836] : memref<1000000x64xf32, #tpu.memory_space<hbm>> -> memref<1000000x64xf32, #tpu.memory_space<hbm>>
    tpu.enqueue_indirect_dma source(%dma_start3A_837 : memref<1000000x64xf32, #tpu.memory_space<hbm>>) target(%arg12 : memref<128x64xf32, #tpu.memory_space<vmem>>) offsets(%dma_start3A_834 : memref<128xi32, #tpu.memory_space<vmem>>) semaphore(%arg22 : memref<!tpu.dma_semaphore, #tpu.memory_space<semaphore_mem>>)
    %dma_wait3A_838 = arith.constant 32 : i32
    %dma_wait3A_839 = arith.constant 0 : i32
    %dma_wait3A_840 = tpu.memref_slice %arg5[%dma_wait3A_838, %dma_wait3A_839] : memref<50x128xi32, #tpu.memory_space<vmem>> -> memref<1x128xi32, #tpu.memory_space<vmem>>
    %dma_wait3A_841 = tpu.memref_squeeze %dma_wait3A_840 : memref<1x128xi32, #tpu.memory_space<vmem>> -> memref<128xi32, #tpu.memory_space<vmem>>
    %dma_wait3A_842 = arith.constant 0 : i32
    %dma_wait3A_843 = arith.constant 0 : i32
    %dma_wait3A_844 = tpu.memref_slice %arg3[%dma_wait3A_842, %dma_wait3A_843] : memref<1000000x64xf32, #tpu.memory_space<hbm>> -> memref<1000000x64xf32, #tpu.memory_space<hbm>>
    tpu.wait_indirect_dma semaphore(%arg18 : memref<!tpu.dma_semaphore, #tpu.memory_space<semaphore_mem>>) src(%dma_wait3A_844 : memref<1000000x64xf32, #tpu.memory_space<hbm>>) dst(%arg8 : memref<128x64xf32, #tpu.memory_space<vmem>>)
    %add3A_845 = arith.constant 4096 : i32
    %add3A_846 = arith.addi %mul3A_2, %add3A_845 : i32
    %dma_start3A_847 = arith.constant 0 : i32
    %dma_start3A_848 = tpu.memref_slice %arg4[%add3A_846, %dma_start3A_847] : memref<204800x64xf32, #tpu.memory_space<hbm>> -> memref<128x64xf32, #tpu.memory_space<hbm>>
    %dma_start3A_849 = arith.constant 0 : i32
    %dma_start3A_850 = tpu.memref_slice %arg4[%add3A_846, %dma_start3A_849] : memref<204800x64xf32, #tpu.memory_space<hbm>> -> memref<128x64xf32, #tpu.memory_space<hbm>>
    tpu.enqueue_dma source(%arg8 : memref<128x64xf32, #tpu.memory_space<vmem>>) target(%dma_start3A_850 : memref<128x64xf32, #tpu.memory_space<hbm>>) target_semaphore(%arg28 : memref<!tpu.dma_semaphore, #tpu.memory_space<semaphore_mem>>)
    %add3A_851 = arith.constant 3456 : i32
    %add3A_852 = arith.addi %mul3A_2, %add3A_851 : i32
    %dma_wait3A_853 = arith.constant 0 : i32
    %dma_wait3A_854 = tpu.memref_slice %arg4[%add3A_852, %dma_wait3A_853] : memref<204800x64xf32, #tpu.memory_space<hbm>> -> memref<128x64xf32, #tpu.memory_space<hbm>>
    %dma_wait3A_855 = arith.constant 0 : i32
    %dma_wait3A_856 = tpu.memref_slice %arg4[%add3A_852, %dma_wait3A_855] : memref<204800x64xf32, #tpu.memory_space<hbm>> -> memref<128x64xf32, #tpu.memory_space<hbm>>
    tpu.wait_dma2 semaphore(%arg33 : memref<!tpu.dma_semaphore, #tpu.memory_space<semaphore_mem>>) src(%arg13 : memref<128x64xf32, #tpu.memory_space<vmem>>) dst(%dma_wait3A_856 : memref<128x64xf32, #tpu.memory_space<hbm>>)
    %dma_start3A_857 = arith.constant 37 : i32
    %dma_start3A_858 = arith.constant 0 : i32
    %dma_start3A_859 = tpu.memref_slice %arg5[%dma_start3A_857, %dma_start3A_858] : memref<50x128xi32, #tpu.memory_space<vmem>> -> memref<1x128xi32, #tpu.memory_space<vmem>>
    %dma_start3A_860 = tpu.memref_squeeze %dma_start3A_859 : memref<1x128xi32, #tpu.memory_space<vmem>> -> memref<128xi32, #tpu.memory_space<vmem>>
    %dma_start3A_861 = arith.constant 0 : i32
    %dma_start3A_862 = arith.constant 0 : i32
    %dma_start3A_863 = tpu.memref_slice %arg3[%dma_start3A_861, %dma_start3A_862] : memref<1000000x64xf32, #tpu.memory_space<hbm>> -> memref<1000000x64xf32, #tpu.memory_space<hbm>>
    tpu.enqueue_indirect_dma source(%dma_start3A_863 : memref<1000000x64xf32, #tpu.memory_space<hbm>>) target(%arg13 : memref<128x64xf32, #tpu.memory_space<vmem>>) offsets(%dma_start3A_860 : memref<128xi32, #tpu.memory_space<vmem>>) semaphore(%arg23 : memref<!tpu.dma_semaphore, #tpu.memory_space<semaphore_mem>>)
    %dma_wait3A_864 = arith.constant 33 : i32
    %dma_wait3A_865 = arith.constant 0 : i32
    %dma_wait3A_866 = tpu.memref_slice %arg5[%dma_wait3A_864, %dma_wait3A_865] : memref<50x128xi32, #tpu.memory_space<vmem>> -> memref<1x128xi32, #tpu.memory_space<vmem>>
    %dma_wait3A_867 = tpu.memref_squeeze %dma_wait3A_866 : memref<1x128xi32, #tpu.memory_space<vmem>> -> memref<128xi32, #tpu.memory_space<vmem>>
    %dma_wait3A_868 = arith.constant 0 : i32
    %dma_wait3A_869 = arith.constant 0 : i32
    %dma_wait3A_870 = tpu.memref_slice %arg3[%dma_wait3A_868, %dma_wait3A_869] : memref<1000000x64xf32, #tpu.memory_space<hbm>> -> memref<1000000x64xf32, #tpu.memory_space<hbm>>
    tpu.wait_indirect_dma semaphore(%arg19 : memref<!tpu.dma_semaphore, #tpu.memory_space<semaphore_mem>>) src(%dma_wait3A_870 : memref<1000000x64xf32, #tpu.memory_space<hbm>>) dst(%arg9 : memref<128x64xf32, #tpu.memory_space<vmem>>)
    %add3A_871 = arith.constant 4224 : i32
    %add3A_872 = arith.addi %mul3A_2, %add3A_871 : i32
    %dma_start3A_873 = arith.constant 0 : i32
    %dma_start3A_874 = tpu.memref_slice %arg4[%add3A_872, %dma_start3A_873] : memref<204800x64xf32, #tpu.memory_space<hbm>> -> memref<128x64xf32, #tpu.memory_space<hbm>>
    %dma_start3A_875 = arith.constant 0 : i32
    %dma_start3A_876 = tpu.memref_slice %arg4[%add3A_872, %dma_start3A_875] : memref<204800x64xf32, #tpu.memory_space<hbm>> -> memref<128x64xf32, #tpu.memory_space<hbm>>
    tpu.enqueue_dma source(%arg9 : memref<128x64xf32, #tpu.memory_space<vmem>>) target(%dma_start3A_876 : memref<128x64xf32, #tpu.memory_space<hbm>>) target_semaphore(%arg29 : memref<!tpu.dma_semaphore, #tpu.memory_space<semaphore_mem>>)
    %add3A_877 = arith.constant 3584 : i32
    %add3A_878 = arith.addi %mul3A_2, %add3A_877 : i32
    %dma_wait3A_879 = arith.constant 0 : i32
    %dma_wait3A_880 = tpu.memref_slice %arg4[%add3A_878, %dma_wait3A_879] : memref<204800x64xf32, #tpu.memory_space<hbm>> -> memref<128x64xf32, #tpu.memory_space<hbm>>
    %dma_wait3A_881 = arith.constant 0 : i32
    %dma_wait3A_882 = tpu.memref_slice %arg4[%add3A_878, %dma_wait3A_881] : memref<204800x64xf32, #tpu.memory_space<hbm>> -> memref<128x64xf32, #tpu.memory_space<hbm>>
    tpu.wait_dma2 semaphore(%arg34 : memref<!tpu.dma_semaphore, #tpu.memory_space<semaphore_mem>>) src(%arg14 : memref<128x64xf32, #tpu.memory_space<vmem>>) dst(%dma_wait3A_882 : memref<128x64xf32, #tpu.memory_space<hbm>>)
    %dma_start3A_883 = arith.constant 38 : i32
    %dma_start3A_884 = arith.constant 0 : i32
    %dma_start3A_885 = tpu.memref_slice %arg5[%dma_start3A_883, %dma_start3A_884] : memref<50x128xi32, #tpu.memory_space<vmem>> -> memref<1x128xi32, #tpu.memory_space<vmem>>
    %dma_start3A_886 = tpu.memref_squeeze %dma_start3A_885 : memref<1x128xi32, #tpu.memory_space<vmem>> -> memref<128xi32, #tpu.memory_space<vmem>>
    %dma_start3A_887 = arith.constant 0 : i32
    %dma_start3A_888 = arith.constant 0 : i32
    %dma_start3A_889 = tpu.memref_slice %arg3[%dma_start3A_887, %dma_start3A_888] : memref<1000000x64xf32, #tpu.memory_space<hbm>> -> memref<1000000x64xf32, #tpu.memory_space<hbm>>
    tpu.enqueue_indirect_dma source(%dma_start3A_889 : memref<1000000x64xf32, #tpu.memory_space<hbm>>) target(%arg14 : memref<128x64xf32, #tpu.memory_space<vmem>>) offsets(%dma_start3A_886 : memref<128xi32, #tpu.memory_space<vmem>>) semaphore(%arg24 : memref<!tpu.dma_semaphore, #tpu.memory_space<semaphore_mem>>)
    %dma_wait3A_890 = arith.constant 34 : i32
    %dma_wait3A_891 = arith.constant 0 : i32
    %dma_wait3A_892 = tpu.memref_slice %arg5[%dma_wait3A_890, %dma_wait3A_891] : memref<50x128xi32, #tpu.memory_space<vmem>> -> memref<1x128xi32, #tpu.memory_space<vmem>>
    %dma_wait3A_893 = tpu.memref_squeeze %dma_wait3A_892 : memref<1x128xi32, #tpu.memory_space<vmem>> -> memref<128xi32, #tpu.memory_space<vmem>>
    %dma_wait3A_894 = arith.constant 0 : i32
    %dma_wait3A_895 = arith.constant 0 : i32
    %dma_wait3A_896 = tpu.memref_slice %arg3[%dma_wait3A_894, %dma_wait3A_895] : memref<1000000x64xf32, #tpu.memory_space<hbm>> -> memref<1000000x64xf32, #tpu.memory_space<hbm>>
    tpu.wait_indirect_dma semaphore(%arg20 : memref<!tpu.dma_semaphore, #tpu.memory_space<semaphore_mem>>) src(%dma_wait3A_896 : memref<1000000x64xf32, #tpu.memory_space<hbm>>) dst(%arg10 : memref<128x64xf32, #tpu.memory_space<vmem>>)
    %add3A_897 = arith.constant 4352 : i32
    %add3A_898 = arith.addi %mul3A_2, %add3A_897 : i32
    %dma_start3A_899 = arith.constant 0 : i32
    %dma_start3A_900 = tpu.memref_slice %arg4[%add3A_898, %dma_start3A_899] : memref<204800x64xf32, #tpu.memory_space<hbm>> -> memref<128x64xf32, #tpu.memory_space<hbm>>
    %dma_start3A_901 = arith.constant 0 : i32
    %dma_start3A_902 = tpu.memref_slice %arg4[%add3A_898, %dma_start3A_901] : memref<204800x64xf32, #tpu.memory_space<hbm>> -> memref<128x64xf32, #tpu.memory_space<hbm>>
    tpu.enqueue_dma source(%arg10 : memref<128x64xf32, #tpu.memory_space<vmem>>) target(%dma_start3A_902 : memref<128x64xf32, #tpu.memory_space<hbm>>) target_semaphore(%arg30 : memref<!tpu.dma_semaphore, #tpu.memory_space<semaphore_mem>>)
    %add3A_903 = arith.constant 3712 : i32
    %add3A_904 = arith.addi %mul3A_2, %add3A_903 : i32
    %dma_wait3A_905 = arith.constant 0 : i32
    %dma_wait3A_906 = tpu.memref_slice %arg4[%add3A_904, %dma_wait3A_905] : memref<204800x64xf32, #tpu.memory_space<hbm>> -> memref<128x64xf32, #tpu.memory_space<hbm>>
    %dma_wait3A_907 = arith.constant 0 : i32
    %dma_wait3A_908 = tpu.memref_slice %arg4[%add3A_904, %dma_wait3A_907] : memref<204800x64xf32, #tpu.memory_space<hbm>> -> memref<128x64xf32, #tpu.memory_space<hbm>>
    tpu.wait_dma2 semaphore(%arg35 : memref<!tpu.dma_semaphore, #tpu.memory_space<semaphore_mem>>) src(%arg15 : memref<128x64xf32, #tpu.memory_space<vmem>>) dst(%dma_wait3A_908 : memref<128x64xf32, #tpu.memory_space<hbm>>)
    %dma_start3A_909 = arith.constant 39 : i32
    %dma_start3A_910 = arith.constant 0 : i32
    %dma_start3A_911 = tpu.memref_slice %arg5[%dma_start3A_909, %dma_start3A_910] : memref<50x128xi32, #tpu.memory_space<vmem>> -> memref<1x128xi32, #tpu.memory_space<vmem>>
    %dma_start3A_912 = tpu.memref_squeeze %dma_start3A_911 : memref<1x128xi32, #tpu.memory_space<vmem>> -> memref<128xi32, #tpu.memory_space<vmem>>
    %dma_start3A_913 = arith.constant 0 : i32
    %dma_start3A_914 = arith.constant 0 : i32
    %dma_start3A_915 = tpu.memref_slice %arg3[%dma_start3A_913, %dma_start3A_914] : memref<1000000x64xf32, #tpu.memory_space<hbm>> -> memref<1000000x64xf32, #tpu.memory_space<hbm>>
    tpu.enqueue_indirect_dma source(%dma_start3A_915 : memref<1000000x64xf32, #tpu.memory_space<hbm>>) target(%arg15 : memref<128x64xf32, #tpu.memory_space<vmem>>) offsets(%dma_start3A_912 : memref<128xi32, #tpu.memory_space<vmem>>) semaphore(%arg25 : memref<!tpu.dma_semaphore, #tpu.memory_space<semaphore_mem>>)
    %dma_wait3A_916 = arith.constant 35 : i32
    %dma_wait3A_917 = arith.constant 0 : i32
    %dma_wait3A_918 = tpu.memref_slice %arg5[%dma_wait3A_916, %dma_wait3A_917] : memref<50x128xi32, #tpu.memory_space<vmem>> -> memref<1x128xi32, #tpu.memory_space<vmem>>
    %dma_wait3A_919 = tpu.memref_squeeze %dma_wait3A_918 : memref<1x128xi32, #tpu.memory_space<vmem>> -> memref<128xi32, #tpu.memory_space<vmem>>
    %dma_wait3A_920 = arith.constant 0 : i32
    %dma_wait3A_921 = arith.constant 0 : i32
    %dma_wait3A_922 = tpu.memref_slice %arg3[%dma_wait3A_920, %dma_wait3A_921] : memref<1000000x64xf32, #tpu.memory_space<hbm>> -> memref<1000000x64xf32, #tpu.memory_space<hbm>>
    tpu.wait_indirect_dma semaphore(%arg21 : memref<!tpu.dma_semaphore, #tpu.memory_space<semaphore_mem>>) src(%dma_wait3A_922 : memref<1000000x64xf32, #tpu.memory_space<hbm>>) dst(%arg11 : memref<128x64xf32, #tpu.memory_space<vmem>>)
    %add3A_923 = arith.constant 4480 : i32
    %add3A_924 = arith.addi %mul3A_2, %add3A_923 : i32
    %dma_start3A_925 = arith.constant 0 : i32
    %dma_start3A_926 = tpu.memref_slice %arg4[%add3A_924, %dma_start3A_925] : memref<204800x64xf32, #tpu.memory_space<hbm>> -> memref<128x64xf32, #tpu.memory_space<hbm>>
    %dma_start3A_927 = arith.constant 0 : i32
    %dma_start3A_928 = tpu.memref_slice %arg4[%add3A_924, %dma_start3A_927] : memref<204800x64xf32, #tpu.memory_space<hbm>> -> memref<128x64xf32, #tpu.memory_space<hbm>>
    tpu.enqueue_dma source(%arg11 : memref<128x64xf32, #tpu.memory_space<vmem>>) target(%dma_start3A_928 : memref<128x64xf32, #tpu.memory_space<hbm>>) target_semaphore(%arg31 : memref<!tpu.dma_semaphore, #tpu.memory_space<semaphore_mem>>)
    %add3A_929 = arith.constant 3840 : i32
    %add3A_930 = arith.addi %mul3A_2, %add3A_929 : i32
    %dma_wait3A_931 = arith.constant 0 : i32
    %dma_wait3A_932 = tpu.memref_slice %arg4[%add3A_930, %dma_wait3A_931] : memref<204800x64xf32, #tpu.memory_space<hbm>> -> memref<128x64xf32, #tpu.memory_space<hbm>>
    %dma_wait3A_933 = arith.constant 0 : i32
    %dma_wait3A_934 = tpu.memref_slice %arg4[%add3A_930, %dma_wait3A_933] : memref<204800x64xf32, #tpu.memory_space<hbm>> -> memref<128x64xf32, #tpu.memory_space<hbm>>
    tpu.wait_dma2 semaphore(%arg26 : memref<!tpu.dma_semaphore, #tpu.memory_space<semaphore_mem>>) src(%arg6 : memref<128x64xf32, #tpu.memory_space<vmem>>) dst(%dma_wait3A_934 : memref<128x64xf32, #tpu.memory_space<hbm>>)
    %dma_start3A_935 = arith.constant 40 : i32
    %dma_start3A_936 = arith.constant 0 : i32
    %dma_start3A_937 = tpu.memref_slice %arg5[%dma_start3A_935, %dma_start3A_936] : memref<50x128xi32, #tpu.memory_space<vmem>> -> memref<1x128xi32, #tpu.memory_space<vmem>>
    %dma_start3A_938 = tpu.memref_squeeze %dma_start3A_937 : memref<1x128xi32, #tpu.memory_space<vmem>> -> memref<128xi32, #tpu.memory_space<vmem>>
    %dma_start3A_939 = arith.constant 0 : i32
    %dma_start3A_940 = arith.constant 0 : i32
    %dma_start3A_941 = tpu.memref_slice %arg3[%dma_start3A_939, %dma_start3A_940] : memref<1000000x64xf32, #tpu.memory_space<hbm>> -> memref<1000000x64xf32, #tpu.memory_space<hbm>>
    tpu.enqueue_indirect_dma source(%dma_start3A_941 : memref<1000000x64xf32, #tpu.memory_space<hbm>>) target(%arg6 : memref<128x64xf32, #tpu.memory_space<vmem>>) offsets(%dma_start3A_938 : memref<128xi32, #tpu.memory_space<vmem>>) semaphore(%arg16 : memref<!tpu.dma_semaphore, #tpu.memory_space<semaphore_mem>>)
    %dma_wait3A_942 = arith.constant 36 : i32
    %dma_wait3A_943 = arith.constant 0 : i32
    %dma_wait3A_944 = tpu.memref_slice %arg5[%dma_wait3A_942, %dma_wait3A_943] : memref<50x128xi32, #tpu.memory_space<vmem>> -> memref<1x128xi32, #tpu.memory_space<vmem>>
    %dma_wait3A_945 = tpu.memref_squeeze %dma_wait3A_944 : memref<1x128xi32, #tpu.memory_space<vmem>> -> memref<128xi32, #tpu.memory_space<vmem>>
    %dma_wait3A_946 = arith.constant 0 : i32
    %dma_wait3A_947 = arith.constant 0 : i32
    %dma_wait3A_948 = tpu.memref_slice %arg3[%dma_wait3A_946, %dma_wait3A_947] : memref<1000000x64xf32, #tpu.memory_space<hbm>> -> memref<1000000x64xf32, #tpu.memory_space<hbm>>
    tpu.wait_indirect_dma semaphore(%arg22 : memref<!tpu.dma_semaphore, #tpu.memory_space<semaphore_mem>>) src(%dma_wait3A_948 : memref<1000000x64xf32, #tpu.memory_space<hbm>>) dst(%arg12 : memref<128x64xf32, #tpu.memory_space<vmem>>)
    %add3A_949 = arith.constant 4608 : i32
    %add3A_950 = arith.addi %mul3A_2, %add3A_949 : i32
    %dma_start3A_951 = arith.constant 0 : i32
    %dma_start3A_952 = tpu.memref_slice %arg4[%add3A_950, %dma_start3A_951] : memref<204800x64xf32, #tpu.memory_space<hbm>> -> memref<128x64xf32, #tpu.memory_space<hbm>>
    %dma_start3A_953 = arith.constant 0 : i32
    %dma_start3A_954 = tpu.memref_slice %arg4[%add3A_950, %dma_start3A_953] : memref<204800x64xf32, #tpu.memory_space<hbm>> -> memref<128x64xf32, #tpu.memory_space<hbm>>
    tpu.enqueue_dma source(%arg12 : memref<128x64xf32, #tpu.memory_space<vmem>>) target(%dma_start3A_954 : memref<128x64xf32, #tpu.memory_space<hbm>>) target_semaphore(%arg32 : memref<!tpu.dma_semaphore, #tpu.memory_space<semaphore_mem>>)
    %add3A_955 = arith.constant 3968 : i32
    %add3A_956 = arith.addi %mul3A_2, %add3A_955 : i32
    %dma_wait3A_957 = arith.constant 0 : i32
    %dma_wait3A_958 = tpu.memref_slice %arg4[%add3A_956, %dma_wait3A_957] : memref<204800x64xf32, #tpu.memory_space<hbm>> -> memref<128x64xf32, #tpu.memory_space<hbm>>
    %dma_wait3A_959 = arith.constant 0 : i32
    %dma_wait3A_960 = tpu.memref_slice %arg4[%add3A_956, %dma_wait3A_959] : memref<204800x64xf32, #tpu.memory_space<hbm>> -> memref<128x64xf32, #tpu.memory_space<hbm>>
    tpu.wait_dma2 semaphore(%arg27 : memref<!tpu.dma_semaphore, #tpu.memory_space<semaphore_mem>>) src(%arg7 : memref<128x64xf32, #tpu.memory_space<vmem>>) dst(%dma_wait3A_960 : memref<128x64xf32, #tpu.memory_space<hbm>>)
    %dma_start3A_961 = arith.constant 41 : i32
    %dma_start3A_962 = arith.constant 0 : i32
    %dma_start3A_963 = tpu.memref_slice %arg5[%dma_start3A_961, %dma_start3A_962] : memref<50x128xi32, #tpu.memory_space<vmem>> -> memref<1x128xi32, #tpu.memory_space<vmem>>
    %dma_start3A_964 = tpu.memref_squeeze %dma_start3A_963 : memref<1x128xi32, #tpu.memory_space<vmem>> -> memref<128xi32, #tpu.memory_space<vmem>>
    %dma_start3A_965 = arith.constant 0 : i32
    %dma_start3A_966 = arith.constant 0 : i32
    %dma_start3A_967 = tpu.memref_slice %arg3[%dma_start3A_965, %dma_start3A_966] : memref<1000000x64xf32, #tpu.memory_space<hbm>> -> memref<1000000x64xf32, #tpu.memory_space<hbm>>
    tpu.enqueue_indirect_dma source(%dma_start3A_967 : memref<1000000x64xf32, #tpu.memory_space<hbm>>) target(%arg7 : memref<128x64xf32, #tpu.memory_space<vmem>>) offsets(%dma_start3A_964 : memref<128xi32, #tpu.memory_space<vmem>>) semaphore(%arg17 : memref<!tpu.dma_semaphore, #tpu.memory_space<semaphore_mem>>)
    %dma_wait3A_968 = arith.constant 37 : i32
    %dma_wait3A_969 = arith.constant 0 : i32
    %dma_wait3A_970 = tpu.memref_slice %arg5[%dma_wait3A_968, %dma_wait3A_969] : memref<50x128xi32, #tpu.memory_space<vmem>> -> memref<1x128xi32, #tpu.memory_space<vmem>>
    %dma_wait3A_971 = tpu.memref_squeeze %dma_wait3A_970 : memref<1x128xi32, #tpu.memory_space<vmem>> -> memref<128xi32, #tpu.memory_space<vmem>>
    %dma_wait3A_972 = arith.constant 0 : i32
    %dma_wait3A_973 = arith.constant 0 : i32
    %dma_wait3A_974 = tpu.memref_slice %arg3[%dma_wait3A_972, %dma_wait3A_973] : memref<1000000x64xf32, #tpu.memory_space<hbm>> -> memref<1000000x64xf32, #tpu.memory_space<hbm>>
    tpu.wait_indirect_dma semaphore(%arg23 : memref<!tpu.dma_semaphore, #tpu.memory_space<semaphore_mem>>) src(%dma_wait3A_974 : memref<1000000x64xf32, #tpu.memory_space<hbm>>) dst(%arg13 : memref<128x64xf32, #tpu.memory_space<vmem>>)
    %add3A_975 = arith.constant 4736 : i32
    %add3A_976 = arith.addi %mul3A_2, %add3A_975 : i32
    %dma_start3A_977 = arith.constant 0 : i32
    %dma_start3A_978 = tpu.memref_slice %arg4[%add3A_976, %dma_start3A_977] : memref<204800x64xf32, #tpu.memory_space<hbm>> -> memref<128x64xf32, #tpu.memory_space<hbm>>
    %dma_start3A_979 = arith.constant 0 : i32
    %dma_start3A_980 = tpu.memref_slice %arg4[%add3A_976, %dma_start3A_979] : memref<204800x64xf32, #tpu.memory_space<hbm>> -> memref<128x64xf32, #tpu.memory_space<hbm>>
    tpu.enqueue_dma source(%arg13 : memref<128x64xf32, #tpu.memory_space<vmem>>) target(%dma_start3A_980 : memref<128x64xf32, #tpu.memory_space<hbm>>) target_semaphore(%arg33 : memref<!tpu.dma_semaphore, #tpu.memory_space<semaphore_mem>>)
    %add3A_981 = arith.constant 4096 : i32
    %add3A_982 = arith.addi %mul3A_2, %add3A_981 : i32
    %dma_wait3A_983 = arith.constant 0 : i32
    %dma_wait3A_984 = tpu.memref_slice %arg4[%add3A_982, %dma_wait3A_983] : memref<204800x64xf32, #tpu.memory_space<hbm>> -> memref<128x64xf32, #tpu.memory_space<hbm>>
    %dma_wait3A_985 = arith.constant 0 : i32
    %dma_wait3A_986 = tpu.memref_slice %arg4[%add3A_982, %dma_wait3A_985] : memref<204800x64xf32, #tpu.memory_space<hbm>> -> memref<128x64xf32, #tpu.memory_space<hbm>>
    tpu.wait_dma2 semaphore(%arg28 : memref<!tpu.dma_semaphore, #tpu.memory_space<semaphore_mem>>) src(%arg8 : memref<128x64xf32, #tpu.memory_space<vmem>>) dst(%dma_wait3A_986 : memref<128x64xf32, #tpu.memory_space<hbm>>)
    %dma_start3A_987 = arith.constant 42 : i32
    %dma_start3A_988 = arith.constant 0 : i32
    %dma_start3A_989 = tpu.memref_slice %arg5[%dma_start3A_987, %dma_start3A_988] : memref<50x128xi32, #tpu.memory_space<vmem>> -> memref<1x128xi32, #tpu.memory_space<vmem>>
    %dma_start3A_990 = tpu.memref_squeeze %dma_start3A_989 : memref<1x128xi32, #tpu.memory_space<vmem>> -> memref<128xi32, #tpu.memory_space<vmem>>
    %dma_start3A_991 = arith.constant 0 : i32
    %dma_start3A_992 = arith.constant 0 : i32
    %dma_start3A_993 = tpu.memref_slice %arg3[%dma_start3A_991, %dma_start3A_992] : memref<1000000x64xf32, #tpu.memory_space<hbm>> -> memref<1000000x64xf32, #tpu.memory_space<hbm>>
    tpu.enqueue_indirect_dma source(%dma_start3A_993 : memref<1000000x64xf32, #tpu.memory_space<hbm>>) target(%arg8 : memref<128x64xf32, #tpu.memory_space<vmem>>) offsets(%dma_start3A_990 : memref<128xi32, #tpu.memory_space<vmem>>) semaphore(%arg18 : memref<!tpu.dma_semaphore, #tpu.memory_space<semaphore_mem>>)
    %dma_wait3A_994 = arith.constant 38 : i32
    %dma_wait3A_995 = arith.constant 0 : i32
    %dma_wait3A_996 = tpu.memref_slice %arg5[%dma_wait3A_994, %dma_wait3A_995] : memref<50x128xi32, #tpu.memory_space<vmem>> -> memref<1x128xi32, #tpu.memory_space<vmem>>
    %dma_wait3A_997 = tpu.memref_squeeze %dma_wait3A_996 : memref<1x128xi32, #tpu.memory_space<vmem>> -> memref<128xi32, #tpu.memory_space<vmem>>
    %dma_wait3A_998 = arith.constant 0 : i32
    %dma_wait3A_999 = arith.constant 0 : i32
    %dma_wait3A_1000 = tpu.memref_slice %arg3[%dma_wait3A_998, %dma_wait3A_999] : memref<1000000x64xf32, #tpu.memory_space<hbm>> -> memref<1000000x64xf32, #tpu.memory_space<hbm>>
    tpu.wait_indirect_dma semaphore(%arg24 : memref<!tpu.dma_semaphore, #tpu.memory_space<semaphore_mem>>) src(%dma_wait3A_1000 : memref<1000000x64xf32, #tpu.memory_space<hbm>>) dst(%arg14 : memref<128x64xf32, #tpu.memory_space<vmem>>)
    %add3A_1001 = arith.constant 4864 : i32
    %add3A_1002 = arith.addi %mul3A_2, %add3A_1001 : i32
    %dma_start3A_1003 = arith.constant 0 : i32
    %dma_start3A_1004 = tpu.memref_slice %arg4[%add3A_1002, %dma_start3A_1003] : memref<204800x64xf32, #tpu.memory_space<hbm>> -> memref<128x64xf32, #tpu.memory_space<hbm>>
    %dma_start3A_1005 = arith.constant 0 : i32
    %dma_start3A_1006 = tpu.memref_slice %arg4[%add3A_1002, %dma_start3A_1005] : memref<204800x64xf32, #tpu.memory_space<hbm>> -> memref<128x64xf32, #tpu.memory_space<hbm>>
    tpu.enqueue_dma source(%arg14 : memref<128x64xf32, #tpu.memory_space<vmem>>) target(%dma_start3A_1006 : memref<128x64xf32, #tpu.memory_space<hbm>>) target_semaphore(%arg34 : memref<!tpu.dma_semaphore, #tpu.memory_space<semaphore_mem>>)
    %add3A_1007 = arith.constant 4224 : i32
    %add3A_1008 = arith.addi %mul3A_2, %add3A_1007 : i32
    %dma_wait3A_1009 = arith.constant 0 : i32
    %dma_wait3A_1010 = tpu.memref_slice %arg4[%add3A_1008, %dma_wait3A_1009] : memref<204800x64xf32, #tpu.memory_space<hbm>> -> memref<128x64xf32, #tpu.memory_space<hbm>>
    %dma_wait3A_1011 = arith.constant 0 : i32
    %dma_wait3A_1012 = tpu.memref_slice %arg4[%add3A_1008, %dma_wait3A_1011] : memref<204800x64xf32, #tpu.memory_space<hbm>> -> memref<128x64xf32, #tpu.memory_space<hbm>>
    tpu.wait_dma2 semaphore(%arg29 : memref<!tpu.dma_semaphore, #tpu.memory_space<semaphore_mem>>) src(%arg9 : memref<128x64xf32, #tpu.memory_space<vmem>>) dst(%dma_wait3A_1012 : memref<128x64xf32, #tpu.memory_space<hbm>>)
    %dma_start3A_1013 = arith.constant 43 : i32
    %dma_start3A_1014 = arith.constant 0 : i32
    %dma_start3A_1015 = tpu.memref_slice %arg5[%dma_start3A_1013, %dma_start3A_1014] : memref<50x128xi32, #tpu.memory_space<vmem>> -> memref<1x128xi32, #tpu.memory_space<vmem>>
    %dma_start3A_1016 = tpu.memref_squeeze %dma_start3A_1015 : memref<1x128xi32, #tpu.memory_space<vmem>> -> memref<128xi32, #tpu.memory_space<vmem>>
    %dma_start3A_1017 = arith.constant 0 : i32
    %dma_start3A_1018 = arith.constant 0 : i32
    %dma_start3A_1019 = tpu.memref_slice %arg3[%dma_start3A_1017, %dma_start3A_1018] : memref<1000000x64xf32, #tpu.memory_space<hbm>> -> memref<1000000x64xf32, #tpu.memory_space<hbm>>
    tpu.enqueue_indirect_dma source(%dma_start3A_1019 : memref<1000000x64xf32, #tpu.memory_space<hbm>>) target(%arg9 : memref<128x64xf32, #tpu.memory_space<vmem>>) offsets(%dma_start3A_1016 : memref<128xi32, #tpu.memory_space<vmem>>) semaphore(%arg19 : memref<!tpu.dma_semaphore, #tpu.memory_space<semaphore_mem>>)
    %dma_wait3A_1020 = arith.constant 39 : i32
    %dma_wait3A_1021 = arith.constant 0 : i32
    %dma_wait3A_1022 = tpu.memref_slice %arg5[%dma_wait3A_1020, %dma_wait3A_1021] : memref<50x128xi32, #tpu.memory_space<vmem>> -> memref<1x128xi32, #tpu.memory_space<vmem>>
    %dma_wait3A_1023 = tpu.memref_squeeze %dma_wait3A_1022 : memref<1x128xi32, #tpu.memory_space<vmem>> -> memref<128xi32, #tpu.memory_space<vmem>>
    %dma_wait3A_1024 = arith.constant 0 : i32
    %dma_wait3A_1025 = arith.constant 0 : i32
    %dma_wait3A_1026 = tpu.memref_slice %arg3[%dma_wait3A_1024, %dma_wait3A_1025] : memref<1000000x64xf32, #tpu.memory_space<hbm>> -> memref<1000000x64xf32, #tpu.memory_space<hbm>>
    tpu.wait_indirect_dma semaphore(%arg25 : memref<!tpu.dma_semaphore, #tpu.memory_space<semaphore_mem>>) src(%dma_wait3A_1026 : memref<1000000x64xf32, #tpu.memory_space<hbm>>) dst(%arg15 : memref<128x64xf32, #tpu.memory_space<vmem>>)
    %add3A_1027 = arith.constant 4992 : i32
    %add3A_1028 = arith.addi %mul3A_2, %add3A_1027 : i32
    %dma_start3A_1029 = arith.constant 0 : i32
    %dma_start3A_1030 = tpu.memref_slice %arg4[%add3A_1028, %dma_start3A_1029] : memref<204800x64xf32, #tpu.memory_space<hbm>> -> memref<128x64xf32, #tpu.memory_space<hbm>>
    %dma_start3A_1031 = arith.constant 0 : i32
    %dma_start3A_1032 = tpu.memref_slice %arg4[%add3A_1028, %dma_start3A_1031] : memref<204800x64xf32, #tpu.memory_space<hbm>> -> memref<128x64xf32, #tpu.memory_space<hbm>>
    tpu.enqueue_dma source(%arg15 : memref<128x64xf32, #tpu.memory_space<vmem>>) target(%dma_start3A_1032 : memref<128x64xf32, #tpu.memory_space<hbm>>) target_semaphore(%arg35 : memref<!tpu.dma_semaphore, #tpu.memory_space<semaphore_mem>>)
    %add3A_1033 = arith.constant 4352 : i32
    %add3A_1034 = arith.addi %mul3A_2, %add3A_1033 : i32
    %dma_wait3A_1035 = arith.constant 0 : i32
    %dma_wait3A_1036 = tpu.memref_slice %arg4[%add3A_1034, %dma_wait3A_1035] : memref<204800x64xf32, #tpu.memory_space<hbm>> -> memref<128x64xf32, #tpu.memory_space<hbm>>
    %dma_wait3A_1037 = arith.constant 0 : i32
    %dma_wait3A_1038 = tpu.memref_slice %arg4[%add3A_1034, %dma_wait3A_1037] : memref<204800x64xf32, #tpu.memory_space<hbm>> -> memref<128x64xf32, #tpu.memory_space<hbm>>
    tpu.wait_dma2 semaphore(%arg30 : memref<!tpu.dma_semaphore, #tpu.memory_space<semaphore_mem>>) src(%arg10 : memref<128x64xf32, #tpu.memory_space<vmem>>) dst(%dma_wait3A_1038 : memref<128x64xf32, #tpu.memory_space<hbm>>)
    %dma_start3A_1039 = arith.constant 44 : i32
    %dma_start3A_1040 = arith.constant 0 : i32
    %dma_start3A_1041 = tpu.memref_slice %arg5[%dma_start3A_1039, %dma_start3A_1040] : memref<50x128xi32, #tpu.memory_space<vmem>> -> memref<1x128xi32, #tpu.memory_space<vmem>>
    %dma_start3A_1042 = tpu.memref_squeeze %dma_start3A_1041 : memref<1x128xi32, #tpu.memory_space<vmem>> -> memref<128xi32, #tpu.memory_space<vmem>>
    %dma_start3A_1043 = arith.constant 0 : i32
    %dma_start3A_1044 = arith.constant 0 : i32
    %dma_start3A_1045 = tpu.memref_slice %arg3[%dma_start3A_1043, %dma_start3A_1044] : memref<1000000x64xf32, #tpu.memory_space<hbm>> -> memref<1000000x64xf32, #tpu.memory_space<hbm>>
    tpu.enqueue_indirect_dma source(%dma_start3A_1045 : memref<1000000x64xf32, #tpu.memory_space<hbm>>) target(%arg10 : memref<128x64xf32, #tpu.memory_space<vmem>>) offsets(%dma_start3A_1042 : memref<128xi32, #tpu.memory_space<vmem>>) semaphore(%arg20 : memref<!tpu.dma_semaphore, #tpu.memory_space<semaphore_mem>>)
    %dma_wait3A_1046 = arith.constant 40 : i32
    %dma_wait3A_1047 = arith.constant 0 : i32
    %dma_wait3A_1048 = tpu.memref_slice %arg5[%dma_wait3A_1046, %dma_wait3A_1047] : memref<50x128xi32, #tpu.memory_space<vmem>> -> memref<1x128xi32, #tpu.memory_space<vmem>>
    %dma_wait3A_1049 = tpu.memref_squeeze %dma_wait3A_1048 : memref<1x128xi32, #tpu.memory_space<vmem>> -> memref<128xi32, #tpu.memory_space<vmem>>
    %dma_wait3A_1050 = arith.constant 0 : i32
    %dma_wait3A_1051 = arith.constant 0 : i32
    %dma_wait3A_1052 = tpu.memref_slice %arg3[%dma_wait3A_1050, %dma_wait3A_1051] : memref<1000000x64xf32, #tpu.memory_space<hbm>> -> memref<1000000x64xf32, #tpu.memory_space<hbm>>
    tpu.wait_indirect_dma semaphore(%arg16 : memref<!tpu.dma_semaphore, #tpu.memory_space<semaphore_mem>>) src(%dma_wait3A_1052 : memref<1000000x64xf32, #tpu.memory_space<hbm>>) dst(%arg6 : memref<128x64xf32, #tpu.memory_space<vmem>>)
    %add3A_1053 = arith.constant 5120 : i32
    %add3A_1054 = arith.addi %mul3A_2, %add3A_1053 : i32
    %dma_start3A_1055 = arith.constant 0 : i32
    %dma_start3A_1056 = tpu.memref_slice %arg4[%add3A_1054, %dma_start3A_1055] : memref<204800x64xf32, #tpu.memory_space<hbm>> -> memref<128x64xf32, #tpu.memory_space<hbm>>
    %dma_start3A_1057 = arith.constant 0 : i32
    %dma_start3A_1058 = tpu.memref_slice %arg4[%add3A_1054, %dma_start3A_1057] : memref<204800x64xf32, #tpu.memory_space<hbm>> -> memref<128x64xf32, #tpu.memory_space<hbm>>
    tpu.enqueue_dma source(%arg6 : memref<128x64xf32, #tpu.memory_space<vmem>>) target(%dma_start3A_1058 : memref<128x64xf32, #tpu.memory_space<hbm>>) target_semaphore(%arg26 : memref<!tpu.dma_semaphore, #tpu.memory_space<semaphore_mem>>)
    %add3A_1059 = arith.constant 4480 : i32
    %add3A_1060 = arith.addi %mul3A_2, %add3A_1059 : i32
    %dma_wait3A_1061 = arith.constant 0 : i32
    %dma_wait3A_1062 = tpu.memref_slice %arg4[%add3A_1060, %dma_wait3A_1061] : memref<204800x64xf32, #tpu.memory_space<hbm>> -> memref<128x64xf32, #tpu.memory_space<hbm>>
    %dma_wait3A_1063 = arith.constant 0 : i32
    %dma_wait3A_1064 = tpu.memref_slice %arg4[%add3A_1060, %dma_wait3A_1063] : memref<204800x64xf32, #tpu.memory_space<hbm>> -> memref<128x64xf32, #tpu.memory_space<hbm>>
    tpu.wait_dma2 semaphore(%arg31 : memref<!tpu.dma_semaphore, #tpu.memory_space<semaphore_mem>>) src(%arg11 : memref<128x64xf32, #tpu.memory_space<vmem>>) dst(%dma_wait3A_1064 : memref<128x64xf32, #tpu.memory_space<hbm>>)
    %dma_start3A_1065 = arith.constant 45 : i32
    %dma_start3A_1066 = arith.constant 0 : i32
    %dma_start3A_1067 = tpu.memref_slice %arg5[%dma_start3A_1065, %dma_start3A_1066] : memref<50x128xi32, #tpu.memory_space<vmem>> -> memref<1x128xi32, #tpu.memory_space<vmem>>
    %dma_start3A_1068 = tpu.memref_squeeze %dma_start3A_1067 : memref<1x128xi32, #tpu.memory_space<vmem>> -> memref<128xi32, #tpu.memory_space<vmem>>
    %dma_start3A_1069 = arith.constant 0 : i32
    %dma_start3A_1070 = arith.constant 0 : i32
    %dma_start3A_1071 = tpu.memref_slice %arg3[%dma_start3A_1069, %dma_start3A_1070] : memref<1000000x64xf32, #tpu.memory_space<hbm>> -> memref<1000000x64xf32, #tpu.memory_space<hbm>>
    tpu.enqueue_indirect_dma source(%dma_start3A_1071 : memref<1000000x64xf32, #tpu.memory_space<hbm>>) target(%arg11 : memref<128x64xf32, #tpu.memory_space<vmem>>) offsets(%dma_start3A_1068 : memref<128xi32, #tpu.memory_space<vmem>>) semaphore(%arg21 : memref<!tpu.dma_semaphore, #tpu.memory_space<semaphore_mem>>)
    %dma_wait3A_1072 = arith.constant 41 : i32
    %dma_wait3A_1073 = arith.constant 0 : i32
    %dma_wait3A_1074 = tpu.memref_slice %arg5[%dma_wait3A_1072, %dma_wait3A_1073] : memref<50x128xi32, #tpu.memory_space<vmem>> -> memref<1x128xi32, #tpu.memory_space<vmem>>
    %dma_wait3A_1075 = tpu.memref_squeeze %dma_wait3A_1074 : memref<1x128xi32, #tpu.memory_space<vmem>> -> memref<128xi32, #tpu.memory_space<vmem>>
    %dma_wait3A_1076 = arith.constant 0 : i32
    %dma_wait3A_1077 = arith.constant 0 : i32
    %dma_wait3A_1078 = tpu.memref_slice %arg3[%dma_wait3A_1076, %dma_wait3A_1077] : memref<1000000x64xf32, #tpu.memory_space<hbm>> -> memref<1000000x64xf32, #tpu.memory_space<hbm>>
    tpu.wait_indirect_dma semaphore(%arg17 : memref<!tpu.dma_semaphore, #tpu.memory_space<semaphore_mem>>) src(%dma_wait3A_1078 : memref<1000000x64xf32, #tpu.memory_space<hbm>>) dst(%arg7 : memref<128x64xf32, #tpu.memory_space<vmem>>)
    %add3A_1079 = arith.constant 5248 : i32
    %add3A_1080 = arith.addi %mul3A_2, %add3A_1079 : i32
    %dma_start3A_1081 = arith.constant 0 : i32
    %dma_start3A_1082 = tpu.memref_slice %arg4[%add3A_1080, %dma_start3A_1081] : memref<204800x64xf32, #tpu.memory_space<hbm>> -> memref<128x64xf32, #tpu.memory_space<hbm>>
    %dma_start3A_1083 = arith.constant 0 : i32
    %dma_start3A_1084 = tpu.memref_slice %arg4[%add3A_1080, %dma_start3A_1083] : memref<204800x64xf32, #tpu.memory_space<hbm>> -> memref<128x64xf32, #tpu.memory_space<hbm>>
    tpu.enqueue_dma source(%arg7 : memref<128x64xf32, #tpu.memory_space<vmem>>) target(%dma_start3A_1084 : memref<128x64xf32, #tpu.memory_space<hbm>>) target_semaphore(%arg27 : memref<!tpu.dma_semaphore, #tpu.memory_space<semaphore_mem>>)
    %add3A_1085 = arith.constant 4608 : i32
    %add3A_1086 = arith.addi %mul3A_2, %add3A_1085 : i32
    %dma_wait3A_1087 = arith.constant 0 : i32
    %dma_wait3A_1088 = tpu.memref_slice %arg4[%add3A_1086, %dma_wait3A_1087] : memref<204800x64xf32, #tpu.memory_space<hbm>> -> memref<128x64xf32, #tpu.memory_space<hbm>>
    %dma_wait3A_1089 = arith.constant 0 : i32
    %dma_wait3A_1090 = tpu.memref_slice %arg4[%add3A_1086, %dma_wait3A_1089] : memref<204800x64xf32, #tpu.memory_space<hbm>> -> memref<128x64xf32, #tpu.memory_space<hbm>>
    tpu.wait_dma2 semaphore(%arg32 : memref<!tpu.dma_semaphore, #tpu.memory_space<semaphore_mem>>) src(%arg12 : memref<128x64xf32, #tpu.memory_space<vmem>>) dst(%dma_wait3A_1090 : memref<128x64xf32, #tpu.memory_space<hbm>>)
    %dma_start3A_1091 = arith.constant 46 : i32
    %dma_start3A_1092 = arith.constant 0 : i32
    %dma_start3A_1093 = tpu.memref_slice %arg5[%dma_start3A_1091, %dma_start3A_1092] : memref<50x128xi32, #tpu.memory_space<vmem>> -> memref<1x128xi32, #tpu.memory_space<vmem>>
    %dma_start3A_1094 = tpu.memref_squeeze %dma_start3A_1093 : memref<1x128xi32, #tpu.memory_space<vmem>> -> memref<128xi32, #tpu.memory_space<vmem>>
    %dma_start3A_1095 = arith.constant 0 : i32
    %dma_start3A_1096 = arith.constant 0 : i32
    %dma_start3A_1097 = tpu.memref_slice %arg3[%dma_start3A_1095, %dma_start3A_1096] : memref<1000000x64xf32, #tpu.memory_space<hbm>> -> memref<1000000x64xf32, #tpu.memory_space<hbm>>
    tpu.enqueue_indirect_dma source(%dma_start3A_1097 : memref<1000000x64xf32, #tpu.memory_space<hbm>>) target(%arg12 : memref<128x64xf32, #tpu.memory_space<vmem>>) offsets(%dma_start3A_1094 : memref<128xi32, #tpu.memory_space<vmem>>) semaphore(%arg22 : memref<!tpu.dma_semaphore, #tpu.memory_space<semaphore_mem>>)
    %dma_wait3A_1098 = arith.constant 42 : i32
    %dma_wait3A_1099 = arith.constant 0 : i32
    %dma_wait3A_1100 = tpu.memref_slice %arg5[%dma_wait3A_1098, %dma_wait3A_1099] : memref<50x128xi32, #tpu.memory_space<vmem>> -> memref<1x128xi32, #tpu.memory_space<vmem>>
    %dma_wait3A_1101 = tpu.memref_squeeze %dma_wait3A_1100 : memref<1x128xi32, #tpu.memory_space<vmem>> -> memref<128xi32, #tpu.memory_space<vmem>>
    %dma_wait3A_1102 = arith.constant 0 : i32
    %dma_wait3A_1103 = arith.constant 0 : i32
    %dma_wait3A_1104 = tpu.memref_slice %arg3[%dma_wait3A_1102, %dma_wait3A_1103] : memref<1000000x64xf32, #tpu.memory_space<hbm>> -> memref<1000000x64xf32, #tpu.memory_space<hbm>>
    tpu.wait_indirect_dma semaphore(%arg18 : memref<!tpu.dma_semaphore, #tpu.memory_space<semaphore_mem>>) src(%dma_wait3A_1104 : memref<1000000x64xf32, #tpu.memory_space<hbm>>) dst(%arg8 : memref<128x64xf32, #tpu.memory_space<vmem>>)
    %add3A_1105 = arith.constant 5376 : i32
    %add3A_1106 = arith.addi %mul3A_2, %add3A_1105 : i32
    %dma_start3A_1107 = arith.constant 0 : i32
    %dma_start3A_1108 = tpu.memref_slice %arg4[%add3A_1106, %dma_start3A_1107] : memref<204800x64xf32, #tpu.memory_space<hbm>> -> memref<128x64xf32, #tpu.memory_space<hbm>>
    %dma_start3A_1109 = arith.constant 0 : i32
    %dma_start3A_1110 = tpu.memref_slice %arg4[%add3A_1106, %dma_start3A_1109] : memref<204800x64xf32, #tpu.memory_space<hbm>> -> memref<128x64xf32, #tpu.memory_space<hbm>>
    tpu.enqueue_dma source(%arg8 : memref<128x64xf32, #tpu.memory_space<vmem>>) target(%dma_start3A_1110 : memref<128x64xf32, #tpu.memory_space<hbm>>) target_semaphore(%arg28 : memref<!tpu.dma_semaphore, #tpu.memory_space<semaphore_mem>>)
    %add3A_1111 = arith.constant 4736 : i32
    %add3A_1112 = arith.addi %mul3A_2, %add3A_1111 : i32
    %dma_wait3A_1113 = arith.constant 0 : i32
    %dma_wait3A_1114 = tpu.memref_slice %arg4[%add3A_1112, %dma_wait3A_1113] : memref<204800x64xf32, #tpu.memory_space<hbm>> -> memref<128x64xf32, #tpu.memory_space<hbm>>
    %dma_wait3A_1115 = arith.constant 0 : i32
    %dma_wait3A_1116 = tpu.memref_slice %arg4[%add3A_1112, %dma_wait3A_1115] : memref<204800x64xf32, #tpu.memory_space<hbm>> -> memref<128x64xf32, #tpu.memory_space<hbm>>
    tpu.wait_dma2 semaphore(%arg33 : memref<!tpu.dma_semaphore, #tpu.memory_space<semaphore_mem>>) src(%arg13 : memref<128x64xf32, #tpu.memory_space<vmem>>) dst(%dma_wait3A_1116 : memref<128x64xf32, #tpu.memory_space<hbm>>)
    %dma_start3A_1117 = arith.constant 47 : i32
    %dma_start3A_1118 = arith.constant 0 : i32
    %dma_start3A_1119 = tpu.memref_slice %arg5[%dma_start3A_1117, %dma_start3A_1118] : memref<50x128xi32, #tpu.memory_space<vmem>> -> memref<1x128xi32, #tpu.memory_space<vmem>>
    %dma_start3A_1120 = tpu.memref_squeeze %dma_start3A_1119 : memref<1x128xi32, #tpu.memory_space<vmem>> -> memref<128xi32, #tpu.memory_space<vmem>>
    %dma_start3A_1121 = arith.constant 0 : i32
    %dma_start3A_1122 = arith.constant 0 : i32
    %dma_start3A_1123 = tpu.memref_slice %arg3[%dma_start3A_1121, %dma_start3A_1122] : memref<1000000x64xf32, #tpu.memory_space<hbm>> -> memref<1000000x64xf32, #tpu.memory_space<hbm>>
    tpu.enqueue_indirect_dma source(%dma_start3A_1123 : memref<1000000x64xf32, #tpu.memory_space<hbm>>) target(%arg13 : memref<128x64xf32, #tpu.memory_space<vmem>>) offsets(%dma_start3A_1120 : memref<128xi32, #tpu.memory_space<vmem>>) semaphore(%arg23 : memref<!tpu.dma_semaphore, #tpu.memory_space<semaphore_mem>>)
    %dma_wait3A_1124 = arith.constant 43 : i32
    %dma_wait3A_1125 = arith.constant 0 : i32
    %dma_wait3A_1126 = tpu.memref_slice %arg5[%dma_wait3A_1124, %dma_wait3A_1125] : memref<50x128xi32, #tpu.memory_space<vmem>> -> memref<1x128xi32, #tpu.memory_space<vmem>>
    %dma_wait3A_1127 = tpu.memref_squeeze %dma_wait3A_1126 : memref<1x128xi32, #tpu.memory_space<vmem>> -> memref<128xi32, #tpu.memory_space<vmem>>
    %dma_wait3A_1128 = arith.constant 0 : i32
    %dma_wait3A_1129 = arith.constant 0 : i32
    %dma_wait3A_1130 = tpu.memref_slice %arg3[%dma_wait3A_1128, %dma_wait3A_1129] : memref<1000000x64xf32, #tpu.memory_space<hbm>> -> memref<1000000x64xf32, #tpu.memory_space<hbm>>
    tpu.wait_indirect_dma semaphore(%arg19 : memref<!tpu.dma_semaphore, #tpu.memory_space<semaphore_mem>>) src(%dma_wait3A_1130 : memref<1000000x64xf32, #tpu.memory_space<hbm>>) dst(%arg9 : memref<128x64xf32, #tpu.memory_space<vmem>>)
    %add3A_1131 = arith.constant 5504 : i32
    %add3A_1132 = arith.addi %mul3A_2, %add3A_1131 : i32
    %dma_start3A_1133 = arith.constant 0 : i32
    %dma_start3A_1134 = tpu.memref_slice %arg4[%add3A_1132, %dma_start3A_1133] : memref<204800x64xf32, #tpu.memory_space<hbm>> -> memref<128x64xf32, #tpu.memory_space<hbm>>
    %dma_start3A_1135 = arith.constant 0 : i32
    %dma_start3A_1136 = tpu.memref_slice %arg4[%add3A_1132, %dma_start3A_1135] : memref<204800x64xf32, #tpu.memory_space<hbm>> -> memref<128x64xf32, #tpu.memory_space<hbm>>
    tpu.enqueue_dma source(%arg9 : memref<128x64xf32, #tpu.memory_space<vmem>>) target(%dma_start3A_1136 : memref<128x64xf32, #tpu.memory_space<hbm>>) target_semaphore(%arg29 : memref<!tpu.dma_semaphore, #tpu.memory_space<semaphore_mem>>)
    %add3A_1137 = arith.constant 4864 : i32
    %add3A_1138 = arith.addi %mul3A_2, %add3A_1137 : i32
    %dma_wait3A_1139 = arith.constant 0 : i32
    %dma_wait3A_1140 = tpu.memref_slice %arg4[%add3A_1138, %dma_wait3A_1139] : memref<204800x64xf32, #tpu.memory_space<hbm>> -> memref<128x64xf32, #tpu.memory_space<hbm>>
    %dma_wait3A_1141 = arith.constant 0 : i32
    %dma_wait3A_1142 = tpu.memref_slice %arg4[%add3A_1138, %dma_wait3A_1141] : memref<204800x64xf32, #tpu.memory_space<hbm>> -> memref<128x64xf32, #tpu.memory_space<hbm>>
    tpu.wait_dma2 semaphore(%arg34 : memref<!tpu.dma_semaphore, #tpu.memory_space<semaphore_mem>>) src(%arg14 : memref<128x64xf32, #tpu.memory_space<vmem>>) dst(%dma_wait3A_1142 : memref<128x64xf32, #tpu.memory_space<hbm>>)
    %dma_start3A_1143 = arith.constant 48 : i32
    %dma_start3A_1144 = arith.constant 0 : i32
    %dma_start3A_1145 = tpu.memref_slice %arg5[%dma_start3A_1143, %dma_start3A_1144] : memref<50x128xi32, #tpu.memory_space<vmem>> -> memref<1x128xi32, #tpu.memory_space<vmem>>
    %dma_start3A_1146 = tpu.memref_squeeze %dma_start3A_1145 : memref<1x128xi32, #tpu.memory_space<vmem>> -> memref<128xi32, #tpu.memory_space<vmem>>
    %dma_start3A_1147 = arith.constant 0 : i32
    %dma_start3A_1148 = arith.constant 0 : i32
    %dma_start3A_1149 = tpu.memref_slice %arg3[%dma_start3A_1147, %dma_start3A_1148] : memref<1000000x64xf32, #tpu.memory_space<hbm>> -> memref<1000000x64xf32, #tpu.memory_space<hbm>>
    tpu.enqueue_indirect_dma source(%dma_start3A_1149 : memref<1000000x64xf32, #tpu.memory_space<hbm>>) target(%arg14 : memref<128x64xf32, #tpu.memory_space<vmem>>) offsets(%dma_start3A_1146 : memref<128xi32, #tpu.memory_space<vmem>>) semaphore(%arg24 : memref<!tpu.dma_semaphore, #tpu.memory_space<semaphore_mem>>)
    %dma_wait3A_1150 = arith.constant 44 : i32
    %dma_wait3A_1151 = arith.constant 0 : i32
    %dma_wait3A_1152 = tpu.memref_slice %arg5[%dma_wait3A_1150, %dma_wait3A_1151] : memref<50x128xi32, #tpu.memory_space<vmem>> -> memref<1x128xi32, #tpu.memory_space<vmem>>
    %dma_wait3A_1153 = tpu.memref_squeeze %dma_wait3A_1152 : memref<1x128xi32, #tpu.memory_space<vmem>> -> memref<128xi32, #tpu.memory_space<vmem>>
    %dma_wait3A_1154 = arith.constant 0 : i32
    %dma_wait3A_1155 = arith.constant 0 : i32
    %dma_wait3A_1156 = tpu.memref_slice %arg3[%dma_wait3A_1154, %dma_wait3A_1155] : memref<1000000x64xf32, #tpu.memory_space<hbm>> -> memref<1000000x64xf32, #tpu.memory_space<hbm>>
    tpu.wait_indirect_dma semaphore(%arg20 : memref<!tpu.dma_semaphore, #tpu.memory_space<semaphore_mem>>) src(%dma_wait3A_1156 : memref<1000000x64xf32, #tpu.memory_space<hbm>>) dst(%arg10 : memref<128x64xf32, #tpu.memory_space<vmem>>)
    %add3A_1157 = arith.constant 5632 : i32
    %add3A_1158 = arith.addi %mul3A_2, %add3A_1157 : i32
    %dma_start3A_1159 = arith.constant 0 : i32
    %dma_start3A_1160 = tpu.memref_slice %arg4[%add3A_1158, %dma_start3A_1159] : memref<204800x64xf32, #tpu.memory_space<hbm>> -> memref<128x64xf32, #tpu.memory_space<hbm>>
    %dma_start3A_1161 = arith.constant 0 : i32
    %dma_start3A_1162 = tpu.memref_slice %arg4[%add3A_1158, %dma_start3A_1161] : memref<204800x64xf32, #tpu.memory_space<hbm>> -> memref<128x64xf32, #tpu.memory_space<hbm>>
    tpu.enqueue_dma source(%arg10 : memref<128x64xf32, #tpu.memory_space<vmem>>) target(%dma_start3A_1162 : memref<128x64xf32, #tpu.memory_space<hbm>>) target_semaphore(%arg30 : memref<!tpu.dma_semaphore, #tpu.memory_space<semaphore_mem>>)
    %add3A_1163 = arith.constant 4992 : i32
    %add3A_1164 = arith.addi %mul3A_2, %add3A_1163 : i32
    %dma_wait3A_1165 = arith.constant 0 : i32
    %dma_wait3A_1166 = tpu.memref_slice %arg4[%add3A_1164, %dma_wait3A_1165] : memref<204800x64xf32, #tpu.memory_space<hbm>> -> memref<128x64xf32, #tpu.memory_space<hbm>>
    %dma_wait3A_1167 = arith.constant 0 : i32
    %dma_wait3A_1168 = tpu.memref_slice %arg4[%add3A_1164, %dma_wait3A_1167] : memref<204800x64xf32, #tpu.memory_space<hbm>> -> memref<128x64xf32, #tpu.memory_space<hbm>>
    tpu.wait_dma2 semaphore(%arg35 : memref<!tpu.dma_semaphore, #tpu.memory_space<semaphore_mem>>) src(%arg15 : memref<128x64xf32, #tpu.memory_space<vmem>>) dst(%dma_wait3A_1168 : memref<128x64xf32, #tpu.memory_space<hbm>>)
    %dma_start3A_1169 = arith.constant 49 : i32
    %dma_start3A_1170 = arith.constant 0 : i32
    %dma_start3A_1171 = tpu.memref_slice %arg5[%dma_start3A_1169, %dma_start3A_1170] : memref<50x128xi32, #tpu.memory_space<vmem>> -> memref<1x128xi32, #tpu.memory_space<vmem>>
    %dma_start3A_1172 = tpu.memref_squeeze %dma_start3A_1171 : memref<1x128xi32, #tpu.memory_space<vmem>> -> memref<128xi32, #tpu.memory_space<vmem>>
    %dma_start3A_1173 = arith.constant 0 : i32
    %dma_start3A_1174 = arith.constant 0 : i32
    %dma_start3A_1175 = tpu.memref_slice %arg3[%dma_start3A_1173, %dma_start3A_1174] : memref<1000000x64xf32, #tpu.memory_space<hbm>> -> memref<1000000x64xf32, #tpu.memory_space<hbm>>
    tpu.enqueue_indirect_dma source(%dma_start3A_1175 : memref<1000000x64xf32, #tpu.memory_space<hbm>>) target(%arg15 : memref<128x64xf32, #tpu.memory_space<vmem>>) offsets(%dma_start3A_1172 : memref<128xi32, #tpu.memory_space<vmem>>) semaphore(%arg25 : memref<!tpu.dma_semaphore, #tpu.memory_space<semaphore_mem>>)
    %dma_wait3A_1176 = arith.constant 45 : i32
    %dma_wait3A_1177 = arith.constant 0 : i32
    %dma_wait3A_1178 = tpu.memref_slice %arg5[%dma_wait3A_1176, %dma_wait3A_1177] : memref<50x128xi32, #tpu.memory_space<vmem>> -> memref<1x128xi32, #tpu.memory_space<vmem>>
    %dma_wait3A_1179 = tpu.memref_squeeze %dma_wait3A_1178 : memref<1x128xi32, #tpu.memory_space<vmem>> -> memref<128xi32, #tpu.memory_space<vmem>>
    %dma_wait3A_1180 = arith.constant 0 : i32
    %dma_wait3A_1181 = arith.constant 0 : i32
    %dma_wait3A_1182 = tpu.memref_slice %arg3[%dma_wait3A_1180, %dma_wait3A_1181] : memref<1000000x64xf32, #tpu.memory_space<hbm>> -> memref<1000000x64xf32, #tpu.memory_space<hbm>>
    tpu.wait_indirect_dma semaphore(%arg21 : memref<!tpu.dma_semaphore, #tpu.memory_space<semaphore_mem>>) src(%dma_wait3A_1182 : memref<1000000x64xf32, #tpu.memory_space<hbm>>) dst(%arg11 : memref<128x64xf32, #tpu.memory_space<vmem>>)
    %add3A_1183 = arith.constant 5760 : i32
    %add3A_1184 = arith.addi %mul3A_2, %add3A_1183 : i32
    %dma_start3A_1185 = arith.constant 0 : i32
    %dma_start3A_1186 = tpu.memref_slice %arg4[%add3A_1184, %dma_start3A_1185] : memref<204800x64xf32, #tpu.memory_space<hbm>> -> memref<128x64xf32, #tpu.memory_space<hbm>>
    %dma_start3A_1187 = arith.constant 0 : i32
    %dma_start3A_1188 = tpu.memref_slice %arg4[%add3A_1184, %dma_start3A_1187] : memref<204800x64xf32, #tpu.memory_space<hbm>> -> memref<128x64xf32, #tpu.memory_space<hbm>>
    tpu.enqueue_dma source(%arg11 : memref<128x64xf32, #tpu.memory_space<vmem>>) target(%dma_start3A_1188 : memref<128x64xf32, #tpu.memory_space<hbm>>) target_semaphore(%arg31 : memref<!tpu.dma_semaphore, #tpu.memory_space<semaphore_mem>>)
    %dma_wait3A_1189 = arith.constant 46 : i32
    %dma_wait3A_1190 = arith.constant 0 : i32
    %dma_wait3A_1191 = tpu.memref_slice %arg5[%dma_wait3A_1189, %dma_wait3A_1190] : memref<50x128xi32, #tpu.memory_space<vmem>> -> memref<1x128xi32, #tpu.memory_space<vmem>>
    %dma_wait3A_1192 = tpu.memref_squeeze %dma_wait3A_1191 : memref<1x128xi32, #tpu.memory_space<vmem>> -> memref<128xi32, #tpu.memory_space<vmem>>
    %dma_wait3A_1193 = arith.constant 0 : i32
    %dma_wait3A_1194 = arith.constant 0 : i32
    %dma_wait3A_1195 = tpu.memref_slice %arg3[%dma_wait3A_1193, %dma_wait3A_1194] : memref<1000000x64xf32, #tpu.memory_space<hbm>> -> memref<1000000x64xf32, #tpu.memory_space<hbm>>
    tpu.wait_indirect_dma semaphore(%arg22 : memref<!tpu.dma_semaphore, #tpu.memory_space<semaphore_mem>>) src(%dma_wait3A_1195 : memref<1000000x64xf32, #tpu.memory_space<hbm>>) dst(%arg12 : memref<128x64xf32, #tpu.memory_space<vmem>>)
    %add3A_1196 = arith.constant 5888 : i32
    %add3A_1197 = arith.addi %mul3A_2, %add3A_1196 : i32
    %dma_start3A_1198 = arith.constant 0 : i32
    %dma_start3A_1199 = tpu.memref_slice %arg4[%add3A_1197, %dma_start3A_1198] : memref<204800x64xf32, #tpu.memory_space<hbm>> -> memref<128x64xf32, #tpu.memory_space<hbm>>
    %dma_start3A_1200 = arith.constant 0 : i32
    %dma_start3A_1201 = tpu.memref_slice %arg4[%add3A_1197, %dma_start3A_1200] : memref<204800x64xf32, #tpu.memory_space<hbm>> -> memref<128x64xf32, #tpu.memory_space<hbm>>
    tpu.enqueue_dma source(%arg12 : memref<128x64xf32, #tpu.memory_space<vmem>>) target(%dma_start3A_1201 : memref<128x64xf32, #tpu.memory_space<hbm>>) target_semaphore(%arg32 : memref<!tpu.dma_semaphore, #tpu.memory_space<semaphore_mem>>)
    %dma_wait3A_1202 = arith.constant 47 : i32
    %dma_wait3A_1203 = arith.constant 0 : i32
    %dma_wait3A_1204 = tpu.memref_slice %arg5[%dma_wait3A_1202, %dma_wait3A_1203] : memref<50x128xi32, #tpu.memory_space<vmem>> -> memref<1x128xi32, #tpu.memory_space<vmem>>
    %dma_wait3A_1205 = tpu.memref_squeeze %dma_wait3A_1204 : memref<1x128xi32, #tpu.memory_space<vmem>> -> memref<128xi32, #tpu.memory_space<vmem>>
    %dma_wait3A_1206 = arith.constant 0 : i32
    %dma_wait3A_1207 = arith.constant 0 : i32
    %dma_wait3A_1208 = tpu.memref_slice %arg3[%dma_wait3A_1206, %dma_wait3A_1207] : memref<1000000x64xf32, #tpu.memory_space<hbm>> -> memref<1000000x64xf32, #tpu.memory_space<hbm>>
    tpu.wait_indirect_dma semaphore(%arg23 : memref<!tpu.dma_semaphore, #tpu.memory_space<semaphore_mem>>) src(%dma_wait3A_1208 : memref<1000000x64xf32, #tpu.memory_space<hbm>>) dst(%arg13 : memref<128x64xf32, #tpu.memory_space<vmem>>)
    %add3A_1209 = arith.constant 6016 : i32
    %add3A_1210 = arith.addi %mul3A_2, %add3A_1209 : i32
    %dma_start3A_1211 = arith.constant 0 : i32
    %dma_start3A_1212 = tpu.memref_slice %arg4[%add3A_1210, %dma_start3A_1211] : memref<204800x64xf32, #tpu.memory_space<hbm>> -> memref<128x64xf32, #tpu.memory_space<hbm>>
    %dma_start3A_1213 = arith.constant 0 : i32
    %dma_start3A_1214 = tpu.memref_slice %arg4[%add3A_1210, %dma_start3A_1213] : memref<204800x64xf32, #tpu.memory_space<hbm>> -> memref<128x64xf32, #tpu.memory_space<hbm>>
    tpu.enqueue_dma source(%arg13 : memref<128x64xf32, #tpu.memory_space<vmem>>) target(%dma_start3A_1214 : memref<128x64xf32, #tpu.memory_space<hbm>>) target_semaphore(%arg33 : memref<!tpu.dma_semaphore, #tpu.memory_space<semaphore_mem>>)
    %dma_wait3A_1215 = arith.constant 48 : i32
    %dma_wait3A_1216 = arith.constant 0 : i32
    %dma_wait3A_1217 = tpu.memref_slice %arg5[%dma_wait3A_1215, %dma_wait3A_1216] : memref<50x128xi32, #tpu.memory_space<vmem>> -> memref<1x128xi32, #tpu.memory_space<vmem>>
    %dma_wait3A_1218 = tpu.memref_squeeze %dma_wait3A_1217 : memref<1x128xi32, #tpu.memory_space<vmem>> -> memref<128xi32, #tpu.memory_space<vmem>>
    %dma_wait3A_1219 = arith.constant 0 : i32
    %dma_wait3A_1220 = arith.constant 0 : i32
    %dma_wait3A_1221 = tpu.memref_slice %arg3[%dma_wait3A_1219, %dma_wait3A_1220] : memref<1000000x64xf32, #tpu.memory_space<hbm>> -> memref<1000000x64xf32, #tpu.memory_space<hbm>>
    tpu.wait_indirect_dma semaphore(%arg24 : memref<!tpu.dma_semaphore, #tpu.memory_space<semaphore_mem>>) src(%dma_wait3A_1221 : memref<1000000x64xf32, #tpu.memory_space<hbm>>) dst(%arg14 : memref<128x64xf32, #tpu.memory_space<vmem>>)
    %add3A_1222 = arith.constant 6144 : i32
    %add3A_1223 = arith.addi %mul3A_2, %add3A_1222 : i32
    %dma_start3A_1224 = arith.constant 0 : i32
    %dma_start3A_1225 = tpu.memref_slice %arg4[%add3A_1223, %dma_start3A_1224] : memref<204800x64xf32, #tpu.memory_space<hbm>> -> memref<128x64xf32, #tpu.memory_space<hbm>>
    %dma_start3A_1226 = arith.constant 0 : i32
    %dma_start3A_1227 = tpu.memref_slice %arg4[%add3A_1223, %dma_start3A_1226] : memref<204800x64xf32, #tpu.memory_space<hbm>> -> memref<128x64xf32, #tpu.memory_space<hbm>>
    tpu.enqueue_dma source(%arg14 : memref<128x64xf32, #tpu.memory_space<vmem>>) target(%dma_start3A_1227 : memref<128x64xf32, #tpu.memory_space<hbm>>) target_semaphore(%arg34 : memref<!tpu.dma_semaphore, #tpu.memory_space<semaphore_mem>>)
    %dma_wait3A_1228 = arith.constant 49 : i32
    %dma_wait3A_1229 = arith.constant 0 : i32
    %dma_wait3A_1230 = tpu.memref_slice %arg5[%dma_wait3A_1228, %dma_wait3A_1229] : memref<50x128xi32, #tpu.memory_space<vmem>> -> memref<1x128xi32, #tpu.memory_space<vmem>>
    %dma_wait3A_1231 = tpu.memref_squeeze %dma_wait3A_1230 : memref<1x128xi32, #tpu.memory_space<vmem>> -> memref<128xi32, #tpu.memory_space<vmem>>
    %dma_wait3A_1232 = arith.constant 0 : i32
    %dma_wait3A_1233 = arith.constant 0 : i32
    %dma_wait3A_1234 = tpu.memref_slice %arg3[%dma_wait3A_1232, %dma_wait3A_1233] : memref<1000000x64xf32, #tpu.memory_space<hbm>> -> memref<1000000x64xf32, #tpu.memory_space<hbm>>
    tpu.wait_indirect_dma semaphore(%arg25 : memref<!tpu.dma_semaphore, #tpu.memory_space<semaphore_mem>>) src(%dma_wait3A_1234 : memref<1000000x64xf32, #tpu.memory_space<hbm>>) dst(%arg15 : memref<128x64xf32, #tpu.memory_space<vmem>>)
    %add3A_1235 = arith.constant 6272 : i32
    %add3A_1236 = arith.addi %mul3A_2, %add3A_1235 : i32
    %dma_start3A_1237 = arith.constant 0 : i32
    %dma_start3A_1238 = tpu.memref_slice %arg4[%add3A_1236, %dma_start3A_1237] : memref<204800x64xf32, #tpu.memory_space<hbm>> -> memref<128x64xf32, #tpu.memory_space<hbm>>
    %dma_start3A_1239 = arith.constant 0 : i32
    %dma_start3A_1240 = tpu.memref_slice %arg4[%add3A_1236, %dma_start3A_1239] : memref<204800x64xf32, #tpu.memory_space<hbm>> -> memref<128x64xf32, #tpu.memory_space<hbm>>
    tpu.enqueue_dma source(%arg15 : memref<128x64xf32, #tpu.memory_space<vmem>>) target(%dma_start3A_1240 : memref<128x64xf32, #tpu.memory_space<hbm>>) target_semaphore(%arg35 : memref<!tpu.dma_semaphore, #tpu.memory_space<semaphore_mem>>)
    %add3A_1241 = arith.constant 5120 : i32
    %add3A_1242 = arith.addi %mul3A_2, %add3A_1241 : i32
    %dma_wait3A_1243 = arith.constant 0 : i32
    %dma_wait3A_1244 = tpu.memref_slice %arg4[%add3A_1242, %dma_wait3A_1243] : memref<204800x64xf32, #tpu.memory_space<hbm>> -> memref<128x64xf32, #tpu.memory_space<hbm>>
    %dma_wait3A_1245 = arith.constant 0 : i32
    %dma_wait3A_1246 = tpu.memref_slice %arg4[%add3A_1242, %dma_wait3A_1245] : memref<204800x64xf32, #tpu.memory_space<hbm>> -> memref<128x64xf32, #tpu.memory_space<hbm>>
    tpu.wait_dma2 semaphore(%arg26 : memref<!tpu.dma_semaphore, #tpu.memory_space<semaphore_mem>>) src(%arg6 : memref<128x64xf32, #tpu.memory_space<vmem>>) dst(%dma_wait3A_1246 : memref<128x64xf32, #tpu.memory_space<hbm>>)
    %add3A_1247 = arith.constant 5248 : i32
    %add3A_1248 = arith.addi %mul3A_2, %add3A_1247 : i32
    %dma_wait3A_1249 = arith.constant 0 : i32
    %dma_wait3A_1250 = tpu.memref_slice %arg4[%add3A_1248, %dma_wait3A_1249] : memref<204800x64xf32, #tpu.memory_space<hbm>> -> memref<128x64xf32, #tpu.memory_space<hbm>>
    %dma_wait3A_1251 = arith.constant 0 : i32
    %dma_wait3A_1252 = tpu.memref_slice %arg4[%add3A_1248, %dma_wait3A_1251] : memref<204800x64xf32, #tpu.memory_space<hbm>> -> memref<128x64xf32, #tpu.memory_space<hbm>>
    tpu.wait_dma2 semaphore(%arg27 : memref<!tpu.dma_semaphore, #tpu.memory_space<semaphore_mem>>) src(%arg7 : memref<128x64xf32, #tpu.memory_space<vmem>>) dst(%dma_wait3A_1252 : memref<128x64xf32, #tpu.memory_space<hbm>>)
    %add3A_1253 = arith.constant 5376 : i32
    %add3A_1254 = arith.addi %mul3A_2, %add3A_1253 : i32
    %dma_wait3A_1255 = arith.constant 0 : i32
    %dma_wait3A_1256 = tpu.memref_slice %arg4[%add3A_1254, %dma_wait3A_1255] : memref<204800x64xf32, #tpu.memory_space<hbm>> -> memref<128x64xf32, #tpu.memory_space<hbm>>
    %dma_wait3A_1257 = arith.constant 0 : i32
    %dma_wait3A_1258 = tpu.memref_slice %arg4[%add3A_1254, %dma_wait3A_1257] : memref<204800x64xf32, #tpu.memory_space<hbm>> -> memref<128x64xf32, #tpu.memory_space<hbm>>
    tpu.wait_dma2 semaphore(%arg28 : memref<!tpu.dma_semaphore, #tpu.memory_space<semaphore_mem>>) src(%arg8 : memref<128x64xf32, #tpu.memory_space<vmem>>) dst(%dma_wait3A_1258 : memref<128x64xf32, #tpu.memory_space<hbm>>)
    %add3A_1259 = arith.constant 5504 : i32
    %add3A_1260 = arith.addi %mul3A_2, %add3A_1259 : i32
    %dma_wait3A_1261 = arith.constant 0 : i32
    %dma_wait3A_1262 = tpu.memref_slice %arg4[%add3A_1260, %dma_wait3A_1261] : memref<204800x64xf32, #tpu.memory_space<hbm>> -> memref<128x64xf32, #tpu.memory_space<hbm>>
    %dma_wait3A_1263 = arith.constant 0 : i32
    %dma_wait3A_1264 = tpu.memref_slice %arg4[%add3A_1260, %dma_wait3A_1263] : memref<204800x64xf32, #tpu.memory_space<hbm>> -> memref<128x64xf32, #tpu.memory_space<hbm>>
    tpu.wait_dma2 semaphore(%arg29 : memref<!tpu.dma_semaphore, #tpu.memory_space<semaphore_mem>>) src(%arg9 : memref<128x64xf32, #tpu.memory_space<vmem>>) dst(%dma_wait3A_1264 : memref<128x64xf32, #tpu.memory_space<hbm>>)
    %add3A_1265 = arith.constant 5632 : i32
    %add3A_1266 = arith.addi %mul3A_2, %add3A_1265 : i32
    %dma_wait3A_1267 = arith.constant 0 : i32
    %dma_wait3A_1268 = tpu.memref_slice %arg4[%add3A_1266, %dma_wait3A_1267] : memref<204800x64xf32, #tpu.memory_space<hbm>> -> memref<128x64xf32, #tpu.memory_space<hbm>>
    %dma_wait3A_1269 = arith.constant 0 : i32
    %dma_wait3A_1270 = tpu.memref_slice %arg4[%add3A_1266, %dma_wait3A_1269] : memref<204800x64xf32, #tpu.memory_space<hbm>> -> memref<128x64xf32, #tpu.memory_space<hbm>>
    tpu.wait_dma2 semaphore(%arg30 : memref<!tpu.dma_semaphore, #tpu.memory_space<semaphore_mem>>) src(%arg10 : memref<128x64xf32, #tpu.memory_space<vmem>>) dst(%dma_wait3A_1270 : memref<128x64xf32, #tpu.memory_space<hbm>>)
    %add3A_1271 = arith.constant 5760 : i32
    %add3A_1272 = arith.addi %mul3A_2, %add3A_1271 : i32
    %dma_wait3A_1273 = arith.constant 0 : i32
    %dma_wait3A_1274 = tpu.memref_slice %arg4[%add3A_1272, %dma_wait3A_1273] : memref<204800x64xf32, #tpu.memory_space<hbm>> -> memref<128x64xf32, #tpu.memory_space<hbm>>
    %dma_wait3A_1275 = arith.constant 0 : i32
    %dma_wait3A_1276 = tpu.memref_slice %arg4[%add3A_1272, %dma_wait3A_1275] : memref<204800x64xf32, #tpu.memory_space<hbm>> -> memref<128x64xf32, #tpu.memory_space<hbm>>
    tpu.wait_dma2 semaphore(%arg31 : memref<!tpu.dma_semaphore, #tpu.memory_space<semaphore_mem>>) src(%arg11 : memref<128x64xf32, #tpu.memory_space<vmem>>) dst(%dma_wait3A_1276 : memref<128x64xf32, #tpu.memory_space<hbm>>)
    %add3A_1277 = arith.constant 5888 : i32
    %add3A_1278 = arith.addi %mul3A_2, %add3A_1277 : i32
    %dma_wait3A_1279 = arith.constant 0 : i32
    %dma_wait3A_1280 = tpu.memref_slice %arg4[%add3A_1278, %dma_wait3A_1279] : memref<204800x64xf32, #tpu.memory_space<hbm>> -> memref<128x64xf32, #tpu.memory_space<hbm>>
    %dma_wait3A_1281 = arith.constant 0 : i32
    %dma_wait3A_1282 = tpu.memref_slice %arg4[%add3A_1278, %dma_wait3A_1281] : memref<204800x64xf32, #tpu.memory_space<hbm>> -> memref<128x64xf32, #tpu.memory_space<hbm>>
    tpu.wait_dma2 semaphore(%arg32 : memref<!tpu.dma_semaphore, #tpu.memory_space<semaphore_mem>>) src(%arg12 : memref<128x64xf32, #tpu.memory_space<vmem>>) dst(%dma_wait3A_1282 : memref<128x64xf32, #tpu.memory_space<hbm>>)
    %add3A_1283 = arith.constant 6016 : i32
    %add3A_1284 = arith.addi %mul3A_2, %add3A_1283 : i32
    %dma_wait3A_1285 = arith.constant 0 : i32
    %dma_wait3A_1286 = tpu.memref_slice %arg4[%add3A_1284, %dma_wait3A_1285] : memref<204800x64xf32, #tpu.memory_space<hbm>> -> memref<128x64xf32, #tpu.memory_space<hbm>>
    %dma_wait3A_1287 = arith.constant 0 : i32
    %dma_wait3A_1288 = tpu.memref_slice %arg4[%add3A_1284, %dma_wait3A_1287] : memref<204800x64xf32, #tpu.memory_space<hbm>> -> memref<128x64xf32, #tpu.memory_space<hbm>>
    tpu.wait_dma2 semaphore(%arg33 : memref<!tpu.dma_semaphore, #tpu.memory_space<semaphore_mem>>) src(%arg13 : memref<128x64xf32, #tpu.memory_space<vmem>>) dst(%dma_wait3A_1288 : memref<128x64xf32, #tpu.memory_space<hbm>>)
    %add3A_1289 = arith.constant 6144 : i32
    %add3A_1290 = arith.addi %mul3A_2, %add3A_1289 : i32
    %dma_wait3A_1291 = arith.constant 0 : i32
    %dma_wait3A_1292 = tpu.memref_slice %arg4[%add3A_1290, %dma_wait3A_1291] : memref<204800x64xf32, #tpu.memory_space<hbm>> -> memref<128x64xf32, #tpu.memory_space<hbm>>
    %dma_wait3A_1293 = arith.constant 0 : i32
    %dma_wait3A_1294 = tpu.memref_slice %arg4[%add3A_1290, %dma_wait3A_1293] : memref<204800x64xf32, #tpu.memory_space<hbm>> -> memref<128x64xf32, #tpu.memory_space<hbm>>
    tpu.wait_dma2 semaphore(%arg34 : memref<!tpu.dma_semaphore, #tpu.memory_space<semaphore_mem>>) src(%arg14 : memref<128x64xf32, #tpu.memory_space<vmem>>) dst(%dma_wait3A_1294 : memref<128x64xf32, #tpu.memory_space<hbm>>)
    %add3A_1295 = arith.constant 6272 : i32
    %add3A_1296 = arith.addi %mul3A_2, %add3A_1295 : i32
    %dma_wait3A_1297 = arith.constant 0 : i32
    %dma_wait3A_1298 = tpu.memref_slice %arg4[%add3A_1296, %dma_wait3A_1297] : memref<204800x64xf32, #tpu.memory_space<hbm>> -> memref<128x64xf32, #tpu.memory_space<hbm>>
    %dma_wait3A_1299 = arith.constant 0 : i32
    %dma_wait3A_1300 = tpu.memref_slice %arg4[%add3A_1296, %dma_wait3A_1299] : memref<204800x64xf32, #tpu.memory_space<hbm>> -> memref<128x64xf32, #tpu.memory_space<hbm>>
    tpu.wait_dma2 semaphore(%arg35 : memref<!tpu.dma_semaphore, #tpu.memory_space<semaphore_mem>>) src(%arg15 : memref<128x64xf32, #tpu.memory_space<vmem>>) dst(%dma_wait3A_1300 : memref<128x64xf32, #tpu.memory_space<hbm>>)
    return
  }
}

</mosaic_0001>

<sc_bundles>
// kernel: kernel.3.cloned.1.call-start
scs
__scs_entry_jumppad:
0x0: {  	(pc) =	sbr.rel $0x88, $3  }
0x1: {  	(tag) =	ssettag $0x0;
	lr =	simm.s32 $0x1  }
0x2: {  	[smem:$0x3F9F] =	sst lr;
	_ =	strace $0xD0000000  }
0x3: {  	_ = 	snop  }
0x4: {  	_ = 	snop  }
0x5: {  	_ = 	snop  }
0x6: {  	_ = 	snop  }
0x7: {  	_ = 	snop  }
__scs_overlays_trampoline_lowered:
0x8: {  	[smem:$0x3FAE] =	sst s0  }
0x9: {  	[smem:$0x3FAF] =	sst s1  }
0xa: {  	[smem:$0x3FB0] =	sst s2  }
0xb: {  	[smem:$0x3FB1] =	sst s3  }
0xc: {  	[smem:$0x3FB2] =	sst s4  }
0xd: {  	[smem:$0x3FB3] =	sst s5  }
0xe: {  	[smem:$0x3FB4] =	sst s6  }
0xf: {  	[smem:$0x3FB5] =	sst s7  }
0x10: {  	[smem:$0x3FB6] =	sst s8  }
0x11: {  	[smem:$0x3FB7] =	sst s9;
	s0 =	simm.s32 @!p0 $0x0  }
0x12: {  	s1 =	sld [smem:$0x3F9D];
	s0 =	simm.s32 @p0 $0x1  }
0x13: {  	[smem:$0x3FB8] =	sst s0;
	s0 =	simm.s32 @!p1 $0x0  }
0x14: {  	s2 =	sld [smem:$0x3F9C];
	s0 =	simm.s32 @p1 $0x1  }
0x15: {  	[smem:$0x3FB9] =	sst s0;
	s0 =	simm.s32 @!p2 $0x0  }
0x16: {  	s3 =	sld [smem:$0x3FDB];
	s0 =	simm.s32 @p2 $0x1  }
0x17: {  	s4 =	simm.s32 $0x1BF5;
	[smem:$0x3FBB] =	sst s0  }
0x18: {  	s0 =	sld [smem:$0x3F9E];
	_ =	swait.ge [sflag:s4], $0x0  }
0x19: {  	s7 =	sld [smem:$0x3F9F]  }
0x1a: {  	s8 =	sadd.s32 $0xFFFFE003, lr  }
0x1b: {  	s9 =	sadd.s32 $0xFFFFFEF7, lr;
	s5 =	simm.s32 $0xFFFFFFFF;
	p2 =	slt.u32 s8, $0xFFFFF086  }
0x1c: {  	p1 =	slt.u32 s9, $0xF7A;
	s5 =	simm.s32 @!p2 $0x0  }
0x1d: {  	s5 =	simm.s32 @p1 $0x1;
	p0 =	seq.s32 s7, s2  }
0x1e: {  	s7 =	smul.u32 @!p0 $0xF7A, s2;
	p2 =	seq.s32 @!p0 s5, $0x0  }
0x1f: {  	s9 =	smul.u32 $0xF7A, s1;
	s8 =	simm.s32 @!p0 $0x1BF5;
	p2 =	por !p2, p0  }
0x20: {  	[sflag:s8] =	ssyncset.s32 @!p0 $0xFFFFF086;
	s6 =	sadd.s32 @!p0 s3, s7;
	s7 =	simm.s32 @!p0 $0x108  }
0x21: {  	s3 =	sadd.s32 s3, s9;
	s6 =	sadd.s32 @!p0 $0x88, s6;
	s7 =	simm.s32 @p2 $0x1082  }
0x22: {  	[simem:s7], [sflag:s8] =	dma.local @!p0 [hbm:s6], $0xF7A  }
0x23: {  	s9 =	sor.u32 $0xD0000000, s2;
	s6 =	simm.s32 $0x108;
	_ =	swait.ge @!p0 [sflag:s8], $0x0  }
0x24: {  	s3 =	sadd.s32 $0x88, s3;
	s6 =	simm.s32 @!p1 $0x1082;
	[sflag:s4] =	ssyncset.s32 $0xFFFFF086  }
0x25: {  	[simem:s6], [sflag:s4] =	dma.local [hbm:s3], $0xF7A  }
0x26: {  	[smem:$0x3F9F] =	sst s1;
	(tag) =	ssettag s2;
	_ =	strace s9  }
0x27: {  	s1 =	sld [smem:$0x3FAF]  }
0x28: {  	s2 =	sld [smem:$0x3FB0]  }
0x29: {  	s4 =	sld [smem:$0x3FB2]  }
0x2a: {  	p0 =	seq.s32 s5, $0x0;
	s5 =	sld [smem:$0x3FB3]  }
0x2b: {  	s6 =	sld [smem:$0x3FB4]  }
0x2c: {  	s7 =	sld [smem:$0x3FB5]  }
0x2d: {  	s3 =	simm.s32 $0x108;
	s8 =	sld [smem:$0x3FB6]  }
0x2e: {  	s3 =	simm.s32 @!p0 $0x1082;
	s9 =	sld [smem:$0x3FB7]  }
0x2f: {  	lr =	sadd.s32 s0, s3;
	s0 =	sld [smem:$0x3FAE]  }
0x30: {  	s3 =	sld [smem:$0x3FB1]  }
0x31: {  	[smem:$0x3FBA] =	sst s10  }
0x32: {  	s10 =	sld [smem:$0x3FB8];
	_ =	sdelay $0x3  }
0x33: {  	p0 =	seq.s32 s10, $0x1;
	s10 =	sld [smem:$0x3FBA];
	_ =	sdelay $0x3  }
0x34: {  	[smem:$0x3FBA] =	sst s10  }
0x35: {  	s10 =	sld [smem:$0x3FB9];
	_ =	sdelay $0x3  }
0x36: {  	p1 =	seq.s32 s10, $0x1;
	s10 =	sld [smem:$0x3FBA];
	_ =	sdelay $0x3  }
0x37: {  	[smem:$0x3FBA] =	sst s10  }
0x38: {  	s10 =	sld [smem:$0x3FBB]  }
0x39: {  	_ = 	snop;
	(pc) =	sbr.ind lr, $3  }
0x3a: {  	_ = 	snop  }
0x3b: {  	_ = 	snop  }
0x3c: {  	p2 =	seq.s32 s10, $0x1;
	s10 =	sld [smem:$0x3FBA]  }
0x3d: {  	_ =	shalt  }
0x3e: {  	_ =	shalt  }
0x3f: {  	_ =	shalt  }
0x40: {  	_ =	shalt  }
0x41: {  	_ =	shalt  }
0x42: {  	_ =	shalt  }
0x43: {  	_ =	shalt  }
0x44: {  	_ =	shalt  }
0x45: {  	_ =	shalt  }
0x46: {  	_ =	shalt  }
0x47: {  	_ =	shalt  }
0x48: {  	_ =	shalt  }
0x49: {  	_ =	shalt  }
0x4a: {  	_ =	shalt  }
0x4b: {  	_ =	shalt  }
0x4c: {  	_ =	shalt  }
0x4d: {  	_ =	shalt  }
0x4e: {  	_ =	shalt  }
0x4f: {  	_ =	shalt  }
0x50: {  	_ =	shalt  }
0x51: {  	_ =	shalt  }
0x52: {  	_ =	shalt  }
0x53: {  	_ =	shalt  }
0x54: {  	_ =	shalt  }
0x55: {  	_ =	shalt  }
0x56: {  	_ =	shalt  }
0x57: {  	_ =	shalt  }
0x58: {  	_ =	shalt  }
0x59: {  	_ =	shalt  }
0x5a: {  	_ =	shalt  }
0x5b: {  	_ =	shalt  }
0x5c: {  	_ =	shalt  }
0x5d: {  	_ =	shalt  }
0x5e: {  	_ =	shalt  }
0x5f: {  	_ =	shalt  }
0x60: {  	_ =	shalt  }
0x61: {  	_ =	shalt  }
0x62: {  	_ =	shalt  }
0x63: {  	_ =	shalt  }
0x64: {  	_ =	shalt  }
0x65: {  	_ =	shalt  }
0x66: {  	_ =	shalt  }
0x67: {  	_ =	shalt  }
0x68: {  	_ =	shalt  }
0x69: {  	_ =	shalt  }
0x6a: {  	_ =	shalt  }
0x6b: {  	_ =	shalt  }
0x6c: {  	_ =	shalt  }
0x6d: {  	_ =	shalt  }
0x6e: {  	_ =	shalt  }
0x6f: {  	_ =	shalt  }
0x70: {  	_ =	shalt  }
0x71: {  	_ =	shalt  }
0x72: {  	_ =	shalt  }
0x73: {  	_ =	shalt  }
0x74: {  	_ =	shalt  }
0x75: {  	_ =	shalt  }
0x76: {  	_ =	shalt  }
0x77: {  	_ =	shalt  }
0x78: {  	_ =	shalt  }
0x79: {  	_ =	shalt  }
0x7a: {  	_ =	shalt  }
0x7b: {  	_ =	shalt  }
0x7c: {  	_ =	shalt  }
0x7d: {  	_ =	shalt  }
0x7e: {  	_ =	shalt  }
0x7f: {  	_ =	shalt  }
0x80: {  	_ =	shalt  }
0x81: {  	_ =	shalt  }
0x82: {  	_ =	shalt  }
0x83: {  	_ =	shalt  }
0x84: {  	_ =	shalt  }
0x85: {  	_ =	shalt  }
0x86: {  	_ =	shalt  }
0x87: {  	_ =	shalt  }
.Lfunc_end0:
.L_simem_size_0:
called_computation.1_lowered:
.L_overlay_start_0:
0x88: {  	s2 =	sld [smem:$0x3FD9]  }
0x89: {  	s3 =	sld [smem:$0x3FFE];
	_ =	sdelay $0x1  }
0x8a: {  	s1 =	srdreg.scid  }
0x8b: {  	s0 =	sand.u32 $0x1, s1  }
0x8c: {  	s17 =	sshll.u32 s0, $0xA;
	s2 =	sadd.s32 s3, s2  }
0x8d: {  	s2 =	sadd.s32 s2, s17  }
0x8e: {  	[smem:$0x3FC6] =	sst s2  }
0x8f: {  	_ = 	snop  }
0x90: {  	s2 =	sld [smem:$0x3FD0];
	(tm) =	ssettm $0x1  }
0x91: {  	s18 =	sld [smem:$0x3FFB];
	_ =	sdelay $0x3  }
0x92: {  	_ =	strace s18  }
0x93: {  	s3 =	sld [smem:$0x3FFC];
	_ =	sdelay $0x3  }
0x94: {  	_ =	strace s3  }
0x95: {  	s3 =	sld [smem:$0x3FFD];
	_ =	sdelay $0x3  }
0x96: {  	_ =	strace s3  }
0x97: {  	_ =	strace $0x8FFFFFFF  }
0x98: {  	s19 =	sld [smem:$0x3FDB];
	_ =	sdelay $0x1  }
0x99: {  	s4 =	simm.s32 $_scs_section_size  }
0x9a: {  	s5 =	simm.s32 $_size__tile_overlayer_lowered;
	s6 =	simm.s32 $_tile_overlayer_lowered  }
0x9b: {  	s22 =	simm.s32 $0x1BFF;
	s21 =	sshll.u32 s6, $0x1;
	s3 =	sadd.s32 s4, s19  }
0x9c: {  	s7 =	simm.s32 $0x0;
	s20 =	sshll.u32 s5, $0x1;
	s5 =	sadd.s32 s21, s3  }
0x9d: {  	[timem:s7], [sflag:s22] =	dma.local [hbm:s5], s20  }
0x9e: {  	_ =	swait.ge [sflag:s22], s20  }
0x9f: {  	s4 =	ssub.s32 $0x0, s20;
	[sflag:s22] =	ssyncset.done $0x0  }
0xa0: {  	[sflag:s22] =	ssyncadd.s32 s4;
	_ =	sdelay $0x1  }
0xa1: {  	s23 =	simm.s32 $0x1B8B  }
0xa2: {  	_ =	swait.ge [sflag:s23], $0x1  }
0xa3: {  	[sflag:s23] =	ssyncset.done $0x0  }
0xa4: {  	s25 =	simm.s32 $0x1B8E;
	s24 =	sld [smem:$0x3FFE];
	[sflag:s23] =	ssyncadd.s32 $0xFFFFFFFF  }
0xa5: {  	s26 =	simm.s32 $execute0_lowered;
	[smem:$0x3FD2] =	sst s25  }
0xa6: {  	s5 =	sshll.u32 s26, $0x1;
	_ =	strace $0x80000046;
	[dreg:$0x1] =	wrdreg $0xFFFFFFFF  }
0xa7: {  	s28 =	simm.s32 $_size_execute0_lowered;
	s3 =	sadd.s32 s3, s5;
	[dreg:$0x0] =	wrdreg $0x0  }
0xa8: {  	s5 =	sshll.u32 s28, $0x1;
	[dreg:$0x2] =	wrdreg s3  }
0xa9: {  	[dreg:$0x3] =	wrdreg s5  }
0xaa: {  	[dreg:$0x4] =	wrdreg $0xC0  }
0xab: {  	_ =	task [dreg:s7], $0x5FFFF  }
0xac: {  	[dreg:$0x1] =	wrdreg $0xFFFFFFFF  }
0xad: {  	[dreg:$0x0] =	wrdreg $0x60  }
0xae: {  	[dreg:$0x2] =	wrdreg s24  }
0xaf: {  	[dreg:$0x3] =	wrdreg s2  }
0xb0: {  	[dreg:$0x4] =	wrdreg $0x9  }
0xb1: {  	_ =	task.clear_ibuf [dreg:s7], $0x5FFFF;
	_ =	strace $0x90000046  }
0xb2: {  	s29 =	simm.s32 $0x9;
	_ =	strace $0x80000048  }
0xb3: {  	_ =	swait.ge [sflag:s29], $0x1  }
0xb4: {  	[sflag:s29] =	ssyncadd.s32 $0xFFFFFFFF  }
0xb5: {  	_ =	strace $0x90000048  }
0xb6: {  	_ =	sfence  }
0xb7: {  	s30 =	sld [smem:$0x0];
	_ =	sdelay $0x2  }
0xb8: {  	s31 =	sshll.u32 s1, $0xD;
	s1 =	sshrl.u32 s1, $0x2  }
0xb9: {  	s3 =	sand.u32 $0x4000, s31;
	s1 =	sadd.s32 s1, s30  }
0xba: {  	s0 =	sor.u32 s3, s0;
	s1 =	sshll.u32 s1, $0x11  }
0xbb: {  	s0 =	sor.u32 s1, s0  }
0xbc: {  	s0 =	sadd.s32 $0x8F2B, s0  }
0xbd: {  	[sflag:s0] =	ssyncadd.remote.s32 $0x1  }
0xbe: {  	_ =	sfence.sel $0xFFFF  }
0xbf: {  	[dreg:$0x0] =	wrdreg $0xFFFFFFFF;
	(pc) =	sbr.abs _section_cstart, $3  }
0xc0: {  	[dreg:$0x1] =	wrdreg $0xFFFFFFFF  }
0xc1: {  	_ =	task.clear_ibuf [dreg:s7], $0x2FFFF;
	_ =	strace $0x9FFFFFFF  }
0xc2: {  	(tm) =	ssettm $0x7FFFFFFF  }
0xc3: {  	_ =	shalt  }
tec
execute0_lowered:
.L_overlay_start_1:
0x0: {  	(tag) =	ssettag $0x1  }
0x1: {  	s0 =	srdreg.scid;
	s1 =	stileid.u32  }
0x2: {  	s0 =	sand.u32 $0x1, s0;
	s2 =	sshll.u32 s1, $0x1  }
0x3: {  	s3 =	sor.u32 s0, s2  }
0x4: {  	s4 =	rddreg [dreg:$0x1];
	s5 =	smul.u32 $0x320, s3  }
0x5: {  	s1 =	rddreg [dreg:$0x0];
	s2 =	simm.s32 $0x0;
	s6 =	smul.u32 $0xC800, s3  }
0x6: {  	[smem:$0x7FF] =	sst s2;
	s3 =	smul.u32 $0x64000, s3  }
0x7: {  	_ =	strace $0x80000047;
	s5 =	sadd.s32 s5, s1;
	s6 =	sadd.s32 s4, s6  }
0x8: {  	s3 =	sshrl.u32 s3, $0x3;
	s5 =	sadd.s32 $0xA00, s5;
	[smem:$0x7B8] =	sst s6  }
0x9: {  	s30 =	sadd.s32 $0x400, s6;
	s3 =	sadd.s32 s4, s3;
	[dreg:$0x3] =	wrdreg s5  }
0xa: {  	[dreg:$0x4] =	wrdreg s30;
	s4 =	sadd.s32 $0x800, s3  }
0xb: {  	s31 =	sadd.s32 $0xC00, s3;
	[dreg:$0x5] =	wrdreg s4  }
0xc: {  	s5 =	sadd.s32 $0x1000, s3;
	[dreg:$0x6] =	wrdreg s31  }
0xd: {  	s6 =	sadd.s32 $0x1400, s3;
	[dreg:$0x7] =	wrdreg s5  }
0xe: {  	s7 =	sadd.s32 $0x1800, s3;
	[dreg:$0x8] =	wrdreg s6  }
0xf: {  	s8 =	sadd.s32 $0x1C00, s3;
	[dreg:$0x9] =	wrdreg s7  }
0x10: {  	s9 =	sadd.s32 $0x2000, s3;
	[dreg:$0xa] =	wrdreg s8  }
0x11: {  	s10 =	sadd.s32 $0x2400, s3;
	[dreg:$0xb] =	wrdreg s9  }
0x12: {  	s11 =	sadd.s32 $0x2800, s3;
	[dreg:$0xc] =	wrdreg s10  }
0x13: {  	s12 =	sadd.s32 $0x2C00, s3;
	[dreg:$0xd] =	wrdreg s11  }
0x14: {  	s13 =	sadd.s32 $0x3000, s3;
	[dreg:$0xe] =	wrdreg s12  }
0x15: {  	s14 =	sadd.s32 $0x3400, s3;
	[dreg:$0xf] =	wrdreg s13  }
0x16: {  	s15 =	sadd.s32 $0x3800, s3;
	[dreg:$0x10] =	wrdreg s14  }
0x17: {  	s16 =	sadd.s32 $0x3C00, s3;
	[dreg:$0x11] =	wrdreg s15  }
0x18: {  	s17 =	sadd.s32 $0x4000, s3;
	[dreg:$0x12] =	wrdreg s16  }
0x19: {  	s18 =	sadd.s32 $0x4400, s3;
	[dreg:$0x13] =	wrdreg s17  }
0x1a: {  	s19 =	sadd.s32 $0x4800, s3;
	[dreg:$0x14] =	wrdreg s18  }
0x1b: {  	s20 =	sadd.s32 $0x4C00, s3;
	[dreg:$0x15] =	wrdreg s19  }
0x1c: {  	s21 =	sadd.s32 $0x5000, s3;
	[dreg:$0x16] =	wrdreg s20  }
0x1d: {  	s22 =	sadd.s32 $0x5400, s3;
	[dreg:$0x17] =	wrdreg s21  }
0x1e: {  	s23 =	sadd.s32 $0x5800, s3;
	[dreg:$0x18] =	wrdreg s22  }
0x1f: {  	s24 =	sadd.s32 $0x5C00, s3;
	[dreg:$0x19] =	wrdreg s23  }
0x20: {  	s25 =	sadd.s32 $0x6000, s3;
	[dreg:$0x1a] =	wrdreg s24  }
0x21: {  	s26 =	sadd.s32 $0x6400, s3;
	[dreg:$0x1b] =	wrdreg s25  }
0x22: {  	s30 =	sadd.s32 $0x6800, s3;
	[dreg:$0x1c] =	wrdreg s26  }
0x23: {  	[dreg:$0x1d] =	wrdreg s30;
	s31 =	sadd.s32 $0x6C00, s3  }
0x24: {  	s5 =	sadd.s32 $0x7000, s3;
	[dreg:$0x1e] =	wrdreg s31  }
0x25: {  	s6 =	sadd.s32 $0x7400, s3;
	[dreg:$0x1f] =	wrdreg s5  }
0x26: {  	s7 =	sadd.s32 $0x7800, s3;
	[smem:$0x7B9] =	sst s6  }
0x27: {  	s8 =	sadd.s32 $0x7C00, s3;
	[smem:$0x7BA] =	sst s7  }
0x28: {  	s9 =	sadd.s32 $0x8000, s3;
	[smem:$0x7BB] =	sst s8  }
0x29: {  	s10 =	sadd.s32 $0x8400, s3;
	[smem:$0x7BC] =	sst s9  }
0x2a: {  	s11 =	sadd.s32 $0x8800, s3;
	[smem:$0x7BD] =	sst s10  }
0x2b: {  	s12 =	sadd.s32 $0x8C00, s3;
	[smem:$0x7BE] =	sst s11  }
0x2c: {  	s13 =	sadd.s32 $0x9000, s3;
	[smem:$0x7BF] =	sst s12  }
0x2d: {  	s14 =	sadd.s32 $0x9400, s3;
	[smem:$0x7C0] =	sst s13  }
0x2e: {  	s15 =	sadd.s32 $0x9800, s3;
	[smem:$0x7C1] =	sst s14  }
0x2f: {  	s16 =	sadd.s32 $0x9C00, s3;
	[smem:$0x7C2] =	sst s15  }
0x30: {  	s17 =	sadd.s32 $0xA000, s3;
	[smem:$0x7C3] =	sst s16  }
0x31: {  	s18 =	sadd.s32 $0xA400, s3;
	[smem:$0x7C4] =	sst s17  }
0x32: {  	s19 =	sadd.s32 $0xA800, s3;
	[smem:$0x7C5] =	sst s18  }
0x33: {  	s20 =	sadd.s32 $0xAC00, s3;
	[smem:$0x7C6] =	sst s19  }
0x34: {  	s21 =	sadd.s32 $0xB000, s3;
	[smem:$0x7C7] =	sst s20  }
0x35: {  	s22 =	sadd.s32 $0xB400, s3;
	[smem:$0x7C8] =	sst s21  }
0x36: {  	s23 =	sadd.s32 $0xB800, s3;
	[smem:$0x7C9] =	sst s22  }
0x37: {  	s24 =	sadd.s32 $0xBC00, s3;
	[smem:$0x7CA] =	sst s23  }
0x38: {  	s25 =	sadd.s32 $0xC000, s3;
	[smem:$0x7CB] =	sst s24  }
0x39: {  	s3 =	sadd.s32 $0xC400, s3;
	[smem:$0x7CC] =	sst s25  }
0x3a: {  	s26 =	simm.s32 $0x100;
	[smem:$0x7CD] =	sst s3  }
0x3b: {  	s30 =	simm.s32 $0x180;
	[smem:$0x7CE] =	sst s26  }
0x3c: {  	s4 =	simm.s32 $0x280;
	[smem:$0x7CF] =	sst s30  }
0x3d: {  	s31 =	simm.s32 $0x200;
	[smem:$0x7D1] =	sst s4  }
0x3e: {  	s5 =	simm.s32 $0x300;
	[smem:$0x7D0] =	sst s31  }
0x3f: {  	s6 =	simm.s32 $0x380;
	[smem:$0x7D2] =	sst s5  }
0x40: {  	s7 =	simm.s32 $0x400;
	[smem:$0x7D3] =	sst s6  }
0x41: {  	s8 =	simm.s32 $0x480;
	[smem:$0x7D4] =	sst s7  }
0x42: {  	s9 =	simm.s32 $0x500;
	[smem:$0x7D5] =	sst s8  }
0x43: {  	s10 =	simm.s32 $0x580;
	[smem:$0x7D6] =	sst s9  }
0x44: {  	s11 =	simm.s32 $0x600;
	[smem:$0x7D7] =	sst s10  }
0x45: {  	s12 =	simm.s32 $0x680;
	[smem:$0x7D8] =	sst s11  }
0x46: {  	s13 =	simm.s32 $0x700;
	[smem:$0x7D9] =	sst s12  }
0x47: {  	s14 =	simm.s32 $0x780;
	[smem:$0x7DA] =	sst s13  }
0x48: {  	s15 =	simm.s32 $0x800;
	[smem:$0x7DB] =	sst s14  }
0x49: {  	s16 =	simm.s32 $0x880;
	[smem:$0x7DC] =	sst s15  }
0x4a: {  	s17 =	simm.s32 $0x900;
	[smem:$0x7DD] =	sst s16  }
0x4b: {  	s18 =	simm.s32 $0x980;
	[smem:$0x7DE] =	sst s17  }
0x4c: {  	s19 =	simm.s32 $0xA00;
	[smem:$0x7DF] =	sst s18  }
0x4d: {  	s20 =	simm.s32 $0xA80;
	[smem:$0x7E0] =	sst s19  }
0x4e: {  	s21 =	simm.s32 $0xB00;
	[smem:$0x7E1] =	sst s20  }
0x4f: {  	s22 =	simm.s32 $0xB80;
	[smem:$0x7E2] =	sst s21  }
0x50: {  	s23 =	simm.s32 $0xC00;
	[smem:$0x7E3] =	sst s22  }
0x51: {  	s24 =	simm.s32 $0xC80;
	[smem:$0x7E4] =	sst s23  }
0x52: {  	s25 =	simm.s32 $0xD00;
	[smem:$0x7E5] =	sst s24  }
0x53: {  	s26 =	simm.s32 $0xD80;
	[smem:$0x7E6] =	sst s25  }
0x54: {  	[smem:$0x7E7] =	sst s26;
	s31 =	simm.s32 $0xE00  }
0x55: {  	s5 =	simm.s32 $0xE80;
	[smem:$0x7E8] =	sst s31  }
0x56: {  	s9 =	simm.s32 $0xF00;
	[smem:$0x7E9] =	sst s5  }
0x57: {  	s10 =	simm.s32 $0xF80;
	[smem:$0x7EA] =	sst s9  }
0x58: {  	s11 =	simm.s32 $0x1000;
	[smem:$0x7EB] =	sst s10  }
0x59: {  	s12 =	simm.s32 $0x1080;
	[smem:$0x7EC] =	sst s11  }
0x5a: {  	s13 =	simm.s32 $0x1100;
	[smem:$0x7ED] =	sst s12  }
0x5b: {  	s14 =	simm.s32 $0x1180;
	[smem:$0x7EE] =	sst s13  }
0x5c: {  	s28 =	simm.s32 $0x7;
	s15 =	simm.s32 $0x1200;
	[smem:$0x7EF] =	sst s14  }
0x5d: {  	p0 =	por $0x0, $0x0;
	s16 =	simm.s32 $0x1280;
	[smem:$0x7F0] =	sst s15  }
0x5e: {  	s29 =	simm.s32 $0x8;
	s17 =	simm.s32 $0x1300;
	[smem:$0x7F1] =	sst s16  }
0x5f: {  	s0 =	ssub.s32 $0x2, s0;
	s18 =	simm.s32 $0x1380;
	[smem:$0x7F2] =	sst s17  }
0x60: {  	s3 =	sadd.s32 $0xF42E00, s1;
	s19 =	simm.s32 $0x1400;
	[smem:$0x7F3] =	sst s18  }
0x61: {  	s30 =	sshrl.u32 s0, $0x1;
	s20 =	simm.s32 $0x1480;
	[smem:$0x7F4] =	sst s19  }
0x62: {  	s4 =	simm.s32 $0x80;
	s22 =	simm.s32 $0x1500;
	[smem:$0x7F5] =	sst s20  }
0x63: {  	s0 =	ssub.s32 s0, s30;
	s8 =	simm.s32 $0x1580;
	[smem:$0x7F6] =	sst s22  }
0x64: {  	s21 =	simm.s32 $0x5900;
	s23 =	simm.s32 $0x1600;
	[smem:$0x7F7] =	sst s8  }
0x65: {  	s7 =	simm.s32 $0x1;
	s24 =	simm.s32 $0x1680;
	[smem:$0x7F8] =	sst s23  }
0x66: {  	s25 =	simm.s32 $0x1700;
	s6 =	smax.u32 s0, $0x1;
	[smem:$0x7F9] =	sst s24  }
0x67: {  	s26 =	simm.s32 $0x1780;
	[smem:$0x7FA] =	sst s25;
	p1 =	sne.s32 s6, $0x1  }
.Ltmp0:
0x68: {  	s30 =	simm.s32 $0x1800;
	[smem:$0x7FB] =	sst s26;
	(pc) =	sbr.rel @!p1 .LBB2_5-.Ltmp0, $4  }
0x69: {  	[smem:$0x7FC] =	sst s30;
	s31 =	simm.s32 $0x1880;
	s25 =	simm.s32 $0x9  }
0x6a: {  	s23 =	simm.s32 $0xA;
	s16 =	simm.s32 $0x10;
	s12 =	simm.s32 $0x11  }
0x6b: {  	s13 =	simm.s32 $0x12;
	s8 =	simm.s32 $0x13;
	s10 =	rddreg [dreg:$0x3]  }
0x6c: {  	s5 =	simm.s32 $0x14;
	[smem:$0x7FD] =	sst s31;
	s0 =	sadd.s32 $0xFFFFFFFF, s6  }
0x6d: {  	[tilespmem:s2], [sflag:$0x15] =	stream.linear.gather [hbm4b:s10+s2], $0x1900, $0x38;
	[tilespmem:$0x15900] =	vst v63  }
0x6e: {  	[smem:$0x7B7] =	sst s0;
	s12 =	simm.s32 $0x15  }
0x6f: {  	_ =	swait.ge [sflag:s12], $0x1900  }
0x70: {  	[sflag:s12] =	ssyncset.done $0x0  }
0x71: {  	s13 =	simm.s32 $0x1900;
	[sflag:s12] =	ssyncadd.s32 $0xFFFFE700  }
0x72: {  	[tilespmem:s13], [sflag:$0x1] =	stream.indirect.gather [hbm4b:s3+s4], $0x40, s2, s4, $0xb8;
	[tilespmem:$0x15900] =	vst v63  }
0x73: {  	s15 =	simm.s32 $0x3900;
	s14 =	sld [smem:$0x7CE]  }
0x74: {  	[tilespmem:s15], [sflag:$0x2] =	stream.indirect.gather [hbm4b:s3+s4], $0x40, s4, s4, $0xb8;
	[tilespmem:$0x15900] =	vst v63  }
0x75: {  	s16 =	simm.s32 $0x5900;
	s9 =	sld [smem:$0x7CF]  }
0x76: {  	[tilespmem:s16], [sflag:$0x3] =	stream.indirect.gather [hbm4b:s3+s4], $0x40, s14, s4, $0xb8;
	[tilespmem:$0x15900] =	vst v63  }
0x77: {  	s18 =	simm.s32 $0x7900;
	s17 =	sld [smem:$0x7D0]  }
0x78: {  	[tilespmem:s18], [sflag:$0x4] =	stream.indirect.gather [hbm4b:s3+s4], $0x40, s9, s4, $0xb8;
	[tilespmem:$0x15900] =	vst v63  }
0x79: {  	s19 =	simm.s32 $0x9900  }
0x7a: {  	[tilespmem:s19], [sflag:$0x5] =	stream.indirect.gather [hbm4b:s3+s4], $0x40, s17, s4, $0xb8;
	[tilespmem:$0x15900] =	vst v63  }
0x7b: {  	_ =	swait.ge [sflag:s7], $0x2000  }
0x7c: {  	s31 =	sld [smem:$0x7B8]  }
0x7d: {  	[sflag:s7] =	ssyncset.done $0x0  }
0x7e: {  	s5 =	simm.s32 $0x1900;
	s24 =	sld [smem:$0x7D1];
	[sflag:s7] =	ssyncadd.s32 $0xFFFFE000  }
0x7f: {  	[hbm4b:s31+s2] =	stream.linear.scatter [tilespmem:s5], [sflag:$0xB], $0x2000, $0x38;
	[tilespmem:$0x15900] =	vst v63  }
0x80: {  	s30 =	simm.s32 $0x2;
	s0 =	simm.s32 $0xB900  }
0x81: {  	[tilespmem:s0], [sflag:$0x6] =	stream.indirect.gather [hbm4b:s3+s4], $0x40, s24, s4, $0xb8;
	[tilespmem:$0x15900] =	vst v63  }
0x82: {  	_ =	swait.ge [sflag:s30], $0x2000  }
0x83: {  	s5 =	rddreg [dreg:$0x4];
	[sflag:s30] =	ssyncset.done $0x0  }
0x84: {  	s22 =	simm.s32 $0x3900;
	s7 =	sld [smem:$0x7D2];
	[sflag:s30] =	ssyncadd.s32 $0xFFFFE000  }
0x85: {  	[hbm4b:s5+s2] =	stream.linear.scatter [tilespmem:s22], [sflag:$0xC], $0x2000, $0x38;
	[tilespmem:$0x15900] =	vst v63  }
0x86: {  	s6 =	simm.s32 $0x3;
	s24 =	simm.s32 $0xD900  }
0x87: {  	[tilespmem:s24], [sflag:$0x7] =	stream.indirect.gather [hbm4b:s3+s4], $0x40, s7, s4, $0xb8;
	[tilespmem:$0x15900] =	vst v63  }
0x88: {  	_ =	swait.ge [sflag:s6], $0x2000  }
0x89: {  	s5 =	rddreg [dreg:$0x5];
	[sflag:s6] =	ssyncset.done $0x0  }
0x8a: {  	s1 =	simm.s32 $0x5900;
	s7 =	sld [smem:$0x7D3];
	[sflag:s6] =	ssyncadd.s32 $0xFFFFE000  }
0x8b: {  	[hbm4b:s5+s2] =	stream.linear.scatter [tilespmem:s1], [sflag:$0xD], $0x2000, $0x38;
	[tilespmem:$0x15900] =	vst v63  }
0x8c: {  	s11 =	simm.s32 $0x4;
	s9 =	simm.s32 $0xF900  }
0x8d: {  	[tilespmem:s9], [sflag:$0x8] =	stream.indirect.gather [hbm4b:s3+s4], $0x40, s7, s4, $0xb8;
	[tilespmem:$0x15900] =	vst v63  }
0x8e: {  	_ =	swait.ge [sflag:s11], $0x2000  }
0x8f: {  	s10 =	rddreg [dreg:$0x6];
	[sflag:s11] =	ssyncset.done $0x0  }
0x90: {  	s13 =	simm.s32 $0x7900;
	s24 =	sld [smem:$0x7D4];
	[sflag:s11] =	ssyncadd.s32 $0xFFFFE000  }
0x91: {  	[hbm4b:s10+s2] =	stream.linear.scatter [tilespmem:s13], [sflag:$0xE], $0x2000, $0x38;
	[tilespmem:$0x15900] =	vst v63  }
0x92: {  	s14 =	simm.s32 $0x5;
	s1 =	simm.s32 $0x11900  }
0x93: {  	[tilespmem:s1], [sflag:$0x9] =	stream.indirect.gather [hbm4b:s3+s4], $0x40, s24, s4, $0xb8;
	[tilespmem:$0x15900] =	vst v63  }
0x94: {  	_ =	swait.ge [sflag:s14], $0x2000  }
0x95: {  	s5 =	rddreg [dreg:$0x7];
	[sflag:s14] =	ssyncset.done $0x0  }
0x96: {  	s8 =	simm.s32 $0x9900;
	s7 =	sld [smem:$0x7D5];
	[sflag:s14] =	ssyncadd.s32 $0xFFFFE000  }
0x97: {  	[hbm4b:s5+s2] =	stream.linear.scatter [tilespmem:s8], [sflag:$0xF], $0x2000, $0x38;
	[tilespmem:$0x15900] =	vst v63  }
0x98: {  	s28 =	simm.s32 $0x6;
	s9 =	simm.s32 $0x13900  }
0x99: {  	[tilespmem:s9], [sflag:$0xA] =	stream.indirect.gather [hbm4b:s3+s4], $0x40, s7, s4, $0xb8;
	[tilespmem:$0x15900] =	vst v63  }
0x9a: {  	_ =	swait.ge [sflag:s28], $0x2000  }
0x9b: {  	s16 =	simm.s32 $0xB;
	[sflag:s28] =	ssyncset.done $0x0  }
0x9c: {  	s0 =	simm.s32 $0xB900;
	s24 =	rddreg [dreg:$0x8];
	[sflag:s28] =	ssyncadd.s32 $0xFFFFE000  }
0x9d: {  	[hbm4b:s24+s2] =	stream.linear.scatter [tilespmem:s0], [sflag:$0x10], $0x2000, $0x38;
	[tilespmem:$0x15900] =	vst v63  }
0x9e: {  	_ =	swait.ge [sflag:s16], $0x2000  }
0x9f: {  	s0 =	sld [smem:$0x7D6]  }
0xa0: {  	[sflag:s16] =	ssyncset.done $0x0  }
0xa1: {  	s19 =	simm.s32 $0x1900;
	s28 =	simm.s32 $0x7;
	[sflag:s16] =	ssyncadd.s32 $0xFFFFE000  }
0xa2: {  	[tilespmem:s19], [sflag:$0x1] =	stream.indirect.gather [hbm4b:s3+s4], $0x40, s0, s4, $0xb8;
	[tilespmem:$0x15900] =	vst v63  }
0xa3: {  	_ =	swait.ge [sflag:s28], $0x2000  }
0xa4: {  	s23 =	simm.s32 $0xC;
	[sflag:s28] =	ssyncset.done $0x0  }
0xa5: {  	s22 =	simm.s32 $0xD900;
	s7 =	rddreg [dreg:$0x9];
	[sflag:s28] =	ssyncadd.s32 $0xFFFFE000  }
0xa6: {  	[hbm4b:s7+s2] =	stream.linear.scatter [tilespmem:s22], [sflag:$0x11], $0x2000, $0x38;
	[tilespmem:$0x15900] =	vst v63  }
0xa7: {  	_ =	swait.ge [sflag:s23], $0x2000  }
0xa8: {  	s10 =	sld [smem:$0x7D7]  }
0xa9: {  	[sflag:s23] =	ssyncset.done $0x0  }
0xaa: {  	s31 =	simm.s32 $0x8;
	s0 =	simm.s32 $0x3900;
	[sflag:s23] =	ssyncadd.s32 $0xFFFFE000  }
0xab: {  	[tilespmem:s0], [sflag:$0x2] =	stream.indirect.gather [hbm4b:s3+s4], $0x40, s10, s4, $0xb8;
	[tilespmem:$0x15900] =	vst v63  }
0xac: {  	_ =	swait.ge [sflag:s31], $0x2000  }
0xad: {  	s21 =	simm.s32 $0xD;
	[sflag:s31] =	ssyncset.done $0x0  }
0xae: {  	s10 =	simm.s32 $0xF900;
	s22 =	rddreg [dreg:$0xa];
	[sflag:s31] =	ssyncadd.s32 $0xFFFFE000  }
0xaf: {  	[hbm4b:s22+s2] =	stream.linear.scatter [tilespmem:s10], [sflag:$0x12], $0x2000, $0x38;
	[tilespmem:$0x15900] =	vst v63  }
0xb0: {  	_ =	swait.ge [sflag:s21], $0x2000  }
0xb1: {  	s7 =	sld [smem:$0x7D8]  }
0xb2: {  	[sflag:s21] =	ssyncset.done $0x0  }
0xb3: {  	s26 =	simm.s32 $0x9;
	s22 =	simm.s32 $0x5900;
	[sflag:s21] =	ssyncadd.s32 $0xFFFFE000  }
0xb4: {  	[tilespmem:s22], [sflag:$0x3] =	stream.indirect.gather [hbm4b:s3+s4], $0x40, s7, s4, $0xb8;
	[tilespmem:$0x15900] =	vst v63  }
0xb5: {  	_ =	swait.ge [sflag:s26], $0x2000  }
0xb6: {  	s20 =	simm.s32 $0xE;
	[sflag:s26] =	ssyncset.done $0x0  }
0xb7: {  	s13 =	simm.s32 $0x11900;
	s7 =	rddreg [dreg:$0xb];
	[sflag:s26] =	ssyncadd.s32 $0xFFFFE000  }
0xb8: {  	[hbm4b:s7+s2] =	stream.linear.scatter [tilespmem:s13], [sflag:$0x13], $0x2000, $0x38;
	[tilespmem:$0x15900] =	vst v63  }
0xb9: {  	_ =	swait.ge [sflag:s20], $0x2000  }
0xba: {  	s9 =	sld [smem:$0x7D9]  }
0xbb: {  	[sflag:s20] =	ssyncset.done $0x0  }
0xbc: {  	s25 =	simm.s32 $0xA;
	s13 =	simm.s32 $0x7900;
	[sflag:s20] =	ssyncadd.s32 $0xFFFFE000  }
0xbd: {  	[tilespmem:s13], [sflag:$0x4] =	stream.indirect.gather [hbm4b:s3+s4], $0x40, s9, s4, $0xb8;
	[tilespmem:$0x15900] =	vst v63  }
0xbe: {  	_ =	swait.ge [sflag:s25], $0x2000  }
0xbf: {  	s18 =	simm.s32 $0xF;
	[sflag:s25] =	ssyncset.done $0x0  }
0xc0: {  	s1 =	simm.s32 $0x13900;
	s9 =	rddreg [dreg:$0xc];
	[sflag:s25] =	ssyncadd.s32 $0xFFFFE000  }
0xc1: {  	[hbm4b:s9+s2] =	stream.linear.scatter [tilespmem:s1], [sflag:$0x14], $0x2000, $0x38;
	[tilespmem:$0x15900] =	vst v63  }
0xc2: {  	_ =	swait.ge [sflag:s18], $0x2000  }
0xc3: {  	s1 =	sld [smem:$0x7DA]  }
0xc4: {  	[sflag:s18] =	ssyncset.done $0x0  }
0xc5: {  	s17 =	simm.s32 $0x1;
	s8 =	simm.s32 $0x9900;
	[sflag:s18] =	ssyncadd.s32 $0xFFFFE000  }
0xc6: {  	[tilespmem:s8], [sflag:$0x5] =	stream.indirect.gather [hbm4b:s3+s4], $0x40, s1, s4, $0xb8;
	[tilespmem:$0x15900] =	vst v63  }
0xc7: {  	_ =	swait.ge [sflag:s17], $0x2000  }
0xc8: {  	s12 =	simm.s32 $0x10;
	[sflag:s17] =	ssyncset.done $0x0  }
0xc9: {  	s19 =	simm.s32 $0x1900;
	s8 =	rddreg [dreg:$0xd];
	[sflag:s17] =	ssyncadd.s32 $0xFFFFE000  }
0xca: {  	[hbm4b:s8+s2] =	stream.linear.scatter [tilespmem:s19], [sflag:$0xB], $0x2000, $0x38;
	[tilespmem:$0x15900] =	vst v63  }
0xcb: {  	_ =	swait.ge [sflag:s12], $0x2000  }
0xcc: {  	s8 =	sld [smem:$0x7DB]  }
0xcd: {  	[sflag:s12] =	ssyncset.done $0x0  }
0xce: {  	s5 =	simm.s32 $0xB900;
	[sflag:s12] =	ssyncadd.s32 $0xFFFFE000  }
0xcf: {  	[tilespmem:s5], [sflag:$0x6] =	stream.indirect.gather [hbm4b:s3+s4], $0x40, s8, s4, $0xb8;
	[tilespmem:$0x15900] =	vst v63  }
0xd0: {  	_ =	swait.ge [sflag:s30], $0x2000  }
0xd1: {  	[sflag:s30] =	ssyncset.done $0x0  }
0xd2: {  	s15 =	simm.s32 $0x11;
	s5 =	rddreg [dreg:$0xe];
	[sflag:s30] =	ssyncadd.s32 $0xFFFFE000  }
0xd3: {  	[hbm4b:s5+s2] =	stream.linear.scatter [tilespmem:s0], [sflag:$0xC], $0x2000, $0x38;
	[tilespmem:$0x15900] =	vst v63  }
0xd4: {  	_ =	swait.ge [sflag:s15], $0x2000  }
0xd5: {  	s0 =	sld [smem:$0x7DC]  }
0xd6: {  	[sflag:s15] =	ssyncset.done $0x0  }
0xd7: {  	s24 =	simm.s32 $0xD900;
	[sflag:s15] =	ssyncadd.s32 $0xFFFFE000  }
0xd8: {  	[tilespmem:s24], [sflag:$0x7] =	stream.indirect.gather [hbm4b:s3+s4], $0x40, s0, s4, $0xb8;
	[tilespmem:$0x15900] =	vst v63  }
0xd9: {  	_ =	swait.ge [sflag:s6], $0x2000  }
0xda: {  	[sflag:s6] =	ssyncset.done $0x0  }
0xdb: {  	s9 =	simm.s32 $0x12;
	s5 =	rddreg [dreg:$0xf];
	[sflag:s6] =	ssyncadd.s32 $0xFFFFE000  }
0xdc: {  	[hbm4b:s5+s2] =	stream.linear.scatter [tilespmem:s22], [sflag:$0xD], $0x2000, $0x38;
	[tilespmem:$0x15900] =	vst v63  }
0xdd: {  	_ =	swait.ge [sflag:s9], $0x2000  }
0xde: {  	s22 =	simm.s32 $0x12;
	s9 =	sld [smem:$0x7DD]  }
0xdf: {  	s24 =	simm.s32 $0x12;
	[sflag:s22] =	ssyncset.done $0x0  }
0xe0: {  	[sflag:s24] =	ssyncadd.s32 $0xFFFFE000  }
0xe1: {  	[tilespmem:s10], [sflag:$0x8] =	stream.indirect.gather [hbm4b:s3+s4], $0x40, s9, s4, $0xb8;
	[tilespmem:$0x15900] =	vst v63  }
0xe2: {  	_ =	swait.ge [sflag:s11], $0x2000  }
0xe3: {  	[sflag:s11] =	ssyncset.done $0x0  }
0xe4: {  	s29 =	simm.s32 $0x13;
	s5 =	rddreg [dreg:$0x10];
	[sflag:s11] =	ssyncadd.s32 $0xFFFFE000  }
0xe5: {  	[hbm4b:s5+s2] =	stream.linear.scatter [tilespmem:s13], [sflag:$0xE], $0x2000, $0x38;
	[tilespmem:$0x15900] =	vst v63  }
0xe6: {  	_ =	swait.ge [sflag:s29], $0x2000  }
0xe7: {  	s10 =	sld [smem:$0x7DE]  }
0xe8: {  	[sflag:s29] =	ssyncset.done $0x0  }
0xe9: {  	s7 =	simm.s32 $0x11900;
	[sflag:s29] =	ssyncadd.s32 $0xFFFFE000  }
0xea: {  	[tilespmem:s7], [sflag:$0x9] =	stream.indirect.gather [hbm4b:s3+s4], $0x40, s10, s4, $0xb8;
	[tilespmem:$0x15900] =	vst v63  }
0xeb: {  	_ =	swait.ge [sflag:s14], $0x2000  }
0xec: {  	s1 =	simm.s32 $0x9900;
	[sflag:s14] =	ssyncset.done $0x0  }
0xed: {  	s5 =	simm.s32 $0x14;
	s24 =	rddreg [dreg:$0x11];
	[sflag:s14] =	ssyncadd.s32 $0xFFFFE000  }
0xee: {  	[hbm4b:s24+s2] =	stream.linear.scatter [tilespmem:s1], [sflag:$0xF], $0x2000, $0x38;
	[tilespmem:$0x15900] =	vst v63  }
0xef: {  	_ =	swait.ge [sflag:s5], $0x2000  }
0xf0: {  	s7 =	simm.s32 $0x14;
	s9 =	sld [smem:$0x7DF]  }
0xf1: {  	s24 =	simm.s32 $0x14;
	[sflag:s7] =	ssyncset.done $0x0  }
0xf2: {  	s26 =	simm.s32 $0x6;
	s5 =	simm.s32 $0x13900;
	[sflag:s24] =	ssyncadd.s32 $0xFFFFE000  }
0xf3: {  	[tilespmem:s5], [sflag:$0xA] =	stream.indirect.gather [hbm4b:s3+s4], $0x40, s9, s4, $0xb8;
	[tilespmem:$0x15900] =	vst v63  }
0xf4: {  	_ =	swait.ge [sflag:s26], $0x2000  }
0xf5: {  	[sflag:s26] =	ssyncset.done $0x0  }
0xf6: {  	s8 =	simm.s32 $0xB900;
	s7 =	rddreg [dreg:$0x12];
	[sflag:s26] =	ssyncadd.s32 $0xFFFFE000  }
0xf7: {  	[hbm4b:s7+s2] =	stream.linear.scatter [tilespmem:s8], [sflag:$0x10], $0x2000, $0x38;
	[tilespmem:$0x15900] =	vst v63  }
0xf8: {  	_ =	swait.ge [sflag:s16], $0x2000  }
0xf9: {  	s24 =	sld [smem:$0x7E0]  }
0xfa: {  	[sflag:s16] =	ssyncset.done $0x0  }
0xfb: {  	s19 =	simm.s32 $0x1900;
	[sflag:s16] =	ssyncadd.s32 $0xFFFFE000  }
0xfc: {  	[tilespmem:s19], [sflag:$0x1] =	stream.indirect.gather [hbm4b:s3+s4], $0x40, s24, s4, $0xb8;
	[tilespmem:$0x15900] =	vst v63  }
0xfd: {  	_ =	swait.ge [sflag:s28], $0x2000  }
0xfe: {  	[sflag:s28] =	ssyncset.done $0x0  }
0xff: {  	s0 =	simm.s32 $0xD900;
	s7 =	rddreg [dreg:$0x13];
	[sflag:s28] =	ssyncadd.s32 $0xFFFFE000  }
0x100: {  	[hbm4b:s7+s2] =	stream.linear.scatter [tilespmem:s0], [sflag:$0x11], $0x2000, $0x38;
	[tilespmem:$0x15900] =	vst v63  }
0x101: {  	_ =	swait.ge [sflag:s23], $0x2000  }
0x102: {  	s8 =	sld [smem:$0x7E1]  }
0x103: {  	[sflag:s23] =	ssyncset.done $0x0  }
0x104: {  	s24 =	simm.s32 $0x3900;
	[sflag:s23] =	ssyncadd.s32 $0xFFFFE000  }
0x105: {  	[tilespmem:s24], [sflag:$0x2] =	stream.indirect.gather [hbm4b:s3+s4], $0x40, s8, s4, $0xb8;
	[tilespmem:$0x15900] =	vst v63  }
0x106: {  	_ =	swait.ge [sflag:s31], $0x2000  }
0x107: {  	[sflag:s31] =	ssyncset.done $0x0  }
0x108: {  	s22 =	simm.s32 $0xF900;
	s0 =	rddreg [dreg:$0x14];
	[sflag:s31] =	ssyncadd.s32 $0xFFFFE000  }
0x109: {  	[hbm4b:s0+s2] =	stream.linear.scatter [tilespmem:s22], [sflag:$0x12], $0x2000, $0x38;
	[tilespmem:$0x15900] =	vst v63  }
0x10a: {  	_ =	swait.ge [sflag:s21], $0x2000  }
0x10b: {  	s7 =	sld [smem:$0x7E2]  }
0x10c: {  	[sflag:s21] =	ssyncset.done $0x0  }
0x10d: {  	s25 =	simm.s32 $0x9;
	s22 =	simm.s32 $0x5900;
	[sflag:s21] =	ssyncadd.s32 $0xFFFFE000  }
0x10e: {  	[tilespmem:s22], [sflag:$0x3] =	stream.indirect.gather [hbm4b:s3+s4], $0x40, s7, s4, $0xb8;
	[tilespmem:$0x15900] =	vst v63  }
0x10f: {  	_ =	swait.ge [sflag:s25], $0x2000  }
0x110: {  	[sflag:s25] =	ssyncset.done $0x0  }
0x111: {  	s10 =	simm.s32 $0x11900;
	s7 =	rddreg [dreg:$0x15];
	[sflag:s25] =	ssyncadd.s32 $0xFFFFE000  }
0x112: {  	[hbm4b:s7+s2] =	stream.linear.scatter [tilespmem:s10], [sflag:$0x13], $0x2000, $0x38;
	[tilespmem:$0x15900] =	vst v63  }
0x113: {  	_ =	swait.ge [sflag:s20], $0x2000  }
0x114: {  	s21 =	sld [smem:$0x7E3]  }
0x115: {  	[sflag:s20] =	ssyncset.done $0x0  }
0x116: {  	s13 =	simm.s32 $0x7900;
	s23 =	simm.s32 $0xA;
	[sflag:s20] =	ssyncadd.s32 $0xFFFFE000  }
0x117: {  	[tilespmem:s13], [sflag:$0x4] =	stream.indirect.gather [hbm4b:s3+s4], $0x40, s21, s4, $0xb8;
	[tilespmem:$0x15900] =	vst v63  }
0x118: {  	_ =	swait.ge [sflag:s23], $0x2000  }
0x119: {  	[sflag:s23] =	ssyncset.done $0x0  }
0x11a: {  	s1 =	simm.s32 $0x13900;
	s7 =	rddreg [dreg:$0x16];
	[sflag:s23] =	ssyncadd.s32 $0xFFFFE000  }
0x11b: {  	[hbm4b:s7+s2] =	stream.linear.scatter [tilespmem:s1], [sflag:$0x14], $0x2000, $0x38;
	[tilespmem:$0x15900] =	vst v63  }
0x11c: {  	_ =	swait.ge [sflag:s18], $0x2000  }
0x11d: {  	s10 =	sld [smem:$0x7E4]  }
0x11e: {  	[sflag:s18] =	ssyncset.done $0x0  }
0x11f: {  	[sflag:s18] =	ssyncadd.s32 $0xFFFFE000;
	s18 =	simm.s32 $0x9900  }
0x120: {  	[tilespmem:s18], [sflag:$0x5] =	stream.indirect.gather [hbm4b:s3+s4], $0x40, s10, s4, $0xb8;
	[tilespmem:$0x15900] =	vst v63  }
0x121: {  	_ =	swait.ge [sflag:s17], $0x2000  }
0x122: {  	[sflag:s17] =	ssyncset.done $0x0  }
0x123: {  	s19 =	simm.s32 $0x1900;
	s21 =	rddreg [dreg:$0x17];
	[sflag:s17] =	ssyncadd.s32 $0xFFFFE000  }
0x124: {  	[hbm4b:s21+s2] =	stream.linear.scatter [tilespmem:s19], [sflag:$0xB], $0x2000, $0x38;
	[tilespmem:$0x15900] =	vst v63  }
0x125: {  	_ =	swait.ge [sflag:s12], $0x2000  }
0x126: {  	s1 =	sld [smem:$0x7E5]  }
0x127: {  	[sflag:s12] =	ssyncset.done $0x0  }
0x128: {  	s5 =	simm.s32 $0xB900;
	[sflag:s12] =	ssyncadd.s32 $0xFFFFE000  }
0x129: {  	[tilespmem:s5], [sflag:$0x6] =	stream.indirect.gather [hbm4b:s3+s4], $0x40, s1, s4, $0xb8;
	[tilespmem:$0x15900] =	vst v63  }
0x12a: {  	_ =	swait.ge [sflag:s30], $0x2000  }
0x12b: {  	[sflag:s30] =	ssyncset.done $0x0  }
0x12c: {  	s8 =	simm.s32 $0x3900;
	s21 =	rddreg [dreg:$0x18];
	[sflag:s30] =	ssyncadd.s32 $0xFFFFE000  }
0x12d: {  	[hbm4b:s21+s2] =	stream.linear.scatter [tilespmem:s8], [sflag:$0xC], $0x2000, $0x38;
	[tilespmem:$0x15900] =	vst v63  }
0x12e: {  	_ =	swait.ge [sflag:s15], $0x2000  }
0x12f: {  	s5 =	sld [smem:$0x7E6]  }
0x130: {  	[sflag:s15] =	ssyncset.done $0x0  }
0x131: {  	s8 =	simm.s32 $0xD900;
	[sflag:s15] =	ssyncadd.s32 $0xFFFFE000  }
0x132: {  	[tilespmem:s8], [sflag:$0x7] =	stream.indirect.gather [hbm4b:s3+s4], $0x40, s5, s4, $0xb8;
	[tilespmem:$0x15900] =	vst v63  }
0x133: {  	_ =	swait.ge [sflag:s6], $0x2000  }
0x134: {  	s0 =	simm.s32 $0x5900;
	[sflag:s6] =	ssyncset.done $0x0  }
0x135: {  	s21 =	simm.s32 $0x12;
	s12 =	rddreg [dreg:$0x19];
	[sflag:s6] =	ssyncadd.s32 $0xFFFFE000  }
0x136: {  	[hbm4b:s12+s2] =	stream.linear.scatter [tilespmem:s0], [sflag:$0xD], $0x2000, $0x38;
	[tilespmem:$0x15900] =	vst v63  }
0x137: {  	_ =	swait.ge [sflag:s21], $0x2000  }
0x138: {  	s5 =	simm.s32 $0x12;
	s9 =	sld [smem:$0x7E7]  }
0x139: {  	s21 =	simm.s32 $0x12;
	[sflag:s5] =	ssyncset.done $0x0  }
0x13a: {  	s5 =	simm.s32 $0xF900;
	[sflag:s21] =	ssyncadd.s32 $0xFFFFE000  }
0x13b: {  	[tilespmem:s5], [sflag:$0x8] =	stream.indirect.gather [hbm4b:s3+s4], $0x40, s9, s4, $0xb8;
	[tilespmem:$0x15900] =	vst v63  }
0x13c: {  	_ =	swait.ge [sflag:s11], $0x2000  }
0x13d: {  	[sflag:s11] =	ssyncset.done $0x0  }
0x13e: {  	s13 =	simm.s32 $0x7900;
	s21 =	rddreg [dreg:$0x1a];
	[sflag:s11] =	ssyncadd.s32 $0xFFFFE000  }
0x13f: {  	[hbm4b:s21+s2] =	stream.linear.scatter [tilespmem:s13], [sflag:$0xE], $0x2000, $0x38;
	[tilespmem:$0x15900] =	vst v63  }
0x140: {  	_ =	swait.ge [sflag:s29], $0x2000  }
0x141: {  	s5 =	sld [smem:$0x7E8]  }
0x142: {  	[sflag:s29] =	ssyncset.done $0x0  }
0x143: {  	s13 =	simm.s32 $0x11900;
	[sflag:s29] =	ssyncadd.s32 $0xFFFFE000  }
0x144: {  	[tilespmem:s13], [sflag:$0x9] =	stream.indirect.gather [hbm4b:s3+s4], $0x40, s5, s4, $0xb8;
	[tilespmem:$0x15900] =	vst v63  }
0x145: {  	_ =	swait.ge [sflag:s14], $0x2000  }
0x146: {  	s10 =	simm.s32 $0x9900;
	[sflag:s14] =	ssyncset.done $0x0  }
0x147: {  	s9 =	simm.s32 $0x14;
	s5 =	rddreg [dreg:$0x1b];
	[sflag:s14] =	ssyncadd.s32 $0xFFFFE000  }
0x148: {  	[hbm4b:s5+s2] =	stream.linear.scatter [tilespmem:s10], [sflag:$0xF], $0x2000, $0x38;
	[tilespmem:$0x15900] =	vst v63  }
0x149: {  	_ =	swait.ge [sflag:s9], $0x2000  }
0x14a: {  	s5 =	simm.s32 $0x14;
	s9 =	sld [smem:$0x7E9]  }
0x14b: {  	[sflag:s5] =	ssyncset.done $0x0;
	s5 =	simm.s32 $0x14  }
0x14c: {  	s7 =	simm.s32 $0x13900;
	[sflag:s5] =	ssyncadd.s32 $0xFFFFE000  }
0x14d: {  	[tilespmem:s7], [sflag:$0xA] =	stream.indirect.gather [hbm4b:s3+s4], $0x40, s9, s4, $0xb8;
	[tilespmem:$0x15900] =	vst v63  }
0x14e: {  	_ =	swait.ge [sflag:s26], $0x2000  }
0x14f: {  	[sflag:s26] =	ssyncset.done $0x0  }
0x150: {  	s1 =	simm.s32 $0xB900;
	s7 =	rddreg [dreg:$0x1c];
	[sflag:s26] =	ssyncadd.s32 $0xFFFFE000  }
0x151: {  	[hbm4b:s7+s2] =	stream.linear.scatter [tilespmem:s1], [sflag:$0x10], $0x2000, $0x38;
	[tilespmem:$0x15900] =	vst v63  }
0x152: {  	_ =	swait.ge [sflag:s16], $0x2000  }
0x153: {  	s1 =	sld [smem:$0x7EA]  }
0x154: {  	[sflag:s16] =	ssyncset.done $0x0  }
0x155: {  	s19 =	simm.s32 $0x1900;
	[sflag:s16] =	ssyncadd.s32 $0xFFFFE000  }
0x156: {  	[tilespmem:s19], [sflag:$0x1] =	stream.indirect.gather [hbm4b:s3+s4], $0x40, s1, s4, $0xb8;
	[tilespmem:$0x15900] =	vst v63  }
0x157: {  	_ =	swait.ge [sflag:s28], $0x2000  }
0x158: {  	s24 =	simm.s32 $0xC;
	[sflag:s28] =	ssyncset.done $0x0  }
0x159: {  	s8 =	simm.s32 $0xD900;
	s1 =	rddreg [dreg:$0x1d];
	[sflag:s28] =	ssyncadd.s32 $0xFFFFE000  }
0x15a: {  	[hbm4b:s1+s2] =	stream.linear.scatter [tilespmem:s8], [sflag:$0x11], $0x2000, $0x38;
	[tilespmem:$0x15900] =	vst v63  }
0x15b: {  	_ =	swait.ge [sflag:s24], $0x2000  }
0x15c: {  	s1 =	sld [smem:$0x7EB]  }
0x15d: {  	[sflag:s24] =	ssyncset.done $0x0  }
0x15e: {  	s8 =	simm.s32 $0x3900;
	[sflag:s24] =	ssyncadd.s32 $0xFFFFE000  }
0x15f: {  	[tilespmem:s8], [sflag:$0x2] =	stream.indirect.gather [hbm4b:s3+s4], $0x40, s1, s4, $0xb8;
	[tilespmem:$0x15900] =	vst v63  }
0x160: {  	_ =	swait.ge [sflag:s31], $0x2000  }
0x161: {  	s22 =	simm.s32 $0xD;
	[sflag:s31] =	ssyncset.done $0x0  }
0x162: {  	s0 =	simm.s32 $0xF900;
	s8 =	rddreg [dreg:$0x1e];
	[sflag:s31] =	ssyncadd.s32 $0xFFFFE000  }
0x163: {  	[hbm4b:s8+s2] =	stream.linear.scatter [tilespmem:s0], [sflag:$0x12], $0x2000, $0x38;
	[tilespmem:$0x15900] =	vst v63  }
0x164: {  	_ =	swait.ge [sflag:s22], $0x2000  }
0x165: {  	s8 =	sld [smem:$0x7EC]  }
0x166: {  	[sflag:s22] =	ssyncset.done $0x0  }
0x167: {  	s12 =	simm.s32 $0x5900;
	[sflag:s22] =	ssyncadd.s32 $0xFFFFE000  }
0x168: {  	[tilespmem:s12], [sflag:$0x3] =	stream.indirect.gather [hbm4b:s3+s4], $0x40, s8, s4, $0xb8;
	[tilespmem:$0x15900] =	vst v63  }
0x169: {  	_ =	swait.ge [sflag:s25], $0x2000  }
0x16a: {  	s20 =	simm.s32 $0xE;
	[sflag:s25] =	ssyncset.done $0x0  }
0x16b: {  	s13 =	simm.s32 $0x11900;
	s12 =	rddreg [dreg:$0x1f];
	[sflag:s25] =	ssyncadd.s32 $0xFFFFE000  }
0x16c: {  	[hbm4b:s12+s2] =	stream.linear.scatter [tilespmem:s13], [sflag:$0x13], $0x2000, $0x38;
	[tilespmem:$0x15900] =	vst v63  }
0x16d: {  	_ =	swait.ge [sflag:s20], $0x2000  }
0x16e: {  	s13 =	sld [smem:$0x7ED]  }
0x16f: {  	[sflag:s20] =	ssyncset.done $0x0  }
0x170: {  	s21 =	simm.s32 $0x7900;
	[sflag:s20] =	ssyncadd.s32 $0xFFFFE000  }
0x171: {  	[tilespmem:s21], [sflag:$0x4] =	stream.indirect.gather [hbm4b:s3+s4], $0x40, s13, s4, $0xb8;
	[tilespmem:$0x15900] =	vst v63  }
0x172: {  	_ =	swait.ge [sflag:s23], $0x2000  }
0x173: {  	s21 =	sld [smem:$0x7B9]  }
0x174: {  	[sflag:s23] =	ssyncset.done $0x0  }
0x175: {  	s18 =	simm.s32 $0xF;
	s5 =	simm.s32 $0x13900;
	[sflag:s23] =	ssyncadd.s32 $0xFFFFE000  }
0x176: {  	[hbm4b:s21+s2] =	stream.linear.scatter [tilespmem:s5], [sflag:$0x14], $0x2000, $0x38;
	[tilespmem:$0x15900] =	vst v63  }
0x177: {  	_ =	swait.ge [sflag:s18], $0x2000  }
0x178: {  	s8 =	sld [smem:$0x7EE]  }
0x179: {  	[sflag:s18] =	ssyncset.done $0x0  }
0x17a: {  	s10 =	simm.s32 $0x9900;
	[sflag:s18] =	ssyncadd.s32 $0xFFFFE000  }
0x17b: {  	[tilespmem:s10], [sflag:$0x5] =	stream.indirect.gather [hbm4b:s3+s4], $0x40, s8, s4, $0xb8;
	[tilespmem:$0x15900] =	vst v63  }
0x17c: {  	_ =	swait.ge [sflag:s17], $0x2000  }
0x17d: {  	s12 =	sld [smem:$0x7BA]  }
0x17e: {  	[sflag:s17] =	ssyncset.done $0x0  }
0x17f: {  	s16 =	simm.s32 $0x10;
	s19 =	simm.s32 $0x1900;
	[sflag:s17] =	ssyncadd.s32 $0xFFFFE000  }
0x180: {  	[hbm4b:s12+s2] =	stream.linear.scatter [tilespmem:s19], [sflag:$0xB], $0x2000, $0x38;
	[tilespmem:$0x15900] =	vst v63  }
0x181: {  	_ =	swait.ge [sflag:s16], $0x2000  }
0x182: {  	s19 =	sld [smem:$0x7EF]  }
0x183: {  	[sflag:s16] =	ssyncset.done $0x0  }
0x184: {  	s7 =	simm.s32 $0xB900;
	[sflag:s16] =	ssyncadd.s32 $0xFFFFE000  }
0x185: {  	[tilespmem:s7], [sflag:$0x6] =	stream.indirect.gather [hbm4b:s3+s4], $0x40, s19, s4, $0xb8;
	[tilespmem:$0x15900] =	vst v63  }
0x186: {  	_ =	swait.ge [sflag:s30], $0x2000  }
0x187: {  	s5 =	sld [smem:$0x7BB]  }
0x188: {  	[sflag:s30] =	ssyncset.done $0x0  }
0x189: {  	s1 =	simm.s32 $0x3900;
	[sflag:s30] =	ssyncadd.s32 $0xFFFFE000  }
0x18a: {  	[hbm4b:s5+s2] =	stream.linear.scatter [tilespmem:s1], [sflag:$0xC], $0x2000, $0x38;
	[tilespmem:$0x15900] =	vst v63  }
0x18b: {  	_ =	swait.ge [sflag:s15], $0x2000  }
0x18c: {  	s7 =	sld [smem:$0x7F0]  }
0x18d: {  	[sflag:s15] =	ssyncset.done $0x0  }
0x18e: {  	s12 =	simm.s32 $0xD900;
	[sflag:s15] =	ssyncadd.s32 $0xFFFFE000  }
0x18f: {  	[tilespmem:s12], [sflag:$0x7] =	stream.indirect.gather [hbm4b:s3+s4], $0x40, s7, s4, $0xb8;
	[tilespmem:$0x15900] =	vst v63  }
0x190: {  	_ =	swait.ge [sflag:s6], $0x2000  }
0x191: {  	s19 =	sld [smem:$0x7BC]  }
0x192: {  	[sflag:s6] =	ssyncset.done $0x0  }
0x193: {  	s0 =	simm.s32 $0x5900;
	s1 =	simm.s32 $0x12;
	[sflag:s6] =	ssyncadd.s32 $0xFFFFE000  }
0x194: {  	[hbm4b:s19+s2] =	stream.linear.scatter [tilespmem:s0], [sflag:$0xD], $0x2000, $0x38;
	[tilespmem:$0x15900] =	vst v63  }
0x195: {  	_ =	swait.ge [sflag:s1], $0x2000  }
0x196: {  	s7 =	simm.s32 $0x12;
	s5 =	sld [smem:$0x7F1]  }
0x197: {  	s12 =	simm.s32 $0x12;
	[sflag:s7] =	ssyncset.done $0x0  }
0x198: {  	s19 =	simm.s32 $0xF900;
	[sflag:s12] =	ssyncadd.s32 $0xFFFFE000  }
0x199: {  	[tilespmem:s19], [sflag:$0x8] =	stream.indirect.gather [hbm4b:s3+s4], $0x40, s5, s4, $0xb8;
	[tilespmem:$0x15900] =	vst v63  }
0x19a: {  	_ =	swait.ge [sflag:s11], $0x2000  }
0x19b: {  	s1 =	sld [smem:$0x7BD]  }
0x19c: {  	[sflag:s11] =	ssyncset.done $0x0  }
0x19d: {  	s13 =	simm.s32 $0x7900;
	[sflag:s11] =	ssyncadd.s32 $0xFFFFE000  }
0x19e: {  	[hbm4b:s1+s2] =	stream.linear.scatter [tilespmem:s13], [sflag:$0xE], $0x2000, $0x38;
	[tilespmem:$0x15900] =	vst v63  }
0x19f: {  	_ =	swait.ge [sflag:s29], $0x2000  }
0x1a0: {  	s7 =	sld [smem:$0x7F2]  }
0x1a1: {  	[sflag:s29] =	ssyncset.done $0x0  }
0x1a2: {  	s11 =	simm.s32 $0x11900;
	[sflag:s29] =	ssyncadd.s32 $0xFFFFE000  }
0x1a3: {  	[tilespmem:s11], [sflag:$0x9] =	stream.indirect.gather [hbm4b:s3+s4], $0x40, s7, s4, $0xb8;
	[tilespmem:$0x15900] =	vst v63  }
0x1a4: {  	_ =	swait.ge [sflag:s14], $0x2000  }
0x1a5: {  	s0 =	sld [smem:$0x7BE]  }
0x1a6: {  	[sflag:s14] =	ssyncset.done $0x0  }
0x1a7: {  	s9 =	simm.s32 $0x14;
	s8 =	simm.s32 $0x9900;
	[sflag:s14] =	ssyncadd.s32 $0xFFFFE000  }
0x1a8: {  	[hbm4b:s0+s2] =	stream.linear.scatter [tilespmem:s8], [sflag:$0xF], $0x2000, $0x38;
	[tilespmem:$0x15900] =	vst v63  }
0x1a9: {  	_ =	swait.ge [sflag:s9], $0x2000  }
0x1aa: {  	s14 =	simm.s32 $0x14;
	s11 =	sld [smem:$0x7F3]  }
0x1ab: {  	s8 =	simm.s32 $0x14;
	[sflag:s14] =	ssyncset.done $0x0  }
0x1ac: {  	s21 =	simm.s32 $0x13900;
	[sflag:s8] =	ssyncadd.s32 $0xFFFFE000  }
0x1ad: {  	[tilespmem:s21], [sflag:$0xA] =	stream.indirect.gather [hbm4b:s3+s4], $0x40, s11, s4, $0xb8;
	[tilespmem:$0x15900] =	vst v63  }
0x1ae: {  	_ =	swait.ge [sflag:s26], $0x2000  }
0x1af: {  	s11 =	sld [smem:$0x7BF]  }
0x1b0: {  	[sflag:s26] =	ssyncset.done $0x0  }
0x1b1: {  	s10 =	simm.s32 $0xB900;
	s15 =	simm.s32 $0xB;
	[sflag:s26] =	ssyncadd.s32 $0xFFFFE000  }
0x1b2: {  	[hbm4b:s11+s2] =	stream.linear.scatter [tilespmem:s10], [sflag:$0x10], $0x2000, $0x38;
	[tilespmem:$0x15900] =	vst v63  }
0x1b3: {  	_ =	swait.ge [sflag:s15], $0x2000  }
0x1b4: {  	s21 =	sld [smem:$0x7F4]  }
0x1b5: {  	[sflag:s15] =	ssyncset.done $0x0  }
0x1b6: {  	s0 =	simm.s32 $0x1900;
	[sflag:s15] =	ssyncadd.s32 $0xFFFFE000  }
0x1b7: {  	[tilespmem:s0], [sflag:$0x1] =	stream.indirect.gather [hbm4b:s3+s4], $0x40, s21, s4, $0xb8;
	[tilespmem:$0x15900] =	vst v63  }
0x1b8: {  	_ =	swait.ge [sflag:s28], $0x2000  }
0x1b9: {  	s10 =	sld [smem:$0x7C0]  }
0x1ba: {  	[sflag:s28] =	ssyncset.done $0x0  }
0x1bb: {  	s30 =	simm.s32 $0xD900;
	[sflag:s28] =	ssyncadd.s32 $0xFFFFE000  }
0x1bc: {  	[hbm4b:s10+s2] =	stream.linear.scatter [tilespmem:s30], [sflag:$0x11], $0x2000, $0x38;
	[tilespmem:$0x15900] =	vst v63  }
0x1bd: {  	_ =	swait.ge [sflag:s24], $0x2000  }
0x1be: {  	s11 =	sld [smem:$0x7F5]  }
0x1bf: {  	[sflag:s24] =	ssyncset.done $0x0  }
0x1c0: {  	s21 =	simm.s32 $0x3900;
	[sflag:s24] =	ssyncadd.s32 $0xFFFFE000  }
0x1c1: {  	[tilespmem:s21], [sflag:$0x2] =	stream.indirect.gather [hbm4b:s3+s4], $0x40, s11, s4, $0xb8;
	[tilespmem:$0x15900] =	vst v63  }
0x1c2: {  	_ =	swait.ge [sflag:s31], $0x2000  }
0x1c3: {  	s10 =	sld [smem:$0x7C1]  }
0x1c4: {  	[sflag:s31] =	ssyncset.done $0x0  }
0x1c5: {  	s19 =	simm.s32 $0xF900;
	[sflag:s31] =	ssyncadd.s32 $0xFFFFE000  }
0x1c6: {  	[hbm4b:s10+s2] =	stream.linear.scatter [tilespmem:s19], [sflag:$0x12], $0x2000, $0x38;
	[tilespmem:$0x15900] =	vst v63  }
0x1c7: {  	_ =	swait.ge [sflag:s22], $0x2000  }
0x1c8: {  	s31 =	sld [smem:$0x7F6]  }
0x1c9: {  	[sflag:s22] =	ssyncset.done $0x0  }
0x1ca: {  	s10 =	simm.s32 $0x5900;
	[sflag:s22] =	ssyncadd.s32 $0xFFFFE000  }
0x1cb: {  	[tilespmem:s10], [sflag:$0x3] =	stream.indirect.gather [hbm4b:s3+s4], $0x40, s31, s4, $0xb8;
	[tilespmem:$0x15900] =	vst v63  }
0x1cc: {  	_ =	swait.ge [sflag:s25], $0x2000  }
0x1cd: {  	s31 =	sld [smem:$0x7C2]  }
0x1ce: {  	[sflag:s25] =	ssyncset.done $0x0  }
0x1cf: {  	s1 =	simm.s32 $0x11900;
	[sflag:s25] =	ssyncadd.s32 $0xFFFFE000  }
0x1d0: {  	[hbm4b:s31+s2] =	stream.linear.scatter [tilespmem:s1], [sflag:$0x13], $0x2000, $0x38;
	[tilespmem:$0x15900] =	vst v63  }
0x1d1: {  	_ =	swait.ge [sflag:s20], $0x2000  }
0x1d2: {  	s19 =	sld [smem:$0x7F7]  }
0x1d3: {  	[sflag:s20] =	ssyncset.done $0x0  }
0x1d4: {  	s1 =	simm.s32 $0x7900;
	[sflag:s20] =	ssyncadd.s32 $0xFFFFE000  }
0x1d5: {  	[tilespmem:s1], [sflag:$0x4] =	stream.indirect.gather [hbm4b:s3+s4], $0x40, s19, s4, $0xb8;
	[tilespmem:$0x15900] =	vst v63  }
0x1d6: {  	_ =	swait.ge [sflag:s23], $0x2000  }
0x1d7: {  	s1 =	sld [smem:$0x7C3]  }
0x1d8: {  	[sflag:s23] =	ssyncset.done $0x0  }
0x1d9: {  	s14 =	simm.s32 $0x13900;
	[sflag:s23] =	ssyncadd.s32 $0xFFFFE000  }
0x1da: {  	[hbm4b:s1+s2] =	stream.linear.scatter [tilespmem:s14], [sflag:$0x14], $0x2000, $0x38;
	[tilespmem:$0x15900] =	vst v63  }
0x1db: {  	_ =	swait.ge [sflag:s18], $0x2000  }
0x1dc: {  	s19 =	sld [smem:$0x7F8]  }
0x1dd: {  	[sflag:s18] =	ssyncset.done $0x0  }
0x1de: {  	s1 =	simm.s32 $0x9900;
	[sflag:s18] =	ssyncadd.s32 $0xFFFFE000  }
0x1df: {  	[tilespmem:s1], [sflag:$0x5] =	stream.indirect.gather [hbm4b:s3+s4], $0x40, s19, s4, $0xb8;
	[tilespmem:$0x15900] =	vst v63  }
0x1e0: {  	_ =	swait.ge [sflag:s17], $0x2000  }
0x1e1: {  	s19 =	sld [smem:$0x7C4]  }
0x1e2: {  	[sflag:s17] =	ssyncset.done $0x0  }
0x1e3: {  	[sflag:s17] =	ssyncadd.s32 $0xFFFFE000  }
0x1e4: {  	[hbm4b:s19+s2] =	stream.linear.scatter [tilespmem:s0], [sflag:$0xB], $0x2000, $0x38;
	[tilespmem:$0x15900] =	vst v63  }
0x1e5: {  	_ =	swait.ge [sflag:s16], $0x2000  }
0x1e6: {  	s19 =	sld [smem:$0x7F9]  }
0x1e7: {  	[sflag:s16] =	ssyncset.done $0x0  }
0x1e8: {  	s6 =	simm.s32 $0x2;
	s0 =	simm.s32 $0xB900;
	[sflag:s16] =	ssyncadd.s32 $0xFFFFE000  }
0x1e9: {  	[tilespmem:s0], [sflag:$0x6] =	stream.indirect.gather [hbm4b:s3+s4], $0x40, s19, s4, $0xb8;
	[tilespmem:$0x15900] =	vst v63  }
0x1ea: {  	_ =	swait.ge [sflag:s6], $0x2000  }
0x1eb: {  	s17 =	sld [smem:$0x7C5]  }
0x1ec: {  	[sflag:s6] =	ssyncset.done $0x0  }
0x1ed: {  	s12 =	simm.s32 $0x11;
	s21 =	simm.s32 $0x3900;
	[sflag:s6] =	ssyncadd.s32 $0xFFFFE000  }
0x1ee: {  	[hbm4b:s17+s2] =	stream.linear.scatter [tilespmem:s21], [sflag:$0xC], $0x2000, $0x38;
	[tilespmem:$0x15900] =	vst v63  }
0x1ef: {  	_ =	swait.ge [sflag:s12], $0x2000  }
0x1f0: {  	s21 =	sld [smem:$0x7FA]  }
0x1f1: {  	[sflag:s12] =	ssyncset.done $0x0  }
0x1f2: {  	s5 =	simm.s32 $0x3;
	s6 =	simm.s32 $0xD900;
	[sflag:s12] =	ssyncadd.s32 $0xFFFFE000  }
0x1f3: {  	[tilespmem:s6], [sflag:$0x7] =	stream.indirect.gather [hbm4b:s3+s4], $0x40, s21, s4, $0xb8;
	[tilespmem:$0x15900] =	vst v63  }
0x1f4: {  	_ =	swait.ge [sflag:s5], $0x2000  }
0x1f5: {  	s17 =	sld [smem:$0x7C6]  }
0x1f6: {  	[sflag:s5] =	ssyncset.done $0x0  }
0x1f7: {  	s13 =	simm.s32 $0x12;
	s10 =	simm.s32 $0x5900;
	[sflag:s5] =	ssyncadd.s32 $0xFFFFE000  }
0x1f8: {  	[hbm4b:s17+s2] =	stream.linear.scatter [tilespmem:s10], [sflag:$0xD], $0x2000, $0x38;
	[tilespmem:$0x15900] =	vst v63  }
0x1f9: {  	_ =	swait.ge [sflag:s13], $0x2000  }
0x1fa: {  	s5 =	sld [smem:$0x7FB]  }
0x1fb: {  	[sflag:s13] =	ssyncset.done $0x0  }
0x1fc: {  	s7 =	simm.s32 $0x4;
	s10 =	simm.s32 $0xF900;
	[sflag:s13] =	ssyncadd.s32 $0xFFFFE000  }
0x1fd: {  	[tilespmem:s10], [sflag:$0x8] =	stream.indirect.gather [hbm4b:s3+s4], $0x40, s5, s4, $0xb8;
	[tilespmem:$0x15900] =	vst v63  }
0x1fe: {  	_ =	swait.ge [sflag:s7], $0x2000  }
0x1ff: {  	s17 =	sld [smem:$0x7C7]  }
0x200: {  	[sflag:s7] =	ssyncset.done $0x0  }
0x201: {  	s29 =	simm.s32 $0x7900;
	s8 =	simm.s32 $0x13;
	[sflag:s7] =	ssyncadd.s32 $0xFFFFE000  }
0x202: {  	[hbm4b:s17+s2] =	stream.linear.scatter [tilespmem:s29], [sflag:$0xE], $0x2000, $0x38;
	[tilespmem:$0x15900] =	vst v63  }
0x203: {  	_ =	swait.ge [sflag:s8], $0x2000  }
0x204: {  	s5 =	sld [smem:$0x7FC]  }
0x205: {  	[sflag:s8] =	ssyncset.done $0x0  }
0x206: {  	s11 =	simm.s32 $0x5;
	s31 =	simm.s32 $0x11900;
	[sflag:s8] =	ssyncadd.s32 $0xFFFFE000  }
0x207: {  	[tilespmem:s31], [sflag:$0x9] =	stream.indirect.gather [hbm4b:s3+s4], $0x40, s5, s4, $0xb8;
	[tilespmem:$0x15900] =	vst v63  }
0x208: {  	_ =	swait.ge [sflag:s11], $0x2000  }
0x209: {  	s7 =	sld [smem:$0x7C8]  }
0x20a: {  	[sflag:s11] =	ssyncset.done $0x0  }
0x20b: {  	s5 =	simm.s32 $0x14;
	[sflag:s11] =	ssyncadd.s32 $0xFFFFE000  }
0x20c: {  	[hbm4b:s7+s2] =	stream.linear.scatter [tilespmem:s1], [sflag:$0xF], $0x2000, $0x38;
	[tilespmem:$0x15900] =	vst v63  }
0x20d: {  	_ =	swait.ge [sflag:s5], $0x2000  }
0x20e: {  	s17 =	sld [smem:$0x7FD]  }
0x20f: {  	[sflag:s5] =	ssyncset.done $0x0  }
0x210: {  	s14 =	simm.s32 $0x13900;
	[sflag:s5] =	ssyncadd.s32 $0xFFFFE000  }
0x211: {  	[tilespmem:s14], [sflag:$0xA] =	stream.indirect.gather [hbm4b:s3+s4], $0x40, s17, s4, $0xb8;
	[tilespmem:$0x15900] =	vst v63  }
0x212: {  	_ =	swait.ge [sflag:s26], $0x2000  }
0x213: {  	s1 =	sld [smem:$0x7C9]  }
0x214: {  	[sflag:s26] =	ssyncset.done $0x0  }
0x215: {  	[sflag:s26] =	ssyncadd.s32 $0xFFFFE000  }
0x216: {  	[hbm4b:s1+s2] =	stream.linear.scatter [tilespmem:s0], [sflag:$0x10], $0x2000, $0x38;
	[tilespmem:$0x15900] =	vst v63  }
0x217: {  	_ =	swait.ge [sflag:s28], $0x2000  }
0x218: {  	s7 =	sld [smem:$0x7CA]  }
0x219: {  	[sflag:s28] =	ssyncset.done $0x0  }
0x21a: {  	s29 =	simm.s32 $0x8;
	[sflag:s28] =	ssyncadd.s32 $0xFFFFE000  }
0x21b: {  	[hbm4b:s7+s2] =	stream.linear.scatter [tilespmem:s6], [sflag:$0x11], $0x2000, $0x38;
	[tilespmem:$0x15900] =	vst v63  }
0x21c: {  	_ =	swait.ge [sflag:s29], $0x2000  }
0x21d: {  	s11 =	sld [smem:$0x7CB]  }
0x21e: {  	[sflag:s29] =	ssyncset.done $0x0  }
0x21f: {  	s10 =	simm.s32 $0xF900;
	[sflag:s29] =	ssyncadd.s32 $0xFFFFE000  }
0x220: {  	[hbm4b:s11+s2] =	stream.linear.scatter [tilespmem:s10], [sflag:$0x12], $0x2000, $0x38;
	[tilespmem:$0x15900] =	vst v63  }
0x221: {  	_ =	swait.ge [sflag:s25], $0x2000  }
0x222: {  	s17 =	sld [smem:$0x7CC]  }
0x223: {  	[sflag:s25] =	ssyncset.done $0x0  }
0x224: {  	[sflag:s25] =	ssyncadd.s32 $0xFFFFE000  }
0x225: {  	[hbm4b:s17+s2] =	stream.linear.scatter [tilespmem:s31], [sflag:$0x13], $0x2000, $0x38;
	[tilespmem:$0x15900] =	vst v63  }
0x226: {  	_ =	swait.ge [sflag:s23], $0x2000  }
0x227: {  	s26 =	sld [smem:$0x7CD]  }
0x228: {  	[sflag:s23] =	ssyncset.done $0x0  }
0x229: {  	[sflag:s23] =	ssyncadd.s32 $0xFFFFE000  }
0x22a: {  	[hbm4b:s26+s2] =	stream.linear.scatter [tilespmem:s14], [sflag:$0x14], $0x2000, $0x38;
	[tilespmem:$0x15900] =	vst v63  }
0x22b: {  	_ =	swait.ge [sflag:s15], $0x2000  }
0x22c: {  	[sflag:s15] =	ssyncset.done $0x0  }
0x22d: {  	[sflag:s15] =	ssyncadd.s32 $0xFFFFE000  }
0x22e: {  	_ =	swait.ge [sflag:s24], $0x2000  }
0x22f: {  	[sflag:s24] =	ssyncset.done $0x0  }
0x230: {  	[sflag:s24] =	ssyncadd.s32 $0xFFFFE000  }
0x231: {  	_ =	swait.ge [sflag:s22], $0x2000  }
0x232: {  	[sflag:s22] =	ssyncset.done $0x0  }
0x233: {  	[sflag:s22] =	ssyncadd.s32 $0xFFFFE000  }
0x234: {  	_ =	swait.ge [sflag:s20], $0x2000  }
0x235: {  	[sflag:s20] =	ssyncset.done $0x0  }
0x236: {  	[sflag:s20] =	ssyncadd.s32 $0xFFFFE000  }
0x237: {  	_ =	swait.ge [sflag:s18], $0x2000  }
0x238: {  	[sflag:s18] =	ssyncset.done $0x0  }
0x239: {  	[sflag:s18] =	ssyncadd.s32 $0xFFFFE000  }
0x23a: {  	_ =	swait.ge [sflag:s16], $0x2000  }
0x23b: {  	[sflag:s16] =	ssyncset.done $0x0  }
0x23c: {  	[sflag:s16] =	ssyncadd.s32 $0xFFFFE000  }
0x23d: {  	_ =	swait.ge [sflag:s12], $0x2000  }
0x23e: {  	[sflag:s12] =	ssyncset.done $0x0  }
0x23f: {  	[sflag:s12] =	ssyncadd.s32 $0xFFFFE000  }
0x240: {  	_ =	swait.ge [sflag:s13], $0x2000  }
0x241: {  	[sflag:s13] =	ssyncset.done $0x0  }
0x242: {  	[sflag:s13] =	ssyncadd.s32 $0xFFFFE000  }
0x243: {  	_ =	swait.ge [sflag:s8], $0x2000  }
0x244: {  	s31 =	sld [smem:$0x7B7];
	_ =	sdelay $0x2  }
0x245: {  	p1 =	sne.s32 s31, $0x1  }
.Ltmp1:
0x246: {  	_ = 	snop;
	(pc) =	sbr.rel @!p1 .LBB2_6-.Ltmp1, $4  }
0x247: {  	[sflag:s8] =	ssyncset.done $0x0  }
0x248: {  	p0 =	por $0x1, $0x1;
	s30 =	simm.s32 $0x1900;
	[sflag:s8] =	ssyncadd.s32 $0xFFFFE000  }
0x249: {  	s19 =	simm.s32 $0x3900;
	s21 =	simm.s32 $0x5900;
	_ =	swait.ge [sflag:s5], $0x2000  }
0x24a: {  	s7 =	sadd.s32 $0xFFFFFFFF, s31;
	s10 =	rddreg [dreg:$0x3];
	[sflag:s5] =	ssyncset.done $0x0  }
0x24b: {  	s14 =	simm.s32 $0x6  }
.LBB2_3:
0x24c: {  	s0 =	sadd.s32 $0xFFFFFFFF, s7;
	[sflag:s5] =	ssyncadd.s32 $0xFFFFE000  }
0x24d: {  	[tilespmem:s2], [sflag:$0x15] =	stream.linear.gather [hbm4b:s10+s2], $0x1900, $0x38;
	[tilespmem:$0x15900] =	vst v63  }
0x24e: {  	[smem:$0x7B6] =	sst s0;
	s0 =	simm.s32 $0x15  }
0x24f: {  	_ =	swait.ge [sflag:s0], $0x1900  }
0x250: {  	[sflag:s0] =	ssyncset.done $0x0  }
0x251: {  	[sflag:s0] =	ssyncadd.s32 $0xFFFFE700  }
0x252: {  	[tilespmem:s30], [sflag:$0x1] =	stream.indirect.gather [hbm4b:s3+s4], $0x40, s2, s4, $0xb8;
	[tilespmem:$0x15900] =	vst v63  }
0x253: {  	s1 =	sld [smem:$0x7CE]  }
0x254: {  	[tilespmem:s19], [sflag:$0x2] =	stream.indirect.gather [hbm4b:s3+s4], $0x40, s4, s4, $0xb8;
	[tilespmem:$0x15900] =	vst v63  }
0x255: {  	s12 =	sld [smem:$0x7CF];
	s19 =	simm.s32 $0x5900  }
0x256: {  	[tilespmem:s19], [sflag:$0x3] =	stream.indirect.gather [hbm4b:s3+s4], $0x40, s1, s4, $0xb8;
	[tilespmem:$0x15900] =	vst v63  }
0x257: {  	s13 =	simm.s32 $0x7900;
	s5 =	sld [smem:$0x7D0]  }
0x258: {  	[tilespmem:s13], [sflag:$0x4] =	stream.indirect.gather [hbm4b:s3+s4], $0x40, s12, s4, $0xb8;
	[tilespmem:$0x15900] =	vst v63  }
0x259: {  	s6 =	simm.s32 $0x9900;
	s9 =	simm.s32 $0x1  }
0x25a: {  	[tilespmem:s6], [sflag:$0x5] =	stream.indirect.gather [hbm4b:s3+s4], $0x40, s5, s4, $0xb8;
	[tilespmem:$0x15900] =	vst v63  }
0x25b: {  	_ =	swait.ge [sflag:s9], $0x2000  }
0x25c: {  	s12 =	sld [smem:$0x7B8]  }
0x25d: {  	p1 =	sne.s32 s7, $0x1;
	[sflag:s9] =	ssyncset.done $0x0  }
0x25e: {  	s30 =	simm.s32 $0x1900;
	s7 =	sld [smem:$0x7D1];
	[sflag:s9] =	ssyncadd.s32 $0xFFFFE000  }
0x25f: {  	[hbm4b:s12+s2] =	stream.linear.scatter [tilespmem:s30], [sflag:$0xB], $0x2000, $0x38;
	[tilespmem:$0x15900] =	vst v63  }
0x260: {  	s24 =	simm.s32 $0xB900;
	s30 =	simm.s32 $0x2  }
0x261: {  	[tilespmem:s24], [sflag:$0x6] =	stream.indirect.gather [hbm4b:s3+s4], $0x40, s7, s4, $0xb8;
	[tilespmem:$0x15900] =	vst v63  }
0x262: {  	_ =	swait.ge [sflag:s30], $0x2000  }
0x263: {  	s0 =	rddreg [dreg:$0x4];
	[sflag:s30] =	ssyncset.done $0x0  }
0x264: {  	s22 =	simm.s32 $0x3900;
	s7 =	sld [smem:$0x7D2];
	[sflag:s30] =	ssyncadd.s32 $0xFFFFE000  }
0x265: {  	[hbm4b:s0+s2] =	stream.linear.scatter [tilespmem:s22], [sflag:$0xC], $0x2000, $0x38;
	[tilespmem:$0x15900] =	vst v63  }
0x266: {  	s10 =	simm.s32 $0xD900;
	s6 =	simm.s32 $0x3  }
0x267: {  	[tilespmem:s10], [sflag:$0x7] =	stream.indirect.gather [hbm4b:s3+s4], $0x40, s7, s4, $0xb8;
	[tilespmem:$0x15900] =	vst v63  }
0x268: {  	_ =	swait.ge [sflag:s6], $0x2000  }
0x269: {  	s22 =	rddreg [dreg:$0x5];
	[sflag:s6] =	ssyncset.done $0x0  }
0x26a: {  	s7 =	sld [smem:$0x7D3];
	[sflag:s6] =	ssyncadd.s32 $0xFFFFE000  }
0x26b: {  	[hbm4b:s22+s2] =	stream.linear.scatter [tilespmem:s19], [sflag:$0xD], $0x2000, $0x38;
	[tilespmem:$0x15900] =	vst v63  }
0x26c: {  	s8 =	simm.s32 $0x4;
	s10 =	simm.s32 $0xF900  }
0x26d: {  	[tilespmem:s10], [sflag:$0x8] =	stream.indirect.gather [hbm4b:s3+s4], $0x40, s7, s4, $0xb8;
	[tilespmem:$0x15900] =	vst v63  }
0x26e: {  	_ =	swait.ge [sflag:s8], $0x2000  }
0x26f: {  	s12 =	rddreg [dreg:$0x6];
	[sflag:s8] =	ssyncset.done $0x0  }
0x270: {  	s7 =	sld [smem:$0x7D4];
	[sflag:s8] =	ssyncadd.s32 $0xFFFFE000  }
0x271: {  	[hbm4b:s12+s2] =	stream.linear.scatter [tilespmem:s13], [sflag:$0xE], $0x2000, $0x38;
	[tilespmem:$0x15900] =	vst v63  }
0x272: {  	s11 =	simm.s32 $0x5;
	s10 =	simm.s32 $0x11900  }
0x273: {  	[tilespmem:s10], [sflag:$0x9] =	stream.indirect.gather [hbm4b:s3+s4], $0x40, s7, s4, $0xb8;
	[tilespmem:$0x15900] =	vst v63  }
0x274: {  	_ =	swait.ge [sflag:s11], $0x2000  }
0x275: {  	s13 =	rddreg [dreg:$0x7];
	[sflag:s11] =	ssyncset.done $0x0  }
0x276: {  	s1 =	simm.s32 $0x9900;
	s7 =	sld [smem:$0x7D5];
	[sflag:s11] =	ssyncadd.s32 $0xFFFFE000  }
0x277: {  	[hbm4b:s13+s2] =	stream.linear.scatter [tilespmem:s1], [sflag:$0xF], $0x2000, $0x38;
	[tilespmem:$0x15900] =	vst v63  }
0x278: {  	s28 =	simm.s32 $0x6;
	s13 =	simm.s32 $0x13900  }
0x279: {  	[tilespmem:s13], [sflag:$0xA] =	stream.indirect.gather [hbm4b:s3+s4], $0x40, s7, s4, $0xb8;
	[tilespmem:$0x15900] =	vst v63  }
0x27a: {  	_ =	swait.ge [sflag:s28], $0x2000  }
0x27b: {  	s16 =	simm.s32 $0xB;
	[sflag:s28] =	ssyncset.done $0x0  }
0x27c: {  	s5 =	simm.s32 $0xB900;
	s1 =	rddreg [dreg:$0x8];
	[sflag:s28] =	ssyncadd.s32 $0xFFFFE000  }
0x27d: {  	[hbm4b:s1+s2] =	stream.linear.scatter [tilespmem:s5], [sflag:$0x10], $0x2000, $0x38;
	[tilespmem:$0x15900] =	vst v63  }
0x27e: {  	_ =	swait.ge [sflag:s16], $0x2000  }
0x27f: {  	s5 =	sld [smem:$0x7D6]  }
0x280: {  	[sflag:s16] =	ssyncset.done $0x0  }
0x281: {  	s0 =	simm.s32 $0x1900;
	s28 =	simm.s32 $0x7;
	[sflag:s16] =	ssyncadd.s32 $0xFFFFE000  }
0x282: {  	[tilespmem:s0], [sflag:$0x1] =	stream.indirect.gather [hbm4b:s3+s4], $0x40, s5, s4, $0xb8;
	[tilespmem:$0x15900] =	vst v63  }
0x283: {  	_ =	swait.ge [sflag:s28], $0x2000  }
0x284: {  	s23 =	simm.s32 $0xC;
	[sflag:s28] =	ssyncset.done $0x0  }
0x285: {  	s24 =	simm.s32 $0xD900;
	s0 =	rddreg [dreg:$0x9];
	[sflag:s28] =	ssyncadd.s32 $0xFFFFE000  }
0x286: {  	[hbm4b:s0+s2] =	stream.linear.scatter [tilespmem:s24], [sflag:$0x11], $0x2000, $0x38;
	[tilespmem:$0x15900] =	vst v63  }
0x287: {  	_ =	swait.ge [sflag:s23], $0x2000  }
0x288: {  	s1 =	sld [smem:$0x7D7]  }
0x289: {  	[sflag:s23] =	ssyncset.done $0x0  }
0x28a: {  	s31 =	simm.s32 $0x8;
	s19 =	simm.s32 $0x3900;
	[sflag:s23] =	ssyncadd.s32 $0xFFFFE000  }
0x28b: {  	[tilespmem:s19], [sflag:$0x2] =	stream.indirect.gather [hbm4b:s3+s4], $0x40, s1, s4, $0xb8;
	[tilespmem:$0x15900] =	vst v63  }
0x28c: {  	_ =	swait.ge [sflag:s31], $0x2000  }
0x28d: {  	s21 =	simm.s32 $0xD;
	[sflag:s31] =	ssyncset.done $0x0  }
0x28e: {  	s22 =	simm.s32 $0xF900;
	s19 =	rddreg [dreg:$0xa];
	[sflag:s31] =	ssyncadd.s32 $0xFFFFE000  }
0x28f: {  	[hbm4b:s19+s2] =	stream.linear.scatter [tilespmem:s22], [sflag:$0x12], $0x2000, $0x38;
	[tilespmem:$0x15900] =	vst v63  }
0x290: {  	_ =	swait.ge [sflag:s21], $0x2000  }
0x291: {  	s22 =	sld [smem:$0x7D8]  }
0x292: {  	[sflag:s21] =	ssyncset.done $0x0  }
0x293: {  	s26 =	simm.s32 $0x9;
	s19 =	simm.s32 $0x5900;
	[sflag:s21] =	ssyncadd.s32 $0xFFFFE000  }
0x294: {  	[tilespmem:s19], [sflag:$0x3] =	stream.indirect.gather [hbm4b:s3+s4], $0x40, s22, s4, $0xb8;
	[tilespmem:$0x15900] =	vst v63  }
0x295: {  	_ =	swait.ge [sflag:s26], $0x2000  }
0x296: {  	s20 =	simm.s32 $0xE;
	[sflag:s26] =	ssyncset.done $0x0  }
0x297: {  	s22 =	simm.s32 $0x11900;
	s0 =	rddreg [dreg:$0xb];
	[sflag:s26] =	ssyncadd.s32 $0xFFFFE000  }
0x298: {  	[hbm4b:s0+s2] =	stream.linear.scatter [tilespmem:s22], [sflag:$0x13], $0x2000, $0x38;
	[tilespmem:$0x15900] =	vst v63  }
0x299: {  	_ =	swait.ge [sflag:s20], $0x2000  }
0x29a: {  	s26 =	sld [smem:$0x7D9]  }
0x29b: {  	[sflag:s20] =	ssyncset.done $0x0  }
0x29c: {  	s25 =	simm.s32 $0xA;
	s13 =	simm.s32 $0x7900;
	[sflag:s20] =	ssyncadd.s32 $0xFFFFE000  }
0x29d: {  	[tilespmem:s13], [sflag:$0x4] =	stream.indirect.gather [hbm4b:s3+s4], $0x40, s26, s4, $0xb8;
	[tilespmem:$0x15900] =	vst v63  }
0x29e: {  	_ =	swait.ge [sflag:s25], $0x2000  }
0x29f: {  	s18 =	simm.s32 $0xF;
	[sflag:s25] =	ssyncset.done $0x0  }
0x2a0: {  	s12 =	simm.s32 $0x13900;
	s0 =	rddreg [dreg:$0xc];
	[sflag:s25] =	ssyncadd.s32 $0xFFFFE000  }
0x2a1: {  	[hbm4b:s0+s2] =	stream.linear.scatter [tilespmem:s12], [sflag:$0x14], $0x2000, $0x38;
	[tilespmem:$0x15900] =	vst v63  }
0x2a2: {  	_ =	swait.ge [sflag:s18], $0x2000  }
0x2a3: {  	s26 =	sld [smem:$0x7DA]  }
0x2a4: {  	[sflag:s18] =	ssyncset.done $0x0  }
0x2a5: {  	s0 =	simm.s32 $0x9900;
	[sflag:s18] =	ssyncadd.s32 $0xFFFFE000  }
0x2a6: {  	[tilespmem:s0], [sflag:$0x5] =	stream.indirect.gather [hbm4b:s3+s4], $0x40, s26, s4, $0xb8;
	[tilespmem:$0x15900] =	vst v63  }
0x2a7: {  	_ =	swait.ge [sflag:s9], $0x2000  }
0x2a8: {  	s17 =	simm.s32 $0x10;
	[sflag:s9] =	ssyncset.done $0x0  }
0x2a9: {  	s5 =	simm.s32 $0x1900;
	s26 =	rddreg [dreg:$0xd];
	[sflag:s9] =	ssyncadd.s32 $0xFFFFE000  }
0x2aa: {  	[hbm4b:s26+s2] =	stream.linear.scatter [tilespmem:s5], [sflag:$0xB], $0x2000, $0x38;
	[tilespmem:$0x15900] =	vst v63  }
0x2ab: {  	_ =	swait.ge [sflag:s17], $0x2000  }
0x2ac: {  	s5 =	sld [smem:$0x7DB]  }
0x2ad: {  	[sflag:s17] =	ssyncset.done $0x0  }
0x2ae: {  	s7 =	simm.s32 $0xB900;
	[sflag:s17] =	ssyncadd.s32 $0xFFFFE000  }
0x2af: {  	[tilespmem:s7], [sflag:$0x6] =	stream.indirect.gather [hbm4b:s3+s4], $0x40, s5, s4, $0xb8;
	[tilespmem:$0x15900] =	vst v63  }
0x2b0: {  	_ =	swait.ge [sflag:s30], $0x2000  }
0x2b1: {  	s15 =	simm.s32 $0x11;
	[sflag:s30] =	ssyncset.done $0x0  }
0x2b2: {  	s1 =	simm.s32 $0x3900;
	s26 =	rddreg [dreg:$0xe];
	[sflag:s30] =	ssyncadd.s32 $0xFFFFE000  }
0x2b3: {  	[hbm4b:s26+s2] =	stream.linear.scatter [tilespmem:s1], [sflag:$0xC], $0x2000, $0x38;
	[tilespmem:$0x15900] =	vst v63  }
0x2b4: {  	_ =	swait.ge [sflag:s15], $0x2000  }
0x2b5: {  	s1 =	sld [smem:$0x7DC]  }
0x2b6: {  	[sflag:s15] =	ssyncset.done $0x0  }
0x2b7: {  	s24 =	simm.s32 $0xD900;
	[sflag:s15] =	ssyncadd.s32 $0xFFFFE000  }
0x2b8: {  	[tilespmem:s24], [sflag:$0x7] =	stream.indirect.gather [hbm4b:s3+s4], $0x40, s1, s4, $0xb8;
	[tilespmem:$0x15900] =	vst v63  }
0x2b9: {  	_ =	swait.ge [sflag:s6], $0x2000  }
0x2ba: {  	[sflag:s6] =	ssyncset.done $0x0  }
0x2bb: {  	s29 =	simm.s32 $0x12;
	s5 =	rddreg [dreg:$0xf];
	[sflag:s6] =	ssyncadd.s32 $0xFFFFE000  }
0x2bc: {  	[hbm4b:s5+s2] =	stream.linear.scatter [tilespmem:s19], [sflag:$0xD], $0x2000, $0x38;
	[tilespmem:$0x15900] =	vst v63  }
0x2bd: {  	_ =	swait.ge [sflag:s29], $0x2000  }
0x2be: {  	s24 =	sld [smem:$0x7DD]  }
0x2bf: {  	[sflag:s29] =	ssyncset.done $0x0  }
0x2c0: {  	s26 =	simm.s32 $0xF900;
	[sflag:s29] =	ssyncadd.s32 $0xFFFFE000  }
0x2c1: {  	[tilespmem:s26], [sflag:$0x8] =	stream.indirect.gather [hbm4b:s3+s4], $0x40, s24, s4, $0xb8;
	[tilespmem:$0x15900] =	vst v63  }
0x2c2: {  	_ =	swait.ge [sflag:s8], $0x2000  }
0x2c3: {  	s10 =	simm.s32 $0x13;
	[sflag:s8] =	ssyncset.done $0x0  }
0x2c4: {  	s13 =	simm.s32 $0x7900;
	s5 =	rddreg [dreg:$0x10];
	[sflag:s8] =	ssyncadd.s32 $0xFFFFE000  }
0x2c5: {  	[hbm4b:s5+s2] =	stream.linear.scatter [tilespmem:s13], [sflag:$0xE], $0x2000, $0x38;
	[tilespmem:$0x15900] =	vst v63  }
0x2c6: {  	_ =	swait.ge [sflag:s10], $0x2000  }
0x2c7: {  	s24 =	simm.s32 $0x13;
	s13 =	sld [smem:$0x7DE]  }
0x2c8: {  	s26 =	simm.s32 $0x13;
	[sflag:s24] =	ssyncset.done $0x0  }
0x2c9: {  	[sflag:s26] =	ssyncadd.s32 $0xFFFFE000  }
0x2ca: {  	[tilespmem:s22], [sflag:$0x9] =	stream.indirect.gather [hbm4b:s3+s4], $0x40, s13, s4, $0xb8;
	[tilespmem:$0x15900] =	vst v63  }
0x2cb: {  	_ =	swait.ge [sflag:s11], $0x2000  }
0x2cc: {  	[sflag:s11] =	ssyncset.done $0x0  }
0x2cd: {  	s13 =	simm.s32 $0x14;
	s5 =	rddreg [dreg:$0x11];
	[sflag:s11] =	ssyncadd.s32 $0xFFFFE000  }
0x2ce: {  	[hbm4b:s5+s2] =	stream.linear.scatter [tilespmem:s0], [sflag:$0xF], $0x2000, $0x38;
	[tilespmem:$0x15900] =	vst v63  }
0x2cf: {  	_ =	swait.ge [sflag:s13], $0x2000  }
0x2d0: {  	s26 =	simm.s32 $0x14;
	s24 =	sld [smem:$0x7DF]  }
0x2d1: {  	s1 =	simm.s32 $0x14;
	[sflag:s26] =	ssyncset.done $0x0  }
0x2d2: {  	s12 =	simm.s32 $0x13900;
	[sflag:s1] =	ssyncadd.s32 $0xFFFFE000  }
0x2d3: {  	[tilespmem:s12], [sflag:$0xA] =	stream.indirect.gather [hbm4b:s3+s4], $0x40, s24, s4, $0xb8;
	[tilespmem:$0x15900] =	vst v63  }
0x2d4: {  	_ =	swait.ge [sflag:s14], $0x2000  }
0x2d5: {  	[sflag:s14] =	ssyncset.done $0x0  }
0x2d6: {  	s0 =	simm.s32 $0xB900;
	s5 =	rddreg [dreg:$0x12];
	[sflag:s14] =	ssyncadd.s32 $0xFFFFE000  }
0x2d7: {  	[hbm4b:s5+s2] =	stream.linear.scatter [tilespmem:s0], [sflag:$0x10], $0x2000, $0x38;
	[tilespmem:$0x15900] =	vst v63  }
0x2d8: {  	_ =	swait.ge [sflag:s16], $0x2000  }
0x2d9: {  	s12 =	sld [smem:$0x7E0]  }
0x2da: {  	[sflag:s16] =	ssyncset.done $0x0  }
0x2db: {  	s1 =	simm.s32 $0x1900;
	[sflag:s16] =	ssyncadd.s32 $0xFFFFE000  }
0x2dc: {  	[tilespmem:s1], [sflag:$0x1] =	stream.indirect.gather [hbm4b:s3+s4], $0x40, s12, s4, $0xb8;
	[tilespmem:$0x15900] =	vst v63  }
0x2dd: {  	_ =	swait.ge [sflag:s28], $0x2000  }
0x2de: {  	[sflag:s28] =	ssyncset.done $0x0  }
0x2df: {  	s7 =	simm.s32 $0xD900;
	s24 =	rddreg [dreg:$0x13];
	[sflag:s28] =	ssyncadd.s32 $0xFFFFE000  }
0x2e0: {  	[hbm4b:s24+s2] =	stream.linear.scatter [tilespmem:s7], [sflag:$0x11], $0x2000, $0x38;
	[tilespmem:$0x15900] =	vst v63  }
0x2e1: {  	_ =	swait.ge [sflag:s23], $0x2000  }
0x2e2: {  	s26 =	sld [smem:$0x7E1]  }
0x2e3: {  	[sflag:s23] =	ssyncset.done $0x0  }
0x2e4: {  	s12 =	simm.s32 $0x3900;
	[sflag:s23] =	ssyncadd.s32 $0xFFFFE000  }
0x2e5: {  	[tilespmem:s12], [sflag:$0x2] =	stream.indirect.gather [hbm4b:s3+s4], $0x40, s26, s4, $0xb8;
	[tilespmem:$0x15900] =	vst v63  }
0x2e6: {  	_ =	swait.ge [sflag:s31], $0x2000  }
0x2e7: {  	[sflag:s31] =	ssyncset.done $0x0  }
0x2e8: {  	s19 =	simm.s32 $0xF900;
	s5 =	rddreg [dreg:$0x14];
	[sflag:s31] =	ssyncadd.s32 $0xFFFFE000  }
0x2e9: {  	[hbm4b:s5+s2] =	stream.linear.scatter [tilespmem:s19], [sflag:$0x12], $0x2000, $0x38;
	[tilespmem:$0x15900] =	vst v63  }
0x2ea: {  	_ =	swait.ge [sflag:s21], $0x2000  }
0x2eb: {  	s7 =	sld [smem:$0x7E2]  }
0x2ec: {  	[sflag:s21] =	ssyncset.done $0x0  }
0x2ed: {  	s25 =	simm.s32 $0x9;
	s5 =	simm.s32 $0x5900;
	[sflag:s21] =	ssyncadd.s32 $0xFFFFE000  }
0x2ee: {  	[tilespmem:s5], [sflag:$0x3] =	stream.indirect.gather [hbm4b:s3+s4], $0x40, s7, s4, $0xb8;
	[tilespmem:$0x15900] =	vst v63  }
0x2ef: {  	_ =	swait.ge [sflag:s25], $0x2000  }
0x2f0: {  	[sflag:s25] =	ssyncset.done $0x0  }
0x2f1: {  	s22 =	simm.s32 $0x11900;
	s19 =	rddreg [dreg:$0x15];
	[sflag:s25] =	ssyncadd.s32 $0xFFFFE000  }
0x2f2: {  	[hbm4b:s19+s2] =	stream.linear.scatter [tilespmem:s22], [sflag:$0x13], $0x2000, $0x38;
	[tilespmem:$0x15900] =	vst v63  }
0x2f3: {  	_ =	swait.ge [sflag:s20], $0x2000  }
0x2f4: {  	s22 =	sld [smem:$0x7E3]  }
0x2f5: {  	[sflag:s20] =	ssyncset.done $0x0  }
0x2f6: {  	s23 =	simm.s32 $0xA;
	s7 =	simm.s32 $0x7900;
	[sflag:s20] =	ssyncadd.s32 $0xFFFFE000  }
0x2f7: {  	[tilespmem:s7], [sflag:$0x4] =	stream.indirect.gather [hbm4b:s3+s4], $0x40, s22, s4, $0xb8;
	[tilespmem:$0x15900] =	vst v63  }
0x2f8: {  	_ =	swait.ge [sflag:s23], $0x2000  }
0x2f9: {  	[sflag:s23] =	ssyncset.done $0x0  }
0x2fa: {  	s13 =	simm.s32 $0x13900;
	s22 =	rddreg [dreg:$0x16];
	[sflag:s23] =	ssyncadd.s32 $0xFFFFE000  }
0x2fb: {  	[hbm4b:s22+s2] =	stream.linear.scatter [tilespmem:s13], [sflag:$0x14], $0x2000, $0x38;
	[tilespmem:$0x15900] =	vst v63  }
0x2fc: {  	_ =	swait.ge [sflag:s18], $0x2000  }
0x2fd: {  	s20 =	sld [smem:$0x7E4]  }
0x2fe: {  	[sflag:s18] =	ssyncset.done $0x0  }
0x2ff: {  	s22 =	simm.s32 $0x9900;
	[sflag:s18] =	ssyncadd.s32 $0xFFFFE000  }
0x300: {  	[tilespmem:s22], [sflag:$0x5] =	stream.indirect.gather [hbm4b:s3+s4], $0x40, s20, s4, $0xb8;
	[tilespmem:$0x15900] =	vst v63  }
0x301: {  	_ =	swait.ge [sflag:s9], $0x2000  }
0x302: {  	[sflag:s9] =	ssyncset.done $0x0  }
0x303: {  	s18 =	rddreg [dreg:$0x17];
	[sflag:s9] =	ssyncadd.s32 $0xFFFFE000  }
0x304: {  	[hbm4b:s18+s2] =	stream.linear.scatter [tilespmem:s1], [sflag:$0xB], $0x2000, $0x38;
	[tilespmem:$0x15900] =	vst v63  }
0x305: {  	_ =	swait.ge [sflag:s17], $0x2000  }
0x306: {  	s20 =	sld [smem:$0x7E5]  }
0x307: {  	[sflag:s17] =	ssyncset.done $0x0  }
0x308: {  	[sflag:s17] =	ssyncadd.s32 $0xFFFFE000  }
0x309: {  	[tilespmem:s0], [sflag:$0x6] =	stream.indirect.gather [hbm4b:s3+s4], $0x40, s20, s4, $0xb8;
	[tilespmem:$0x15900] =	vst v63  }
0x30a: {  	_ =	swait.ge [sflag:s30], $0x2000  }
0x30b: {  	[sflag:s30] =	ssyncset.done $0x0  }
0x30c: {  	s22 =	rddreg [dreg:$0x18];
	[sflag:s30] =	ssyncadd.s32 $0xFFFFE000  }
0x30d: {  	[hbm4b:s22+s2] =	stream.linear.scatter [tilespmem:s12], [sflag:$0xC], $0x2000, $0x38;
	[tilespmem:$0x15900] =	vst v63  }
0x30e: {  	_ =	swait.ge [sflag:s15], $0x2000  }
0x30f: {  	s0 =	sld [smem:$0x7E6]  }
0x310: {  	[sflag:s15] =	ssyncset.done $0x0  }
0x311: {  	s24 =	simm.s32 $0xD900;
	[sflag:s15] =	ssyncadd.s32 $0xFFFFE000  }
0x312: {  	[tilespmem:s24], [sflag:$0x7] =	stream.indirect.gather [hbm4b:s3+s4], $0x40, s0, s4, $0xb8;
	[tilespmem:$0x15900] =	vst v63  }
0x313: {  	_ =	swait.ge [sflag:s6], $0x2000  }
0x314: {  	[sflag:s6] =	ssyncset.done $0x0  }
0x315: {  	s12 =	rddreg [dreg:$0x19];
	[sflag:s6] =	ssyncadd.s32 $0xFFFFE000  }
0x316: {  	[hbm4b:s12+s2] =	stream.linear.scatter [tilespmem:s5], [sflag:$0xD], $0x2000, $0x38;
	[tilespmem:$0x15900] =	vst v63  }
0x317: {  	_ =	swait.ge [sflag:s29], $0x2000  }
0x318: {  	s18 =	sld [smem:$0x7E7]  }
0x319: {  	[sflag:s29] =	ssyncset.done $0x0  }
0x31a: {  	s26 =	simm.s32 $0xF900;
	[sflag:s29] =	ssyncadd.s32 $0xFFFFE000  }
0x31b: {  	[tilespmem:s26], [sflag:$0x8] =	stream.indirect.gather [hbm4b:s3+s4], $0x40, s18, s4, $0xb8;
	[tilespmem:$0x15900] =	vst v63  }
0x31c: {  	_ =	swait.ge [sflag:s8], $0x2000  }
0x31d: {  	[sflag:s8] =	ssyncset.done $0x0  }
0x31e: {  	s22 =	simm.s32 $0x13;
	s20 =	rddreg [dreg:$0x1a];
	[sflag:s8] =	ssyncadd.s32 $0xFFFFE000  }
0x31f: {  	[hbm4b:s20+s2] =	stream.linear.scatter [tilespmem:s7], [sflag:$0xE], $0x2000, $0x38;
	[tilespmem:$0x15900] =	vst v63  }
0x320: {  	_ =	swait.ge [sflag:s22], $0x2000  }
0x321: {  	s7 =	simm.s32 $0x13;
	s5 =	sld [smem:$0x7E8]  }
0x322: {  	s12 =	simm.s32 $0x13;
	[sflag:s7] =	ssyncset.done $0x0  }
0x323: {  	s19 =	simm.s32 $0x11900;
	[sflag:s12] =	ssyncadd.s32 $0xFFFFE000  }
0x324: {  	[tilespmem:s19], [sflag:$0x9] =	stream.indirect.gather [hbm4b:s3+s4], $0x40, s5, s4, $0xb8;
	[tilespmem:$0x15900] =	vst v63  }
0x325: {  	_ =	swait.ge [sflag:s11], $0x2000  }
0x326: {  	s13 =	simm.s32 $0x9900;
	[sflag:s11] =	ssyncset.done $0x0  }
0x327: {  	s19 =	simm.s32 $0x14;
	s18 =	rddreg [dreg:$0x1b];
	[sflag:s11] =	ssyncadd.s32 $0xFFFFE000  }
0x328: {  	[hbm4b:s18+s2] =	stream.linear.scatter [tilespmem:s13], [sflag:$0xF], $0x2000, $0x38;
	[tilespmem:$0x15900] =	vst v63  }
0x329: {  	_ =	swait.ge [sflag:s19], $0x2000  }
0x32a: {  	s22 =	simm.s32 $0x14;
	s20 =	sld [smem:$0x7E9]  }
0x32b: {  	s5 =	simm.s32 $0x14;
	[sflag:s22] =	ssyncset.done $0x0  }
0x32c: {  	s0 =	simm.s32 $0x13900;
	[sflag:s5] =	ssyncadd.s32 $0xFFFFE000  }
0x32d: {  	[tilespmem:s0], [sflag:$0xA] =	stream.indirect.gather [hbm4b:s3+s4], $0x40, s20, s4, $0xb8;
	[tilespmem:$0x15900] =	vst v63  }
0x32e: {  	_ =	swait.ge [sflag:s14], $0x2000  }
0x32f: {  	[sflag:s14] =	ssyncset.done $0x0  }
0x330: {  	s1 =	simm.s32 $0xB900;
	s12 =	rddreg [dreg:$0x1c];
	[sflag:s14] =	ssyncadd.s32 $0xFFFFE000  }
0x331: {  	[hbm4b:s12+s2] =	stream.linear.scatter [tilespmem:s1], [sflag:$0x10], $0x2000, $0x38;
	[tilespmem:$0x15900] =	vst v63  }
0x332: {  	_ =	swait.ge [sflag:s16], $0x2000  }
0x333: {  	s13 =	sld [smem:$0x7EA]  }
0x334: {  	[sflag:s16] =	ssyncset.done $0x0  }
0x335: {  	s1 =	simm.s32 $0x1900;
	[sflag:s16] =	ssyncadd.s32 $0xFFFFE000  }
0x336: {  	[tilespmem:s1], [sflag:$0x1] =	stream.indirect.gather [hbm4b:s3+s4], $0x40, s13, s4, $0xb8;
	[tilespmem:$0x15900] =	vst v63  }
0x337: {  	_ =	swait.ge [sflag:s28], $0x2000  }
0x338: {  	s21 =	simm.s32 $0xC;
	[sflag:s28] =	ssyncset.done $0x0  }
0x339: {  	s24 =	simm.s32 $0xD900;
	s18 =	rddreg [dreg:$0x1d];
	[sflag:s28] =	ssyncadd.s32 $0xFFFFE000  }
0x33a: {  	[hbm4b:s18+s2] =	stream.linear.scatter [tilespmem:s24], [sflag:$0x11], $0x2000, $0x38;
	[tilespmem:$0x15900] =	vst v63  }
0x33b: {  	_ =	swait.ge [sflag:s21], $0x2000  }
0x33c: {  	s19 =	sld [smem:$0x7EB]  }
0x33d: {  	[sflag:s21] =	ssyncset.done $0x0  }
0x33e: {  	s20 =	simm.s32 $0x3900;
	[sflag:s21] =	ssyncadd.s32 $0xFFFFE000  }
0x33f: {  	[tilespmem:s20], [sflag:$0x2] =	stream.indirect.gather [hbm4b:s3+s4], $0x40, s19, s4, $0xb8;
	[tilespmem:$0x15900] =	vst v63  }
0x340: {  	_ =	swait.ge [sflag:s31], $0x2000  }
0x341: {  	s10 =	simm.s32 $0xD;
	[sflag:s31] =	ssyncset.done $0x0  }
0x342: {  	s26 =	simm.s32 $0xF900;
	s24 =	rddreg [dreg:$0x1e];
	[sflag:s31] =	ssyncadd.s32 $0xFFFFE000  }
0x343: {  	[hbm4b:s24+s2] =	stream.linear.scatter [tilespmem:s26], [sflag:$0x12], $0x2000, $0x38;
	[tilespmem:$0x15900] =	vst v63  }
0x344: {  	_ =	swait.ge [sflag:s10], $0x2000  }
0x345: {  	s12 =	sld [smem:$0x7EC]  }
0x346: {  	[sflag:s10] =	ssyncset.done $0x0  }
0x347: {  	s21 =	simm.s32 $0x5900;
	[sflag:s10] =	ssyncadd.s32 $0xFFFFE000  }
0x348: {  	[tilespmem:s21], [sflag:$0x3] =	stream.indirect.gather [hbm4b:s3+s4], $0x40, s12, s4, $0xb8;
	[tilespmem:$0x15900] =	vst v63  }
0x349: {  	_ =	swait.ge [sflag:s25], $0x2000  }
0x34a: {  	s7 =	simm.s32 $0x11900;
	[sflag:s25] =	ssyncset.done $0x0  }
0x34b: {  	s18 =	simm.s32 $0xE;
	s13 =	rddreg [dreg:$0x1f];
	[sflag:s25] =	ssyncadd.s32 $0xFFFFE000  }
0x34c: {  	[hbm4b:s13+s2] =	stream.linear.scatter [tilespmem:s7], [sflag:$0x13], $0x2000, $0x38;
	[tilespmem:$0x15900] =	vst v63  }
0x34d: {  	_ =	swait.ge [sflag:s18], $0x2000  }
0x34e: {  	s19 =	sld [smem:$0x7ED]  }
0x34f: {  	[sflag:s18] =	ssyncset.done $0x0  }
0x350: {  	s13 =	simm.s32 $0x7900;
	[sflag:s18] =	ssyncadd.s32 $0xFFFFE000  }
0x351: {  	[tilespmem:s13], [sflag:$0x4] =	stream.indirect.gather [hbm4b:s3+s4], $0x40, s19, s4, $0xb8;
	[tilespmem:$0x15900] =	vst v63  }
0x352: {  	_ =	swait.ge [sflag:s23], $0x2000  }
0x353: {  	s24 =	sld [smem:$0x7B9]  }
0x354: {  	[sflag:s23] =	ssyncset.done $0x0  }
0x355: {  	s17 =	simm.s32 $0xF;
	[sflag:s23] =	ssyncadd.s32 $0xFFFFE000  }
0x356: {  	[hbm4b:s24+s2] =	stream.linear.scatter [tilespmem:s0], [sflag:$0x14], $0x2000, $0x38;
	[tilespmem:$0x15900] =	vst v63  }
0x357: {  	_ =	swait.ge [sflag:s17], $0x2000  }
0x358: {  	s0 =	sld [smem:$0x7EE]  }
0x359: {  	[sflag:s17] =	ssyncset.done $0x0  }
0x35a: {  	s24 =	simm.s32 $0x9900;
	[sflag:s17] =	ssyncadd.s32 $0xFFFFE000  }
0x35b: {  	[tilespmem:s24], [sflag:$0x5] =	stream.indirect.gather [hbm4b:s3+s4], $0x40, s0, s4, $0xb8;
	[tilespmem:$0x15900] =	vst v63  }
0x35c: {  	_ =	swait.ge [sflag:s9], $0x2000  }
0x35d: {  	s12 =	sld [smem:$0x7BA]  }
0x35e: {  	[sflag:s9] =	ssyncset.done $0x0  }
0x35f: {  	s16 =	simm.s32 $0x10;
	[sflag:s9] =	ssyncadd.s32 $0xFFFFE000  }
0x360: {  	[hbm4b:s12+s2] =	stream.linear.scatter [tilespmem:s1], [sflag:$0xB], $0x2000, $0x38;
	[tilespmem:$0x15900] =	vst v63  }
0x361: {  	_ =	swait.ge [sflag:s16], $0x2000  }
0x362: {  	s18 =	sld [smem:$0x7EF]  }
0x363: {  	[sflag:s16] =	ssyncset.done $0x0  }
0x364: {  	s5 =	simm.s32 $0xB900;
	[sflag:s16] =	ssyncadd.s32 $0xFFFFE000  }
0x365: {  	[tilespmem:s5], [sflag:$0x6] =	stream.indirect.gather [hbm4b:s3+s4], $0x40, s18, s4, $0xb8;
	[tilespmem:$0x15900] =	vst v63  }
0x366: {  	_ =	swait.ge [sflag:s30], $0x2000  }
0x367: {  	s19 =	sld [smem:$0x7BB]  }
0x368: {  	[sflag:s30] =	ssyncset.done $0x0  }
0x369: {  	[sflag:s30] =	ssyncadd.s32 $0xFFFFE000  }
0x36a: {  	[hbm4b:s19+s2] =	stream.linear.scatter [tilespmem:s20], [sflag:$0xC], $0x2000, $0x38;
	[tilespmem:$0x15900] =	vst v63  }
0x36b: {  	_ =	swait.ge [sflag:s15], $0x2000  }
0x36c: {  	s20 =	sld [smem:$0x7F0]  }
0x36d: {  	[sflag:s15] =	ssyncset.done $0x0  }
0x36e: {  	s22 =	simm.s32 $0xD900;
	[sflag:s15] =	ssyncadd.s32 $0xFFFFE000  }
0x36f: {  	[tilespmem:s22], [sflag:$0x7] =	stream.indirect.gather [hbm4b:s3+s4], $0x40, s20, s4, $0xb8;
	[tilespmem:$0x15900] =	vst v63  }
0x370: {  	_ =	swait.ge [sflag:s6], $0x2000  }
0x371: {  	s0 =	sld [smem:$0x7BC]  }
0x372: {  	[sflag:s6] =	ssyncset.done $0x0  }
0x373: {  	[sflag:s6] =	ssyncadd.s32 $0xFFFFE000  }
0x374: {  	[hbm4b:s0+s2] =	stream.linear.scatter [tilespmem:s21], [sflag:$0xD], $0x2000, $0x38;
	[tilespmem:$0x15900] =	vst v63  }
0x375: {  	_ =	swait.ge [sflag:s29], $0x2000  }
0x376: {  	s1 =	sld [smem:$0x7F1]  }
0x377: {  	[sflag:s29] =	ssyncset.done $0x0  }
0x378: {  	[sflag:s29] =	ssyncadd.s32 $0xFFFFE000  }
0x379: {  	[tilespmem:s26], [sflag:$0x8] =	stream.indirect.gather [hbm4b:s3+s4], $0x40, s1, s4, $0xb8;
	[tilespmem:$0x15900] =	vst v63  }
0x37a: {  	_ =	swait.ge [sflag:s8], $0x2000  }
0x37b: {  	s15 =	sld [smem:$0x7BD]  }
0x37c: {  	[sflag:s8] =	ssyncset.done $0x0  }
0x37d: {  	s19 =	simm.s32 $0x13;
	[sflag:s8] =	ssyncadd.s32 $0xFFFFE000  }
0x37e: {  	[hbm4b:s15+s2] =	stream.linear.scatter [tilespmem:s13], [sflag:$0xE], $0x2000, $0x38;
	[tilespmem:$0x15900] =	vst v63  }
0x37f: {  	_ =	swait.ge [sflag:s19], $0x2000  }
0x380: {  	s21 =	simm.s32 $0x13;
	s20 =	sld [smem:$0x7F2]  }
0x381: {  	s26 =	simm.s32 $0x13;
	[sflag:s21] =	ssyncset.done $0x0  }
0x382: {  	s7 =	simm.s32 $0x11900;
	[sflag:s26] =	ssyncadd.s32 $0xFFFFE000  }
0x383: {  	[tilespmem:s7], [sflag:$0x9] =	stream.indirect.gather [hbm4b:s3+s4], $0x40, s20, s4, $0xb8;
	[tilespmem:$0x15900] =	vst v63  }
0x384: {  	_ =	swait.ge [sflag:s11], $0x2000  }
0x385: {  	s8 =	sld [smem:$0x7BE]  }
0x386: {  	[sflag:s11] =	ssyncset.done $0x0  }
0x387: {  	[sflag:s11] =	ssyncadd.s32 $0xFFFFE000;
	s11 =	simm.s32 $0x14  }
0x388: {  	[hbm4b:s8+s2] =	stream.linear.scatter [tilespmem:s24], [sflag:$0xF], $0x2000, $0x38;
	[tilespmem:$0x15900] =	vst v63  }
0x389: {  	_ =	swait.ge [sflag:s11], $0x2000  }
0x38a: {  	s19 =	simm.s32 $0x14;
	s15 =	sld [smem:$0x7F3]  }
0x38b: {  	s20 =	simm.s32 $0x14;
	[sflag:s19] =	ssyncset.done $0x0  }
0x38c: {  	s7 =	simm.s32 $0x13900;
	[sflag:s20] =	ssyncadd.s32 $0xFFFFE000  }
0x38d: {  	[tilespmem:s7], [sflag:$0xA] =	stream.indirect.gather [hbm4b:s3+s4], $0x40, s15, s4, $0xb8;
	[tilespmem:$0x15900] =	vst v63  }
0x38e: {  	_ =	swait.ge [sflag:s14], $0x2000  }
0x38f: {  	s21 =	sld [smem:$0x7BF]  }
0x390: {  	[sflag:s14] =	ssyncset.done $0x0  }
0x391: {  	s18 =	simm.s32 $0xB;
	s19 =	simm.s32 $0xB900;
	[sflag:s14] =	ssyncadd.s32 $0xFFFFE000  }
0x392: {  	[hbm4b:s21+s2] =	stream.linear.scatter [tilespmem:s19], [sflag:$0x10], $0x2000, $0x38;
	[tilespmem:$0x15900] =	vst v63  }
0x393: {  	_ =	swait.ge [sflag:s18], $0x2000  }
0x394: {  	s24 =	sld [smem:$0x7F4]  }
0x395: {  	[sflag:s18] =	ssyncset.done $0x0  }
0x396: {  	s0 =	simm.s32 $0x1900;
	[sflag:s18] =	ssyncadd.s32 $0xFFFFE000  }
0x397: {  	[tilespmem:s0], [sflag:$0x1] =	stream.indirect.gather [hbm4b:s3+s4], $0x40, s24, s4, $0xb8;
	[tilespmem:$0x15900] =	vst v63  }
0x398: {  	_ =	swait.ge [sflag:s28], $0x2000  }
0x399: {  	s26 =	sld [smem:$0x7C0]  }
0x39a: {  	[sflag:s28] =	ssyncset.done $0x0  }
0x39b: {  	s11 =	simm.s32 $0xC;
	[sflag:s28] =	ssyncadd.s32 $0xFFFFE000  }
0x39c: {  	[hbm4b:s26+s2] =	stream.linear.scatter [tilespmem:s22], [sflag:$0x11], $0x2000, $0x38;
	[tilespmem:$0x15900] =	vst v63  }
0x39d: {  	_ =	swait.ge [sflag:s11], $0x2000  }
0x39e: {  	s15 =	sld [smem:$0x7F5]  }
0x39f: {  	[sflag:s11] =	ssyncset.done $0x0  }
0x3a0: {  	s21 =	simm.s32 $0x3900;
	[sflag:s11] =	ssyncadd.s32 $0xFFFFE000  }
0x3a1: {  	[tilespmem:s21], [sflag:$0x2] =	stream.indirect.gather [hbm4b:s3+s4], $0x40, s15, s4, $0xb8;
	[tilespmem:$0x15900] =	vst v63  }
0x3a2: {  	_ =	swait.ge [sflag:s31], $0x2000  }
0x3a3: {  	s20 =	sld [smem:$0x7C1]  }
0x3a4: {  	[sflag:s31] =	ssyncset.done $0x0  }
0x3a5: {  	s24 =	simm.s32 $0xF900;
	s26 =	simm.s32 $0xD;
	[sflag:s31] =	ssyncadd.s32 $0xFFFFE000  }
0x3a6: {  	[hbm4b:s20+s2] =	stream.linear.scatter [tilespmem:s24], [sflag:$0x12], $0x2000, $0x38;
	[tilespmem:$0x15900] =	vst v63  }
0x3a7: {  	_ =	swait.ge [sflag:s26], $0x2000  }
0x3a8: {  	s31 =	sld [smem:$0x7F6]  }
0x3a9: {  	[sflag:s26] =	ssyncset.done $0x0  }
0x3aa: {  	s5 =	simm.s32 $0x5900;
	[sflag:s26] =	ssyncadd.s32 $0xFFFFE000  }
0x3ab: {  	[tilespmem:s5], [sflag:$0x3] =	stream.indirect.gather [hbm4b:s3+s4], $0x40, s31, s4, $0xb8;
	[tilespmem:$0x15900] =	vst v63  }
0x3ac: {  	_ =	swait.ge [sflag:s25], $0x2000  }
0x3ad: {  	s15 =	sld [smem:$0x7C2]  }
0x3ae: {  	[sflag:s25] =	ssyncset.done $0x0  }
0x3af: {  	s20 =	simm.s32 $0x11900;
	s26 =	simm.s32 $0xE;
	[sflag:s25] =	ssyncadd.s32 $0xFFFFE000  }
0x3b0: {  	[hbm4b:s15+s2] =	stream.linear.scatter [tilespmem:s20], [sflag:$0x13], $0x2000, $0x38;
	[tilespmem:$0x15900] =	vst v63  }
0x3b1: {  	_ =	swait.ge [sflag:s26], $0x2000  }
0x3b2: {  	s31 =	sld [smem:$0x7F7]  }
0x3b3: {  	[sflag:s26] =	ssyncset.done $0x0  }
0x3b4: {  	s30 =	simm.s32 $0x7900;
	[sflag:s26] =	ssyncadd.s32 $0xFFFFE000  }
0x3b5: {  	[tilespmem:s30], [sflag:$0x4] =	stream.indirect.gather [hbm4b:s3+s4], $0x40, s31, s4, $0xb8;
	[tilespmem:$0x15900] =	vst v63  }
0x3b6: {  	_ =	swait.ge [sflag:s23], $0x2000  }
0x3b7: {  	s15 =	sld [smem:$0x7C3]  }
0x3b8: {  	[sflag:s23] =	ssyncset.done $0x0  }
0x3b9: {  	[sflag:s23] =	ssyncadd.s32 $0xFFFFE000  }
0x3ba: {  	[hbm4b:s15+s2] =	stream.linear.scatter [tilespmem:s7], [sflag:$0x14], $0x2000, $0x38;
	[tilespmem:$0x15900] =	vst v63  }
0x3bb: {  	_ =	swait.ge [sflag:s17], $0x2000  }
0x3bc: {  	s10 =	sld [smem:$0x7F8]  }
0x3bd: {  	[sflag:s17] =	ssyncset.done $0x0  }
0x3be: {  	s15 =	simm.s32 $0x9900;
	[sflag:s17] =	ssyncadd.s32 $0xFFFFE000  }
0x3bf: {  	[tilespmem:s15], [sflag:$0x5] =	stream.indirect.gather [hbm4b:s3+s4], $0x40, s10, s4, $0xb8;
	[tilespmem:$0x15900] =	vst v63  }
0x3c0: {  	_ =	swait.ge [sflag:s9], $0x2000  }
0x3c1: {  	s10 =	sld [smem:$0x7C4]  }
0x3c2: {  	[sflag:s9] =	ssyncset.done $0x0  }
0x3c3: {  	[sflag:s9] =	ssyncadd.s32 $0xFFFFE000  }
0x3c4: {  	[hbm4b:s10+s2] =	stream.linear.scatter [tilespmem:s0], [sflag:$0xB], $0x2000, $0x38;
	[tilespmem:$0x15900] =	vst v63  }
0x3c5: {  	_ =	swait.ge [sflag:s16], $0x2000  }
0x3c6: {  	s9 =	sld [smem:$0x7F9]  }
0x3c7: {  	[sflag:s16] =	ssyncset.done $0x0  }
0x3c8: {  	s6 =	simm.s32 $0x2;
	[sflag:s16] =	ssyncadd.s32 $0xFFFFE000  }
0x3c9: {  	[tilespmem:s19], [sflag:$0x6] =	stream.indirect.gather [hbm4b:s3+s4], $0x40, s9, s4, $0xb8;
	[tilespmem:$0x15900] =	vst v63  }
0x3ca: {  	_ =	swait.ge [sflag:s6], $0x2000  }
0x3cb: {  	s0 =	sld [smem:$0x7C5]  }
0x3cc: {  	[sflag:s6] =	ssyncset.done $0x0  }
0x3cd: {  	s12 =	simm.s32 $0x11;
	[sflag:s6] =	ssyncadd.s32 $0xFFFFE000  }
0x3ce: {  	[hbm4b:s0+s2] =	stream.linear.scatter [tilespmem:s21], [sflag:$0xC], $0x2000, $0x38;
	[tilespmem:$0x15900] =	vst v63  }
0x3cf: {  	_ =	swait.ge [sflag:s12], $0x2000  }
0x3d0: {  	s21 =	sld [smem:$0x7FA]  }
0x3d1: {  	[sflag:s12] =	ssyncset.done $0x0  }
0x3d2: {  	s1 =	simm.s32 $0x3;
	s6 =	simm.s32 $0xD900;
	[sflag:s12] =	ssyncadd.s32 $0xFFFFE000  }
0x3d3: {  	[tilespmem:s6], [sflag:$0x7] =	stream.indirect.gather [hbm4b:s3+s4], $0x40, s21, s4, $0xb8;
	[tilespmem:$0x15900] =	vst v63  }
0x3d4: {  	_ =	swait.ge [sflag:s1], $0x2000  }
0x3d5: {  	s0 =	sld [smem:$0x7C6]  }
0x3d6: {  	[sflag:s1] =	ssyncset.done $0x0  }
0x3d7: {  	s13 =	simm.s32 $0x12;
	[sflag:s1] =	ssyncadd.s32 $0xFFFFE000  }
0x3d8: {  	[hbm4b:s0+s2] =	stream.linear.scatter [tilespmem:s5], [sflag:$0xD], $0x2000, $0x38;
	[tilespmem:$0x15900] =	vst v63  }
0x3d9: {  	_ =	swait.ge [sflag:s13], $0x2000  }
0x3da: {  	s5 =	sld [smem:$0x7FB]  }
0x3db: {  	[sflag:s13] =	ssyncset.done $0x0  }
0x3dc: {  	s29 =	simm.s32 $0x4;
	[sflag:s13] =	ssyncadd.s32 $0xFFFFE000  }
0x3dd: {  	[tilespmem:s24], [sflag:$0x8] =	stream.indirect.gather [hbm4b:s3+s4], $0x40, s5, s4, $0xb8;
	[tilespmem:$0x15900] =	vst v63  }
0x3de: {  	_ =	swait.ge [sflag:s29], $0x2000  }
0x3df: {  	s0 =	sld [smem:$0x7C7]  }
0x3e0: {  	[sflag:s29] =	ssyncset.done $0x0  }
0x3e1: {  	s8 =	simm.s32 $0x13;
	s31 =	simm.s32 $0x7900;
	[sflag:s29] =	ssyncadd.s32 $0xFFFFE000  }
0x3e2: {  	[hbm4b:s0+s2] =	stream.linear.scatter [tilespmem:s31], [sflag:$0xE], $0x2000, $0x38;
	[tilespmem:$0x15900] =	vst v63  }
0x3e3: {  	_ =	swait.ge [sflag:s8], $0x2000  }
0x3e4: {  	s5 =	sld [smem:$0x7FC]  }
0x3e5: {  	[sflag:s8] =	ssyncset.done $0x0  }
0x3e6: {  	s22 =	simm.s32 $0x5;
	[sflag:s8] =	ssyncadd.s32 $0xFFFFE000  }
0x3e7: {  	[tilespmem:s20], [sflag:$0x9] =	stream.indirect.gather [hbm4b:s3+s4], $0x40, s5, s4, $0xb8;
	[tilespmem:$0x15900] =	vst v63  }
0x3e8: {  	_ =	swait.ge [sflag:s22], $0x2000  }
0x3e9: {  	s20 =	sld [smem:$0x7C8]  }
0x3ea: {  	[sflag:s22] =	ssyncset.done $0x0  }
0x3eb: {  	s5 =	simm.s32 $0x14;
	[sflag:s22] =	ssyncadd.s32 $0xFFFFE000  }
0x3ec: {  	[hbm4b:s20+s2] =	stream.linear.scatter [tilespmem:s15], [sflag:$0xF], $0x2000, $0x38;
	[tilespmem:$0x15900] =	vst v63  }
0x3ed: {  	_ =	swait.ge [sflag:s5], $0x2000  }
0x3ee: {  	s24 =	sld [smem:$0x7FD]  }
0x3ef: {  	[sflag:s5] =	ssyncset.done $0x0  }
0x3f0: {  	s7 =	simm.s32 $0x13900;
	[sflag:s5] =	ssyncadd.s32 $0xFFFFE000  }
0x3f1: {  	[tilespmem:s7], [sflag:$0xA] =	stream.indirect.gather [hbm4b:s3+s4], $0x40, s24, s4, $0xb8;
	[tilespmem:$0x15900] =	vst v63  }
0x3f2: {  	_ =	swait.ge [sflag:s14], $0x2000  }
0x3f3: {  	s31 =	sld [smem:$0x7C9]  }
0x3f4: {  	[sflag:s14] =	ssyncset.done $0x0  }
0x3f5: {  	s9 =	simm.s32 $0xB900;
	[sflag:s14] =	ssyncadd.s32 $0xFFFFE000  }
0x3f6: {  	[hbm4b:s31+s2] =	stream.linear.scatter [tilespmem:s9], [sflag:$0x10], $0x2000, $0x38;
	[tilespmem:$0x15900] =	vst v63  }
0x3f7: {  	_ =	swait.ge [sflag:s28], $0x2000  }
0x3f8: {  	s9 =	sld [smem:$0x7CA]  }
0x3f9: {  	[sflag:s28] =	ssyncset.done $0x0  }
0x3fa: {  	s29 =	simm.s32 $0x8;
	[sflag:s28] =	ssyncadd.s32 $0xFFFFE000  }
0x3fb: {  	[hbm4b:s9+s2] =	stream.linear.scatter [tilespmem:s6], [sflag:$0x11], $0x2000, $0x38;
	[tilespmem:$0x15900] =	vst v63  }
0x3fc: {  	_ =	swait.ge [sflag:s29], $0x2000  }
0x3fd: {  	s15 =	sld [smem:$0x7CB]  }
0x3fe: {  	[sflag:s29] =	ssyncset.done $0x0  }
0x3ff: {  	s1 =	simm.s32 $0xF900;
	[sflag:s29] =	ssyncadd.s32 $0xFFFFE000  }
0x400: {  	[hbm4b:s15+s2] =	stream.linear.scatter [tilespmem:s1], [sflag:$0x12], $0x2000, $0x38;
	[tilespmem:$0x15900] =	vst v63  }
0x401: {  	_ =	swait.ge [sflag:s25], $0x2000  }
0x402: {  	s20 =	sld [smem:$0x7CC]  }
0x403: {  	[sflag:s25] =	ssyncset.done $0x0  }
0x404: {  	s0 =	simm.s32 $0x11900;
	[sflag:s25] =	ssyncadd.s32 $0xFFFFE000  }
0x405: {  	[hbm4b:s20+s2] =	stream.linear.scatter [tilespmem:s0], [sflag:$0x13], $0x2000, $0x38;
	[tilespmem:$0x15900] =	vst v63  }
0x406: {  	_ =	swait.ge [sflag:s23], $0x2000  }
0x407: {  	s22 =	sld [smem:$0x7CD]  }
0x408: {  	[sflag:s23] =	ssyncset.done $0x0  }
0x409: {  	[sflag:s23] =	ssyncadd.s32 $0xFFFFE000  }
0x40a: {  	[hbm4b:s22+s2] =	stream.linear.scatter [tilespmem:s7], [sflag:$0x14], $0x2000, $0x38;
	[tilespmem:$0x15900] =	vst v63  }
0x40b: {  	s7 =	sld [smem:$0x7B6];
	_ =	swait.ge [sflag:s18], $0x2000  }
0x40c: {  	[sflag:s18] =	ssyncset.done $0x0  }
0x40d: {  	s24 =	simm.s32 $0xC;
	[sflag:s18] =	ssyncadd.s32 $0xFFFFE000  }
0x40e: {  	_ =	swait.ge [sflag:s24], $0x2000  }
0x40f: {  	s31 =	simm.s32 $0xC;
	[sflag:s24] =	ssyncset.done $0x0  }
0x410: {  	s11 =	simm.s32 $0xD;
	[sflag:s31] =	ssyncadd.s32 $0xFFFFE000  }
0x411: {  	_ =	swait.ge [sflag:s11], $0x2000  }
0x412: {  	[sflag:s11] =	ssyncset.done $0x0  }
0x413: {  	s26 =	simm.s32 $0xE;
	[sflag:s11] =	ssyncadd.s32 $0xFFFFE000  }
0x414: {  	_ =	swait.ge [sflag:s26], $0x2000  }
0x415: {  	[sflag:s26] =	ssyncset.done $0x0  }
0x416: {  	[sflag:s26] =	ssyncadd.s32 $0xFFFFE000  }
0x417: {  	_ =	swait.ge [sflag:s17], $0x2000  }
0x418: {  	[sflag:s17] =	ssyncset.done $0x0  }
0x419: {  	[sflag:s17] =	ssyncadd.s32 $0xFFFFE000  }
0x41a: {  	_ =	swait.ge [sflag:s16], $0x2000  }
0x41b: {  	[sflag:s16] =	ssyncset.done $0x0  }
0x41c: {  	[sflag:s16] =	ssyncadd.s32 $0xFFFFE000  }
0x41d: {  	_ =	swait.ge [sflag:s12], $0x2000  }
0x41e: {  	[sflag:s12] =	ssyncset.done $0x0  }
0x41f: {  	[sflag:s12] =	ssyncadd.s32 $0xFFFFE000  }
0x420: {  	_ =	swait.ge [sflag:s13], $0x2000  }
0x421: {  	[sflag:s13] =	ssyncset.done $0x0  }
0x422: {  	[sflag:s13] =	ssyncadd.s32 $0xFFFFE000  }
.Ltmp2:
0x423: {  	_ =	swait.ge [sflag:s8], $0x2000;
	(pc) =	sbr.rel @p1 .LBB2_3-.Ltmp2, $4  }
0x424: {  	[sflag:s8] =	ssyncset.done $0x0  }
0x425: {  	[sflag:s8] =	ssyncadd.s32 $0xFFFFE000  }
0x426: {  	s30 =	simm.s32 $0x1900;
	s19 =	simm.s32 $0x3900;
	_ =	swait.ge [sflag:s5], $0x2000  }
0x427: {  	s21 =	simm.s32 $0x5900;
	s10 =	rddreg [dreg:$0x3];
	[sflag:s5] =	ssyncset.done $0x0  }
0x428: {  	s7 =	simm.s32 $0x1  }
.LBB2_5:
0x429: {  	[sflag:s5] =	ssyncadd.s32 @p0 $0xFFFFE000;
	s9 =	simm.s32 $0x15  }
0x42a: {  	[tilespmem:s2], [sflag:$0x15] =	stream.linear.gather [hbm4b:s10+s2], $0x1900, $0x38;
	[tilespmem:$0x15900] =	vst v63  }
0x42b: {  	_ =	swait.ge [sflag:s9], $0x1900  }
0x42c: {  	[sflag:s9] =	ssyncset.done $0x0  }
0x42d: {  	s0 =	simm.s32 $0x1900;
	[sflag:s9] =	ssyncadd.s32 $0xFFFFE700  }
0x42e: {  	[tilespmem:s0], [sflag:$0x1] =	stream.indirect.gather [hbm4b:s3+s4], $0x40, s2, s4, $0xb8;
	[tilespmem:$0x15900] =	vst v63  }
0x42f: {  	s19 =	simm.s32 $0x3900;
	s1 =	sld [smem:$0x7CE]  }
0x430: {  	[tilespmem:s19], [sflag:$0x2] =	stream.indirect.gather [hbm4b:s3+s4], $0x40, s4, s4, $0xb8;
	[tilespmem:$0x15900] =	vst v63  }
0x431: {  	s6 =	sld [smem:$0x7CF]  }
0x432: {  	[tilespmem:s21], [sflag:$0x3] =	stream.indirect.gather [hbm4b:s3+s4], $0x40, s1, s4, $0xb8;
	[tilespmem:$0x15900] =	vst v63  }
0x433: {  	s14 =	simm.s32 $0x7900;
	s11 =	sld [smem:$0x7D0]  }
0x434: {  	[tilespmem:s14], [sflag:$0x4] =	stream.indirect.gather [hbm4b:s3+s4], $0x40, s6, s4, $0xb8;
	[tilespmem:$0x15900] =	vst v63  }
0x435: {  	s1 =	simm.s32 $0x9900  }
0x436: {  	[tilespmem:s1], [sflag:$0x5] =	stream.indirect.gather [hbm4b:s3+s4], $0x40, s11, s4, $0xb8;
	[tilespmem:$0x15900] =	vst v63  }
0x437: {  	_ =	swait.ge [sflag:s7], $0x2000  }
0x438: {  	s17 =	sld [smem:$0x7B8]  }
0x439: {  	[sflag:s7] =	ssyncset.done $0x0  }
0x43a: {  	s15 =	sld [smem:$0x7D1];
	[sflag:s7] =	ssyncadd.s32 $0xFFFFE000  }
0x43b: {  	[hbm4b:s17+s2] =	stream.linear.scatter [tilespmem:s0], [sflag:$0xB], $0x2000, $0x38;
	[tilespmem:$0x15900] =	vst v63  }
0x43c: {  	s18 =	simm.s32 $0xB900;
	s11 =	simm.s32 $0x2  }
0x43d: {  	[tilespmem:s18], [sflag:$0x6] =	stream.indirect.gather [hbm4b:s3+s4], $0x40, s15, s4, $0xb8;
	[tilespmem:$0x15900] =	vst v63  }
0x43e: {  	_ =	swait.ge [sflag:s11], $0x2000  }
0x43f: {  	s20 =	rddreg [dreg:$0x4];
	[sflag:s11] =	ssyncset.done $0x0  }
0x440: {  	s21 =	sld [smem:$0x7D2];
	[sflag:s11] =	ssyncadd.s32 $0xFFFFE000  }
0x441: {  	[hbm4b:s20+s2] =	stream.linear.scatter [tilespmem:s19], [sflag:$0xC], $0x2000, $0x38;
	[tilespmem:$0x15900] =	vst v63  }
0x442: {  	s22 =	simm.s32 $0xD900;
	s19 =	simm.s32 $0x3  }
0x443: {  	[tilespmem:s22], [sflag:$0x7] =	stream.indirect.gather [hbm4b:s3+s4], $0x40, s21, s4, $0xb8;
	[tilespmem:$0x15900] =	vst v63  }
0x444: {  	_ =	swait.ge [sflag:s19], $0x2000  }
0x445: {  	s26 =	rddreg [dreg:$0x5];
	[sflag:s19] =	ssyncset.done $0x0  }
0x446: {  	s6 =	simm.s32 $0x5900;
	s30 =	sld [smem:$0x7D3];
	[sflag:s19] =	ssyncadd.s32 $0xFFFFE000  }
0x447: {  	[hbm4b:s26+s2] =	stream.linear.scatter [tilespmem:s6], [sflag:$0xD], $0x2000, $0x38;
	[tilespmem:$0x15900] =	vst v63  }
0x448: {  	s31 =	simm.s32 $0xF900;
	s20 =	simm.s32 $0x4  }
0x449: {  	[tilespmem:s31], [sflag:$0x8] =	stream.indirect.gather [hbm4b:s3+s4], $0x40, s30, s4, $0xb8;
	[tilespmem:$0x15900] =	vst v63  }
0x44a: {  	_ =	swait.ge [sflag:s20], $0x2000  }
0x44b: {  	s10 =	rddreg [dreg:$0x6];
	[sflag:s20] =	ssyncset.done $0x0  }
0x44c: {  	s15 =	sld [smem:$0x7D4];
	[sflag:s20] =	ssyncadd.s32 $0xFFFFE000  }
0x44d: {  	[hbm4b:s10+s2] =	stream.linear.scatter [tilespmem:s14], [sflag:$0xE], $0x2000, $0x38;
	[tilespmem:$0x15900] =	vst v63  }
0x44e: {  	s17 =	simm.s32 $0x11900;
	s31 =	simm.s32 $0x5  }
0x44f: {  	[tilespmem:s17], [sflag:$0x9] =	stream.indirect.gather [hbm4b:s3+s4], $0x40, s15, s4, $0xb8;
	[tilespmem:$0x15900] =	vst v63  }
0x450: {  	_ =	swait.ge [sflag:s31], $0x2000  }
0x451: {  	s18 =	rddreg [dreg:$0x7];
	[sflag:s31] =	ssyncset.done $0x0  }
0x452: {  	s24 =	simm.s32 $0x9900;
	s22 =	sld [smem:$0x7D5];
	[sflag:s31] =	ssyncadd.s32 $0xFFFFE000  }
0x453: {  	[hbm4b:s18+s2] =	stream.linear.scatter [tilespmem:s24], [sflag:$0xF], $0x2000, $0x38;
	[tilespmem:$0x15900] =	vst v63  }
0x454: {  	s14 =	simm.s32 $0x6;
	s24 =	simm.s32 $0x13900  }
0x455: {  	[tilespmem:s24], [sflag:$0xA] =	stream.indirect.gather [hbm4b:s3+s4], $0x40, s22, s4, $0xb8;
	[tilespmem:$0x15900] =	vst v63  }
0x456: {  	_ =	swait.ge [sflag:s14], $0x2000  }
0x457: {  	s0 =	simm.s32 $0xB900;
	[sflag:s14] =	ssyncset.done $0x0  }
0x458: {  	s15 =	simm.s32 $0xB;
	s26 =	rddreg [dreg:$0x8];
	[sflag:s14] =	ssyncadd.s32 $0xFFFFE000  }
0x459: {  	[hbm4b:s26+s2] =	stream.linear.scatter [tilespmem:s0], [sflag:$0x10], $0x2000, $0x38;
	[tilespmem:$0x15900] =	vst v63  }
0x45a: {  	_ =	swait.ge [sflag:s15], $0x2000  }
0x45b: {  	s30 =	sld [smem:$0x7D6]  }
0x45c: {  	[sflag:s15] =	ssyncset.done $0x0  }
0x45d: {  	s6 =	simm.s32 $0x1900;
	[sflag:s15] =	ssyncadd.s32 $0xFFFFE000  }
0x45e: {  	[tilespmem:s6], [sflag:$0x1] =	stream.indirect.gather [hbm4b:s3+s4], $0x40, s30, s4, $0xb8;
	[tilespmem:$0x15900] =	vst v63  }
0x45f: {  	_ =	swait.ge [sflag:s28], $0x2000  }
0x460: {  	s1 =	simm.s32 $0xD900;
	[sflag:s28] =	ssyncset.done $0x0  }
0x461: {  	s10 =	simm.s32 $0xC;
	s0 =	rddreg [dreg:$0x9];
	[sflag:s28] =	ssyncadd.s32 $0xFFFFE000  }
0x462: {  	[hbm4b:s0+s2] =	stream.linear.scatter [tilespmem:s1], [sflag:$0x11], $0x2000, $0x38;
	[tilespmem:$0x15900] =	vst v63  }
0x463: {  	_ =	swait.ge [sflag:s10], $0x2000  }
0x464: {  	s6 =	sld [smem:$0x7D7]  }
0x465: {  	[sflag:s10] =	ssyncset.done $0x0  }
0x466: {  	s0 =	simm.s32 $0x3900;
	[sflag:s10] =	ssyncadd.s32 $0xFFFFE000  }
0x467: {  	[tilespmem:s0], [sflag:$0x2] =	stream.indirect.gather [hbm4b:s3+s4], $0x40, s6, s4, $0xb8;
	[tilespmem:$0x15900] =	vst v63  }
0x468: {  	_ =	swait.ge [sflag:s29], $0x2000  }
0x469: {  	s21 =	simm.s32 $0xF900;
	[sflag:s29] =	ssyncset.done $0x0  }
0x46a: {  	s22 =	simm.s32 $0xD;
	s18 =	rddreg [dreg:$0xa];
	[sflag:s29] =	ssyncadd.s32 $0xFFFFE000  }
0x46b: {  	[hbm4b:s18+s2] =	stream.linear.scatter [tilespmem:s21], [sflag:$0x12], $0x2000, $0x38;
	[tilespmem:$0x15900] =	vst v63  }
0x46c: {  	_ =	swait.ge [sflag:s22], $0x2000  }
0x46d: {  	s21 =	sld [smem:$0x7D8]  }
0x46e: {  	[sflag:s22] =	ssyncset.done $0x0  }
0x46f: {  	s1 =	simm.s32 $0x5900;
	[sflag:s22] =	ssyncadd.s32 $0xFFFFE000  }
0x470: {  	[tilespmem:s1], [sflag:$0x3] =	stream.indirect.gather [hbm4b:s3+s4], $0x40, s21, s4, $0xb8;
	[tilespmem:$0x15900] =	vst v63  }
0x471: {  	_ =	swait.ge [sflag:s25], $0x2000  }
0x472: {  	s17 =	simm.s32 $0x11900;
	[sflag:s25] =	ssyncset.done $0x0  }
0x473: {  	s18 =	simm.s32 $0xE;
	s6 =	rddreg [dreg:$0xb];
	[sflag:s25] =	ssyncadd.s32 $0xFFFFE000  }
0x474: {  	[hbm4b:s6+s2] =	stream.linear.scatter [tilespmem:s17], [sflag:$0x13], $0x2000, $0x38;
	[tilespmem:$0x15900] =	vst v63  }
0x475: {  	_ =	swait.ge [sflag:s18], $0x2000  }
0x476: {  	s17 =	sld [smem:$0x7D9]  }
0x477: {  	[sflag:s18] =	ssyncset.done $0x0  }
0x478: {  	s6 =	simm.s32 $0x7900;
	[sflag:s18] =	ssyncadd.s32 $0xFFFFE000  }
0x479: {  	[tilespmem:s6], [sflag:$0x4] =	stream.indirect.gather [hbm4b:s3+s4], $0x40, s17, s4, $0xb8;
	[tilespmem:$0x15900] =	vst v63  }
0x47a: {  	_ =	swait.ge [sflag:s23], $0x2000  }
0x47b: {  	s24 =	simm.s32 $0x13900;
	[sflag:s23] =	ssyncset.done $0x0  }
0x47c: {  	s17 =	simm.s32 $0xF;
	s21 =	rddreg [dreg:$0xc];
	[sflag:s23] =	ssyncadd.s32 $0xFFFFE000  }
0x47d: {  	[hbm4b:s21+s2] =	stream.linear.scatter [tilespmem:s24], [sflag:$0x14], $0x2000, $0x38;
	[tilespmem:$0x15900] =	vst v63  }
0x47e: {  	_ =	swait.ge [sflag:s17], $0x2000  }
0x47f: {  	s24 =	sld [smem:$0x7DA]  }
0x480: {  	[sflag:s17] =	ssyncset.done $0x0  }
0x481: {  	s21 =	simm.s32 $0x9900;
	[sflag:s17] =	ssyncadd.s32 $0xFFFFE000  }
0x482: {  	[tilespmem:s21], [sflag:$0x5] =	stream.indirect.gather [hbm4b:s3+s4], $0x40, s24, s4, $0xb8;
	[tilespmem:$0x15900] =	vst v63  }
0x483: {  	_ =	swait.ge [sflag:s7], $0x2000  }
0x484: {  	[sflag:s7] =	ssyncset.done $0x0  }
0x485: {  	s30 =	simm.s32 $0x1900;
	s24 =	rddreg [dreg:$0xd];
	[sflag:s7] =	ssyncadd.s32 $0xFFFFE000  }
0x486: {  	[hbm4b:s24+s2] =	stream.linear.scatter [tilespmem:s30], [sflag:$0xB], $0x2000, $0x38;
	[tilespmem:$0x15900] =	vst v63  }
0x487: {  	_ =	swait.ge [sflag:s16], $0x2000  }
0x488: {  	s24 =	sld [smem:$0x7DB]  }
0x489: {  	[sflag:s16] =	ssyncset.done $0x0  }
0x48a: {  	s26 =	simm.s32 $0xB900;
	[sflag:s16] =	ssyncadd.s32 $0xFFFFE000  }
0x48b: {  	[tilespmem:s26], [sflag:$0x6] =	stream.indirect.gather [hbm4b:s3+s4], $0x40, s24, s4, $0xb8;
	[tilespmem:$0x15900] =	vst v63  }
0x48c: {  	_ =	swait.ge [sflag:s11], $0x2000  }
0x48d: {  	[sflag:s11] =	ssyncset.done $0x0  }
0x48e: {  	s24 =	rddreg [dreg:$0xe];
	[sflag:s11] =	ssyncadd.s32 $0xFFFFE000  }
0x48f: {  	[hbm4b:s24+s2] =	stream.linear.scatter [tilespmem:s0], [sflag:$0xC], $0x2000, $0x38;
	[tilespmem:$0x15900] =	vst v63  }
0x490: {  	_ =	swait.ge [sflag:s12], $0x2000  }
0x491: {  	s0 =	sld [smem:$0x7DC]  }
0x492: {  	[sflag:s12] =	ssyncset.done $0x0  }
0x493: {  	s24 =	simm.s32 $0xD900;
	[sflag:s12] =	ssyncadd.s32 $0xFFFFE000  }
0x494: {  	[tilespmem:s24], [sflag:$0x7] =	stream.indirect.gather [hbm4b:s3+s4], $0x40, s0, s4, $0xb8;
	[tilespmem:$0x15900] =	vst v63  }
0x495: {  	_ =	swait.ge [sflag:s19], $0x2000  }
0x496: {  	[sflag:s19] =	ssyncset.done $0x0  }
0x497: {  	s24 =	rddreg [dreg:$0xf];
	[sflag:s19] =	ssyncadd.s32 $0xFFFFE000  }
0x498: {  	[hbm4b:s24+s2] =	stream.linear.scatter [tilespmem:s1], [sflag:$0xD], $0x2000, $0x38;
	[tilespmem:$0x15900] =	vst v63  }
0x499: {  	_ =	swait.ge [sflag:s13], $0x2000  }
0x49a: {  	s9 =	sld [smem:$0x7DD]  }
0x49b: {  	[sflag:s13] =	ssyncset.done $0x0  }
0x49c: {  	s1 =	simm.s32 $0xF900;
	[sflag:s13] =	ssyncadd.s32 $0xFFFFE000  }
0x49d: {  	[tilespmem:s1], [sflag:$0x8] =	stream.indirect.gather [hbm4b:s3+s4], $0x40, s9, s4, $0xb8;
	[tilespmem:$0x15900] =	vst v63  }
0x49e: {  	_ =	swait.ge [sflag:s20], $0x2000  }
0x49f: {  	[sflag:s20] =	ssyncset.done $0x0  }
0x4a0: {  	s9 =	rddreg [dreg:$0x10];
	[sflag:s20] =	ssyncadd.s32 $0xFFFFE000  }
0x4a1: {  	[hbm4b:s9+s2] =	stream.linear.scatter [tilespmem:s6], [sflag:$0xE], $0x2000, $0x38;
	[tilespmem:$0x15900] =	vst v63  }
0x4a2: {  	_ =	swait.ge [sflag:s8], $0x2000  }
0x4a3: {  	s9 =	sld [smem:$0x7DE]  }
0x4a4: {  	[sflag:s8] =	ssyncset.done $0x0  }
0x4a5: {  	s6 =	simm.s32 $0x11900;
	[sflag:s8] =	ssyncadd.s32 $0xFFFFE000  }
0x4a6: {  	[tilespmem:s6], [sflag:$0x9] =	stream.indirect.gather [hbm4b:s3+s4], $0x40, s9, s4, $0xb8;
	[tilespmem:$0x15900] =	vst v63  }
0x4a7: {  	_ =	swait.ge [sflag:s31], $0x2000  }
0x4a8: {  	[sflag:s31] =	ssyncset.done $0x0  }
0x4a9: {  	s9 =	rddreg [dreg:$0x11];
	[sflag:s31] =	ssyncadd.s32 $0xFFFFE000  }
0x4aa: {  	[hbm4b:s9+s2] =	stream.linear.scatter [tilespmem:s21], [sflag:$0xF], $0x2000, $0x38;
	[tilespmem:$0x15900] =	vst v63  }
0x4ab: {  	_ =	swait.ge [sflag:s5], $0x2000  }
0x4ac: {  	s9 =	sld [smem:$0x7DF]  }
0x4ad: {  	[sflag:s5] =	ssyncset.done $0x0  }
0x4ae: {  	s21 =	simm.s32 $0x13900;
	[sflag:s5] =	ssyncadd.s32 $0xFFFFE000  }
0x4af: {  	[tilespmem:s21], [sflag:$0xA] =	stream.indirect.gather [hbm4b:s3+s4], $0x40, s9, s4, $0xb8;
	[tilespmem:$0x15900] =	vst v63  }
0x4b0: {  	_ =	swait.ge [sflag:s14], $0x2000  }
0x4b1: {  	[sflag:s14] =	ssyncset.done $0x0  }
0x4b2: {  	s26 =	simm.s32 $0xB900;
	s9 =	rddreg [dreg:$0x12];
	[sflag:s14] =	ssyncadd.s32 $0xFFFFE000  }
0x4b3: {  	[hbm4b:s9+s2] =	stream.linear.scatter [tilespmem:s26], [sflag:$0x10], $0x2000, $0x38;
	[tilespmem:$0x15900] =	vst v63  }
0x4b4: {  	_ =	swait.ge [sflag:s15], $0x2000  }
0x4b5: {  	s26 =	sld [smem:$0x7E0]  }
0x4b6: {  	[sflag:s15] =	ssyncset.done $0x0  }
0x4b7: {  	s30 =	simm.s32 $0x1900;
	[sflag:s15] =	ssyncadd.s32 $0xFFFFE000  }
0x4b8: {  	[tilespmem:s30], [sflag:$0x1] =	stream.indirect.gather [hbm4b:s3+s4], $0x40, s26, s4, $0xb8;
	[tilespmem:$0x15900] =	vst v63  }
0x4b9: {  	_ =	swait.ge [sflag:s28], $0x2000  }
0x4ba: {  	[sflag:s28] =	ssyncset.done $0x0  }
0x4bb: {  	s0 =	simm.s32 $0xD900;
	s30 =	rddreg [dreg:$0x13];
	[sflag:s28] =	ssyncadd.s32 $0xFFFFE000  }
0x4bc: {  	[hbm4b:s30+s2] =	stream.linear.scatter [tilespmem:s0], [sflag:$0x11], $0x2000, $0x38;
	[tilespmem:$0x15900] =	vst v63  }
0x4bd: {  	_ =	swait.ge [sflag:s10], $0x2000  }
0x4be: {  	s0 =	sld [smem:$0x7E1]  }
0x4bf: {  	[sflag:s10] =	ssyncset.done $0x0  }
0x4c0: {  	s30 =	simm.s32 $0x3900;
	[sflag:s10] =	ssyncadd.s32 $0xFFFFE000  }
0x4c1: {  	[tilespmem:s30], [sflag:$0x2] =	stream.indirect.gather [hbm4b:s3+s4], $0x40, s0, s4, $0xb8;
	[tilespmem:$0x15900] =	vst v63  }
0x4c2: {  	_ =	swait.ge [sflag:s29], $0x2000  }
0x4c3: {  	[sflag:s29] =	ssyncset.done $0x0  }
0x4c4: {  	s1 =	simm.s32 $0xF900;
	s30 =	rddreg [dreg:$0x14];
	[sflag:s29] =	ssyncadd.s32 $0xFFFFE000  }
0x4c5: {  	[hbm4b:s30+s2] =	stream.linear.scatter [tilespmem:s1], [sflag:$0x12], $0x2000, $0x38;
	[tilespmem:$0x15900] =	vst v63  }
0x4c6: {  	_ =	swait.ge [sflag:s22], $0x2000  }
0x4c7: {  	s1 =	sld [smem:$0x7E2]  }
0x4c8: {  	[sflag:s22] =	ssyncset.done $0x0  }
0x4c9: {  	s24 =	simm.s32 $0x5900;
	[sflag:s22] =	ssyncadd.s32 $0xFFFFE000  }
0x4ca: {  	[tilespmem:s24], [sflag:$0x3] =	stream.indirect.gather [hbm4b:s3+s4], $0x40, s1, s4, $0xb8;
	[tilespmem:$0x15900] =	vst v63  }
0x4cb: {  	_ =	swait.ge [sflag:s25], $0x2000  }
0x4cc: {  	[sflag:s25] =	ssyncset.done $0x0  }
0x4cd: {  	s6 =	simm.s32 $0x11900;
	s1 =	rddreg [dreg:$0x15];
	[sflag:s25] =	ssyncadd.s32 $0xFFFFE000  }
0x4ce: {  	[hbm4b:s1+s2] =	stream.linear.scatter [tilespmem:s6], [sflag:$0x13], $0x2000, $0x38;
	[tilespmem:$0x15900] =	vst v63  }
0x4cf: {  	_ =	swait.ge [sflag:s18], $0x2000  }
0x4d0: {  	s1 =	sld [smem:$0x7E3]  }
0x4d1: {  	[sflag:s18] =	ssyncset.done $0x0  }
0x4d2: {  	s6 =	simm.s32 $0x7900;
	[sflag:s18] =	ssyncadd.s32 $0xFFFFE000  }
0x4d3: {  	[tilespmem:s6], [sflag:$0x4] =	stream.indirect.gather [hbm4b:s3+s4], $0x40, s1, s4, $0xb8;
	[tilespmem:$0x15900] =	vst v63  }
0x4d4: {  	_ =	swait.ge [sflag:s23], $0x2000  }
0x4d5: {  	[sflag:s23] =	ssyncset.done $0x0  }
0x4d6: {  	s21 =	simm.s32 $0x13900;
	s6 =	rddreg [dreg:$0x16];
	[sflag:s23] =	ssyncadd.s32 $0xFFFFE000  }
0x4d7: {  	[hbm4b:s6+s2] =	stream.linear.scatter [tilespmem:s21], [sflag:$0x14], $0x2000, $0x38;
	[tilespmem:$0x15900] =	vst v63  }
0x4d8: {  	_ =	swait.ge [sflag:s17], $0x2000  }
0x4d9: {  	s6 =	sld [smem:$0x7E4]  }
0x4da: {  	[sflag:s17] =	ssyncset.done $0x0  }
0x4db: {  	s21 =	simm.s32 $0x9900;
	[sflag:s17] =	ssyncadd.s32 $0xFFFFE000  }
0x4dc: {  	[tilespmem:s21], [sflag:$0x5] =	stream.indirect.gather [hbm4b:s3+s4], $0x40, s6, s4, $0xb8;
	[tilespmem:$0x15900] =	vst v63  }
0x4dd: {  	_ =	swait.ge [sflag:s7], $0x2000  }
0x4de: {  	[sflag:s7] =	ssyncset.done $0x0  }
0x4df: {  	s26 =	simm.s32 $0x1900;
	s21 =	rddreg [dreg:$0x17];
	[sflag:s7] =	ssyncadd.s32 $0xFFFFE000  }
0x4e0: {  	[hbm4b:s21+s2] =	stream.linear.scatter [tilespmem:s26], [sflag:$0xB], $0x2000, $0x38;
	[tilespmem:$0x15900] =	vst v63  }
0x4e1: {  	_ =	swait.ge [sflag:s16], $0x2000  }
0x4e2: {  	s21 =	sld [smem:$0x7E5]  }
0x4e3: {  	[sflag:s16] =	ssyncset.done $0x0  }
0x4e4: {  	s26 =	simm.s32 $0xB900;
	[sflag:s16] =	ssyncadd.s32 $0xFFFFE000  }
0x4e5: {  	[tilespmem:s26], [sflag:$0x6] =	stream.indirect.gather [hbm4b:s3+s4], $0x40, s21, s4, $0xb8;
	[tilespmem:$0x15900] =	vst v63  }
0x4e6: {  	_ =	swait.ge [sflag:s11], $0x2000  }
0x4e7: {  	[sflag:s11] =	ssyncset.done $0x0  }
0x4e8: {  	s0 =	simm.s32 $0x3900;
	s26 =	rddreg [dreg:$0x18];
	[sflag:s11] =	ssyncadd.s32 $0xFFFFE000  }
0x4e9: {  	[hbm4b:s26+s2] =	stream.linear.scatter [tilespmem:s0], [sflag:$0xC], $0x2000, $0x38;
	[tilespmem:$0x15900] =	vst v63  }
0x4ea: {  	_ =	swait.ge [sflag:s12], $0x2000  }
0x4eb: {  	s0 =	sld [smem:$0x7E6]  }
0x4ec: {  	[sflag:s12] =	ssyncset.done $0x0  }
0x4ed: {  	s26 =	simm.s32 $0xD900;
	[sflag:s12] =	ssyncadd.s32 $0xFFFFE000  }
0x4ee: {  	[tilespmem:s26], [sflag:$0x7] =	stream.indirect.gather [hbm4b:s3+s4], $0x40, s0, s4, $0xb8;
	[tilespmem:$0x15900] =	vst v63  }
0x4ef: {  	_ =	swait.ge [sflag:s19], $0x2000  }
0x4f0: {  	[sflag:s19] =	ssyncset.done $0x0  }
0x4f1: {  	s24 =	simm.s32 $0x5900;
	s0 =	rddreg [dreg:$0x19];
	[sflag:s19] =	ssyncadd.s32 $0xFFFFE000  }
0x4f2: {  	[hbm4b:s0+s2] =	stream.linear.scatter [tilespmem:s24], [sflag:$0xD], $0x2000, $0x38;
	[tilespmem:$0x15900] =	vst v63  }
0x4f3: {  	_ =	swait.ge [sflag:s13], $0x2000  }
0x4f4: {  	s24 =	sld [smem:$0x7E7]  }
0x4f5: {  	[sflag:s13] =	ssyncset.done $0x0  }
0x4f6: {  	s30 =	simm.s32 $0xF900;
	[sflag:s13] =	ssyncadd.s32 $0xFFFFE000  }
0x4f7: {  	[tilespmem:s30], [sflag:$0x8] =	stream.indirect.gather [hbm4b:s3+s4], $0x40, s24, s4, $0xb8;
	[tilespmem:$0x15900] =	vst v63  }
0x4f8: {  	_ =	swait.ge [sflag:s20], $0x2000  }
0x4f9: {  	[sflag:s20] =	ssyncset.done $0x0  }
0x4fa: {  	s1 =	simm.s32 $0x7900;
	s0 =	rddreg [dreg:$0x1a];
	[sflag:s20] =	ssyncadd.s32 $0xFFFFE000  }
0x4fb: {  	[hbm4b:s0+s2] =	stream.linear.scatter [tilespmem:s1], [sflag:$0xE], $0x2000, $0x38;
	[tilespmem:$0x15900] =	vst v63  }
0x4fc: {  	_ =	swait.ge [sflag:s8], $0x2000  }
0x4fd: {  	s1 =	sld [smem:$0x7E8]  }
0x4fe: {  	[sflag:s8] =	ssyncset.done $0x0  }
0x4ff: {  	s24 =	simm.s32 $0x11900;
	[sflag:s8] =	ssyncadd.s32 $0xFFFFE000  }
0x500: {  	[tilespmem:s24], [sflag:$0x9] =	stream.indirect.gather [hbm4b:s3+s4], $0x40, s1, s4, $0xb8;
	[tilespmem:$0x15900] =	vst v63  }
0x501: {  	_ =	swait.ge [sflag:s31], $0x2000  }
0x502: {  	[sflag:s31] =	ssyncset.done $0x0  }
0x503: {  	s6 =	simm.s32 $0x9900;
	s0 =	rddreg [dreg:$0x1b];
	[sflag:s31] =	ssyncadd.s32 $0xFFFFE000  }
0x504: {  	[hbm4b:s0+s2] =	stream.linear.scatter [tilespmem:s6], [sflag:$0xF], $0x2000, $0x38;
	[tilespmem:$0x15900] =	vst v63  }
0x505: {  	_ =	swait.ge [sflag:s5], $0x2000  }
0x506: {  	s1 =	sld [smem:$0x7E9]  }
0x507: {  	[sflag:s5] =	ssyncset.done $0x0  }
0x508: {  	s6 =	simm.s32 $0x13900;
	[sflag:s5] =	ssyncadd.s32 $0xFFFFE000  }
0x509: {  	[tilespmem:s6], [sflag:$0xA] =	stream.indirect.gather [hbm4b:s3+s4], $0x40, s1, s4, $0xb8;
	[tilespmem:$0x15900] =	vst v63  }
0x50a: {  	_ =	swait.ge [sflag:s14], $0x2000  }
0x50b: {  	[sflag:s14] =	ssyncset.done $0x0  }
0x50c: {  	s21 =	simm.s32 $0xB900;
	s0 =	rddreg [dreg:$0x1c];
	[sflag:s14] =	ssyncadd.s32 $0xFFFFE000  }
0x50d: {  	[hbm4b:s0+s2] =	stream.linear.scatter [tilespmem:s21], [sflag:$0x10], $0x2000, $0x38;
	[tilespmem:$0x15900] =	vst v63  }
0x50e: {  	_ =	swait.ge [sflag:s15], $0x2000  }
0x50f: {  	s1 =	sld [smem:$0x7EA]  }
0x510: {  	[sflag:s15] =	ssyncset.done $0x0  }
0x511: {  	s6 =	simm.s32 $0x1900;
	[sflag:s15] =	ssyncadd.s32 $0xFFFFE000  }
0x512: {  	[tilespmem:s6], [sflag:$0x1] =	stream.indirect.gather [hbm4b:s3+s4], $0x40, s1, s4, $0xb8;
	[tilespmem:$0x15900] =	vst v63  }
0x513: {  	_ =	swait.ge [sflag:s28], $0x2000  }
0x514: {  	[sflag:s28] =	ssyncset.done $0x0  }
0x515: {  	s26 =	simm.s32 $0xD900;
	s21 =	rddreg [dreg:$0x1d];
	[sflag:s28] =	ssyncadd.s32 $0xFFFFE000  }
0x516: {  	[hbm4b:s21+s2] =	stream.linear.scatter [tilespmem:s26], [sflag:$0x11], $0x2000, $0x38;
	[tilespmem:$0x15900] =	vst v63  }
0x517: {  	_ =	swait.ge [sflag:s10], $0x2000  }
0x518: {  	s1 =	sld [smem:$0x7EB]  }
0x519: {  	[sflag:s10] =	ssyncset.done $0x0  }
0x51a: {  	s6 =	simm.s32 $0x3900;
	[sflag:s10] =	ssyncadd.s32 $0xFFFFE000  }
0x51b: {  	[tilespmem:s6], [sflag:$0x2] =	stream.indirect.gather [hbm4b:s3+s4], $0x40, s1, s4, $0xb8;
	[tilespmem:$0x15900] =	vst v63  }
0x51c: {  	_ =	swait.ge [sflag:s29], $0x2000  }
0x51d: {  	[sflag:s29] =	ssyncset.done $0x0  }
0x51e: {  	s30 =	simm.s32 $0xF900;
	s26 =	rddreg [dreg:$0x1e];
	[sflag:s29] =	ssyncadd.s32 $0xFFFFE000  }
0x51f: {  	[hbm4b:s26+s2] =	stream.linear.scatter [tilespmem:s30], [sflag:$0x12], $0x2000, $0x38;
	[tilespmem:$0x15900] =	vst v63  }
0x520: {  	_ =	swait.ge [sflag:s22], $0x2000  }
0x521: {  	s6 =	sld [smem:$0x7EC]  }
0x522: {  	[sflag:s22] =	ssyncset.done $0x0  }
0x523: {  	s26 =	simm.s32 $0x5900;
	[sflag:s22] =	ssyncadd.s32 $0xFFFFE000  }
0x524: {  	[tilespmem:s26], [sflag:$0x3] =	stream.indirect.gather [hbm4b:s3+s4], $0x40, s6, s4, $0xb8;
	[tilespmem:$0x15900] =	vst v63  }
0x525: {  	_ =	swait.ge [sflag:s25], $0x2000  }
0x526: {  	[sflag:s25] =	ssyncset.done $0x0  }
0x527: {  	s24 =	simm.s32 $0x11900;
	s30 =	rddreg [dreg:$0x1f];
	[sflag:s25] =	ssyncadd.s32 $0xFFFFE000  }
0x528: {  	[hbm4b:s30+s2] =	stream.linear.scatter [tilespmem:s24], [sflag:$0x13], $0x2000, $0x38;
	[tilespmem:$0x15900] =	vst v63  }
0x529: {  	_ =	swait.ge [sflag:s18], $0x2000  }
0x52a: {  	s26 =	sld [smem:$0x7ED]  }
0x52b: {  	[sflag:s18] =	ssyncset.done $0x0  }
0x52c: {  	s30 =	simm.s32 $0x7900;
	[sflag:s18] =	ssyncadd.s32 $0xFFFFE000  }
0x52d: {  	[tilespmem:s30], [sflag:$0x4] =	stream.indirect.gather [hbm4b:s3+s4], $0x40, s26, s4, $0xb8;
	[tilespmem:$0x15900] =	vst v63  }
0x52e: {  	_ =	swait.ge [sflag:s23], $0x2000  }
0x52f: {  	s24 =	sld [smem:$0x7B9]  }
0x530: {  	[sflag:s23] =	ssyncset.done $0x0  }
0x531: {  	s26 =	simm.s32 $0x13900;
	[sflag:s23] =	ssyncadd.s32 $0xFFFFE000  }
0x532: {  	[hbm4b:s24+s2] =	stream.linear.scatter [tilespmem:s26], [sflag:$0x14], $0x2000, $0x38;
	[tilespmem:$0x15900] =	vst v63  }
0x533: {  	_ =	swait.ge [sflag:s17], $0x2000  }
0x534: {  	s24 =	sld [smem:$0x7EE]  }
0x535: {  	[sflag:s17] =	ssyncset.done $0x0  }
0x536: {  	s26 =	simm.s32 $0x9900;
	[sflag:s17] =	ssyncadd.s32 $0xFFFFE000  }
0x537: {  	[tilespmem:s26], [sflag:$0x5] =	stream.indirect.gather [hbm4b:s3+s4], $0x40, s24, s4, $0xb8;
	[tilespmem:$0x15900] =	vst v63  }
0x538: {  	_ =	swait.ge [sflag:s7], $0x2000  }
0x539: {  	s26 =	sld [smem:$0x7BA]  }
0x53a: {  	[sflag:s7] =	ssyncset.done $0x0  }
0x53b: {  	s0 =	simm.s32 $0x1900;
	[sflag:s7] =	ssyncadd.s32 $0xFFFFE000  }
0x53c: {  	[hbm4b:s26+s2] =	stream.linear.scatter [tilespmem:s0], [sflag:$0xB], $0x2000, $0x38;
	[tilespmem:$0x15900] =	vst v63  }
0x53d: {  	_ =	swait.ge [sflag:s16], $0x2000  }
0x53e: {  	s0 =	sld [smem:$0x7EF]  }
0x53f: {  	[sflag:s16] =	ssyncset.done $0x0  }
0x540: {  	s26 =	simm.s32 $0xB900;
	[sflag:s16] =	ssyncadd.s32 $0xFFFFE000  }
0x541: {  	[tilespmem:s26], [sflag:$0x6] =	stream.indirect.gather [hbm4b:s3+s4], $0x40, s0, s4, $0xb8;
	[tilespmem:$0x15900] =	vst v63  }
0x542: {  	_ =	swait.ge [sflag:s11], $0x2000  }
0x543: {  	s26 =	sld [smem:$0x7BB]  }
0x544: {  	[sflag:s11] =	ssyncset.done $0x0  }
0x545: {  	s1 =	simm.s32 $0x3900;
	[sflag:s11] =	ssyncadd.s32 $0xFFFFE000  }
0x546: {  	[hbm4b:s26+s2] =	stream.linear.scatter [tilespmem:s1], [sflag:$0xC], $0x2000, $0x38;
	[tilespmem:$0x15900] =	vst v63  }
0x547: {  	_ =	swait.ge [sflag:s12], $0x2000  }
0x548: {  	s1 =	sld [smem:$0x7F0]  }
0x549: {  	[sflag:s12] =	ssyncset.done $0x0  }
0x54a: {  	s21 =	simm.s32 $0xD900;
	[sflag:s12] =	ssyncadd.s32 $0xFFFFE000  }
0x54b: {  	[tilespmem:s21], [sflag:$0x7] =	stream.indirect.gather [hbm4b:s3+s4], $0x40, s1, s4, $0xb8;
	[tilespmem:$0x15900] =	vst v63  }
0x54c: {  	_ =	swait.ge [sflag:s19], $0x2000  }
0x54d: {  	s21 =	sld [smem:$0x7BC]  }
0x54e: {  	[sflag:s19] =	ssyncset.done $0x0  }
0x54f: {  	s6 =	simm.s32 $0x5900;
	[sflag:s19] =	ssyncadd.s32 $0xFFFFE000  }
0x550: {  	[hbm4b:s21+s2] =	stream.linear.scatter [tilespmem:s6], [sflag:$0xD], $0x2000, $0x38;
	[tilespmem:$0x15900] =	vst v63  }
0x551: {  	_ =	swait.ge [sflag:s13], $0x2000  }
0x552: {  	s6 =	sld [smem:$0x7F1]  }
0x553: {  	[sflag:s13] =	ssyncset.done $0x0  }
0x554: {  	s21 =	simm.s32 $0xF900;
	[sflag:s13] =	ssyncadd.s32 $0xFFFFE000  }
0x555: {  	[tilespmem:s21], [sflag:$0x8] =	stream.indirect.gather [hbm4b:s3+s4], $0x40, s6, s4, $0xb8;
	[tilespmem:$0x15900] =	vst v63  }
0x556: {  	_ =	swait.ge [sflag:s20], $0x2000  }
0x557: {  	s6 =	sld [smem:$0x7BD]  }
0x558: {  	[sflag:s20] =	ssyncset.done $0x0  }
0x559: {  	s30 =	simm.s32 $0x7900;
	[sflag:s20] =	ssyncadd.s32 $0xFFFFE000  }
0x55a: {  	[hbm4b:s6+s2] =	stream.linear.scatter [tilespmem:s30], [sflag:$0xE], $0x2000, $0x38;
	[tilespmem:$0x15900] =	vst v63  }
0x55b: {  	_ =	swait.ge [sflag:s8], $0x2000  }
0x55c: {  	s9 =	sld [smem:$0x7F2]  }
0x55d: {  	[sflag:s8] =	ssyncset.done $0x0  }
0x55e: {  	s6 =	simm.s32 $0x11900;
	[sflag:s8] =	ssyncadd.s32 $0xFFFFE000  }
0x55f: {  	[tilespmem:s6], [sflag:$0x9] =	stream.indirect.gather [hbm4b:s3+s4], $0x40, s9, s4, $0xb8;
	[tilespmem:$0x15900] =	vst v63  }
0x560: {  	_ =	swait.ge [sflag:s31], $0x2000  }
0x561: {  	s9 =	sld [smem:$0x7BE]  }
0x562: {  	[sflag:s31] =	ssyncset.done $0x0  }
0x563: {  	s24 =	simm.s32 $0x9900;
	[sflag:s31] =	ssyncadd.s32 $0xFFFFE000  }
0x564: {  	[hbm4b:s9+s2] =	stream.linear.scatter [tilespmem:s24], [sflag:$0xF], $0x2000, $0x38;
	[tilespmem:$0x15900] =	vst v63  }
0x565: {  	_ =	swait.ge [sflag:s5], $0x2000  }
0x566: {  	s9 =	sld [smem:$0x7F3]  }
0x567: {  	[sflag:s5] =	ssyncset.done $0x0  }
0x568: {  	s24 =	simm.s32 $0x13900;
	[sflag:s5] =	ssyncadd.s32 $0xFFFFE000  }
0x569: {  	[tilespmem:s24], [sflag:$0xA] =	stream.indirect.gather [hbm4b:s3+s4], $0x40, s9, s4, $0xb8;
	[tilespmem:$0x15900] =	vst v63  }
0x56a: {  	_ =	swait.ge [sflag:s14], $0x2000  }
0x56b: {  	s9 =	sld [smem:$0x7BF]  }
0x56c: {  	[sflag:s14] =	ssyncset.done $0x0  }
0x56d: {  	s0 =	simm.s32 $0xB900;
	[sflag:s14] =	ssyncadd.s32 $0xFFFFE000  }
0x56e: {  	[hbm4b:s9+s2] =	stream.linear.scatter [tilespmem:s0], [sflag:$0x10], $0x2000, $0x38;
	[tilespmem:$0x15900] =	vst v63  }
0x56f: {  	_ =	swait.ge [sflag:s15], $0x2000  }
0x570: {  	s9 =	sld [smem:$0x7F4]  }
0x571: {  	[sflag:s15] =	ssyncset.done $0x0  }
0x572: {  	s0 =	simm.s32 $0x1900;
	[sflag:s15] =	ssyncadd.s32 $0xFFFFE000  }
0x573: {  	[tilespmem:s0], [sflag:$0x1] =	stream.indirect.gather [hbm4b:s3+s4], $0x40, s9, s4, $0xb8;
	[tilespmem:$0x15900] =	vst v63  }
0x574: {  	_ =	swait.ge [sflag:s28], $0x2000  }
0x575: {  	s9 =	sld [smem:$0x7C0]  }
0x576: {  	[sflag:s28] =	ssyncset.done $0x0  }
0x577: {  	s1 =	simm.s32 $0xD900;
	[sflag:s28] =	ssyncadd.s32 $0xFFFFE000  }
0x578: {  	[hbm4b:s9+s2] =	stream.linear.scatter [tilespmem:s1], [sflag:$0x11], $0x2000, $0x38;
	[tilespmem:$0x15900] =	vst v63  }
0x579: {  	_ =	swait.ge [sflag:s10], $0x2000  }
0x57a: {  	s1 =	sld [smem:$0x7F5]  }
0x57b: {  	[sflag:s10] =	ssyncset.done $0x0  }
0x57c: {  	s26 =	simm.s32 $0x3900;
	[sflag:s10] =	ssyncadd.s32 $0xFFFFE000  }
0x57d: {  	[tilespmem:s26], [sflag:$0x2] =	stream.indirect.gather [hbm4b:s3+s4], $0x40, s1, s4, $0xb8;
	[tilespmem:$0x15900] =	vst v63  }
0x57e: {  	_ =	swait.ge [sflag:s29], $0x2000  }
0x57f: {  	s1 =	sld [smem:$0x7C1]  }
0x580: {  	[sflag:s29] =	ssyncset.done $0x0  }
0x581: {  	s21 =	simm.s32 $0xF900;
	[sflag:s29] =	ssyncadd.s32 $0xFFFFE000  }
0x582: {  	[hbm4b:s1+s2] =	stream.linear.scatter [tilespmem:s21], [sflag:$0x12], $0x2000, $0x38;
	[tilespmem:$0x15900] =	vst v63  }
0x583: {  	_ =	swait.ge [sflag:s22], $0x2000  }
0x584: {  	s1 =	sld [smem:$0x7F6]  }
0x585: {  	[sflag:s22] =	ssyncset.done $0x0  }
0x586: {  	s21 =	simm.s32 $0x5900;
	[sflag:s22] =	ssyncadd.s32 $0xFFFFE000  }
0x587: {  	[tilespmem:s21], [sflag:$0x3] =	stream.indirect.gather [hbm4b:s3+s4], $0x40, s1, s4, $0xb8;
	[tilespmem:$0x15900] =	vst v63  }
0x588: {  	_ =	swait.ge [sflag:s25], $0x2000  }
0x589: {  	s1 =	sld [smem:$0x7C2]  }
0x58a: {  	[sflag:s25] =	ssyncset.done $0x0  }
0x58b: {  	[sflag:s25] =	ssyncadd.s32 $0xFFFFE000  }
0x58c: {  	[hbm4b:s1+s2] =	stream.linear.scatter [tilespmem:s6], [sflag:$0x13], $0x2000, $0x38;
	[tilespmem:$0x15900] =	vst v63  }
0x58d: {  	_ =	swait.ge [sflag:s18], $0x2000  }
0x58e: {  	s1 =	sld [smem:$0x7F7]  }
0x58f: {  	[sflag:s18] =	ssyncset.done $0x0  }
0x590: {  	s30 =	simm.s32 $0x7900;
	[sflag:s18] =	ssyncadd.s32 $0xFFFFE000  }
0x591: {  	[tilespmem:s30], [sflag:$0x4] =	stream.indirect.gather [hbm4b:s3+s4], $0x40, s1, s4, $0xb8;
	[tilespmem:$0x15900] =	vst v63  }
0x592: {  	_ =	swait.ge [sflag:s23], $0x2000  }
0x593: {  	s6 =	sld [smem:$0x7C3]  }
0x594: {  	[sflag:s23] =	ssyncset.done $0x0  }
0x595: {  	s24 =	simm.s32 $0x13900;
	[sflag:s23] =	ssyncadd.s32 $0xFFFFE000  }
0x596: {  	[hbm4b:s6+s2] =	stream.linear.scatter [tilespmem:s24], [sflag:$0x14], $0x2000, $0x38;
	[tilespmem:$0x15900] =	vst v63  }
0x597: {  	_ =	swait.ge [sflag:s17], $0x2000  }
0x598: {  	s1 =	sld [smem:$0x7F8]  }
0x599: {  	[sflag:s17] =	ssyncset.done $0x0  }
0x59a: {  	s24 =	simm.s32 $0x9900;
	[sflag:s17] =	ssyncadd.s32 $0xFFFFE000  }
0x59b: {  	[tilespmem:s24], [sflag:$0x5] =	stream.indirect.gather [hbm4b:s3+s4], $0x40, s1, s4, $0xb8;
	[tilespmem:$0x15900] =	vst v63  }
0x59c: {  	_ =	swait.ge [sflag:s7], $0x2000  }
0x59d: {  	s6 =	sld [smem:$0x7C4]  }
0x59e: {  	[sflag:s7] =	ssyncset.done $0x0  }
0x59f: {  	[sflag:s7] =	ssyncadd.s32 $0xFFFFE000  }
0x5a0: {  	[hbm4b:s6+s2] =	stream.linear.scatter [tilespmem:s0], [sflag:$0xB], $0x2000, $0x38;
	[tilespmem:$0x15900] =	vst v63  }
0x5a1: {  	_ =	swait.ge [sflag:s16], $0x2000  }
0x5a2: {  	s0 =	sld [smem:$0x7F9]  }
0x5a3: {  	[sflag:s16] =	ssyncset.done $0x0  }
0x5a4: {  	s1 =	simm.s32 $0xB900;
	[sflag:s16] =	ssyncadd.s32 $0xFFFFE000  }
0x5a5: {  	[tilespmem:s1], [sflag:$0x6] =	stream.indirect.gather [hbm4b:s3+s4], $0x40, s0, s4, $0xb8;
	[tilespmem:$0x15900] =	vst v63  }
0x5a6: {  	_ =	swait.ge [sflag:s11], $0x2000  }
0x5a7: {  	s6 =	sld [smem:$0x7C5]  }
0x5a8: {  	[sflag:s11] =	ssyncset.done $0x0  }
0x5a9: {  	s26 =	simm.s32 $0x3900;
	[sflag:s11] =	ssyncadd.s32 $0xFFFFE000  }
0x5aa: {  	[hbm4b:s6+s2] =	stream.linear.scatter [tilespmem:s26], [sflag:$0xC], $0x2000, $0x38;
	[tilespmem:$0x15900] =	vst v63  }
0x5ab: {  	_ =	swait.ge [sflag:s12], $0x2000  }
0x5ac: {  	s9 =	sld [smem:$0x7FA]  }
0x5ad: {  	[sflag:s12] =	ssyncset.done $0x0  }
0x5ae: {  	s6 =	simm.s32 $0xD900;
	[sflag:s12] =	ssyncadd.s32 $0xFFFFE000  }
0x5af: {  	[tilespmem:s6], [sflag:$0x7] =	stream.indirect.gather [hbm4b:s3+s4], $0x40, s9, s4, $0xb8;
	[tilespmem:$0x15900] =	vst v63  }
0x5b0: {  	_ =	swait.ge [sflag:s19], $0x2000  }
0x5b1: {  	s11 =	sld [smem:$0x7C6]  }
0x5b2: {  	[sflag:s19] =	ssyncset.done $0x0  }
0x5b3: {  	s21 =	simm.s32 $0x5900;
	[sflag:s19] =	ssyncadd.s32 $0xFFFFE000  }
0x5b4: {  	[hbm4b:s11+s2] =	stream.linear.scatter [tilespmem:s21], [sflag:$0xD], $0x2000, $0x38;
	[tilespmem:$0x15900] =	vst v63  }
0x5b5: {  	_ =	swait.ge [sflag:s13], $0x2000  }
0x5b6: {  	s21 =	sld [smem:$0x7FB]  }
0x5b7: {  	[sflag:s13] =	ssyncset.done $0x0  }
0x5b8: {  	s7 =	simm.s32 $0xF900;
	[sflag:s13] =	ssyncadd.s32 $0xFFFFE000  }
0x5b9: {  	[tilespmem:s7], [sflag:$0x8] =	stream.indirect.gather [hbm4b:s3+s4], $0x40, s21, s4, $0xb8;
	[tilespmem:$0x15900] =	vst v63  }
0x5ba: {  	_ =	swait.ge [sflag:s20], $0x2000  }
0x5bb: {  	s26 =	sld [smem:$0x7C7]  }
0x5bc: {  	[sflag:s20] =	ssyncset.done $0x0  }
0x5bd: {  	[sflag:s20] =	ssyncadd.s32 $0xFFFFE000  }
0x5be: {  	[hbm4b:s26+s2] =	stream.linear.scatter [tilespmem:s30], [sflag:$0xE], $0x2000, $0x38;
	[tilespmem:$0x15900] =	vst v63  }
0x5bf: {  	_ =	swait.ge [sflag:s8], $0x2000  }
0x5c0: {  	s9 =	sld [smem:$0x7FC]  }
0x5c1: {  	[sflag:s8] =	ssyncset.done $0x0  }
0x5c2: {  	s11 =	simm.s32 $0x11900;
	[sflag:s8] =	ssyncadd.s32 $0xFFFFE000  }
0x5c3: {  	[tilespmem:s11], [sflag:$0x9] =	stream.indirect.gather [hbm4b:s3+s4], $0x40, s9, s4, $0xb8;
	[tilespmem:$0x15900] =	vst v63  }
0x5c4: {  	_ =	swait.ge [sflag:s31], $0x2000  }
0x5c5: {  	s19 =	sld [smem:$0x7C8]  }
0x5c6: {  	[sflag:s31] =	ssyncset.done $0x0  }
0x5c7: {  	[sflag:s31] =	ssyncadd.s32 $0xFFFFE000  }
0x5c8: {  	[hbm4b:s19+s2] =	stream.linear.scatter [tilespmem:s24], [sflag:$0xF], $0x2000, $0x38;
	[tilespmem:$0x15900] =	vst v63  }
0x5c9: {  	_ =	swait.ge [sflag:s5], $0x2000  }
0x5ca: {  	s20 =	sld [smem:$0x7FD]  }
0x5cb: {  	[sflag:s5] =	ssyncset.done $0x0  }
0x5cc: {  	s21 =	simm.s32 $0x13900;
	[sflag:s5] =	ssyncadd.s32 $0xFFFFE000  }
0x5cd: {  	[tilespmem:s21], [sflag:$0xA] =	stream.indirect.gather [hbm4b:s3+s4], $0x40, s20, s4, $0xb8;
	[tilespmem:$0x15900] =	vst v63  }
0x5ce: {  	_ =	swait.ge [sflag:s14], $0x2000  }
0x5cf: {  	s24 =	sld [smem:$0x7C9]  }
0x5d0: {  	[sflag:s14] =	ssyncset.done $0x0  }
0x5d1: {  	[sflag:s14] =	ssyncadd.s32 $0xFFFFE000  }
0x5d2: {  	[hbm4b:s24+s2] =	stream.linear.scatter [tilespmem:s1], [sflag:$0x10], $0x2000, $0x38;
	[tilespmem:$0x15900] =	vst v63  }
0x5d3: {  	_ =	swait.ge [sflag:s28], $0x2000  }
0x5d4: {  	s26 =	sld [smem:$0x7CA]  }
0x5d5: {  	[sflag:s28] =	ssyncset.done $0x0  }
0x5d6: {  	[sflag:s28] =	ssyncadd.s32 $0xFFFFE000  }
0x5d7: {  	[hbm4b:s26+s2] =	stream.linear.scatter [tilespmem:s6], [sflag:$0x11], $0x2000, $0x38;
	[tilespmem:$0x15900] =	vst v63  }
0x5d8: {  	_ =	swait.ge [sflag:s29], $0x2000  }
0x5d9: {  	s28 =	sld [smem:$0x7CB]  }
0x5da: {  	[sflag:s29] =	ssyncset.done $0x0  }
0x5db: {  	[sflag:s29] =	ssyncadd.s32 $0xFFFFE000  }
0x5dc: {  	[hbm4b:s28+s2] =	stream.linear.scatter [tilespmem:s7], [sflag:$0x12], $0x2000, $0x38;
	[tilespmem:$0x15900] =	vst v63  }
0x5dd: {  	_ =	swait.ge [sflag:s25], $0x2000  }
0x5de: {  	s29 =	sld [smem:$0x7CC]  }
0x5df: {  	[sflag:s25] =	ssyncset.done $0x0  }
0x5e0: {  	[sflag:s25] =	ssyncadd.s32 $0xFFFFE000  }
0x5e1: {  	[hbm4b:s29+s2] =	stream.linear.scatter [tilespmem:s11], [sflag:$0x13], $0x2000, $0x38;
	[tilespmem:$0x15900] =	vst v63  }
0x5e2: {  	_ =	swait.ge [sflag:s23], $0x2000  }
0x5e3: {  	s30 =	sld [smem:$0x7CD]  }
0x5e4: {  	[sflag:s23] =	ssyncset.done $0x0  }
0x5e5: {  	[sflag:s23] =	ssyncadd.s32 $0xFFFFE000  }
0x5e6: {  	[hbm4b:s30+s2] =	stream.linear.scatter [tilespmem:s21], [sflag:$0x14], $0x2000, $0x38;
	[tilespmem:$0x15900] =	vst v63  }
0x5e7: {  	_ =	swait.ge [sflag:s15], $0x2000  }
0x5e8: {  	[sflag:s15] =	ssyncset.done $0x0  }
0x5e9: {  	[sflag:s15] =	ssyncadd.s32 $0xFFFFE000  }
0x5ea: {  	_ =	swait.ge [sflag:s10], $0x2000  }
0x5eb: {  	[sflag:s10] =	ssyncset.done $0x0  }
0x5ec: {  	[sflag:s10] =	ssyncadd.s32 $0xFFFFE000  }
0x5ed: {  	_ =	swait.ge [sflag:s22], $0x2000  }
0x5ee: {  	[sflag:s22] =	ssyncset.done $0x0  }
0x5ef: {  	[sflag:s22] =	ssyncadd.s32 $0xFFFFE000  }
0x5f0: {  	_ =	swait.ge [sflag:s18], $0x2000  }
0x5f1: {  	[sflag:s18] =	ssyncset.done $0x0  }
0x5f2: {  	[sflag:s18] =	ssyncadd.s32 $0xFFFFE000  }
0x5f3: {  	_ =	swait.ge [sflag:s17], $0x2000  }
0x5f4: {  	[sflag:s17] =	ssyncset.done $0x0  }
0x5f5: {  	[sflag:s17] =	ssyncadd.s32 $0xFFFFE000  }
0x5f6: {  	_ =	swait.ge [sflag:s16], $0x2000  }
0x5f7: {  	[sflag:s16] =	ssyncset.done $0x0  }
0x5f8: {  	[sflag:s16] =	ssyncadd.s32 $0xFFFFE000  }
0x5f9: {  	_ =	swait.ge [sflag:s12], $0x2000  }
0x5fa: {  	[sflag:s12] =	ssyncset.done $0x0  }
0x5fb: {  	[sflag:s12] =	ssyncadd.s32 $0xFFFFE000  }
0x5fc: {  	_ =	swait.ge [sflag:s13], $0x2000  }
0x5fd: {  	[sflag:s13] =	ssyncset.done $0x0  }
0x5fe: {  	[sflag:s13] =	ssyncadd.s32 $0xFFFFE000  }
0x5ff: {  	_ =	swait.ge [sflag:s8], $0x2000  }
0x600: {  	[sflag:s8] =	ssyncset.done $0x0  }
0x601: {  	[sflag:s8] =	ssyncadd.s32 $0xFFFFE000  }
0x602: {  	_ =	swait.ge [sflag:s5], $0x2000  }
0x603: {  	[sflag:s5] =	ssyncset.done $0x0  }
0x604: {  	[sflag:s5] =	ssyncadd.s32 $0xFFFFE000  }
0x605: {  	_ =	sfence.sel $0x180000  }
0x606: {  	[bflag:$0x0] =	sbarrier.arrive $0xFFFF  }
0x607: {  	_ =	strace $0x90000047  }
0x608: {  	s31 =	stileid.u32;
	[bflag:$0x2] =	sbarrier.arrive $0xFFFF  }
0x609: {  	p0 =	sne.s32 s31, $0x0;
	s0 =	rddreg [dreg:$0x2]  }
0x60a: {  	s0 =	sadd.s32 @!p0 $0x100000, s0  }
0x60b: {  	[sflag:s0] =	ssyncadd.tile.s32 @!p0 $0x1;
	_ =	shalt  }
.LBB2_6:
.Ltmp3:
0x60c: {  	(pc) =	sbr.rel .LBB2_5-.Ltmp3, $2  }
0x60d: {  	_ =	sdelay $0x2  }
0x60e: {  	s7 =	simm.s32 $0x1  }
.Lfunc_end2:
_tile_overlayer_lowered:
.L_overlay_start_2:
0x60f: {  	(tag) =	ssettag $0x2  }
0x610: {  	s0 =	rddreg [dreg:$0x0];
	s2 =	stileid.u32  }
0x611: {  	s1 =	rddreg [dreg:$0x1];
	p0 =	sne.s32 s2, $0x0  }
0x612: {  	s3 =	rddreg [dreg:$0x2];
	[bflag:$0x3] =	sbarrier.arrive $0xFFFF;
	s2 =	simm.s32 @!p0 $0x1C15  }
0x613: {  	[timem:s3], [sflag:s2] =	dma.local @!p0 [hbm:s0], s1  }
0x614: {  	s0 =	simm.s32 @!p0 $0x15  }
0x615: {  	_ =	swait.ge @!p0 [sflag:s0], s1  }
0x616: {  	s1 =	ssub.s32 @!p0 $0x0, s1;
	[sflag:s0] =	ssyncset.done @!p0 $0x0  }
0x617: {  	[sflag:s0] =	ssyncadd.s32 @!p0 s1  }
0x618: {  	[bflag:$0x3] =	sbarrier.arrive $0xFFFF  }
0x619: {  	_ =	shalt  }

// kernel: sparse-core-data-format-call.cloned.1.call-start
scs
called_computation_lowered:
.L_overlay_start_0:
0x0: {  	s2 =	sld [smem:$0x3FD9]  }
0x1: {  	s3 =	sld [smem:$0x3FFE];
	_ =	sdelay $0x1  }
0x2: {  	s1 =	srdreg.scid  }
0x3: {  	s0 =	sand.u32 $0x1, s1  }
0x4: {  	s18 =	sshll.u32 s0, $0xA;
	s2 =	sadd.s32 s3, s2  }
0x5: {  	s2 =	sadd.s32 s2, s18  }
0x6: {  	[smem:$0x3FC6] =	sst s2  }
0x7: {  	_ = 	snop  }
0x8: {  	s2 =	sld [smem:$0x3FD0];
	(tm) =	ssettm $0x1  }
0x9: {  	s19 =	sld [smem:$0x3FFB];
	_ =	sdelay $0x3  }
0xa: {  	_ =	strace s19  }
0xb: {  	s3 =	sld [smem:$0x3FFC];
	_ =	sdelay $0x3  }
0xc: {  	_ =	strace s3  }
0xd: {  	s3 =	sld [smem:$0x3FFD];
	_ =	sdelay $0x3  }
0xe: {  	_ =	strace s3  }
0xf: {  	_ =	strace $0x8FFFFFFF  }
0x10: {  	s20 =	sld [smem:$0x3FDB];
	_ =	sdelay $0x1  }
0x11: {  	s4 =	simm.s32 $_scs_section_size  }
0x12: {  	s5 =	simm.s32 $_size__tile_overlayer_lowered;
	s6 =	simm.s32 $_tile_overlayer_lowered  }
0x13: {  	s23 =	simm.s32 $0x1BFF;
	s22 =	sshll.u32 s6, $0x1;
	s3 =	sadd.s32 s4, s20  }
0x14: {  	s7 =	simm.s32 $0x0;
	s21 =	sshll.u32 s5, $0x1;
	s5 =	sadd.s32 s22, s3  }
0x15: {  	[timem:s7], [sflag:s23] =	dma.local [hbm:s5], s21  }
0x16: {  	_ =	swait.ge [sflag:s23], s21  }
0x17: {  	s4 =	ssub.s32 $0x0, s21;
	[sflag:s23] =	ssyncset.done $0x0  }
0x18: {  	[sflag:s23] =	ssyncadd.s32 s4;
	_ =	sdelay $0x1  }
0x19: {  	s24 =	simm.s32 $0x1B8B  }
0x1a: {  	_ =	swait.ge [sflag:s24], $0x1  }
0x1b: {  	[sflag:s24] =	ssyncset.done $0x0  }
0x1c: {  	s26 =	simm.s32 $0x1B8E;
	s25 =	sld [smem:$0x3FFE];
	[sflag:s24] =	ssyncadd.s32 $0xFFFFFFFF  }
0x1d: {  	s27 =	simm.s32 $execute0_lowered;
	[smem:$0x3FD2] =	sst s26  }
0x1e: {  	s5 =	sshll.u32 s27, $0x1;
	_ =	strace $0x80000049;
	[dreg:$0x1] =	wrdreg $0xFFFFFFFF  }
0x1f: {  	s28 =	simm.s32 $_size_execute0_lowered;
	s3 =	sadd.s32 s3, s5;
	[dreg:$0x0] =	wrdreg $0x0  }
0x20: {  	s5 =	sshll.u32 s28, $0x1;
	[dreg:$0x2] =	wrdreg s3  }
0x21: {  	[dreg:$0x3] =	wrdreg s5  }
0x22: {  	[dreg:$0x4] =	wrdreg $0xC0  }
0x23: {  	_ =	task [dreg:s7], $0x5FFFF  }
0x24: {  	[dreg:$0x1] =	wrdreg $0xFFFFFFFF  }
0x25: {  	[dreg:$0x0] =	wrdreg $0x60  }
0x26: {  	[dreg:$0x2] =	wrdreg s25  }
0x27: {  	[dreg:$0x3] =	wrdreg s2  }
0x28: {  	[dreg:$0x4] =	wrdreg $0x9  }
0x29: {  	_ =	task.clear_ibuf [dreg:s7], $0x5FFFF;
	_ =	strace $0x90000049  }
0x2a: {  	s29 =	simm.s32 $0x9;
	_ =	strace $0x8000004B  }
0x2b: {  	_ =	swait.ge [sflag:s29], $0x1  }
0x2c: {  	[sflag:s29] =	ssyncadd.s32 $0xFFFFFFFF  }
0x2d: {  	_ =	strace $0x9000004B  }
0x2e: {  	_ =	sfence  }
0x2f: {  	s30 =	sld [smem:$0x0];
	_ =	sdelay $0x2  }
0x30: {  	s31 =	sshll.u32 s1, $0xD;
	s1 =	sshrl.u32 s1, $0x2  }
0x31: {  	s3 =	sand.u32 $0x4000, s31;
	s1 =	sadd.s32 s1, s30  }
0x32: {  	s0 =	sor.u32 s3, s0;
	s1 =	sshll.u32 s1, $0x11  }
0x33: {  	s0 =	sor.u32 s1, s0  }
0x34: {  	s0 =	sadd.s32 $0x8F2B, s0  }
0x35: {  	[sflag:s0] =	ssyncadd.remote.s32 $0x1  }
0x36: {  	_ =	sfence.sel $0xFFFF  }
0x37: {  	[dreg:$0x0] =	wrdreg $0xFFFFFFFF;
	(pc) =	sbr.abs _section_cstart, $3  }
0x38: {  	[dreg:$0x1] =	wrdreg $0xFFFFFFFF  }
0x39: {  	_ =	task.clear_ibuf [dreg:s7], $0x2FFFF;
	_ =	strace $0x9FFFFFFF  }
0x3a: {  	(tm) =	ssettm $0x7FFFFFFF  }
0x3b: {  	_ =	shalt  }
tec
execute0_lowered:
.L_overlay_start_1:
0x0: {  	(tag) =	ssettag $0x1  }
0x1: {  	s0 =	stileid.u32;
	s6 =	rddreg [dreg:$0x0]  }
0x2: {  	s2 =	rddreg [dreg:$0x1];
	s5 =	srdreg.scid  }
0x3: {  	s31 =	simm.s32 $0x2;
	s13 =	simm.s32 $0x0;
	s1 =	sshll.u32 s0, $0x7  }
0x4: {  	s14 =	simm.s32 $0x0;
	s12 =	simm.s32 $0x0;
	s3 =	sand.u32 $0x380, s1  }
0x5: {  	s5 =	sshll.u32 s5, $0x4;
	s6 =	sadd.s32 $0xA00, s6;
	s4 =	ssub.s32 $0x400, s3  }
0x6: {  	s1 =	rddreg [dreg:$0x2];
	_ =	strace $0x8000004A;
	s7 =	sand.u32 $0x380, s4  }
0x7: {  	s5 =	sand.u32 $0x10, s5;
	p0 =	sne.s32 s7, $0x0;
	s7 =	simm.s32 $0x1  }
.Ltmp0:
0x8: {  	s8 =	sshrl.u32 s4, $0xA;
	s7 =	simm.s32 @!p0 $0x0;
	(pc) =	sbr.rel .LBB1_1-.Ltmp0, $4  }
0x9: {  	s9 =	sor.u32 s0, s5;
	s4 =	simm.s32 $0x1;
	s30 =	sadd.s32 s7, s8  }
0xa: {  	s11 =	smov.u32 s3;
	[sflag:s4] =	ssyncpa.u1 $0x0;
	s5 =	smul.u32 $0x32, s30  }
0xb: {  	[sflag:s31] =	ssyncpa.u1 $0x0;
	p0 =	por $0x0, $0x0;
	s7 =	sshrl.u32 s9, $0x3  }
0xc: {  	s9 =	simm.s32 $0x2000;
	s10 =	smov.u32 s7;
	s8 =	sor.u32 $0x1, s5  }
.LBB1_4:
0xd: {  	s17 =	sand.u32 $0x1F80, s14;
	s13 =	sshll.u32 s13, $0xD  }
0xe: {  	[tilespmem:s16+$0x810 ss:$0x81] =	vst.msk $0xffff, v2;
	s18 =	sshrl.u32 s14, $0x3;
	s31 =	sand.u32 $0x7, s14;
	s17 =	sadd.s32 s2, s17  }
0xf: {  	[tilespmem:s16+$0x1020 ss:$0x81] =	vst.msk $0xffff, v0;
	s18 =	sand.u32 $0xF, s18;
	s14 =	sshll.u32 s31, $0x12;
	s13 =	sadd.s32 s13, s17  }
0x10: {  	[tilespmem:s16+$0x0 ss:$0x81] =	vst.msk $0xffff, v1;
	s14 =	sor.u32 $0x400, s14;
	s13 =	sadd.s32 s18, s13  }
0x11: {  	[hbm4b:s13+s14] =	stream.strided.scatter [tilespmem:s15], [sflag:$0x2], $0x2000, s9, s14, $0x20;
	[tilespmem:$0x8080] =	vst v63  }
.LBB1_5:
0x12: {  	s15 =	sadd.s32 $0x4, s10  }
0x13: {  	s13 =	sadd.s32 $0x400, s11;
	s17 =	smov.u32 s11;
	p2 =	sgt.s32 s15, $0xC7  }
0x14: {  	s17 =	smov.u32 @p2 s13  }
0x15: {  	s15 =	smov.u32 @p2 s7;
	p2 =	sgt.s32 s17, $0x3FF  }
0x16: {  	s17 =	smov.u32 @p2 s3;
	p2 =	sne.s32 s12, s8  }
.Ltmp1:
0x17: {  	p1 =	slt.u32 s12, $0x2;
	(pc) =	sbr.rel @!p2 .LBB1_6-.Ltmp1, $4  }
0x18: {  	s16 =	simm.s32 @!p1 $0x2  }
0x19: {  	s14 =	smov.u32 s11;
	p0 =	por !p0, !p0;
	_ =	swait.ge @!p1 [sflag:s16], $0x2000  }
0x1a: {  	s13 =	smov.u32 s10;
	[sflag:s16] =	ssyncset.done @!p1 $0x0;
	s10 =	smov.u32 s15  }
0x1b: {  	s12 =	sadd.s32 $0x1, s12;
	[sflag:s16] =	ssyncadd.s32 @!p1 $0xFFFFE000;
	s11 =	smov.u32 s17  }
.LBB1_1:
0x1c: {  	p1 =	sge.u32 s12, s5  }
0x1d: {  	s15 =	sand.u32 @!p1 $0x1FFFFFF, s10  }
0x1e: {  	s16 =	smulhi.u32 @!p1 $0x147AE15, s15;
	_ =	sdelay $0x1  }
0x1f: {  	s16 =	smul.u32 @!p1 $0xC8, s16  }
0x20: {  	s17 =	sxor.u32 @!p1 $0xFFFFFFFF, s12;
	s18 =	smul.u32 @!p1 $0xC80, s11  }
0x21: {  	s31 =	sadd.s32 $0xFFFFFFFF, s12;
	s17 =	sshll.u32 @!p1 s17, $0xD;
	s15 =	ssub.s32 @!p1 s15, s16  }
0x22: {  	s16 =	sand.u32 @!p1 $0x2000, s17;
	s17 =	sadd.s32 @!p1 s6, s18;
	s15 =	sshll.u32 @!p1 s15, $0x4  }
0x23: {  	s18 =	simm.s32 @!p1 $0x6400;
	s15 =	sadd.s32 @!p1 s15, s17;
	s17 =	simm.s32 @!p1 $0x40  }
0x24: {  	[tilespmem:s16], [sflag:$0x1] =	stream.strided.gather @!p1 [hbm4b:s15+s17], $0x2000, s18, s17, $0x38;
	[tilespmem:$0x8080] =	vst v63  }
0x25: {  	p1 =	sge.u32 s31, s5  }
.Ltmp2:
0x26: {  	_ = 	snop;
	(pc) =	sbr.rel @p1 .LBB1_5-.Ltmp2, $1  }
0x27: {  	_ =	sdelay $0x3  }
0x28: {  	s15 =	simm.s32 $0x1  }
0x29: {  	_ =	swait.ge [sflag:s4], $0x2000;
	s15 =	simm.s32 @!p0 $0x0  }
0x2a: {  	[sflag:s4] =	ssyncset.done $0x0;
	s16 =	sshll.u32 s15, $0xD  }
0x2b: {  	[sflag:s4] =	ssyncadd.s32 $0xFFFFE000;
	s19 =	sor.u32 $0x20, s16  }
0x2c: {  	s15 =	smul.u32 $0x8100, s15;
	v3 =	vld [tilespmem:s19+$0x10]  }
0x2d: {  	s30 =	sand.u32 $0x1, s12;
	v2 =	vld [tilespmem:s19+$0xFFFFFFF0]  }
0x2e: {  	s16 =	smul.u32 $0x8100, s30;
	s15 =	sshrl.u32 s15, $0x2;
	v0 =	vld [tilespmem:s19+$0x0]  }
0x2f: {  	v1 =	vld [tilespmem:s19+$0xFFFFFFE0];
	s17 =	sor.u32 $0x4000, s15  }
0x30: {  	s31 =	sshrl.u32 s16, $0x2;
	s16 =	sadd.s32 $0x0, s17  }
0x31: {  	s18 =	simm.s32 $0x4;
	s19 =	sadd.s32 $0x40, s19;
	s15 =	sor.u32 $0x4000, s31;
	[tilespmem:s16+$0x1830 ss:$0x81] =	vst.msk $0xffff, v3  }
.LBB1_3:
0x32: {  	v3 =	vld [tilespmem:s19+$0x10];
	p1 =	sne.s32 s18, $0x1FC;
	[tilespmem:s16+$0x810 ss:$0x81] =	vst.msk $0xffff, v2;
	s20 =	smov.u32 s18;
	s18 =	sadd.s32 $0x4, s18  }
.Ltmp3:
0x33: {  	v2 =	vld [tilespmem:s19+$0xFFFFFFF0];
	[tilespmem:s16+$0x1020 ss:$0x81] =	vst.msk $0xffff, v0;
	(pc) =	sbr.rel @p1 .LBB1_3-.Ltmp3, $4  }
0x34: {  	v0 =	vld [tilespmem:s19+$0x0];
	[tilespmem:s16+$0x0 ss:$0x81] =	vst.msk $0xffff, v1  }
0x35: {  	s16 =	sshra.s32 s20, $0x2;
	v1 =	vld [tilespmem:s19+$0xFFFFFFE0]  }
0x36: {  	s16 =	sadd.s32 s16, s17  }
0x37: {  	s19 =	sadd.s32 $0x40, s19;
	[tilespmem:s16+$0x1830 ss:$0x81] =	vst.msk $0xffff, v3  }
.Ltmp4:
0x38: {  	_ = 	snop;
	(pc) =	sbr.rel .LBB1_4-.Ltmp4, $1  }
0x39: {  	_ =	sdelay $0x3  }
.LBB1_6:
0x3a: {  	_ =	sfence.sel $0x180000  }
0x3b: {  	s2 =	simm.s32 $0x1;
	[bflag:$0x0] =	sbarrier.arrive $0xFFFF  }
0x3c: {  	s31 =	simm.s32 $0x2;
	[sflag:s2] =	ssyncpa.u1 $0x1  }
0x3d: {  	[sflag:s31] =	ssyncpa.u1 $0x1  }
0x3e: {  	p0 =	sne.s32 s0, $0x0;
	_ =	strace $0x9000004A  }
0x3f: {  	s0 =	sadd.s32 @!p0 $0x100000, s1;
	[bflag:$0x2] =	sbarrier.arrive $0xFFFF  }
0x40: {  	[sflag:s0] =	ssyncadd.tile.s32 @!p0 $0x1;
	_ =	shalt  }
.Lfunc_end1:
_tile_overlayer_lowered:
.L_overlay_start_2:
0x41: {  	(tag) =	ssettag $0x2  }
0x42: {  	s0 =	rddreg [dreg:$0x0];
	s2 =	stileid.u32  }
0x43: {  	s1 =	rddreg [dreg:$0x1];
	p0 =	sne.s32 s2, $0x0  }
0x44: {  	s3 =	rddreg [dreg:$0x2];
	[bflag:$0x3] =	sbarrier.arrive $0xFFFF;
	s2 =	simm.s32 @!p0 $0x1C01  }
0x45: {  	[timem:s3], [sflag:s2] =	dma.local @!p0 [hbm:s0], s1  }
0x46: {  	s0 =	simm.s32 @!p0 $0x1  }
0x47: {  	_ =	swait.ge @!p0 [sflag:s0], s1  }
0x48: {  	s1 =	ssub.s32 @!p0 $0x0, s1;
	[sflag:s0] =	ssyncset.done @!p0 $0x0  }
0x49: {  	[sflag:s0] =	ssyncadd.s32 @!p0 s1  }
0x4a: {  	[bflag:$0x3] =	sbarrier.arrive $0xFFFF  }
0x4b: {  	_ =	shalt  }

</sc_bundles>
